<compile_context>
chip_gen: v7x
topology: tpu7x:2x2x1
jax: 0.10.2.dev20260603
libtpu: 0.0.44.dev20260713+nightly
codegen_flags: <defaults>
</compile_context>

<pallas_src>
import functools

import jax
import jax.numpy as jnp
from jax import lax
from jax.experimental import pallas as pl
from jax.experimental.pallas import tpu as pltpu
from jax.experimental.pallas import tpu_sc as plsc

_N = 100000
_NC = 32
_E = 1600000
_ACC_ROWS = 100048
_EP_ROWS = 12800
_C = 4
_CHUNK = _C * 128
_ITERS = 100
_ZMAIN = 6256


def _shift_body(x_hbm, src_hbm, dst_hbm, zeros_hbm, out_hbm,
                acc, sa, da, ra, sb, db, rb, gsem, ssem, isem):
    c = lax.axis_index("c")
    s = lax.axis_index("s")

    pltpu.sync_copy(zeros_hbm, ra)
    z0 = s * _ZMAIN
    for k in range(12):
        pltpu.sync_copy(ra.at[pl.ds(0, 512)],
                        acc.at[pl.ds(z0 + k * 512, 512)])

    @pl.when(s < 15)
    def _z_main():
        pltpu.sync_copy(ra.at[pl.ds(0, 112)], acc.at[pl.ds(z0 + 6144, 112)])

    @pl.when(s == 15)
    def _z_tail():
        pltpu.sync_copy(ra.at[pl.ds(0, 64)], acc.at[pl.ds(z0 + 6144, 64)])

    plsc.subcore_barrier()

    cbase = (c * 16 + s) * _ITERS

    def _fire_idx(g, sref, dref):
        pltpu.async_copy(src_hbm.at[cbase + g], sref, isem)
        pltpu.async_copy(dst_hbm.at[cbase + g], dref, isem)

    def _drain_idx(g, sref, dref):
        pltpu.make_async_copy(src_hbm.at[cbase + g], sref, isem).wait()
        pltpu.make_async_copy(dst_hbm.at[cbase + g], dref, isem).wait()

    def _fire_gathers(sref, rref):
        pltpu.async_copy(x_hbm.at[sref], rref, gsem)

    def _drain_gathers(sref, rref):
        pltpu.make_async_copy(x_hbm.at[sref], rref, gsem).wait()

    def _fire_scatters(rref, dref):
        pltpu.async_copy(rref, acc.at[dref], ssem, add=True)

    def _drain_scatters(rref, dref):
        pltpu.make_async_copy(rref, acc.at[dref], ssem).wait()

    bufs = ((sa, da, ra), (sb, db, rb))

    pltpu.sync_copy(src_hbm.at[cbase], sa)
    pltpu.sync_copy(dst_hbm.at[cbase], da)
    _fire_gathers(sa, ra)
    _fire_idx(1, sb, db)
    _drain_gathers(sa, ra)
    _drain_idx(1, sb, db)
    _fire_gathers(sb, rb)
    _fire_scatters(ra, da)

    def _pair(k, carry):
        g = 1 + 2 * k
        for i, (cur, nxt) in enumerate(((bufs[1], bufs[0]),
                                        (bufs[0], bufs[1]))):
            cs, cd, cr = cur
            ns, nd, nr = nxt
            gg = g + i
            _drain_scatters(nr, nd)
            _fire_idx(gg + 1, ns, nd)
            _drain_gathers(cs, cr)
            _drain_idx(gg + 1, ns, nd)
            _fire_gathers(ns, nr)
            _fire_scatters(cr, cd)
        return carry

    lax.fori_loop(0, (_ITERS - 2) // 2, _pair, 0)

    _drain_scatters(ra, da)
    _drain_gathers(sb, rb)
    _fire_scatters(rb, db)
    _drain_scatters(rb, db)
    plsc.subcore_barrier()

    a0 = s * _ZMAIN

    @pl.when(s < 15)
    def _wb_main():
        pltpu.sync_copy(acc.at[pl.ds(a0, 6256)],
                        out_hbm.at[c].at[pl.ds(a0, 6256)])

    @pl.when(s == 15)
    def _wb_tail():
        pltpu.sync_copy(acc.at[pl.ds(a0, 6160)],
                        out_hbm.at[c].at[pl.ds(a0, 6160)])


@functools.cache
def _shift_call():
    return pl.kernel(
        _shift_body,
        out_type=jax.ShapeDtypeStruct((2, _N, _NC), jnp.bfloat16),
        mesh=plsc.VectorSubcoreMesh(core_axis_name="c", subcore_axis_name="s"),
        compiler_params=pltpu.CompilerParams(use_tc_tiling_on_sc=False),
        scratch_types=[
            pltpu.VMEM_SHARED((_ACC_ROWS, _NC), jnp.bfloat16),
            pltpu.VMEM((_CHUNK,), jnp.int32),
            pltpu.VMEM((_CHUNK,), jnp.int32),
            pltpu.VMEM((_CHUNK, _NC), jnp.bfloat16),
            pltpu.VMEM((_CHUNK,), jnp.int32),
            pltpu.VMEM((_CHUNK,), jnp.int32),
            pltpu.VMEM((_CHUNK, _NC), jnp.bfloat16),
            pltpu.SemaphoreType.DMA,
            pltpu.SemaphoreType.DMA,
            pltpu.SemaphoreType.DMA,
        ],
    )


def _mlp_kernel(x_ref, w1_ref, b1_ref, w2_ref, b2_ref, o_ref):
    x = x_ref[...].astype(jnp.bfloat16)
    h = jnp.dot(x, w1_ref[...], preferred_element_type=jnp.float32)
    h = jnp.maximum(h + b1_ref[...], 0.0).astype(jnp.bfloat16)
    o_ref[...] = jnp.dot(h, w2_ref[...],
                         preferred_element_type=jnp.float32) + b2_ref[...]


def _mlp_res2_kernel(x0_ref, x1_ref, r_ref, w1_ref, b1_ref, w2_ref, b2_ref,
                     o_ref):
    x = (x0_ref[...].astype(jnp.float32)
         + x1_ref[...].astype(jnp.float32)).astype(jnp.bfloat16)
    h = jnp.dot(x, w1_ref[...], preferred_element_type=jnp.float32)
    h = jnp.maximum(h + b1_ref[...], 0.0).astype(jnp.bfloat16)
    o_ref[...] = (r_ref[...] + jnp.dot(h, w2_ref[...],
                                       preferred_element_type=jnp.float32)
                  + b2_ref[...])


_ROW_BLK = 2000


def _mlp(x, p):
    n, d_in = x.shape
    hdim = p["W1"].shape[1]
    d_out = p["W2"].shape[1]
    b1 = p["b1"].reshape(1, hdim)
    b2 = p["b2"].reshape(1, d_out)
    grid = (n // _ROW_BLK,)
    return pl.pallas_call(
        _mlp_kernel, grid=grid,
        in_specs=[pl.BlockSpec((_ROW_BLK, d_in), lambda i: (i, 0)),
                  pl.BlockSpec((d_in, hdim), lambda i: (0, 0)),
                  pl.BlockSpec((1, hdim), lambda i: (0, 0)),
                  pl.BlockSpec((hdim, d_out), lambda i: (0, 0)),
                  pl.BlockSpec((1, d_out), lambda i: (0, 0))],
        out_specs=pl.BlockSpec((_ROW_BLK, d_out), lambda i: (i, 0)),
        out_shape=jax.ShapeDtypeStruct((n, d_out), jnp.float32),
    )(x, p["W1"].astype(jnp.bfloat16), b1, p["W2"].astype(jnp.bfloat16), b2)


def _mlp_res2(x0, x1, p, residual):
    n, d_in = x0.shape
    hdim = p["W1"].shape[1]
    d_out = p["W2"].shape[1]
    b1 = p["b1"].reshape(1, hdim)
    b2 = p["b2"].reshape(1, d_out)
    grid = (n // _ROW_BLK,)
    x_spec = pl.BlockSpec((_ROW_BLK, d_in), lambda i: (i, 0))
    return pl.pallas_call(
        _mlp_res2_kernel, grid=grid,
        in_specs=[x_spec, x_spec,
                  pl.BlockSpec((_ROW_BLK, d_out), lambda i: (i, 0)),
                  pl.BlockSpec((d_in, hdim), lambda i: (0, 0)),
                  pl.BlockSpec((1, hdim), lambda i: (0, 0)),
                  pl.BlockSpec((hdim, d_out), lambda i: (0, 0)),
                  pl.BlockSpec((1, d_out), lambda i: (0, 0))],
        out_specs=pl.BlockSpec((_ROW_BLK, d_out), lambda i: (i, 0)),
        out_shape=jax.ShapeDtypeStruct((n, d_out), jnp.float32),
    )(x0, x1, residual, p["W1"].astype(jnp.bfloat16), b1,
      p["W2"].astype(jnp.bfloat16), b2)


def kernel(f, g, edge_index, params):
    src = edge_index[0]
    dst = edge_index[1]
    pad = _EP_ROWS * 128 - _E
    src_p = jnp.concatenate([src, jnp.zeros((pad,), jnp.int32)])
    dst_p = jnp.concatenate([dst, jnp.full((pad,), _N, jnp.int32)])
    garb = _N + (jnp.arange(_EP_ROWS * 128, dtype=jnp.int32) & 31)
    dst_p = jnp.where(dst_p < _N, dst_p, garb)
    src_arr = src_p.reshape(-1, _CHUNK)
    dst_arr = dst_p.reshape(-1, _CHUNK)
    zeros_stage = jnp.zeros((_CHUNK, _NC), jnp.bfloat16)

    f1 = _mlp(f, params["readin_f"])
    g1 = _mlp(g, params["readin_g"])
    for l in range(2):
        fp = _shift_call()(f1.astype(jnp.bfloat16), src_arr, dst_arr,
                           zeros_stage)
        gp = _shift_call()(g1.astype(jnp.bfloat16), src_arr, dst_arr,
                           zeros_stage)
        f1n = _mlp_res2(gp[0], gp[1], params["convs"][l]["equi"], f1)
        g1n = _mlp_res2(fp[0], fp[1], params["convs"][l]["inv"], g1)
        f1, g1 = f1n, g1n
    return (_mlp(f1, params["readout_f"]), _mlp(g1, params["readout_g"]))

# --- scband reference (transcript-rebuilt; emitter-appended) ---
"""Pipeline reference for scband-complex-gcn-43293270343940 (READ-ONLY COPY).

The authoritative reference and input builder live on the scoring server;
editing this copy changes nothing except your own understanding.
"""

import jax, jax.numpy as jnp
import numpy as np

N = 100000
E = 1600000
F_IN = 128
G_IN = 128
F_OUT = 128
G_OUT = 128
NC = 32
H = 256
N_LAYERS = 2


def _linear_params(key, d_in, d_out):
    k1, _ = jax.random.split(key)
    W = jax.random.normal(k1, (d_in, d_out), dtype=jnp.float32) * (1.0 / np.sqrt(d_in))
    b = jnp.zeros((d_out,), dtype=jnp.float32)
    return (W, b)


def _mlp_params(key, d_in, d_out):
    k1, k2 = jax.random.split(key)
    W1, b1 = _linear_params(k1, d_in, H)
    W2, b2 = _linear_params(k2, H, d_out)
    return {"W1": W1, "b1": b1, "W2": W2, "b2": b2}


def setup_inputs(seed: int = 0):
    key = jax.random.key(seed)
    ks = jax.random.split(key, 16)
    f = jax.random.normal(ks[0], (N, F_IN), dtype=jnp.float32)
    g = jax.random.normal(ks[1], (N, G_IN), dtype=jnp.float32)
    edge_index = jax.random.randint(ks[2], (2, E), 0, N, dtype=jnp.int32)
    params = {
        "readin_f": _mlp_params(ks[3], F_IN, NC),
        "readin_g": _mlp_params(ks[4], G_IN, NC),
        "convs": [
            {
                "equi": _mlp_params(ks[5 + 2 * l], NC, NC),
                "inv": _mlp_params(ks[6 + 2 * l], NC, NC),
            }
            for l in range(N_LAYERS)
        ],
        "readout_f": _mlp_params(ks[10], NC, F_OUT),
        "readout_g": _mlp_params(ks[11], NC, G_OUT),
    }
    return {"f": f, "g": g, "edge_index": edge_index, "params": params}


def _mlp(x, p):
    h = jax.nn.relu(x @ p["W1"] + p["b1"])
    return h @ p["W2"] + p["b2"]


def reference(f, g, edge_index, params):
    src = edge_index[0]
    dst = edge_index[1]

    def shift(x):
        # SimpleConv(aggr='sum', combine_root=None): y[i] = sum_{(j->i) in edges} x[j]
        return jax.ops.segment_sum(x[src], dst, num_segments=N)

    # readin MLPs (mlp_read_layers=1 -> Linear, act, Linear)
    f = _mlp(f, params["readin_f"])
    g = _mlp(g, params["readin_g"])
    # ComplexGraphFilter layers
    for l in range(N_LAYERS):
        fp = shift(f)
        gp = shift(g)
        f_n = f + _mlp(gp, params["convs"][l]["equi"])
        g_n = g + _mlp(fp, params["convs"][l]["inv"])
        f, g = f_n, g_n
    # readout MLPs
    f_out = _mlp(f, params["readout_f"])
    g_out = _mlp(g, params["readout_g"])
    return (f_out, g_out)

if __name__ == "__main__":
    import jax
    _d = setup_inputs()
    print(jax.jit(kernel)(*tuple(_d.values())))

</pallas_src>

<mosaic_0001>
#map = affine_map<(d0, d1) -> (0, 0)>
#map1 = affine_map<(d0, d1) -> (0, 0, 0)>
module attributes {stable_mosaic.version = 14 : i64} {
  func.func @_shift_body(%arg0: i32, %arg1: i32, %arg2: memref<100000x32xbf16, #tpu.memory_space<hbm>>, %arg3: memref<3200x512xi32, #tpu.memory_space<hbm>>, %arg4: memref<3200x512xi32, #tpu.memory_space<hbm>>, %arg5: memref<512x32xbf16, #tpu.memory_space<hbm>>, %arg6: memref<2x100000x32xbf16, #tpu.memory_space<hbm>>, %arg7: memref<100048x32xbf16, #tpu.memory_space<vmem_shared>>, %arg8: memref<512xi32, #tpu.memory_space<vmem>>, %arg9: memref<512xi32, #tpu.memory_space<vmem>>, %arg10: memref<512x32xbf16, #tpu.memory_space<vmem>>, %arg11: memref<512xi32, #tpu.memory_space<vmem>>, %arg12: memref<512xi32, #tpu.memory_space<vmem>>, %arg13: memref<512x32xbf16, #tpu.memory_space<vmem>>, %arg14: memref<!tpu.dma_semaphore, #tpu.memory_space<semaphore_mem>>, %arg15: memref<!tpu.dma_semaphore, #tpu.memory_space<semaphore_mem>>, %arg16: memref<!tpu.dma_semaphore, #tpu.memory_space<semaphore_mem>>) attributes {dimension_semantics = [#tpu.dimension_semantics<core_parallel>, #tpu.dimension_semantics<subcore_parallel>], iteration_bounds = array<i64: 2, 16>, scalar_prefetch = 0 : i64, scratch_operands = 10 : i64, tpu.core_type = #tpu.core_type<sc_vector_subcore>, window_params = [{transform_indices = #map}, {transform_indices = #map}, {transform_indices = #map}, {transform_indices = #map}, {transform_indices = #map1}]} {
    "tpu.region"() ({
      %run_scoped3A = tpu.sem_alloc : memref<!tpu.dma_semaphore, #tpu.memory_space<semaphore_mem>>
      tpu.enqueue_dma source(%arg5 : memref<512x32xbf16, #tpu.memory_space<hbm>>) target(%arg10 : memref<512x32xbf16, #tpu.memory_space<vmem>>) target_semaphore(%run_scoped3A : memref<!tpu.dma_semaphore, #tpu.memory_space<semaphore_mem>>)
      tpu.wait_dma2 semaphore(%run_scoped3A : memref<!tpu.dma_semaphore, #tpu.memory_space<semaphore_mem>>) src(%arg5 : memref<512x32xbf16, #tpu.memory_space<hbm>>) dst(%arg10 : memref<512x32xbf16, #tpu.memory_space<vmem>>)
      tpu.yield
    }) : () -> ()
    %mul3A = arith.constant 6256 : i32
    %mul3A_0 = arith.muli %arg1, %mul3A : i32
    %add3A = arith.constant 0 : i32
    %add3A_1 = arith.addi %mul3A_0, %add3A : i32
    "tpu.region"() ({
      %run_scoped3A = tpu.sem_alloc : memref<!tpu.dma_semaphore, #tpu.memory_space<semaphore_mem>>
      %dma_start3A_107 = arith.constant 0 : i32
      %dma_start3A_108 = arith.constant 0 : i32
      %dma_start3A_109 = tpu.memref_slice %arg10[%dma_start3A_107, %dma_start3A_108] : memref<512x32xbf16, #tpu.memory_space<vmem>> -> memref<512x32xbf16, #tpu.memory_space<vmem>>
      %dma_start3A_110 = arith.constant 0 : i32
      %dma_start3A_111 = tpu.memref_slice %arg7[%add3A_1, %dma_start3A_110] : memref<100048x32xbf16, #tpu.memory_space<vmem_shared>> -> memref<512x32xbf16, #tpu.memory_space<vmem_shared>>
      %dma_start3A_112 = arith.constant 0 : i32
      %dma_start3A_113 = tpu.memref_slice %arg7[%add3A_1, %dma_start3A_112] : memref<100048x32xbf16, #tpu.memory_space<vmem_shared>> -> memref<512x32xbf16, #tpu.memory_space<vmem_shared>>
      %dma_start3A_114 = arith.constant 0 : i32
      %dma_start3A_115 = arith.constant 0 : i32
      %dma_start3A_116 = tpu.memref_slice %arg10[%dma_start3A_114, %dma_start3A_115] : memref<512x32xbf16, #tpu.memory_space<vmem>> -> memref<512x32xbf16, #tpu.memory_space<vmem>>
      tpu.enqueue_dma source(%dma_start3A_116 : memref<512x32xbf16, #tpu.memory_space<vmem>>) target(%dma_start3A_113 : memref<512x32xbf16, #tpu.memory_space<vmem_shared>>) target_semaphore(%run_scoped3A : memref<!tpu.dma_semaphore, #tpu.memory_space<semaphore_mem>>)
      %dma_wait3A_117 = arith.constant 0 : i32
      %dma_wait3A_118 = arith.constant 0 : i32
      %dma_wait3A_119 = tpu.memref_slice %arg10[%dma_wait3A_117, %dma_wait3A_118] : memref<512x32xbf16, #tpu.memory_space<vmem>> -> memref<512x32xbf16, #tpu.memory_space<vmem>>
      %dma_wait3A_120 = arith.constant 0 : i32
      %dma_wait3A_121 = tpu.memref_slice %arg7[%add3A_1, %dma_wait3A_120] : memref<100048x32xbf16, #tpu.memory_space<vmem_shared>> -> memref<512x32xbf16, #tpu.memory_space<vmem_shared>>
      %dma_wait3A_122 = arith.constant 0 : i32
      %dma_wait3A_123 = tpu.memref_slice %arg7[%add3A_1, %dma_wait3A_122] : memref<100048x32xbf16, #tpu.memory_space<vmem_shared>> -> memref<512x32xbf16, #tpu.memory_space<vmem_shared>>
      %dma_wait3A_124 = arith.constant 0 : i32
      %dma_wait3A_125 = arith.constant 0 : i32
      %dma_wait3A_126 = tpu.memref_slice %arg10[%dma_wait3A_124, %dma_wait3A_125] : memref<512x32xbf16, #tpu.memory_space<vmem>> -> memref<512x32xbf16, #tpu.memory_space<vmem>>
      tpu.wait_dma2 semaphore(%run_scoped3A : memref<!tpu.dma_semaphore, #tpu.memory_space<semaphore_mem>>) src(%dma_wait3A_126 : memref<512x32xbf16, #tpu.memory_space<vmem>>) dst(%dma_wait3A_123 : memref<512x32xbf16, #tpu.memory_space<vmem_shared>>)
      tpu.yield
    }) : () -> ()
    %add3A_2 = arith.constant 512 : i32
    %add3A_3 = arith.addi %mul3A_0, %add3A_2 : i32
    "tpu.region"() ({
      %run_scoped3A = tpu.sem_alloc : memref<!tpu.dma_semaphore, #tpu.memory_space<semaphore_mem>>
      %dma_start3A_107 = arith.constant 0 : i32
      %dma_start3A_108 = arith.constant 0 : i32
      %dma_start3A_109 = tpu.memref_slice %arg10[%dma_start3A_107, %dma_start3A_108] : memref<512x32xbf16, #tpu.memory_space<vmem>> -> memref<512x32xbf16, #tpu.memory_space<vmem>>
      %dma_start3A_110 = arith.constant 0 : i32
      %dma_start3A_111 = tpu.memref_slice %arg7[%add3A_3, %dma_start3A_110] : memref<100048x32xbf16, #tpu.memory_space<vmem_shared>> -> memref<512x32xbf16, #tpu.memory_space<vmem_shared>>
      %dma_start3A_112 = arith.constant 0 : i32
      %dma_start3A_113 = tpu.memref_slice %arg7[%add3A_3, %dma_start3A_112] : memref<100048x32xbf16, #tpu.memory_space<vmem_shared>> -> memref<512x32xbf16, #tpu.memory_space<vmem_shared>>
      %dma_start3A_114 = arith.constant 0 : i32
      %dma_start3A_115 = arith.constant 0 : i32
      %dma_start3A_116 = tpu.memref_slice %arg10[%dma_start3A_114, %dma_start3A_115] : memref<512x32xbf16, #tpu.memory_space<vmem>> -> memref<512x32xbf16, #tpu.memory_space<vmem>>
      tpu.enqueue_dma source(%dma_start3A_116 : memref<512x32xbf16, #tpu.memory_space<vmem>>) target(%dma_start3A_113 : memref<512x32xbf16, #tpu.memory_space<vmem_shared>>) target_semaphore(%run_scoped3A : memref<!tpu.dma_semaphore, #tpu.memory_space<semaphore_mem>>)
      %dma_wait3A_117 = arith.constant 0 : i32
      %dma_wait3A_118 = arith.constant 0 : i32
      %dma_wait3A_119 = tpu.memref_slice %arg10[%dma_wait3A_117, %dma_wait3A_118] : memref<512x32xbf16, #tpu.memory_space<vmem>> -> memref<512x32xbf16, #tpu.memory_space<vmem>>
      %dma_wait3A_120 = arith.constant 0 : i32
      %dma_wait3A_121 = tpu.memref_slice %arg7[%add3A_3, %dma_wait3A_120] : memref<100048x32xbf16, #tpu.memory_space<vmem_shared>> -> memref<512x32xbf16, #tpu.memory_space<vmem_shared>>
      %dma_wait3A_122 = arith.constant 0 : i32
      %dma_wait3A_123 = tpu.memref_slice %arg7[%add3A_3, %dma_wait3A_122] : memref<100048x32xbf16, #tpu.memory_space<vmem_shared>> -> memref<512x32xbf16, #tpu.memory_space<vmem_shared>>
      %dma_wait3A_124 = arith.constant 0 : i32
      %dma_wait3A_125 = arith.constant 0 : i32
      %dma_wait3A_126 = tpu.memref_slice %arg10[%dma_wait3A_124, %dma_wait3A_125] : memref<512x32xbf16, #tpu.memory_space<vmem>> -> memref<512x32xbf16, #tpu.memory_space<vmem>>
      tpu.wait_dma2 semaphore(%run_scoped3A : memref<!tpu.dma_semaphore, #tpu.memory_space<semaphore_mem>>) src(%dma_wait3A_126 : memref<512x32xbf16, #tpu.memory_space<vmem>>) dst(%dma_wait3A_123 : memref<512x32xbf16, #tpu.memory_space<vmem_shared>>)
      tpu.yield
    }) : () -> ()
    %add3A_4 = arith.constant 1024 : i32
    %add3A_5 = arith.addi %mul3A_0, %add3A_4 : i32
    "tpu.region"() ({
      %run_scoped3A = tpu.sem_alloc : memref<!tpu.dma_semaphore, #tpu.memory_space<semaphore_mem>>
      %dma_start3A_107 = arith.constant 0 : i32
      %dma_start3A_108 = arith.constant 0 : i32
      %dma_start3A_109 = tpu.memref_slice %arg10[%dma_start3A_107, %dma_start3A_108] : memref<512x32xbf16, #tpu.memory_space<vmem>> -> memref<512x32xbf16, #tpu.memory_space<vmem>>
      %dma_start3A_110 = arith.constant 0 : i32
      %dma_start3A_111 = tpu.memref_slice %arg7[%add3A_5, %dma_start3A_110] : memref<100048x32xbf16, #tpu.memory_space<vmem_shared>> -> memref<512x32xbf16, #tpu.memory_space<vmem_shared>>
      %dma_start3A_112 = arith.constant 0 : i32
      %dma_start3A_113 = tpu.memref_slice %arg7[%add3A_5, %dma_start3A_112] : memref<100048x32xbf16, #tpu.memory_space<vmem_shared>> -> memref<512x32xbf16, #tpu.memory_space<vmem_shared>>
      %dma_start3A_114 = arith.constant 0 : i32
      %dma_start3A_115 = arith.constant 0 : i32
      %dma_start3A_116 = tpu.memref_slice %arg10[%dma_start3A_114, %dma_start3A_115] : memref<512x32xbf16, #tpu.memory_space<vmem>> -> memref<512x32xbf16, #tpu.memory_space<vmem>>
      tpu.enqueue_dma source(%dma_start3A_116 : memref<512x32xbf16, #tpu.memory_space<vmem>>) target(%dma_start3A_113 : memref<512x32xbf16, #tpu.memory_space<vmem_shared>>) target_semaphore(%run_scoped3A : memref<!tpu.dma_semaphore, #tpu.memory_space<semaphore_mem>>)
      %dma_wait3A_117 = arith.constant 0 : i32
      %dma_wait3A_118 = arith.constant 0 : i32
      %dma_wait3A_119 = tpu.memref_slice %arg10[%dma_wait3A_117, %dma_wait3A_118] : memref<512x32xbf16, #tpu.memory_space<vmem>> -> memref<512x32xbf16, #tpu.memory_space<vmem>>
      %dma_wait3A_120 = arith.constant 0 : i32
      %dma_wait3A_121 = tpu.memref_slice %arg7[%add3A_5, %dma_wait3A_120] : memref<100048x32xbf16, #tpu.memory_space<vmem_shared>> -> memref<512x32xbf16, #tpu.memory_space<vmem_shared>>
      %dma_wait3A_122 = arith.constant 0 : i32
      %dma_wait3A_123 = tpu.memref_slice %arg7[%add3A_5, %dma_wait3A_122] : memref<100048x32xbf16, #tpu.memory_space<vmem_shared>> -> memref<512x32xbf16, #tpu.memory_space<vmem_shared>>
      %dma_wait3A_124 = arith.constant 0 : i32
      %dma_wait3A_125 = arith.constant 0 : i32
      %dma_wait3A_126 = tpu.memref_slice %arg10[%dma_wait3A_124, %dma_wait3A_125] : memref<512x32xbf16, #tpu.memory_space<vmem>> -> memref<512x32xbf16, #tpu.memory_space<vmem>>
      tpu.wait_dma2 semaphore(%run_scoped3A : memref<!tpu.dma_semaphore, #tpu.memory_space<semaphore_mem>>) src(%dma_wait3A_126 : memref<512x32xbf16, #tpu.memory_space<vmem>>) dst(%dma_wait3A_123 : memref<512x32xbf16, #tpu.memory_space<vmem_shared>>)
      tpu.yield
    }) : () -> ()
    %add3A_6 = arith.constant 1536 : i32
    %add3A_7 = arith.addi %mul3A_0, %add3A_6 : i32
    "tpu.region"() ({
      %run_scoped3A = tpu.sem_alloc : memref<!tpu.dma_semaphore, #tpu.memory_space<semaphore_mem>>
      %dma_start3A_107 = arith.constant 0 : i32
      %dma_start3A_108 = arith.constant 0 : i32
      %dma_start3A_109 = tpu.memref_slice %arg10[%dma_start3A_107, %dma_start3A_108] : memref<512x32xbf16, #tpu.memory_space<vmem>> -> memref<512x32xbf16, #tpu.memory_space<vmem>>
      %dma_start3A_110 = arith.constant 0 : i32
      %dma_start3A_111 = tpu.memref_slice %arg7[%add3A_7, %dma_start3A_110] : memref<100048x32xbf16, #tpu.memory_space<vmem_shared>> -> memref<512x32xbf16, #tpu.memory_space<vmem_shared>>
      %dma_start3A_112 = arith.constant 0 : i32
      %dma_start3A_113 = tpu.memref_slice %arg7[%add3A_7, %dma_start3A_112] : memref<100048x32xbf16, #tpu.memory_space<vmem_shared>> -> memref<512x32xbf16, #tpu.memory_space<vmem_shared>>
      %dma_start3A_114 = arith.constant 0 : i32
      %dma_start3A_115 = arith.constant 0 : i32
      %dma_start3A_116 = tpu.memref_slice %arg10[%dma_start3A_114, %dma_start3A_115] : memref<512x32xbf16, #tpu.memory_space<vmem>> -> memref<512x32xbf16, #tpu.memory_space<vmem>>
      tpu.enqueue_dma source(%dma_start3A_116 : memref<512x32xbf16, #tpu.memory_space<vmem>>) target(%dma_start3A_113 : memref<512x32xbf16, #tpu.memory_space<vmem_shared>>) target_semaphore(%run_scoped3A : memref<!tpu.dma_semaphore, #tpu.memory_space<semaphore_mem>>)
      %dma_wait3A_117 = arith.constant 0 : i32
      %dma_wait3A_118 = arith.constant 0 : i32
      %dma_wait3A_119 = tpu.memref_slice %arg10[%dma_wait3A_117, %dma_wait3A_118] : memref<512x32xbf16, #tpu.memory_space<vmem>> -> memref<512x32xbf16, #tpu.memory_space<vmem>>
      %dma_wait3A_120 = arith.constant 0 : i32
      %dma_wait3A_121 = tpu.memref_slice %arg7[%add3A_7, %dma_wait3A_120] : memref<100048x32xbf16, #tpu.memory_space<vmem_shared>> -> memref<512x32xbf16, #tpu.memory_space<vmem_shared>>
      %dma_wait3A_122 = arith.constant 0 : i32
      %dma_wait3A_123 = tpu.memref_slice %arg7[%add3A_7, %dma_wait3A_122] : memref<100048x32xbf16, #tpu.memory_space<vmem_shared>> -> memref<512x32xbf16, #tpu.memory_space<vmem_shared>>
      %dma_wait3A_124 = arith.constant 0 : i32
      %dma_wait3A_125 = arith.constant 0 : i32
      %dma_wait3A_126 = tpu.memref_slice %arg10[%dma_wait3A_124, %dma_wait3A_125] : memref<512x32xbf16, #tpu.memory_space<vmem>> -> memref<512x32xbf16, #tpu.memory_space<vmem>>
      tpu.wait_dma2 semaphore(%run_scoped3A : memref<!tpu.dma_semaphore, #tpu.memory_space<semaphore_mem>>) src(%dma_wait3A_126 : memref<512x32xbf16, #tpu.memory_space<vmem>>) dst(%dma_wait3A_123 : memref<512x32xbf16, #tpu.memory_space<vmem_shared>>)
      tpu.yield
    }) : () -> ()
    %add3A_8 = arith.constant 2048 : i32
    %add3A_9 = arith.addi %mul3A_0, %add3A_8 : i32
    "tpu.region"() ({
      %run_scoped3A = tpu.sem_alloc : memref<!tpu.dma_semaphore, #tpu.memory_space<semaphore_mem>>
      %dma_start3A_107 = arith.constant 0 : i32
      %dma_start3A_108 = arith.constant 0 : i32
      %dma_start3A_109 = tpu.memref_slice %arg10[%dma_start3A_107, %dma_start3A_108] : memref<512x32xbf16, #tpu.memory_space<vmem>> -> memref<512x32xbf16, #tpu.memory_space<vmem>>
      %dma_start3A_110 = arith.constant 0 : i32
      %dma_start3A_111 = tpu.memref_slice %arg7[%add3A_9, %dma_start3A_110] : memref<100048x32xbf16, #tpu.memory_space<vmem_shared>> -> memref<512x32xbf16, #tpu.memory_space<vmem_shared>>
      %dma_start3A_112 = arith.constant 0 : i32
      %dma_start3A_113 = tpu.memref_slice %arg7[%add3A_9, %dma_start3A_112] : memref<100048x32xbf16, #tpu.memory_space<vmem_shared>> -> memref<512x32xbf16, #tpu.memory_space<vmem_shared>>
      %dma_start3A_114 = arith.constant 0 : i32
      %dma_start3A_115 = arith.constant 0 : i32
      %dma_start3A_116 = tpu.memref_slice %arg10[%dma_start3A_114, %dma_start3A_115] : memref<512x32xbf16, #tpu.memory_space<vmem>> -> memref<512x32xbf16, #tpu.memory_space<vmem>>
      tpu.enqueue_dma source(%dma_start3A_116 : memref<512x32xbf16, #tpu.memory_space<vmem>>) target(%dma_start3A_113 : memref<512x32xbf16, #tpu.memory_space<vmem_shared>>) target_semaphore(%run_scoped3A : memref<!tpu.dma_semaphore, #tpu.memory_space<semaphore_mem>>)
      %dma_wait3A_117 = arith.constant 0 : i32
      %dma_wait3A_118 = arith.constant 0 : i32
      %dma_wait3A_119 = tpu.memref_slice %arg10[%dma_wait3A_117, %dma_wait3A_118] : memref<512x32xbf16, #tpu.memory_space<vmem>> -> memref<512x32xbf16, #tpu.memory_space<vmem>>
      %dma_wait3A_120 = arith.constant 0 : i32
      %dma_wait3A_121 = tpu.memref_slice %arg7[%add3A_9, %dma_wait3A_120] : memref<100048x32xbf16, #tpu.memory_space<vmem_shared>> -> memref<512x32xbf16, #tpu.memory_space<vmem_shared>>
      %dma_wait3A_122 = arith.constant 0 : i32
      %dma_wait3A_123 = tpu.memref_slice %arg7[%add3A_9, %dma_wait3A_122] : memref<100048x32xbf16, #tpu.memory_space<vmem_shared>> -> memref<512x32xbf16, #tpu.memory_space<vmem_shared>>
      %dma_wait3A_124 = arith.constant 0 : i32
      %dma_wait3A_125 = arith.constant 0 : i32
      %dma_wait3A_126 = tpu.memref_slice %arg10[%dma_wait3A_124, %dma_wait3A_125] : memref<512x32xbf16, #tpu.memory_space<vmem>> -> memref<512x32xbf16, #tpu.memory_space<vmem>>
      tpu.wait_dma2 semaphore(%run_scoped3A : memref<!tpu.dma_semaphore, #tpu.memory_space<semaphore_mem>>) src(%dma_wait3A_126 : memref<512x32xbf16, #tpu.memory_space<vmem>>) dst(%dma_wait3A_123 : memref<512x32xbf16, #tpu.memory_space<vmem_shared>>)
      tpu.yield
    }) : () -> ()
    %add3A_10 = arith.constant 2560 : i32
    %add3A_11 = arith.addi %mul3A_0, %add3A_10 : i32
    "tpu.region"() ({
      %run_scoped3A = tpu.sem_alloc : memref<!tpu.dma_semaphore, #tpu.memory_space<semaphore_mem>>
      %dma_start3A_107 = arith.constant 0 : i32
      %dma_start3A_108 = arith.constant 0 : i32
      %dma_start3A_109 = tpu.memref_slice %arg10[%dma_start3A_107, %dma_start3A_108] : memref<512x32xbf16, #tpu.memory_space<vmem>> -> memref<512x32xbf16, #tpu.memory_space<vmem>>
      %dma_start3A_110 = arith.constant 0 : i32
      %dma_start3A_111 = tpu.memref_slice %arg7[%add3A_11, %dma_start3A_110] : memref<100048x32xbf16, #tpu.memory_space<vmem_shared>> -> memref<512x32xbf16, #tpu.memory_space<vmem_shared>>
      %dma_start3A_112 = arith.constant 0 : i32
      %dma_start3A_113 = tpu.memref_slice %arg7[%add3A_11, %dma_start3A_112] : memref<100048x32xbf16, #tpu.memory_space<vmem_shared>> -> memref<512x32xbf16, #tpu.memory_space<vmem_shared>>
      %dma_start3A_114 = arith.constant 0 : i32
      %dma_start3A_115 = arith.constant 0 : i32
      %dma_start3A_116 = tpu.memref_slice %arg10[%dma_start3A_114, %dma_start3A_115] : memref<512x32xbf16, #tpu.memory_space<vmem>> -> memref<512x32xbf16, #tpu.memory_space<vmem>>
      tpu.enqueue_dma source(%dma_start3A_116 : memref<512x32xbf16, #tpu.memory_space<vmem>>) target(%dma_start3A_113 : memref<512x32xbf16, #tpu.memory_space<vmem_shared>>) target_semaphore(%run_scoped3A : memref<!tpu.dma_semaphore, #tpu.memory_space<semaphore_mem>>)
      %dma_wait3A_117 = arith.constant 0 : i32
      %dma_wait3A_118 = arith.constant 0 : i32
      %dma_wait3A_119 = tpu.memref_slice %arg10[%dma_wait3A_117, %dma_wait3A_118] : memref<512x32xbf16, #tpu.memory_space<vmem>> -> memref<512x32xbf16, #tpu.memory_space<vmem>>
      %dma_wait3A_120 = arith.constant 0 : i32
      %dma_wait3A_121 = tpu.memref_slice %arg7[%add3A_11, %dma_wait3A_120] : memref<100048x32xbf16, #tpu.memory_space<vmem_shared>> -> memref<512x32xbf16, #tpu.memory_space<vmem_shared>>
      %dma_wait3A_122 = arith.constant 0 : i32
      %dma_wait3A_123 = tpu.memref_slice %arg7[%add3A_11, %dma_wait3A_122] : memref<100048x32xbf16, #tpu.memory_space<vmem_shared>> -> memref<512x32xbf16, #tpu.memory_space<vmem_shared>>
      %dma_wait3A_124 = arith.constant 0 : i32
      %dma_wait3A_125 = arith.constant 0 : i32
      %dma_wait3A_126 = tpu.memref_slice %arg10[%dma_wait3A_124, %dma_wait3A_125] : memref<512x32xbf16, #tpu.memory_space<vmem>> -> memref<512x32xbf16, #tpu.memory_space<vmem>>
      tpu.wait_dma2 semaphore(%run_scoped3A : memref<!tpu.dma_semaphore, #tpu.memory_space<semaphore_mem>>) src(%dma_wait3A_126 : memref<512x32xbf16, #tpu.memory_space<vmem>>) dst(%dma_wait3A_123 : memref<512x32xbf16, #tpu.memory_space<vmem_shared>>)
      tpu.yield
    }) : () -> ()
    %add3A_12 = arith.constant 3072 : i32
    %add3A_13 = arith.addi %mul3A_0, %add3A_12 : i32
    "tpu.region"() ({
      %run_scoped3A = tpu.sem_alloc : memref<!tpu.dma_semaphore, #tpu.memory_space<semaphore_mem>>
      %dma_start3A_107 = arith.constant 0 : i32
      %dma_start3A_108 = arith.constant 0 : i32
      %dma_start3A_109 = tpu.memref_slice %arg10[%dma_start3A_107, %dma_start3A_108] : memref<512x32xbf16, #tpu.memory_space<vmem>> -> memref<512x32xbf16, #tpu.memory_space<vmem>>
      %dma_start3A_110 = arith.constant 0 : i32
      %dma_start3A_111 = tpu.memref_slice %arg7[%add3A_13, %dma_start3A_110] : memref<100048x32xbf16, #tpu.memory_space<vmem_shared>> -> memref<512x32xbf16, #tpu.memory_space<vmem_shared>>
      %dma_start3A_112 = arith.constant 0 : i32
      %dma_start3A_113 = tpu.memref_slice %arg7[%add3A_13, %dma_start3A_112] : memref<100048x32xbf16, #tpu.memory_space<vmem_shared>> -> memref<512x32xbf16, #tpu.memory_space<vmem_shared>>
      %dma_start3A_114 = arith.constant 0 : i32
      %dma_start3A_115 = arith.constant 0 : i32
      %dma_start3A_116 = tpu.memref_slice %arg10[%dma_start3A_114, %dma_start3A_115] : memref<512x32xbf16, #tpu.memory_space<vmem>> -> memref<512x32xbf16, #tpu.memory_space<vmem>>
      tpu.enqueue_dma source(%dma_start3A_116 : memref<512x32xbf16, #tpu.memory_space<vmem>>) target(%dma_start3A_113 : memref<512x32xbf16, #tpu.memory_space<vmem_shared>>) target_semaphore(%run_scoped3A : memref<!tpu.dma_semaphore, #tpu.memory_space<semaphore_mem>>)
      %dma_wait3A_117 = arith.constant 0 : i32
      %dma_wait3A_118 = arith.constant 0 : i32
      %dma_wait3A_119 = tpu.memref_slice %arg10[%dma_wait3A_117, %dma_wait3A_118] : memref<512x32xbf16, #tpu.memory_space<vmem>> -> memref<512x32xbf16, #tpu.memory_space<vmem>>
      %dma_wait3A_120 = arith.constant 0 : i32
      %dma_wait3A_121 = tpu.memref_slice %arg7[%add3A_13, %dma_wait3A_120] : memref<100048x32xbf16, #tpu.memory_space<vmem_shared>> -> memref<512x32xbf16, #tpu.memory_space<vmem_shared>>
      %dma_wait3A_122 = arith.constant 0 : i32
      %dma_wait3A_123 = tpu.memref_slice %arg7[%add3A_13, %dma_wait3A_122] : memref<100048x32xbf16, #tpu.memory_space<vmem_shared>> -> memref<512x32xbf16, #tpu.memory_space<vmem_shared>>
      %dma_wait3A_124 = arith.constant 0 : i32
      %dma_wait3A_125 = arith.constant 0 : i32
      %dma_wait3A_126 = tpu.memref_slice %arg10[%dma_wait3A_124, %dma_wait3A_125] : memref<512x32xbf16, #tpu.memory_space<vmem>> -> memref<512x32xbf16, #tpu.memory_space<vmem>>
      tpu.wait_dma2 semaphore(%run_scoped3A : memref<!tpu.dma_semaphore, #tpu.memory_space<semaphore_mem>>) src(%dma_wait3A_126 : memref<512x32xbf16, #tpu.memory_space<vmem>>) dst(%dma_wait3A_123 : memref<512x32xbf16, #tpu.memory_space<vmem_shared>>)
      tpu.yield
    }) : () -> ()
    %add3A_14 = arith.constant 3584 : i32
    %add3A_15 = arith.addi %mul3A_0, %add3A_14 : i32
    "tpu.region"() ({
      %run_scoped3A = tpu.sem_alloc : memref<!tpu.dma_semaphore, #tpu.memory_space<semaphore_mem>>
      %dma_start3A_107 = arith.constant 0 : i32
      %dma_start3A_108 = arith.constant 0 : i32
      %dma_start3A_109 = tpu.memref_slice %arg10[%dma_start3A_107, %dma_start3A_108] : memref<512x32xbf16, #tpu.memory_space<vmem>> -> memref<512x32xbf16, #tpu.memory_space<vmem>>
      %dma_start3A_110 = arith.constant 0 : i32
      %dma_start3A_111 = tpu.memref_slice %arg7[%add3A_15, %dma_start3A_110] : memref<100048x32xbf16, #tpu.memory_space<vmem_shared>> -> memref<512x32xbf16, #tpu.memory_space<vmem_shared>>
      %dma_start3A_112 = arith.constant 0 : i32
      %dma_start3A_113 = tpu.memref_slice %arg7[%add3A_15, %dma_start3A_112] : memref<100048x32xbf16, #tpu.memory_space<vmem_shared>> -> memref<512x32xbf16, #tpu.memory_space<vmem_shared>>
      %dma_start3A_114 = arith.constant 0 : i32
      %dma_start3A_115 = arith.constant 0 : i32
      %dma_start3A_116 = tpu.memref_slice %arg10[%dma_start3A_114, %dma_start3A_115] : memref<512x32xbf16, #tpu.memory_space<vmem>> -> memref<512x32xbf16, #tpu.memory_space<vmem>>
      tpu.enqueue_dma source(%dma_start3A_116 : memref<512x32xbf16, #tpu.memory_space<vmem>>) target(%dma_start3A_113 : memref<512x32xbf16, #tpu.memory_space<vmem_shared>>) target_semaphore(%run_scoped3A : memref<!tpu.dma_semaphore, #tpu.memory_space<semaphore_mem>>)
      %dma_wait3A_117 = arith.constant 0 : i32
      %dma_wait3A_118 = arith.constant 0 : i32
      %dma_wait3A_119 = tpu.memref_slice %arg10[%dma_wait3A_117, %dma_wait3A_118] : memref<512x32xbf16, #tpu.memory_space<vmem>> -> memref<512x32xbf16, #tpu.memory_space<vmem>>
      %dma_wait3A_120 = arith.constant 0 : i32
      %dma_wait3A_121 = tpu.memref_slice %arg7[%add3A_15, %dma_wait3A_120] : memref<100048x32xbf16, #tpu.memory_space<vmem_shared>> -> memref<512x32xbf16, #tpu.memory_space<vmem_shared>>
      %dma_wait3A_122 = arith.constant 0 : i32
      %dma_wait3A_123 = tpu.memref_slice %arg7[%add3A_15, %dma_wait3A_122] : memref<100048x32xbf16, #tpu.memory_space<vmem_shared>> -> memref<512x32xbf16, #tpu.memory_space<vmem_shared>>
      %dma_wait3A_124 = arith.constant 0 : i32
      %dma_wait3A_125 = arith.constant 0 : i32
      %dma_wait3A_126 = tpu.memref_slice %arg10[%dma_wait3A_124, %dma_wait3A_125] : memref<512x32xbf16, #tpu.memory_space<vmem>> -> memref<512x32xbf16, #tpu.memory_space<vmem>>
      tpu.wait_dma2 semaphore(%run_scoped3A : memref<!tpu.dma_semaphore, #tpu.memory_space<semaphore_mem>>) src(%dma_wait3A_126 : memref<512x32xbf16, #tpu.memory_space<vmem>>) dst(%dma_wait3A_123 : memref<512x32xbf16, #tpu.memory_space<vmem_shared>>)
      tpu.yield
    }) : () -> ()
    %add3A_16 = arith.constant 4096 : i32
    %add3A_17 = arith.addi %mul3A_0, %add3A_16 : i32
    "tpu.region"() ({
      %run_scoped3A = tpu.sem_alloc : memref<!tpu.dma_semaphore, #tpu.memory_space<semaphore_mem>>
      %dma_start3A_107 = arith.constant 0 : i32
      %dma_start3A_108 = arith.constant 0 : i32
      %dma_start3A_109 = tpu.memref_slice %arg10[%dma_start3A_107, %dma_start3A_108] : memref<512x32xbf16, #tpu.memory_space<vmem>> -> memref<512x32xbf16, #tpu.memory_space<vmem>>
      %dma_start3A_110 = arith.constant 0 : i32
      %dma_start3A_111 = tpu.memref_slice %arg7[%add3A_17, %dma_start3A_110] : memref<100048x32xbf16, #tpu.memory_space<vmem_shared>> -> memref<512x32xbf16, #tpu.memory_space<vmem_shared>>
      %dma_start3A_112 = arith.constant 0 : i32
      %dma_start3A_113 = tpu.memref_slice %arg7[%add3A_17, %dma_start3A_112] : memref<100048x32xbf16, #tpu.memory_space<vmem_shared>> -> memref<512x32xbf16, #tpu.memory_space<vmem_shared>>
      %dma_start3A_114 = arith.constant 0 : i32
      %dma_start3A_115 = arith.constant 0 : i32
      %dma_start3A_116 = tpu.memref_slice %arg10[%dma_start3A_114, %dma_start3A_115] : memref<512x32xbf16, #tpu.memory_space<vmem>> -> memref<512x32xbf16, #tpu.memory_space<vmem>>
      tpu.enqueue_dma source(%dma_start3A_116 : memref<512x32xbf16, #tpu.memory_space<vmem>>) target(%dma_start3A_113 : memref<512x32xbf16, #tpu.memory_space<vmem_shared>>) target_semaphore(%run_scoped3A : memref<!tpu.dma_semaphore, #tpu.memory_space<semaphore_mem>>)
      %dma_wait3A_117 = arith.constant 0 : i32
      %dma_wait3A_118 = arith.constant 0 : i32
      %dma_wait3A_119 = tpu.memref_slice %arg10[%dma_wait3A_117, %dma_wait3A_118] : memref<512x32xbf16, #tpu.memory_space<vmem>> -> memref<512x32xbf16, #tpu.memory_space<vmem>>
      %dma_wait3A_120 = arith.constant 0 : i32
      %dma_wait3A_121 = tpu.memref_slice %arg7[%add3A_17, %dma_wait3A_120] : memref<100048x32xbf16, #tpu.memory_space<vmem_shared>> -> memref<512x32xbf16, #tpu.memory_space<vmem_shared>>
      %dma_wait3A_122 = arith.constant 0 : i32
      %dma_wait3A_123 = tpu.memref_slice %arg7[%add3A_17, %dma_wait3A_122] : memref<100048x32xbf16, #tpu.memory_space<vmem_shared>> -> memref<512x32xbf16, #tpu.memory_space<vmem_shared>>
      %dma_wait3A_124 = arith.constant 0 : i32
      %dma_wait3A_125 = arith.constant 0 : i32
      %dma_wait3A_126 = tpu.memref_slice %arg10[%dma_wait3A_124, %dma_wait3A_125] : memref<512x32xbf16, #tpu.memory_space<vmem>> -> memref<512x32xbf16, #tpu.memory_space<vmem>>
      tpu.wait_dma2 semaphore(%run_scoped3A : memref<!tpu.dma_semaphore, #tpu.memory_space<semaphore_mem>>) src(%dma_wait3A_126 : memref<512x32xbf16, #tpu.memory_space<vmem>>) dst(%dma_wait3A_123 : memref<512x32xbf16, #tpu.memory_space<vmem_shared>>)
      tpu.yield
    }) : () -> ()
    %add3A_18 = arith.constant 4608 : i32
    %add3A_19 = arith.addi %mul3A_0, %add3A_18 : i32
    "tpu.region"() ({
      %run_scoped3A = tpu.sem_alloc : memref<!tpu.dma_semaphore, #tpu.memory_space<semaphore_mem>>
      %dma_start3A_107 = arith.constant 0 : i32
      %dma_start3A_108 = arith.constant 0 : i32
      %dma_start3A_109 = tpu.memref_slice %arg10[%dma_start3A_107, %dma_start3A_108] : memref<512x32xbf16, #tpu.memory_space<vmem>> -> memref<512x32xbf16, #tpu.memory_space<vmem>>
      %dma_start3A_110 = arith.constant 0 : i32
      %dma_start3A_111 = tpu.memref_slice %arg7[%add3A_19, %dma_start3A_110] : memref<100048x32xbf16, #tpu.memory_space<vmem_shared>> -> memref<512x32xbf16, #tpu.memory_space<vmem_shared>>
      %dma_start3A_112 = arith.constant 0 : i32
      %dma_start3A_113 = tpu.memref_slice %arg7[%add3A_19, %dma_start3A_112] : memref<100048x32xbf16, #tpu.memory_space<vmem_shared>> -> memref<512x32xbf16, #tpu.memory_space<vmem_shared>>
      %dma_start3A_114 = arith.constant 0 : i32
      %dma_start3A_115 = arith.constant 0 : i32
      %dma_start3A_116 = tpu.memref_slice %arg10[%dma_start3A_114, %dma_start3A_115] : memref<512x32xbf16, #tpu.memory_space<vmem>> -> memref<512x32xbf16, #tpu.memory_space<vmem>>
      tpu.enqueue_dma source(%dma_start3A_116 : memref<512x32xbf16, #tpu.memory_space<vmem>>) target(%dma_start3A_113 : memref<512x32xbf16, #tpu.memory_space<vmem_shared>>) target_semaphore(%run_scoped3A : memref<!tpu.dma_semaphore, #tpu.memory_space<semaphore_mem>>)
      %dma_wait3A_117 = arith.constant 0 : i32
      %dma_wait3A_118 = arith.constant 0 : i32
      %dma_wait3A_119 = tpu.memref_slice %arg10[%dma_wait3A_117, %dma_wait3A_118] : memref<512x32xbf16, #tpu.memory_space<vmem>> -> memref<512x32xbf16, #tpu.memory_space<vmem>>
      %dma_wait3A_120 = arith.constant 0 : i32
      %dma_wait3A_121 = tpu.memref_slice %arg7[%add3A_19, %dma_wait3A_120] : memref<100048x32xbf16, #tpu.memory_space<vmem_shared>> -> memref<512x32xbf16, #tpu.memory_space<vmem_shared>>
      %dma_wait3A_122 = arith.constant 0 : i32
      %dma_wait3A_123 = tpu.memref_slice %arg7[%add3A_19, %dma_wait3A_122] : memref<100048x32xbf16, #tpu.memory_space<vmem_shared>> -> memref<512x32xbf16, #tpu.memory_space<vmem_shared>>
      %dma_wait3A_124 = arith.constant 0 : i32
      %dma_wait3A_125 = arith.constant 0 : i32
      %dma_wait3A_126 = tpu.memref_slice %arg10[%dma_wait3A_124, %dma_wait3A_125] : memref<512x32xbf16, #tpu.memory_space<vmem>> -> memref<512x32xbf16, #tpu.memory_space<vmem>>
      tpu.wait_dma2 semaphore(%run_scoped3A : memref<!tpu.dma_semaphore, #tpu.memory_space<semaphore_mem>>) src(%dma_wait3A_126 : memref<512x32xbf16, #tpu.memory_space<vmem>>) dst(%dma_wait3A_123 : memref<512x32xbf16, #tpu.memory_space<vmem_shared>>)
      tpu.yield
    }) : () -> ()
    %add3A_20 = arith.constant 5120 : i32
    %add3A_21 = arith.addi %mul3A_0, %add3A_20 : i32
    "tpu.region"() ({
      %run_scoped3A = tpu.sem_alloc : memref<!tpu.dma_semaphore, #tpu.memory_space<semaphore_mem>>
      %dma_start3A_107 = arith.constant 0 : i32
      %dma_start3A_108 = arith.constant 0 : i32
      %dma_start3A_109 = tpu.memref_slice %arg10[%dma_start3A_107, %dma_start3A_108] : memref<512x32xbf16, #tpu.memory_space<vmem>> -> memref<512x32xbf16, #tpu.memory_space<vmem>>
      %dma_start3A_110 = arith.constant 0 : i32
      %dma_start3A_111 = tpu.memref_slice %arg7[%add3A_21, %dma_start3A_110] : memref<100048x32xbf16, #tpu.memory_space<vmem_shared>> -> memref<512x32xbf16, #tpu.memory_space<vmem_shared>>
      %dma_start3A_112 = arith.constant 0 : i32
      %dma_start3A_113 = tpu.memref_slice %arg7[%add3A_21, %dma_start3A_112] : memref<100048x32xbf16, #tpu.memory_space<vmem_shared>> -> memref<512x32xbf16, #tpu.memory_space<vmem_shared>>
      %dma_start3A_114 = arith.constant 0 : i32
      %dma_start3A_115 = arith.constant 0 : i32
      %dma_start3A_116 = tpu.memref_slice %arg10[%dma_start3A_114, %dma_start3A_115] : memref<512x32xbf16, #tpu.memory_space<vmem>> -> memref<512x32xbf16, #tpu.memory_space<vmem>>
      tpu.enqueue_dma source(%dma_start3A_116 : memref<512x32xbf16, #tpu.memory_space<vmem>>) target(%dma_start3A_113 : memref<512x32xbf16, #tpu.memory_space<vmem_shared>>) target_semaphore(%run_scoped3A : memref<!tpu.dma_semaphore, #tpu.memory_space<semaphore_mem>>)
      %dma_wait3A_117 = arith.constant 0 : i32
      %dma_wait3A_118 = arith.constant 0 : i32
      %dma_wait3A_119 = tpu.memref_slice %arg10[%dma_wait3A_117, %dma_wait3A_118] : memref<512x32xbf16, #tpu.memory_space<vmem>> -> memref<512x32xbf16, #tpu.memory_space<vmem>>
      %dma_wait3A_120 = arith.constant 0 : i32
      %dma_wait3A_121 = tpu.memref_slice %arg7[%add3A_21, %dma_wait3A_120] : memref<100048x32xbf16, #tpu.memory_space<vmem_shared>> -> memref<512x32xbf16, #tpu.memory_space<vmem_shared>>
      %dma_wait3A_122 = arith.constant 0 : i32
      %dma_wait3A_123 = tpu.memref_slice %arg7[%add3A_21, %dma_wait3A_122] : memref<100048x32xbf16, #tpu.memory_space<vmem_shared>> -> memref<512x32xbf16, #tpu.memory_space<vmem_shared>>
      %dma_wait3A_124 = arith.constant 0 : i32
      %dma_wait3A_125 = arith.constant 0 : i32
      %dma_wait3A_126 = tpu.memref_slice %arg10[%dma_wait3A_124, %dma_wait3A_125] : memref<512x32xbf16, #tpu.memory_space<vmem>> -> memref<512x32xbf16, #tpu.memory_space<vmem>>
      tpu.wait_dma2 semaphore(%run_scoped3A : memref<!tpu.dma_semaphore, #tpu.memory_space<semaphore_mem>>) src(%dma_wait3A_126 : memref<512x32xbf16, #tpu.memory_space<vmem>>) dst(%dma_wait3A_123 : memref<512x32xbf16, #tpu.memory_space<vmem_shared>>)
      tpu.yield
    }) : () -> ()
    %add3A_22 = arith.constant 5632 : i32
    %add3A_23 = arith.addi %mul3A_0, %add3A_22 : i32
    "tpu.region"() ({
      %run_scoped3A = tpu.sem_alloc : memref<!tpu.dma_semaphore, #tpu.memory_space<semaphore_mem>>
      %dma_start3A_107 = arith.constant 0 : i32
      %dma_start3A_108 = arith.constant 0 : i32
      %dma_start3A_109 = tpu.memref_slice %arg10[%dma_start3A_107, %dma_start3A_108] : memref<512x32xbf16, #tpu.memory_space<vmem>> -> memref<512x32xbf16, #tpu.memory_space<vmem>>
      %dma_start3A_110 = arith.constant 0 : i32
      %dma_start3A_111 = tpu.memref_slice %arg7[%add3A_23, %dma_start3A_110] : memref<100048x32xbf16, #tpu.memory_space<vmem_shared>> -> memref<512x32xbf16, #tpu.memory_space<vmem_shared>>
      %dma_start3A_112 = arith.constant 0 : i32
      %dma_start3A_113 = tpu.memref_slice %arg7[%add3A_23, %dma_start3A_112] : memref<100048x32xbf16, #tpu.memory_space<vmem_shared>> -> memref<512x32xbf16, #tpu.memory_space<vmem_shared>>
      %dma_start3A_114 = arith.constant 0 : i32
      %dma_start3A_115 = arith.constant 0 : i32
      %dma_start3A_116 = tpu.memref_slice %arg10[%dma_start3A_114, %dma_start3A_115] : memref<512x32xbf16, #tpu.memory_space<vmem>> -> memref<512x32xbf16, #tpu.memory_space<vmem>>
      tpu.enqueue_dma source(%dma_start3A_116 : memref<512x32xbf16, #tpu.memory_space<vmem>>) target(%dma_start3A_113 : memref<512x32xbf16, #tpu.memory_space<vmem_shared>>) target_semaphore(%run_scoped3A : memref<!tpu.dma_semaphore, #tpu.memory_space<semaphore_mem>>)
      %dma_wait3A_117 = arith.constant 0 : i32
      %dma_wait3A_118 = arith.constant 0 : i32
      %dma_wait3A_119 = tpu.memref_slice %arg10[%dma_wait3A_117, %dma_wait3A_118] : memref<512x32xbf16, #tpu.memory_space<vmem>> -> memref<512x32xbf16, #tpu.memory_space<vmem>>
      %dma_wait3A_120 = arith.constant 0 : i32
      %dma_wait3A_121 = tpu.memref_slice %arg7[%add3A_23, %dma_wait3A_120] : memref<100048x32xbf16, #tpu.memory_space<vmem_shared>> -> memref<512x32xbf16, #tpu.memory_space<vmem_shared>>
      %dma_wait3A_122 = arith.constant 0 : i32
      %dma_wait3A_123 = tpu.memref_slice %arg7[%add3A_23, %dma_wait3A_122] : memref<100048x32xbf16, #tpu.memory_space<vmem_shared>> -> memref<512x32xbf16, #tpu.memory_space<vmem_shared>>
      %dma_wait3A_124 = arith.constant 0 : i32
      %dma_wait3A_125 = arith.constant 0 : i32
      %dma_wait3A_126 = tpu.memref_slice %arg10[%dma_wait3A_124, %dma_wait3A_125] : memref<512x32xbf16, #tpu.memory_space<vmem>> -> memref<512x32xbf16, #tpu.memory_space<vmem>>
      tpu.wait_dma2 semaphore(%run_scoped3A : memref<!tpu.dma_semaphore, #tpu.memory_space<semaphore_mem>>) src(%dma_wait3A_126 : memref<512x32xbf16, #tpu.memory_space<vmem>>) dst(%dma_wait3A_123 : memref<512x32xbf16, #tpu.memory_space<vmem_shared>>)
      tpu.yield
    }) : () -> ()
    %lt3A = arith.constant 15 : i32
    %lt3A_24 = arith.cmpi slt, %arg1, %lt3A : i32
    %convert_element_type3A = arith.extui %lt3A_24 : i1 to i32
    %cond3A = arith.constant 0 : i32
    %cond3A_25 = arith.cmpi ne, %convert_element_type3A, %cond3A : i32
    scf.if %cond3A_25 {
      %add3A_107 = arith.constant 6144 : i32
      %add3A_108 = arith.addi %mul3A_0, %add3A_107 : i32
      "tpu.region"() ({
        %run_scoped3A = tpu.sem_alloc : memref<!tpu.dma_semaphore, #tpu.memory_space<semaphore_mem>>
        %dma_start3A_109 = arith.constant 0 : i32
        %dma_start3A_110 = arith.constant 0 : i32
        %dma_start3A_111 = tpu.memref_slice %arg10[%dma_start3A_109, %dma_start3A_110] : memref<512x32xbf16, #tpu.memory_space<vmem>> -> memref<112x32xbf16, #tpu.memory_space<vmem>>
        %dma_start3A_112 = arith.constant 0 : i32
        %dma_start3A_113 = tpu.memref_slice %arg7[%add3A_108, %dma_start3A_112] : memref<100048x32xbf16, #tpu.memory_space<vmem_shared>> -> memref<112x32xbf16, #tpu.memory_space<vmem_shared>>
        %dma_start3A_114 = arith.constant 0 : i32
        %dma_start3A_115 = tpu.memref_slice %arg7[%add3A_108, %dma_start3A_114] : memref<100048x32xbf16, #tpu.memory_space<vmem_shared>> -> memref<112x32xbf16, #tpu.memory_space<vmem_shared>>
        %dma_start3A_116 = arith.constant 0 : i32
        %dma_start3A_117 = arith.constant 0 : i32
        %dma_start3A_118 = tpu.memref_slice %arg10[%dma_start3A_116, %dma_start3A_117] : memref<512x32xbf16, #tpu.memory_space<vmem>> -> memref<112x32xbf16, #tpu.memory_space<vmem>>
        tpu.enqueue_dma source(%dma_start3A_118 : memref<112x32xbf16, #tpu.memory_space<vmem>>) target(%dma_start3A_115 : memref<112x32xbf16, #tpu.memory_space<vmem_shared>>) target_semaphore(%run_scoped3A : memref<!tpu.dma_semaphore, #tpu.memory_space<semaphore_mem>>)
        %dma_wait3A_119 = arith.constant 0 : i32
        %dma_wait3A_120 = arith.constant 0 : i32
        %dma_wait3A_121 = tpu.memref_slice %arg10[%dma_wait3A_119, %dma_wait3A_120] : memref<512x32xbf16, #tpu.memory_space<vmem>> -> memref<112x32xbf16, #tpu.memory_space<vmem>>
        %dma_wait3A_122 = arith.constant 0 : i32
        %dma_wait3A_123 = tpu.memref_slice %arg7[%add3A_108, %dma_wait3A_122] : memref<100048x32xbf16, #tpu.memory_space<vmem_shared>> -> memref<112x32xbf16, #tpu.memory_space<vmem_shared>>
        %dma_wait3A_124 = arith.constant 0 : i32
        %dma_wait3A_125 = tpu.memref_slice %arg7[%add3A_108, %dma_wait3A_124] : memref<100048x32xbf16, #tpu.memory_space<vmem_shared>> -> memref<112x32xbf16, #tpu.memory_space<vmem_shared>>
        %dma_wait3A_126 = arith.constant 0 : i32
        %dma_wait3A_127 = arith.constant 0 : i32
        %dma_wait3A_128 = tpu.memref_slice %arg10[%dma_wait3A_126, %dma_wait3A_127] : memref<512x32xbf16, #tpu.memory_space<vmem>> -> memref<112x32xbf16, #tpu.memory_space<vmem>>
        tpu.wait_dma2 semaphore(%run_scoped3A : memref<!tpu.dma_semaphore, #tpu.memory_space<semaphore_mem>>) src(%dma_wait3A_128 : memref<112x32xbf16, #tpu.memory_space<vmem>>) dst(%dma_wait3A_125 : memref<112x32xbf16, #tpu.memory_space<vmem_shared>>)
        tpu.yield
      }) : () -> ()
    } else {
    }
    %eq3A = arith.constant 15 : i32
    %eq3A_26 = arith.cmpi eq, %arg1, %eq3A : i32
    %convert_element_type3A_27 = arith.extui %eq3A_26 : i1 to i32
    %cond3A_28 = arith.constant 0 : i32
    %cond3A_29 = arith.cmpi ne, %convert_element_type3A_27, %cond3A_28 : i32
    scf.if %cond3A_29 {
      %add3A_107 = arith.constant 6144 : i32
      %add3A_108 = arith.addi %mul3A_0, %add3A_107 : i32
      "tpu.region"() ({
        %run_scoped3A = tpu.sem_alloc : memref<!tpu.dma_semaphore, #tpu.memory_space<semaphore_mem>>
        %dma_start3A_109 = arith.constant 0 : i32
        %dma_start3A_110 = arith.constant 0 : i32
        %dma_start3A_111 = tpu.memref_slice %arg10[%dma_start3A_109, %dma_start3A_110] : memref<512x32xbf16, #tpu.memory_space<vmem>> -> memref<64x32xbf16, #tpu.memory_space<vmem>>
        %dma_start3A_112 = arith.constant 0 : i32
        %dma_start3A_113 = tpu.memref_slice %arg7[%add3A_108, %dma_start3A_112] : memref<100048x32xbf16, #tpu.memory_space<vmem_shared>> -> memref<64x32xbf16, #tpu.memory_space<vmem_shared>>
        %dma_start3A_114 = arith.constant 0 : i32
        %dma_start3A_115 = tpu.memref_slice %arg7[%add3A_108, %dma_start3A_114] : memref<100048x32xbf16, #tpu.memory_space<vmem_shared>> -> memref<64x32xbf16, #tpu.memory_space<vmem_shared>>
        %dma_start3A_116 = arith.constant 0 : i32
        %dma_start3A_117 = arith.constant 0 : i32
        %dma_start3A_118 = tpu.memref_slice %arg10[%dma_start3A_116, %dma_start3A_117] : memref<512x32xbf16, #tpu.memory_space<vmem>> -> memref<64x32xbf16, #tpu.memory_space<vmem>>
        tpu.enqueue_dma source(%dma_start3A_118 : memref<64x32xbf16, #tpu.memory_space<vmem>>) target(%dma_start3A_115 : memref<64x32xbf16, #tpu.memory_space<vmem_shared>>) target_semaphore(%run_scoped3A : memref<!tpu.dma_semaphore, #tpu.memory_space<semaphore_mem>>)
        %dma_wait3A_119 = arith.constant 0 : i32
        %dma_wait3A_120 = arith.constant 0 : i32
        %dma_wait3A_121 = tpu.memref_slice %arg10[%dma_wait3A_119, %dma_wait3A_120] : memref<512x32xbf16, #tpu.memory_space<vmem>> -> memref<64x32xbf16, #tpu.memory_space<vmem>>
        %dma_wait3A_122 = arith.constant 0 : i32
        %dma_wait3A_123 = tpu.memref_slice %arg7[%add3A_108, %dma_wait3A_122] : memref<100048x32xbf16, #tpu.memory_space<vmem_shared>> -> memref<64x32xbf16, #tpu.memory_space<vmem_shared>>
        %dma_wait3A_124 = arith.constant 0 : i32
        %dma_wait3A_125 = tpu.memref_slice %arg7[%add3A_108, %dma_wait3A_124] : memref<100048x32xbf16, #tpu.memory_space<vmem_shared>> -> memref<64x32xbf16, #tpu.memory_space<vmem_shared>>
        %dma_wait3A_126 = arith.constant 0 : i32
        %dma_wait3A_127 = arith.constant 0 : i32
        %dma_wait3A_128 = tpu.memref_slice %arg10[%dma_wait3A_126, %dma_wait3A_127] : memref<512x32xbf16, #tpu.memory_space<vmem>> -> memref<64x32xbf16, #tpu.memory_space<vmem>>
        tpu.wait_dma2 semaphore(%run_scoped3A : memref<!tpu.dma_semaphore, #tpu.memory_space<semaphore_mem>>) src(%dma_wait3A_128 : memref<64x32xbf16, #tpu.memory_space<vmem>>) dst(%dma_wait3A_125 : memref<64x32xbf16, #tpu.memory_space<vmem_shared>>)
        tpu.yield
      }) : () -> ()
    } else {
    }
    %barrier3A = arith.constant 0 : index
    tpu.barrier barrier_id(%barrier3A)
    %mul3A_30 = arith.constant 16 : i32
    %mul3A_31 = arith.muli %arg0, %mul3A_30 : i32
    %add3A_32 = arith.addi %mul3A_31, %arg1 : i32
    %mul3A_33 = arith.constant 100 : i32
    %mul3A_34 = arith.muli %add3A_32, %mul3A_33 : i32
    "tpu.region"() ({
      %run_scoped3A = tpu.sem_alloc : memref<!tpu.dma_semaphore, #tpu.memory_space<semaphore_mem>>
      %dma_start3A_107 = arith.constant 0 : i32
      %dma_start3A_108 = tpu.memref_slice %arg3[%mul3A_34, %dma_start3A_107] : memref<3200x512xi32, #tpu.memory_space<hbm>> -> memref<1x512xi32, #tpu.memory_space<hbm>>
      %dma_start3A_109 = tpu.memref_squeeze %dma_start3A_108 : memref<1x512xi32, #tpu.memory_space<hbm>> -> memref<512xi32, #tpu.memory_space<hbm>>
      %dma_start3A_110 = arith.constant 0 : i32
      %dma_start3A_111 = tpu.memref_slice %arg3[%mul3A_34, %dma_start3A_110] : memref<3200x512xi32, #tpu.memory_space<hbm>> -> memref<1x512xi32, #tpu.memory_space<hbm>>
      %dma_start3A_112 = tpu.memref_squeeze %dma_start3A_111 : memref<1x512xi32, #tpu.memory_space<hbm>> -> memref<512xi32, #tpu.memory_space<hbm>>
      tpu.enqueue_dma source(%dma_start3A_112 : memref<512xi32, #tpu.memory_space<hbm>>) target(%arg8 : memref<512xi32, #tpu.memory_space<vmem>>) target_semaphore(%run_scoped3A : memref<!tpu.dma_semaphore, #tpu.memory_space<semaphore_mem>>)
      %dma_wait3A_113 = arith.constant 0 : i32
      %dma_wait3A_114 = tpu.memref_slice %arg3[%mul3A_34, %dma_wait3A_113] : memref<3200x512xi32, #tpu.memory_space<hbm>> -> memref<1x512xi32, #tpu.memory_space<hbm>>
      %dma_wait3A_115 = tpu.memref_squeeze %dma_wait3A_114 : memref<1x512xi32, #tpu.memory_space<hbm>> -> memref<512xi32, #tpu.memory_space<hbm>>
      %dma_wait3A_116 = arith.constant 0 : i32
      %dma_wait3A_117 = tpu.memref_slice %arg3[%mul3A_34, %dma_wait3A_116] : memref<3200x512xi32, #tpu.memory_space<hbm>> -> memref<1x512xi32, #tpu.memory_space<hbm>>
      %dma_wait3A_118 = tpu.memref_squeeze %dma_wait3A_117 : memref<1x512xi32, #tpu.memory_space<hbm>> -> memref<512xi32, #tpu.memory_space<hbm>>
      tpu.wait_dma2 semaphore(%run_scoped3A : memref<!tpu.dma_semaphore, #tpu.memory_space<semaphore_mem>>) src(%dma_wait3A_118 : memref<512xi32, #tpu.memory_space<hbm>>) dst(%arg8 : memref<512xi32, #tpu.memory_space<vmem>>)
      tpu.yield
    }) : () -> ()
    "tpu.region"() ({
      %run_scoped3A = tpu.sem_alloc : memref<!tpu.dma_semaphore, #tpu.memory_space<semaphore_mem>>
      %dma_start3A_107 = arith.constant 0 : i32
      %dma_start3A_108 = tpu.memref_slice %arg4[%mul3A_34, %dma_start3A_107] : memref<3200x512xi32, #tpu.memory_space<hbm>> -> memref<1x512xi32, #tpu.memory_space<hbm>>
      %dma_start3A_109 = tpu.memref_squeeze %dma_start3A_108 : memref<1x512xi32, #tpu.memory_space<hbm>> -> memref<512xi32, #tpu.memory_space<hbm>>
      %dma_start3A_110 = arith.constant 0 : i32
      %dma_start3A_111 = tpu.memref_slice %arg4[%mul3A_34, %dma_start3A_110] : memref<3200x512xi32, #tpu.memory_space<hbm>> -> memref<1x512xi32, #tpu.memory_space<hbm>>
      %dma_start3A_112 = tpu.memref_squeeze %dma_start3A_111 : memref<1x512xi32, #tpu.memory_space<hbm>> -> memref<512xi32, #tpu.memory_space<hbm>>
      tpu.enqueue_dma source(%dma_start3A_112 : memref<512xi32, #tpu.memory_space<hbm>>) target(%arg9 : memref<512xi32, #tpu.memory_space<vmem>>) target_semaphore(%run_scoped3A : memref<!tpu.dma_semaphore, #tpu.memory_space<semaphore_mem>>)
      %dma_wait3A_113 = arith.constant 0 : i32
      %dma_wait3A_114 = tpu.memref_slice %arg4[%mul3A_34, %dma_wait3A_113] : memref<3200x512xi32, #tpu.memory_space<hbm>> -> memref<1x512xi32, #tpu.memory_space<hbm>>
      %dma_wait3A_115 = tpu.memref_squeeze %dma_wait3A_114 : memref<1x512xi32, #tpu.memory_space<hbm>> -> memref<512xi32, #tpu.memory_space<hbm>>
      %dma_wait3A_116 = arith.constant 0 : i32
      %dma_wait3A_117 = tpu.memref_slice %arg4[%mul3A_34, %dma_wait3A_116] : memref<3200x512xi32, #tpu.memory_space<hbm>> -> memref<1x512xi32, #tpu.memory_space<hbm>>
      %dma_wait3A_118 = tpu.memref_squeeze %dma_wait3A_117 : memref<1x512xi32, #tpu.memory_space<hbm>> -> memref<512xi32, #tpu.memory_space<hbm>>
      tpu.wait_dma2 semaphore(%run_scoped3A : memref<!tpu.dma_semaphore, #tpu.memory_space<semaphore_mem>>) src(%dma_wait3A_118 : memref<512xi32, #tpu.memory_space<hbm>>) dst(%arg9 : memref<512xi32, #tpu.memory_space<vmem>>)
      tpu.yield
    }) : () -> ()
    %dma_start3A = arith.constant 0 : i32
    %dma_start3A_35 = arith.constant 0 : i32
    %dma_start3A_36 = tpu.memref_slice %arg2[%dma_start3A, %dma_start3A_35] : memref<100000x32xbf16, #tpu.memory_space<hbm>> -> memref<100000x32xbf16, #tpu.memory_space<hbm>>
    tpu.enqueue_indirect_dma source(%dma_start3A_36 : memref<100000x32xbf16, #tpu.memory_space<hbm>>) target(%arg10 : memref<512x32xbf16, #tpu.memory_space<vmem>>) offsets(%arg8 : memref<512xi32, #tpu.memory_space<vmem>>) semaphore(%arg14 : memref<!tpu.dma_semaphore, #tpu.memory_space<semaphore_mem>>)
    %add3A_37 = arith.constant 1 : i32
    %add3A_38 = arith.addi %mul3A_34, %add3A_37 : i32
    %dma_start3A_39 = arith.constant 0 : i32
    %dma_start3A_40 = tpu.memref_slice %arg3[%add3A_38, %dma_start3A_39] : memref<3200x512xi32, #tpu.memory_space<hbm>> -> memref<1x512xi32, #tpu.memory_space<hbm>>
    %dma_start3A_41 = tpu.memref_squeeze %dma_start3A_40 : memref<1x512xi32, #tpu.memory_space<hbm>> -> memref<512xi32, #tpu.memory_space<hbm>>
    %dma_start3A_42 = arith.constant 0 : i32
    %dma_start3A_43 = tpu.memref_slice %arg3[%add3A_38, %dma_start3A_42] : memref<3200x512xi32, #tpu.memory_space<hbm>> -> memref<1x512xi32, #tpu.memory_space<hbm>>
    %dma_start3A_44 = tpu.memref_squeeze %dma_start3A_43 : memref<1x512xi32, #tpu.memory_space<hbm>> -> memref<512xi32, #tpu.memory_space<hbm>>
    tpu.enqueue_dma source(%dma_start3A_44 : memref<512xi32, #tpu.memory_space<hbm>>) target(%arg11 : memref<512xi32, #tpu.memory_space<vmem>>) target_semaphore(%arg16 : memref<!tpu.dma_semaphore, #tpu.memory_space<semaphore_mem>>)
    %add3A_45 = arith.constant 1 : i32
    %add3A_46 = arith.addi %mul3A_34, %add3A_45 : i32
    %dma_start3A_47 = arith.constant 0 : i32
    %dma_start3A_48 = tpu.memref_slice %arg4[%add3A_46, %dma_start3A_47] : memref<3200x512xi32, #tpu.memory_space<hbm>> -> memref<1x512xi32, #tpu.memory_space<hbm>>
    %dma_start3A_49 = tpu.memref_squeeze %dma_start3A_48 : memref<1x512xi32, #tpu.memory_space<hbm>> -> memref<512xi32, #tpu.memory_space<hbm>>
    %dma_start3A_50 = arith.constant 0 : i32
    %dma_start3A_51 = tpu.memref_slice %arg4[%add3A_46, %dma_start3A_50] : memref<3200x512xi32, #tpu.memory_space<hbm>> -> memref<1x512xi32, #tpu.memory_space<hbm>>
    %dma_start3A_52 = tpu.memref_squeeze %dma_start3A_51 : memref<1x512xi32, #tpu.memory_space<hbm>> -> memref<512xi32, #tpu.memory_space<hbm>>
    tpu.enqueue_dma source(%dma_start3A_52 : memref<512xi32, #tpu.memory_space<hbm>>) target(%arg12 : memref<512xi32, #tpu.memory_space<vmem>>) target_semaphore(%arg16 : memref<!tpu.dma_semaphore, #tpu.memory_space<semaphore_mem>>)
    %dma_wait3A = arith.constant 0 : i32
    %dma_wait3A_53 = arith.constant 0 : i32
    %dma_wait3A_54 = tpu.memref_slice %arg2[%dma_wait3A, %dma_wait3A_53] : memref<100000x32xbf16, #tpu.memory_space<hbm>> -> memref<100000x32xbf16, #tpu.memory_space<hbm>>
    tpu.wait_indirect_dma semaphore(%arg14 : memref<!tpu.dma_semaphore, #tpu.memory_space<semaphore_mem>>) src(%dma_wait3A_54 : memref<100000x32xbf16, #tpu.memory_space<hbm>>) dst(%arg10 : memref<512x32xbf16, #tpu.memory_space<vmem>>)
    %add3A_55 = arith.constant 1 : i32
    %add3A_56 = arith.addi %mul3A_34, %add3A_55 : i32
    %dma_wait3A_57 = arith.constant 0 : i32
    %dma_wait3A_58 = tpu.memref_slice %arg3[%add3A_56, %dma_wait3A_57] : memref<3200x512xi32, #tpu.memory_space<hbm>> -> memref<1x512xi32, #tpu.memory_space<hbm>>
    %dma_wait3A_59 = tpu.memref_squeeze %dma_wait3A_58 : memref<1x512xi32, #tpu.memory_space<hbm>> -> memref<512xi32, #tpu.memory_space<hbm>>
    %dma_wait3A_60 = arith.constant 0 : i32
    %dma_wait3A_61 = tpu.memref_slice %arg3[%add3A_56, %dma_wait3A_60] : memref<3200x512xi32, #tpu.memory_space<hbm>> -> memref<1x512xi32, #tpu.memory_space<hbm>>
    %dma_wait3A_62 = tpu.memref_squeeze %dma_wait3A_61 : memref<1x512xi32, #tpu.memory_space<hbm>> -> memref<512xi32, #tpu.memory_space<hbm>>
    tpu.wait_dma2 semaphore(%arg16 : memref<!tpu.dma_semaphore, #tpu.memory_space<semaphore_mem>>) src(%dma_wait3A_62 : memref<512xi32, #tpu.memory_space<hbm>>) dst(%arg11 : memref<512xi32, #tpu.memory_space<vmem>>)
    %add3A_63 = arith.constant 1 : i32
    %add3A_64 = arith.addi %mul3A_34, %add3A_63 : i32
    %dma_wait3A_65 = arith.constant 0 : i32
    %dma_wait3A_66 = tpu.memref_slice %arg4[%add3A_64, %dma_wait3A_65] : memref<3200x512xi32, #tpu.memory_space<hbm>> -> memref<1x512xi32, #tpu.memory_space<hbm>>
    %dma_wait3A_67 = tpu.memref_squeeze %dma_wait3A_66 : memref<1x512xi32, #tpu.memory_space<hbm>> -> memref<512xi32, #tpu.memory_space<hbm>>
    %dma_wait3A_68 = arith.constant 0 : i32
    %dma_wait3A_69 = tpu.memref_slice %arg4[%add3A_64, %dma_wait3A_68] : memref<3200x512xi32, #tpu.memory_space<hbm>> -> memref<1x512xi32, #tpu.memory_space<hbm>>
    %dma_wait3A_70 = tpu.memref_squeeze %dma_wait3A_69 : memref<1x512xi32, #tpu.memory_space<hbm>> -> memref<512xi32, #tpu.memory_space<hbm>>
    tpu.wait_dma2 semaphore(%arg16 : memref<!tpu.dma_semaphore, #tpu.memory_space<semaphore_mem>>) src(%dma_wait3A_70 : memref<512xi32, #tpu.memory_space<hbm>>) dst(%arg12 : memref<512xi32, #tpu.memory_space<vmem>>)
    %dma_start3A_71 = arith.constant 0 : i32
    %dma_start3A_72 = arith.constant 0 : i32
    %dma_start3A_73 = tpu.memref_slice %arg2[%dma_start3A_71, %dma_start3A_72] : memref<100000x32xbf16, #tpu.memory_space<hbm>> -> memref<100000x32xbf16, #tpu.memory_space<hbm>>
    tpu.enqueue_indirect_dma source(%dma_start3A_73 : memref<100000x32xbf16, #tpu.memory_space<hbm>>) target(%arg13 : memref<512x32xbf16, #tpu.memory_space<vmem>>) offsets(%arg11 : memref<512xi32, #tpu.memory_space<vmem>>) semaphore(%arg14 : memref<!tpu.dma_semaphore, #tpu.memory_space<semaphore_mem>>)
    %dma_start3A_74 = arith.constant 0 : i32
    %dma_start3A_75 = arith.constant 0 : i32
    %dma_start3A_76 = tpu.memref_slice %arg7[%dma_start3A_74, %dma_start3A_75] : memref<100048x32xbf16, #tpu.memory_space<vmem_shared>> -> memref<100048x32xbf16, #tpu.memory_space<vmem_shared>>
    tpu.enqueue_indirect_dma source(%arg10 : memref<512x32xbf16, #tpu.memory_space<vmem>>) target(%dma_start3A_76 : memref<100048x32xbf16, #tpu.memory_space<vmem_shared>>) offsets(%arg9 : memref<512xi32, #tpu.memory_space<vmem>>) semaphore(%arg15 : memref<!tpu.dma_semaphore, #tpu.memory_space<semaphore_mem>>) {add = true}
    %scan3A = arith.constant 0 : i32
    %scan3A_77 = arith.constant 0 : i32
    %scan3A_78 = arith.constant 49 : i32
    %scan3A_79 = arith.addi %scan3A_77, %scan3A_78 : i32
    %scan3A_80 = arith.constant 1 : i32
    scf.for %scan3A_107 = %scan3A_77 to %scan3A_79 step %scan3A_80  : i32 {
      %mul3A_108 = arith.constant 2 : i32
      %mul3A_109 = arith.muli %mul3A_108, %scan3A_107 : i32
      %add3A_110 = arith.constant 1 : i32
      %add3A_111 = arith.addi %add3A_110, %mul3A_109 : i32
      %add3A_112 = arith.constant 0 : i32
      %add3A_113 = arith.addi %add3A_111, %add3A_112 : i32
      %dma_wait3A_114 = arith.constant 0 : i32
      %dma_wait3A_115 = arith.constant 0 : i32
      %dma_wait3A_116 = tpu.memref_slice %arg7[%dma_wait3A_114, %dma_wait3A_115] : memref<100048x32xbf16, #tpu.memory_space<vmem_shared>> -> memref<100048x32xbf16, #tpu.memory_space<vmem_shared>>
      tpu.wait_indirect_dma semaphore(%arg15 : memref<!tpu.dma_semaphore, #tpu.memory_space<semaphore_mem>>) src(%arg10 : memref<512x32xbf16, #tpu.memory_space<vmem>>) dst(%dma_wait3A_116 : memref<100048x32xbf16, #tpu.memory_space<vmem_shared>>)
      %add3A_117 = arith.constant 1 : i32
      %add3A_118 = arith.addi %add3A_113, %add3A_117 : i32
      %add3A_119 = arith.addi %mul3A_34, %add3A_118 : i32
      %dma_start3A_120 = arith.constant 0 : i32
      %dma_start3A_121 = tpu.memref_slice %arg3[%add3A_119, %dma_start3A_120] : memref<3200x512xi32, #tpu.memory_space<hbm>> -> memref<1x512xi32, #tpu.memory_space<hbm>>
      %dma_start3A_122 = tpu.memref_squeeze %dma_start3A_121 : memref<1x512xi32, #tpu.memory_space<hbm>> -> memref<512xi32, #tpu.memory_space<hbm>>
      %dma_start3A_123 = arith.constant 0 : i32
      %dma_start3A_124 = tpu.memref_slice %arg3[%add3A_119, %dma_start3A_123] : memref<3200x512xi32, #tpu.memory_space<hbm>> -> memref<1x512xi32, #tpu.memory_space<hbm>>
      %dma_start3A_125 = tpu.memref_squeeze %dma_start3A_124 : memref<1x512xi32, #tpu.memory_space<hbm>> -> memref<512xi32, #tpu.memory_space<hbm>>
      tpu.enqueue_dma source(%dma_start3A_125 : memref<512xi32, #tpu.memory_space<hbm>>) target(%arg8 : memref<512xi32, #tpu.memory_space<vmem>>) target_semaphore(%arg16 : memref<!tpu.dma_semaphore, #tpu.memory_space<semaphore_mem>>)
      %add3A_126 = arith.addi %mul3A_34, %add3A_118 : i32
      %dma_start3A_127 = arith.constant 0 : i32
      %dma_start3A_128 = tpu.memref_slice %arg4[%add3A_126, %dma_start3A_127] : memref<3200x512xi32, #tpu.memory_space<hbm>> -> memref<1x512xi32, #tpu.memory_space<hbm>>
      %dma_start3A_129 = tpu.memref_squeeze %dma_start3A_128 : memref<1x512xi32, #tpu.memory_space<hbm>> -> memref<512xi32, #tpu.memory_space<hbm>>
      %dma_start3A_130 = arith.constant 0 : i32
      %dma_start3A_131 = tpu.memref_slice %arg4[%add3A_126, %dma_start3A_130] : memref<3200x512xi32, #tpu.memory_space<hbm>> -> memref<1x512xi32, #tpu.memory_space<hbm>>
      %dma_start3A_132 = tpu.memref_squeeze %dma_start3A_131 : memref<1x512xi32, #tpu.memory_space<hbm>> -> memref<512xi32, #tpu.memory_space<hbm>>
      tpu.enqueue_dma source(%dma_start3A_132 : memref<512xi32, #tpu.memory_space<hbm>>) target(%arg9 : memref<512xi32, #tpu.memory_space<vmem>>) target_semaphore(%arg16 : memref<!tpu.dma_semaphore, #tpu.memory_space<semaphore_mem>>)
      %dma_wait3A_133 = arith.constant 0 : i32
      %dma_wait3A_134 = arith.constant 0 : i32
      %dma_wait3A_135 = tpu.memref_slice %arg2[%dma_wait3A_133, %dma_wait3A_134] : memref<100000x32xbf16, #tpu.memory_space<hbm>> -> memref<100000x32xbf16, #tpu.memory_space<hbm>>
      tpu.wait_indirect_dma semaphore(%arg14 : memref<!tpu.dma_semaphore, #tpu.memory_space<semaphore_mem>>) src(%dma_wait3A_135 : memref<100000x32xbf16, #tpu.memory_space<hbm>>) dst(%arg13 : memref<512x32xbf16, #tpu.memory_space<vmem>>)
      %add3A_136 = arith.constant 1 : i32
      %add3A_137 = arith.addi %add3A_113, %add3A_136 : i32
      %add3A_138 = arith.addi %mul3A_34, %add3A_137 : i32
      %dma_wait3A_139 = arith.constant 0 : i32
      %dma_wait3A_140 = tpu.memref_slice %arg3[%add3A_138, %dma_wait3A_139] : memref<3200x512xi32, #tpu.memory_space<hbm>> -> memref<1x512xi32, #tpu.memory_space<hbm>>
      %dma_wait3A_141 = tpu.memref_squeeze %dma_wait3A_140 : memref<1x512xi32, #tpu.memory_space<hbm>> -> memref<512xi32, #tpu.memory_space<hbm>>
      %dma_wait3A_142 = arith.constant 0 : i32
      %dma_wait3A_143 = tpu.memref_slice %arg3[%add3A_138, %dma_wait3A_142] : memref<3200x512xi32, #tpu.memory_space<hbm>> -> memref<1x512xi32, #tpu.memory_space<hbm>>
      %dma_wait3A_144 = tpu.memref_squeeze %dma_wait3A_143 : memref<1x512xi32, #tpu.memory_space<hbm>> -> memref<512xi32, #tpu.memory_space<hbm>>
      tpu.wait_dma2 semaphore(%arg16 : memref<!tpu.dma_semaphore, #tpu.memory_space<semaphore_mem>>) src(%dma_wait3A_144 : memref<512xi32, #tpu.memory_space<hbm>>) dst(%arg8 : memref<512xi32, #tpu.memory_space<vmem>>)
      %add3A_145 = arith.addi %mul3A_34, %add3A_137 : i32
      %dma_wait3A_146 = arith.constant 0 : i32
      %dma_wait3A_147 = tpu.memref_slice %arg4[%add3A_145, %dma_wait3A_146] : memref<3200x512xi32, #tpu.memory_space<hbm>> -> memref<1x512xi32, #tpu.memory_space<hbm>>
      %dma_wait3A_148 = tpu.memref_squeeze %dma_wait3A_147 : memref<1x512xi32, #tpu.memory_space<hbm>> -> memref<512xi32, #tpu.memory_space<hbm>>
      %dma_wait3A_149 = arith.constant 0 : i32
      %dma_wait3A_150 = tpu.memref_slice %arg4[%add3A_145, %dma_wait3A_149] : memref<3200x512xi32, #tpu.memory_space<hbm>> -> memref<1x512xi32, #tpu.memory_space<hbm>>
      %dma_wait3A_151 = tpu.memref_squeeze %dma_wait3A_150 : memref<1x512xi32, #tpu.memory_space<hbm>> -> memref<512xi32, #tpu.memory_space<hbm>>
      tpu.wait_dma2 semaphore(%arg16 : memref<!tpu.dma_semaphore, #tpu.memory_space<semaphore_mem>>) src(%dma_wait3A_151 : memref<512xi32, #tpu.memory_space<hbm>>) dst(%arg9 : memref<512xi32, #tpu.memory_space<vmem>>)
      %dma_start3A_152 = arith.constant 0 : i32
      %dma_start3A_153 = arith.constant 0 : i32
      %dma_start3A_154 = tpu.memref_slice %arg2[%dma_start3A_152, %dma_start3A_153] : memref<100000x32xbf16, #tpu.memory_space<hbm>> -> memref<100000x32xbf16, #tpu.memory_space<hbm>>
      tpu.enqueue_indirect_dma source(%dma_start3A_154 : memref<100000x32xbf16, #tpu.memory_space<hbm>>) target(%arg10 : memref<512x32xbf16, #tpu.memory_space<vmem>>) offsets(%arg8 : memref<512xi32, #tpu.memory_space<vmem>>) semaphore(%arg14 : memref<!tpu.dma_semaphore, #tpu.memory_space<semaphore_mem>>)
      %dma_start3A_155 = arith.constant 0 : i32
      %dma_start3A_156 = arith.constant 0 : i32
      %dma_start3A_157 = tpu.memref_slice %arg7[%dma_start3A_155, %dma_start3A_156] : memref<100048x32xbf16, #tpu.memory_space<vmem_shared>> -> memref<100048x32xbf16, #tpu.memory_space<vmem_shared>>
      tpu.enqueue_indirect_dma source(%arg13 : memref<512x32xbf16, #tpu.memory_space<vmem>>) target(%dma_start3A_157 : memref<100048x32xbf16, #tpu.memory_space<vmem_shared>>) offsets(%arg12 : memref<512xi32, #tpu.memory_space<vmem>>) semaphore(%arg15 : memref<!tpu.dma_semaphore, #tpu.memory_space<semaphore_mem>>) {add = true}
      %add3A_158 = arith.constant 1 : i32
      %add3A_159 = arith.addi %add3A_111, %add3A_158 : i32
      %dma_wait3A_160 = arith.constant 0 : i32
      %dma_wait3A_161 = arith.constant 0 : i32
      %dma_wait3A_162 = tpu.memref_slice %arg7[%dma_wait3A_160, %dma_wait3A_161] : memref<100048x32xbf16, #tpu.memory_space<vmem_shared>> -> memref<100048x32xbf16, #tpu.memory_space<vmem_shared>>
      tpu.wait_indirect_dma semaphore(%arg15 : memref<!tpu.dma_semaphore, #tpu.memory_space<semaphore_mem>>) src(%arg13 : memref<512x32xbf16, #tpu.memory_space<vmem>>) dst(%dma_wait3A_162 : memref<100048x32xbf16, #tpu.memory_space<vmem_shared>>)
      %add3A_163 = arith.constant 1 : i32
      %add3A_164 = arith.addi %add3A_159, %add3A_163 : i32
      %add3A_165 = arith.addi %mul3A_34, %add3A_164 : i32
      %dma_start3A_166 = arith.constant 0 : i32
      %dma_start3A_167 = tpu.memref_slice %arg3[%add3A_165, %dma_start3A_166] : memref<3200x512xi32, #tpu.memory_space<hbm>> -> memref<1x512xi32, #tpu.memory_space<hbm>>
      %dma_start3A_168 = tpu.memref_squeeze %dma_start3A_167 : memref<1x512xi32, #tpu.memory_space<hbm>> -> memref<512xi32, #tpu.memory_space<hbm>>
      %dma_start3A_169 = arith.constant 0 : i32
      %dma_start3A_170 = tpu.memref_slice %arg3[%add3A_165, %dma_start3A_169] : memref<3200x512xi32, #tpu.memory_space<hbm>> -> memref<1x512xi32, #tpu.memory_space<hbm>>
      %dma_start3A_171 = tpu.memref_squeeze %dma_start3A_170 : memref<1x512xi32, #tpu.memory_space<hbm>> -> memref<512xi32, #tpu.memory_space<hbm>>
      tpu.enqueue_dma source(%dma_start3A_171 : memref<512xi32, #tpu.memory_space<hbm>>) target(%arg11 : memref<512xi32, #tpu.memory_space<vmem>>) target_semaphore(%arg16 : memref<!tpu.dma_semaphore, #tpu.memory_space<semaphore_mem>>)
      %add3A_172 = arith.addi %mul3A_34, %add3A_164 : i32
      %dma_start3A_173 = arith.constant 0 : i32
      %dma_start3A_174 = tpu.memref_slice %arg4[%add3A_172, %dma_start3A_173] : memref<3200x512xi32, #tpu.memory_space<hbm>> -> memref<1x512xi32, #tpu.memory_space<hbm>>
      %dma_start3A_175 = tpu.memref_squeeze %dma_start3A_174 : memref<1x512xi32, #tpu.memory_space<hbm>> -> memref<512xi32, #tpu.memory_space<hbm>>
      %dma_start3A_176 = arith.constant 0 : i32
      %dma_start3A_177 = tpu.memref_slice %arg4[%add3A_172, %dma_start3A_176] : memref<3200x512xi32, #tpu.memory_space<hbm>> -> memref<1x512xi32, #tpu.memory_space<hbm>>
      %dma_start3A_178 = tpu.memref_squeeze %dma_start3A_177 : memref<1x512xi32, #tpu.memory_space<hbm>> -> memref<512xi32, #tpu.memory_space<hbm>>
      tpu.enqueue_dma source(%dma_start3A_178 : memref<512xi32, #tpu.memory_space<hbm>>) target(%arg12 : memref<512xi32, #tpu.memory_space<vmem>>) target_semaphore(%arg16 : memref<!tpu.dma_semaphore, #tpu.memory_space<semaphore_mem>>)
      %dma_wait3A_179 = arith.constant 0 : i32
      %dma_wait3A_180 = arith.constant 0 : i32
      %dma_wait3A_181 = tpu.memref_slice %arg2[%dma_wait3A_179, %dma_wait3A_180] : memref<100000x32xbf16, #tpu.memory_space<hbm>> -> memref<100000x32xbf16, #tpu.memory_space<hbm>>
      tpu.wait_indirect_dma semaphore(%arg14 : memref<!tpu.dma_semaphore, #tpu.memory_space<semaphore_mem>>) src(%dma_wait3A_181 : memref<100000x32xbf16, #tpu.memory_space<hbm>>) dst(%arg10 : memref<512x32xbf16, #tpu.memory_space<vmem>>)
      %add3A_182 = arith.constant 1 : i32
      %add3A_183 = arith.addi %add3A_159, %add3A_182 : i32
      %add3A_184 = arith.addi %mul3A_34, %add3A_183 : i32
      %dma_wait3A_185 = arith.constant 0 : i32
      %dma_wait3A_186 = tpu.memref_slice %arg3[%add3A_184, %dma_wait3A_185] : memref<3200x512xi32, #tpu.memory_space<hbm>> -> memref<1x512xi32, #tpu.memory_space<hbm>>
      %dma_wait3A_187 = tpu.memref_squeeze %dma_wait3A_186 : memref<1x512xi32, #tpu.memory_space<hbm>> -> memref<512xi32, #tpu.memory_space<hbm>>
      %dma_wait3A_188 = arith.constant 0 : i32
      %dma_wait3A_189 = tpu.memref_slice %arg3[%add3A_184, %dma_wait3A_188] : memref<3200x512xi32, #tpu.memory_space<hbm>> -> memref<1x512xi32, #tpu.memory_space<hbm>>
      %dma_wait3A_190 = tpu.memref_squeeze %dma_wait3A_189 : memref<1x512xi32, #tpu.memory_space<hbm>> -> memref<512xi32, #tpu.memory_space<hbm>>
      tpu.wait_dma2 semaphore(%arg16 : memref<!tpu.dma_semaphore, #tpu.memory_space<semaphore_mem>>) src(%dma_wait3A_190 : memref<512xi32, #tpu.memory_space<hbm>>) dst(%arg11 : memref<512xi32, #tpu.memory_space<vmem>>)
      %add3A_191 = arith.addi %mul3A_34, %add3A_183 : i32
      %dma_wait3A_192 = arith.constant 0 : i32
      %dma_wait3A_193 = tpu.memref_slice %arg4[%add3A_191, %dma_wait3A_192] : memref<3200x512xi32, #tpu.memory_space<hbm>> -> memref<1x512xi32, #tpu.memory_space<hbm>>
      %dma_wait3A_194 = tpu.memref_squeeze %dma_wait3A_193 : memref<1x512xi32, #tpu.memory_space<hbm>> -> memref<512xi32, #tpu.memory_space<hbm>>
      %dma_wait3A_195 = arith.constant 0 : i32
      %dma_wait3A_196 = tpu.memref_slice %arg4[%add3A_191, %dma_wait3A_195] : memref<3200x512xi32, #tpu.memory_space<hbm>> -> memref<1x512xi32, #tpu.memory_space<hbm>>
      %dma_wait3A_197 = tpu.memref_squeeze %dma_wait3A_196 : memref<1x512xi32, #tpu.memory_space<hbm>> -> memref<512xi32, #tpu.memory_space<hbm>>
      tpu.wait_dma2 semaphore(%arg16 : memref<!tpu.dma_semaphore, #tpu.memory_space<semaphore_mem>>) src(%dma_wait3A_197 : memref<512xi32, #tpu.memory_space<hbm>>) dst(%arg12 : memref<512xi32, #tpu.memory_space<vmem>>)
      %dma_start3A_198 = arith.constant 0 : i32
      %dma_start3A_199 = arith.constant 0 : i32
      %dma_start3A_200 = tpu.memref_slice %arg2[%dma_start3A_198, %dma_start3A_199] : memref<100000x32xbf16, #tpu.memory_space<hbm>> -> memref<100000x32xbf16, #tpu.memory_space<hbm>>
      tpu.enqueue_indirect_dma source(%dma_start3A_200 : memref<100000x32xbf16, #tpu.memory_space<hbm>>) target(%arg13 : memref<512x32xbf16, #tpu.memory_space<vmem>>) offsets(%arg11 : memref<512xi32, #tpu.memory_space<vmem>>) semaphore(%arg14 : memref<!tpu.dma_semaphore, #tpu.memory_space<semaphore_mem>>)
      %dma_start3A_201 = arith.constant 0 : i32
      %dma_start3A_202 = arith.constant 0 : i32
      %dma_start3A_203 = tpu.memref_slice %arg7[%dma_start3A_201, %dma_start3A_202] : memref<100048x32xbf16, #tpu.memory_space<vmem_shared>> -> memref<100048x32xbf16, #tpu.memory_space<vmem_shared>>
      tpu.enqueue_indirect_dma source(%arg10 : memref<512x32xbf16, #tpu.memory_space<vmem>>) target(%dma_start3A_203 : memref<100048x32xbf16, #tpu.memory_space<vmem_shared>>) offsets(%arg9 : memref<512xi32, #tpu.memory_space<vmem>>) semaphore(%arg15 : memref<!tpu.dma_semaphore, #tpu.memory_space<semaphore_mem>>) {add = true}
    }
    %scan3A_81 = arith.constant 49 : i32
    %dma_wait3A_82 = arith.constant 0 : i32
    %dma_wait3A_83 = arith.constant 0 : i32
    %dma_wait3A_84 = tpu.memref_slice %arg7[%dma_wait3A_82, %dma_wait3A_83] : memref<100048x32xbf16, #tpu.memory_space<vmem_shared>> -> memref<100048x32xbf16, #tpu.memory_space<vmem_shared>>
    tpu.wait_indirect_dma semaphore(%arg15 : memref<!tpu.dma_semaphore, #tpu.memory_space<semaphore_mem>>) src(%arg10 : memref<512x32xbf16, #tpu.memory_space<vmem>>) dst(%dma_wait3A_84 : memref<100048x32xbf16, #tpu.memory_space<vmem_shared>>)
    %dma_wait3A_85 = arith.constant 0 : i32
    %dma_wait3A_86 = arith.constant 0 : i32
    %dma_wait3A_87 = tpu.memref_slice %arg2[%dma_wait3A_85, %dma_wait3A_86] : memref<100000x32xbf16, #tpu.memory_space<hbm>> -> memref<100000x32xbf16, #tpu.memory_space<hbm>>
    tpu.wait_indirect_dma semaphore(%arg14 : memref<!tpu.dma_semaphore, #tpu.memory_space<semaphore_mem>>) src(%dma_wait3A_87 : memref<100000x32xbf16, #tpu.memory_space<hbm>>) dst(%arg13 : memref<512x32xbf16, #tpu.memory_space<vmem>>)
    %dma_start3A_88 = arith.constant 0 : i32
    %dma_start3A_89 = arith.constant 0 : i32
    %dma_start3A_90 = tpu.memref_slice %arg7[%dma_start3A_88, %dma_start3A_89] : memref<100048x32xbf16, #tpu.memory_space<vmem_shared>> -> memref<100048x32xbf16, #tpu.memory_space<vmem_shared>>
    tpu.enqueue_indirect_dma source(%arg13 : memref<512x32xbf16, #tpu.memory_space<vmem>>) target(%dma_start3A_90 : memref<100048x32xbf16, #tpu.memory_space<vmem_shared>>) offsets(%arg12 : memref<512xi32, #tpu.memory_space<vmem>>) semaphore(%arg15 : memref<!tpu.dma_semaphore, #tpu.memory_space<semaphore_mem>>) {add = true}
    %dma_wait3A_91 = arith.constant 0 : i32
    %dma_wait3A_92 = arith.constant 0 : i32
    %dma_wait3A_93 = tpu.memref_slice %arg7[%dma_wait3A_91, %dma_wait3A_92] : memref<100048x32xbf16, #tpu.memory_space<vmem_shared>> -> memref<100048x32xbf16, #tpu.memory_space<vmem_shared>>
    tpu.wait_indirect_dma semaphore(%arg15 : memref<!tpu.dma_semaphore, #tpu.memory_space<semaphore_mem>>) src(%arg13 : memref<512x32xbf16, #tpu.memory_space<vmem>>) dst(%dma_wait3A_93 : memref<100048x32xbf16, #tpu.memory_space<vmem_shared>>)
    %barrier3A_94 = arith.constant 0 : index
    tpu.barrier barrier_id(%barrier3A_94)
    %mul3A_95 = arith.constant 6256 : i32
    %mul3A_96 = arith.muli %arg1, %mul3A_95 : i32
    %lt3A_97 = arith.constant 15 : i32
    %lt3A_98 = arith.cmpi slt, %arg1, %lt3A_97 : i32
    %convert_element_type3A_99 = arith.extui %lt3A_98 : i1 to i32
    %cond3A_100 = arith.constant 0 : i32
    %cond3A_101 = arith.cmpi ne, %convert_element_type3A_99, %cond3A_100 : i32
    scf.if %cond3A_101 {
      "tpu.region"() ({
        %run_scoped3A = tpu.sem_alloc : memref<!tpu.dma_semaphore, #tpu.memory_space<semaphore_mem>>
        %dma_start3A_107 = arith.constant 0 : i32
        %dma_start3A_108 = arith.constant 0 : i32
        %dma_start3A_109 = tpu.memref_slice %arg6[%arg0, %dma_start3A_107, %dma_start3A_108] : memref<2x100000x32xbf16, #tpu.memory_space<hbm>> -> memref<1x100000x32xbf16, #tpu.memory_space<hbm>>
        %dma_start3A_110 = tpu.memref_squeeze %dma_start3A_109 : memref<1x100000x32xbf16, #tpu.memory_space<hbm>> -> memref<100000x32xbf16, #tpu.memory_space<hbm>>
        %dma_start3A_111 = arith.constant 0 : i32
        %dma_start3A_112 = tpu.memref_slice %dma_start3A_110[%mul3A_96, %dma_start3A_111] : memref<100000x32xbf16, #tpu.memory_space<hbm>> -> memref<6256x32xbf16, #tpu.memory_space<hbm>>
        %dma_start3A_113 = arith.constant 0 : i32
        %dma_start3A_114 = tpu.memref_slice %arg7[%mul3A_96, %dma_start3A_113] : memref<100048x32xbf16, #tpu.memory_space<vmem_shared>> -> memref<6256x32xbf16, #tpu.memory_space<vmem_shared>>
        tpu.enqueue_dma source(%dma_start3A_114 : memref<6256x32xbf16, #tpu.memory_space<vmem_shared>>) target(%dma_start3A_112 : memref<6256x32xbf16, #tpu.memory_space<hbm>>) target_semaphore(%run_scoped3A : memref<!tpu.dma_semaphore, #tpu.memory_space<semaphore_mem>>)
        %dma_wait3A_115 = arith.constant 0 : i32
        %dma_wait3A_116 = arith.constant 0 : i32
        %dma_wait3A_117 = tpu.memref_slice %arg6[%arg0, %dma_wait3A_115, %dma_wait3A_116] : memref<2x100000x32xbf16, #tpu.memory_space<hbm>> -> memref<1x100000x32xbf16, #tpu.memory_space<hbm>>
        %dma_wait3A_118 = tpu.memref_squeeze %dma_wait3A_117 : memref<1x100000x32xbf16, #tpu.memory_space<hbm>> -> memref<100000x32xbf16, #tpu.memory_space<hbm>>
        %dma_wait3A_119 = arith.constant 0 : i32
        %dma_wait3A_120 = tpu.memref_slice %dma_wait3A_118[%mul3A_96, %dma_wait3A_119] : memref<100000x32xbf16, #tpu.memory_space<hbm>> -> memref<6256x32xbf16, #tpu.memory_space<hbm>>
        %dma_wait3A_121 = arith.constant 0 : i32
        %dma_wait3A_122 = tpu.memref_slice %arg7[%mul3A_96, %dma_wait3A_121] : memref<100048x32xbf16, #tpu.memory_space<vmem_shared>> -> memref<6256x32xbf16, #tpu.memory_space<vmem_shared>>
        tpu.wait_dma2 semaphore(%run_scoped3A : memref<!tpu.dma_semaphore, #tpu.memory_space<semaphore_mem>>) src(%dma_wait3A_122 : memref<6256x32xbf16, #tpu.memory_space<vmem_shared>>) dst(%dma_wait3A_120 : memref<6256x32xbf16, #tpu.memory_space<hbm>>)
        tpu.yield
      }) : () -> ()
    } else {
    }
    %eq3A_102 = arith.constant 15 : i32
    %eq3A_103 = arith.cmpi eq, %arg1, %eq3A_102 : i32
    %convert_element_type3A_104 = arith.extui %eq3A_103 : i1 to i32
    %cond3A_105 = arith.constant 0 : i32
    %cond3A_106 = arith.cmpi ne, %convert_element_type3A_104, %cond3A_105 : i32
    scf.if %cond3A_106 {
      "tpu.region"() ({
        %run_scoped3A = tpu.sem_alloc : memref<!tpu.dma_semaphore, #tpu.memory_space<semaphore_mem>>
        %dma_start3A_107 = arith.constant 0 : i32
        %dma_start3A_108 = arith.constant 0 : i32
        %dma_start3A_109 = tpu.memref_slice %arg6[%arg0, %dma_start3A_107, %dma_start3A_108] : memref<2x100000x32xbf16, #tpu.memory_space<hbm>> -> memref<1x100000x32xbf16, #tpu.memory_space<hbm>>
        %dma_start3A_110 = tpu.memref_squeeze %dma_start3A_109 : memref<1x100000x32xbf16, #tpu.memory_space<hbm>> -> memref<100000x32xbf16, #tpu.memory_space<hbm>>
        %dma_start3A_111 = arith.constant 0 : i32
        %dma_start3A_112 = tpu.memref_slice %dma_start3A_110[%mul3A_96, %dma_start3A_111] : memref<100000x32xbf16, #tpu.memory_space<hbm>> -> memref<6160x32xbf16, #tpu.memory_space<hbm>>
        %dma_start3A_113 = arith.constant 0 : i32
        %dma_start3A_114 = tpu.memref_slice %arg7[%mul3A_96, %dma_start3A_113] : memref<100048x32xbf16, #tpu.memory_space<vmem_shared>> -> memref<6160x32xbf16, #tpu.memory_space<vmem_shared>>
        tpu.enqueue_dma source(%dma_start3A_114 : memref<6160x32xbf16, #tpu.memory_space<vmem_shared>>) target(%dma_start3A_112 : memref<6160x32xbf16, #tpu.memory_space<hbm>>) target_semaphore(%run_scoped3A : memref<!tpu.dma_semaphore, #tpu.memory_space<semaphore_mem>>)
        %dma_wait3A_115 = arith.constant 0 : i32
        %dma_wait3A_116 = arith.constant 0 : i32
        %dma_wait3A_117 = tpu.memref_slice %arg6[%arg0, %dma_wait3A_115, %dma_wait3A_116] : memref<2x100000x32xbf16, #tpu.memory_space<hbm>> -> memref<1x100000x32xbf16, #tpu.memory_space<hbm>>
        %dma_wait3A_118 = tpu.memref_squeeze %dma_wait3A_117 : memref<1x100000x32xbf16, #tpu.memory_space<hbm>> -> memref<100000x32xbf16, #tpu.memory_space<hbm>>
        %dma_wait3A_119 = arith.constant 0 : i32
        %dma_wait3A_120 = tpu.memref_slice %dma_wait3A_118[%mul3A_96, %dma_wait3A_119] : memref<100000x32xbf16, #tpu.memory_space<hbm>> -> memref<6160x32xbf16, #tpu.memory_space<hbm>>
        %dma_wait3A_121 = arith.constant 0 : i32
        %dma_wait3A_122 = tpu.memref_slice %arg7[%mul3A_96, %dma_wait3A_121] : memref<100048x32xbf16, #tpu.memory_space<vmem_shared>> -> memref<6160x32xbf16, #tpu.memory_space<vmem_shared>>
        tpu.wait_dma2 semaphore(%run_scoped3A : memref<!tpu.dma_semaphore, #tpu.memory_space<semaphore_mem>>) src(%dma_wait3A_122 : memref<6160x32xbf16, #tpu.memory_space<vmem_shared>>) dst(%dma_wait3A_120 : memref<6160x32xbf16, #tpu.memory_space<hbm>>)
        tpu.yield
      }) : () -> ()
    } else {
    }
    return
  }
}

#map = affine_map<(d0, d1) -> (0, 0)>
#map1 = affine_map<(d0, d1) -> (0, 0, 0)>
module attributes {stable_mosaic.version = 14 : i64} {
  func.func @_shift_body(%arg0: i32, %arg1: i32, %arg2: memref<100000x32xbf16, #tpu.memory_space<hbm>>, %arg3: memref<3200x512xi32, #tpu.memory_space<hbm>>, %arg4: memref<3200x512xi32, #tpu.memory_space<hbm>>, %arg5: memref<512x32xbf16, #tpu.memory_space<hbm>>, %arg6: memref<2x100000x32xbf16, #tpu.memory_space<hbm>>, %arg7: memref<100048x32xbf16, #tpu.memory_space<vmem_shared>>, %arg8: memref<512xi32, #tpu.memory_space<vmem>>, %arg9: memref<512xi32, #tpu.memory_space<vmem>>, %arg10: memref<512x32xbf16, #tpu.memory_space<vmem>>, %arg11: memref<512xi32, #tpu.memory_space<vmem>>, %arg12: memref<512xi32, #tpu.memory_space<vmem>>, %arg13: memref<512x32xbf16, #tpu.memory_space<vmem>>, %arg14: memref<!tpu.dma_semaphore, #tpu.memory_space<semaphore_mem>>, %arg15: memref<!tpu.dma_semaphore, #tpu.memory_space<semaphore_mem>>, %arg16: memref<!tpu.dma_semaphore, #tpu.memory_space<semaphore_mem>>) attributes {dimension_semantics = [#tpu.dimension_semantics<core_parallel>, #tpu.dimension_semantics<subcore_parallel>], iteration_bounds = array<i64: 2, 16>, scalar_prefetch = 0 : i64, scratch_operands = 10 : i64, tpu.core_type = #tpu.core_type<sc_vector_subcore>, window_params = [{transform_indices = #map}, {transform_indices = #map}, {transform_indices = #map}, {transform_indices = #map}, {transform_indices = #map1}]} {
    "tpu.region"() ({
      %run_scoped3A = tpu.sem_alloc : memref<!tpu.dma_semaphore, #tpu.memory_space<semaphore_mem>>
      tpu.enqueue_dma source(%arg5 : memref<512x32xbf16, #tpu.memory_space<hbm>>) target(%arg10 : memref<512x32xbf16, #tpu.memory_space<vmem>>) target_semaphore(%run_scoped3A : memref<!tpu.dma_semaphore, #tpu.memory_space<semaphore_mem>>)
      tpu.wait_dma2 semaphore(%run_scoped3A : memref<!tpu.dma_semaphore, #tpu.memory_space<semaphore_mem>>) src(%arg5 : memref<512x32xbf16, #tpu.memory_space<hbm>>) dst(%arg10 : memref<512x32xbf16, #tpu.memory_space<vmem>>)
      tpu.yield
    }) : () -> ()
    %mul3A = arith.constant 6256 : i32
    %mul3A_0 = arith.muli %arg1, %mul3A : i32
    %add3A = arith.constant 0 : i32
    %add3A_1 = arith.addi %mul3A_0, %add3A : i32
    "tpu.region"() ({
      %run_scoped3A = tpu.sem_alloc : memref<!tpu.dma_semaphore, #tpu.memory_space<semaphore_mem>>
      %dma_start3A_107 = arith.constant 0 : i32
      %dma_start3A_108 = arith.constant 0 : i32
      %dma_start3A_109 = tpu.memref_slice %arg10[%dma_start3A_107, %dma_start3A_108] : memref<512x32xbf16, #tpu.memory_space<vmem>> -> memref<512x32xbf16, #tpu.memory_space<vmem>>
      %dma_start3A_110 = arith.constant 0 : i32
      %dma_start3A_111 = tpu.memref_slice %arg7[%add3A_1, %dma_start3A_110] : memref<100048x32xbf16, #tpu.memory_space<vmem_shared>> -> memref<512x32xbf16, #tpu.memory_space<vmem_shared>>
      %dma_start3A_112 = arith.constant 0 : i32
      %dma_start3A_113 = tpu.memref_slice %arg7[%add3A_1, %dma_start3A_112] : memref<100048x32xbf16, #tpu.memory_space<vmem_shared>> -> memref<512x32xbf16, #tpu.memory_space<vmem_shared>>
      %dma_start3A_114 = arith.constant 0 : i32
      %dma_start3A_115 = arith.constant 0 : i32
      %dma_start3A_116 = tpu.memref_slice %arg10[%dma_start3A_114, %dma_start3A_115] : memref<512x32xbf16, #tpu.memory_space<vmem>> -> memref<512x32xbf16, #tpu.memory_space<vmem>>
      tpu.enqueue_dma source(%dma_start3A_116 : memref<512x32xbf16, #tpu.memory_space<vmem>>) target(%dma_start3A_113 : memref<512x32xbf16, #tpu.memory_space<vmem_shared>>) target_semaphore(%run_scoped3A : memref<!tpu.dma_semaphore, #tpu.memory_space<semaphore_mem>>)
      %dma_wait3A_117 = arith.constant 0 : i32
      %dma_wait3A_118 = arith.constant 0 : i32
      %dma_wait3A_119 = tpu.memref_slice %arg10[%dma_wait3A_117, %dma_wait3A_118] : memref<512x32xbf16, #tpu.memory_space<vmem>> -> memref<512x32xbf16, #tpu.memory_space<vmem>>
      %dma_wait3A_120 = arith.constant 0 : i32
      %dma_wait3A_121 = tpu.memref_slice %arg7[%add3A_1, %dma_wait3A_120] : memref<100048x32xbf16, #tpu.memory_space<vmem_shared>> -> memref<512x32xbf16, #tpu.memory_space<vmem_shared>>
      %dma_wait3A_122 = arith.constant 0 : i32
      %dma_wait3A_123 = tpu.memref_slice %arg7[%add3A_1, %dma_wait3A_122] : memref<100048x32xbf16, #tpu.memory_space<vmem_shared>> -> memref<512x32xbf16, #tpu.memory_space<vmem_shared>>
      %dma_wait3A_124 = arith.constant 0 : i32
      %dma_wait3A_125 = arith.constant 0 : i32
      %dma_wait3A_126 = tpu.memref_slice %arg10[%dma_wait3A_124, %dma_wait3A_125] : memref<512x32xbf16, #tpu.memory_space<vmem>> -> memref<512x32xbf16, #tpu.memory_space<vmem>>
      tpu.wait_dma2 semaphore(%run_scoped3A : memref<!tpu.dma_semaphore, #tpu.memory_space<semaphore_mem>>) src(%dma_wait3A_126 : memref<512x32xbf16, #tpu.memory_space<vmem>>) dst(%dma_wait3A_123 : memref<512x32xbf16, #tpu.memory_space<vmem_shared>>)
      tpu.yield
    }) : () -> ()
    %add3A_2 = arith.constant 512 : i32
    %add3A_3 = arith.addi %mul3A_0, %add3A_2 : i32
    "tpu.region"() ({
      %run_scoped3A = tpu.sem_alloc : memref<!tpu.dma_semaphore, #tpu.memory_space<semaphore_mem>>
      %dma_start3A_107 = arith.constant 0 : i32
      %dma_start3A_108 = arith.constant 0 : i32
      %dma_start3A_109 = tpu.memref_slice %arg10[%dma_start3A_107, %dma_start3A_108] : memref<512x32xbf16, #tpu.memory_space<vmem>> -> memref<512x32xbf16, #tpu.memory_space<vmem>>
      %dma_start3A_110 = arith.constant 0 : i32
      %dma_start3A_111 = tpu.memref_slice %arg7[%add3A_3, %dma_start3A_110] : memref<100048x32xbf16, #tpu.memory_space<vmem_shared>> -> memref<512x32xbf16, #tpu.memory_space<vmem_shared>>
      %dma_start3A_112 = arith.constant 0 : i32
      %dma_start3A_113 = tpu.memref_slice %arg7[%add3A_3, %dma_start3A_112] : memref<100048x32xbf16, #tpu.memory_space<vmem_shared>> -> memref<512x32xbf16, #tpu.memory_space<vmem_shared>>
      %dma_start3A_114 = arith.constant 0 : i32
      %dma_start3A_115 = arith.constant 0 : i32
      %dma_start3A_116 = tpu.memref_slice %arg10[%dma_start3A_114, %dma_start3A_115] : memref<512x32xbf16, #tpu.memory_space<vmem>> -> memref<512x32xbf16, #tpu.memory_space<vmem>>
      tpu.enqueue_dma source(%dma_start3A_116 : memref<512x32xbf16, #tpu.memory_space<vmem>>) target(%dma_start3A_113 : memref<512x32xbf16, #tpu.memory_space<vmem_shared>>) target_semaphore(%run_scoped3A : memref<!tpu.dma_semaphore, #tpu.memory_space<semaphore_mem>>)
      %dma_wait3A_117 = arith.constant 0 : i32
      %dma_wait3A_118 = arith.constant 0 : i32
      %dma_wait3A_119 = tpu.memref_slice %arg10[%dma_wait3A_117, %dma_wait3A_118] : memref<512x32xbf16, #tpu.memory_space<vmem>> -> memref<512x32xbf16, #tpu.memory_space<vmem>>
      %dma_wait3A_120 = arith.constant 0 : i32
      %dma_wait3A_121 = tpu.memref_slice %arg7[%add3A_3, %dma_wait3A_120] : memref<100048x32xbf16, #tpu.memory_space<vmem_shared>> -> memref<512x32xbf16, #tpu.memory_space<vmem_shared>>
      %dma_wait3A_122 = arith.constant 0 : i32
      %dma_wait3A_123 = tpu.memref_slice %arg7[%add3A_3, %dma_wait3A_122] : memref<100048x32xbf16, #tpu.memory_space<vmem_shared>> -> memref<512x32xbf16, #tpu.memory_space<vmem_shared>>
      %dma_wait3A_124 = arith.constant 0 : i32
      %dma_wait3A_125 = arith.constant 0 : i32
      %dma_wait3A_126 = tpu.memref_slice %arg10[%dma_wait3A_124, %dma_wait3A_125] : memref<512x32xbf16, #tpu.memory_space<vmem>> -> memref<512x32xbf16, #tpu.memory_space<vmem>>
      tpu.wait_dma2 semaphore(%run_scoped3A : memref<!tpu.dma_semaphore, #tpu.memory_space<semaphore_mem>>) src(%dma_wait3A_126 : memref<512x32xbf16, #tpu.memory_space<vmem>>) dst(%dma_wait3A_123 : memref<512x32xbf16, #tpu.memory_space<vmem_shared>>)
      tpu.yield
    }) : () -> ()
    %add3A_4 = arith.constant 1024 : i32
    %add3A_5 = arith.addi %mul3A_0, %add3A_4 : i32
    "tpu.region"() ({
      %run_scoped3A = tpu.sem_alloc : memref<!tpu.dma_semaphore, #tpu.memory_space<semaphore_mem>>
      %dma_start3A_107 = arith.constant 0 : i32
      %dma_start3A_108 = arith.constant 0 : i32
      %dma_start3A_109 = tpu.memref_slice %arg10[%dma_start3A_107, %dma_start3A_108] : memref<512x32xbf16, #tpu.memory_space<vmem>> -> memref<512x32xbf16, #tpu.memory_space<vmem>>
      %dma_start3A_110 = arith.constant 0 : i32
      %dma_start3A_111 = tpu.memref_slice %arg7[%add3A_5, %dma_start3A_110] : memref<100048x32xbf16, #tpu.memory_space<vmem_shared>> -> memref<512x32xbf16, #tpu.memory_space<vmem_shared>>
      %dma_start3A_112 = arith.constant 0 : i32
      %dma_start3A_113 = tpu.memref_slice %arg7[%add3A_5, %dma_start3A_112] : memref<100048x32xbf16, #tpu.memory_space<vmem_shared>> -> memref<512x32xbf16, #tpu.memory_space<vmem_shared>>
      %dma_start3A_114 = arith.constant 0 : i32
      %dma_start3A_115 = arith.constant 0 : i32
      %dma_start3A_116 = tpu.memref_slice %arg10[%dma_start3A_114, %dma_start3A_115] : memref<512x32xbf16, #tpu.memory_space<vmem>> -> memref<512x32xbf16, #tpu.memory_space<vmem>>
      tpu.enqueue_dma source(%dma_start3A_116 : memref<512x32xbf16, #tpu.memory_space<vmem>>) target(%dma_start3A_113 : memref<512x32xbf16, #tpu.memory_space<vmem_shared>>) target_semaphore(%run_scoped3A : memref<!tpu.dma_semaphore, #tpu.memory_space<semaphore_mem>>)
      %dma_wait3A_117 = arith.constant 0 : i32
      %dma_wait3A_118 = arith.constant 0 : i32
      %dma_wait3A_119 = tpu.memref_slice %arg10[%dma_wait3A_117, %dma_wait3A_118] : memref<512x32xbf16, #tpu.memory_space<vmem>> -> memref<512x32xbf16, #tpu.memory_space<vmem>>
      %dma_wait3A_120 = arith.constant 0 : i32
      %dma_wait3A_121 = tpu.memref_slice %arg7[%add3A_5, %dma_wait3A_120] : memref<100048x32xbf16, #tpu.memory_space<vmem_shared>> -> memref<512x32xbf16, #tpu.memory_space<vmem_shared>>
      %dma_wait3A_122 = arith.constant 0 : i32
      %dma_wait3A_123 = tpu.memref_slice %arg7[%add3A_5, %dma_wait3A_122] : memref<100048x32xbf16, #tpu.memory_space<vmem_shared>> -> memref<512x32xbf16, #tpu.memory_space<vmem_shared>>
      %dma_wait3A_124 = arith.constant 0 : i32
      %dma_wait3A_125 = arith.constant 0 : i32
      %dma_wait3A_126 = tpu.memref_slice %arg10[%dma_wait3A_124, %dma_wait3A_125] : memref<512x32xbf16, #tpu.memory_space<vmem>> -> memref<512x32xbf16, #tpu.memory_space<vmem>>
      tpu.wait_dma2 semaphore(%run_scoped3A : memref<!tpu.dma_semaphore, #tpu.memory_space<semaphore_mem>>) src(%dma_wait3A_126 : memref<512x32xbf16, #tpu.memory_space<vmem>>) dst(%dma_wait3A_123 : memref<512x32xbf16, #tpu.memory_space<vmem_shared>>)
      tpu.yield
    }) : () -> ()
    %add3A_6 = arith.constant 1536 : i32
    %add3A_7 = arith.addi %mul3A_0, %add3A_6 : i32
    "tpu.region"() ({
      %run_scoped3A = tpu.sem_alloc : memref<!tpu.dma_semaphore, #tpu.memory_space<semaphore_mem>>
      %dma_start3A_107 = arith.constant 0 : i32
      %dma_start3A_108 = arith.constant 0 : i32
      %dma_start3A_109 = tpu.memref_slice %arg10[%dma_start3A_107, %dma_start3A_108] : memref<512x32xbf16, #tpu.memory_space<vmem>> -> memref<512x32xbf16, #tpu.memory_space<vmem>>
      %dma_start3A_110 = arith.constant 0 : i32
      %dma_start3A_111 = tpu.memref_slice %arg7[%add3A_7, %dma_start3A_110] : memref<100048x32xbf16, #tpu.memory_space<vmem_shared>> -> memref<512x32xbf16, #tpu.memory_space<vmem_shared>>
      %dma_start3A_112 = arith.constant 0 : i32
      %dma_start3A_113 = tpu.memref_slice %arg7[%add3A_7, %dma_start3A_112] : memref<100048x32xbf16, #tpu.memory_space<vmem_shared>> -> memref<512x32xbf16, #tpu.memory_space<vmem_shared>>
      %dma_start3A_114 = arith.constant 0 : i32
      %dma_start3A_115 = arith.constant 0 : i32
      %dma_start3A_116 = tpu.memref_slice %arg10[%dma_start3A_114, %dma_start3A_115] : memref<512x32xbf16, #tpu.memory_space<vmem>> -> memref<512x32xbf16, #tpu.memory_space<vmem>>
      tpu.enqueue_dma source(%dma_start3A_116 : memref<512x32xbf16, #tpu.memory_space<vmem>>) target(%dma_start3A_113 : memref<512x32xbf16, #tpu.memory_space<vmem_shared>>) target_semaphore(%run_scoped3A : memref<!tpu.dma_semaphore, #tpu.memory_space<semaphore_mem>>)
      %dma_wait3A_117 = arith.constant 0 : i32
      %dma_wait3A_118 = arith.constant 0 : i32
      %dma_wait3A_119 = tpu.memref_slice %arg10[%dma_wait3A_117, %dma_wait3A_118] : memref<512x32xbf16, #tpu.memory_space<vmem>> -> memref<512x32xbf16, #tpu.memory_space<vmem>>
      %dma_wait3A_120 = arith.constant 0 : i32
      %dma_wait3A_121 = tpu.memref_slice %arg7[%add3A_7, %dma_wait3A_120] : memref<100048x32xbf16, #tpu.memory_space<vmem_shared>> -> memref<512x32xbf16, #tpu.memory_space<vmem_shared>>
      %dma_wait3A_122 = arith.constant 0 : i32
      %dma_wait3A_123 = tpu.memref_slice %arg7[%add3A_7, %dma_wait3A_122] : memref<100048x32xbf16, #tpu.memory_space<vmem_shared>> -> memref<512x32xbf16, #tpu.memory_space<vmem_shared>>
      %dma_wait3A_124 = arith.constant 0 : i32
      %dma_wait3A_125 = arith.constant 0 : i32
      %dma_wait3A_126 = tpu.memref_slice %arg10[%dma_wait3A_124, %dma_wait3A_125] : memref<512x32xbf16, #tpu.memory_space<vmem>> -> memref<512x32xbf16, #tpu.memory_space<vmem>>
      tpu.wait_dma2 semaphore(%run_scoped3A : memref<!tpu.dma_semaphore, #tpu.memory_space<semaphore_mem>>) src(%dma_wait3A_126 : memref<512x32xbf16, #tpu.memory_space<vmem>>) dst(%dma_wait3A_123 : memref<512x32xbf16, #tpu.memory_space<vmem_shared>>)
      tpu.yield
    }) : () -> ()
    %add3A_8 = arith.constant 2048 : i32
    %add3A_9 = arith.addi %mul3A_0, %add3A_8 : i32
    "tpu.region"() ({
      %run_scoped3A = tpu.sem_alloc : memref<!tpu.dma_semaphore, #tpu.memory_space<semaphore_mem>>
      %dma_start3A_107 = arith.constant 0 : i32
      %dma_start3A_108 = arith.constant 0 : i32
      %dma_start3A_109 = tpu.memref_slice %arg10[%dma_start3A_107, %dma_start3A_108] : memref<512x32xbf16, #tpu.memory_space<vmem>> -> memref<512x32xbf16, #tpu.memory_space<vmem>>
      %dma_start3A_110 = arith.constant 0 : i32
      %dma_start3A_111 = tpu.memref_slice %arg7[%add3A_9, %dma_start3A_110] : memref<100048x32xbf16, #tpu.memory_space<vmem_shared>> -> memref<512x32xbf16, #tpu.memory_space<vmem_shared>>
      %dma_start3A_112 = arith.constant 0 : i32
      %dma_start3A_113 = tpu.memref_slice %arg7[%add3A_9, %dma_start3A_112] : memref<100048x32xbf16, #tpu.memory_space<vmem_shared>> -> memref<512x32xbf16, #tpu.memory_space<vmem_shared>>
      %dma_start3A_114 = arith.constant 0 : i32
      %dma_start3A_115 = arith.constant 0 : i32
      %dma_start3A_116 = tpu.memref_slice %arg10[%dma_start3A_114, %dma_start3A_115] : memref<512x32xbf16, #tpu.memory_space<vmem>> -> memref<512x32xbf16, #tpu.memory_space<vmem>>
      tpu.enqueue_dma source(%dma_start3A_116 : memref<512x32xbf16, #tpu.memory_space<vmem>>) target(%dma_start3A_113 : memref<512x32xbf16, #tpu.memory_space<vmem_shared>>) target_semaphore(%run_scoped3A : memref<!tpu.dma_semaphore, #tpu.memory_space<semaphore_mem>>)
      %dma_wait3A_117 = arith.constant 0 : i32
      %dma_wait3A_118 = arith.constant 0 : i32
      %dma_wait3A_119 = tpu.memref_slice %arg10[%dma_wait3A_117, %dma_wait3A_118] : memref<512x32xbf16, #tpu.memory_space<vmem>> -> memref<512x32xbf16, #tpu.memory_space<vmem>>
      %dma_wait3A_120 = arith.constant 0 : i32
      %dma_wait3A_121 = tpu.memref_slice %arg7[%add3A_9, %dma_wait3A_120] : memref<100048x32xbf16, #tpu.memory_space<vmem_shared>> -> memref<512x32xbf16, #tpu.memory_space<vmem_shared>>
      %dma_wait3A_122 = arith.constant 0 : i32
      %dma_wait3A_123 = tpu.memref_slice %arg7[%add3A_9, %dma_wait3A_122] : memref<100048x32xbf16, #tpu.memory_space<vmem_shared>> -> memref<512x32xbf16, #tpu.memory_space<vmem_shared>>
      %dma_wait3A_124 = arith.constant 0 : i32
      %dma_wait3A_125 = arith.constant 0 : i32
      %dma_wait3A_126 = tpu.memref_slice %arg10[%dma_wait3A_124, %dma_wait3A_125] : memref<512x32xbf16, #tpu.memory_space<vmem>> -> memref<512x32xbf16, #tpu.memory_space<vmem>>
      tpu.wait_dma2 semaphore(%run_scoped3A : memref<!tpu.dma_semaphore, #tpu.memory_space<semaphore_mem>>) src(%dma_wait3A_126 : memref<512x32xbf16, #tpu.memory_space<vmem>>) dst(%dma_wait3A_123 : memref<512x32xbf16, #tpu.memory_space<vmem_shared>>)
      tpu.yield
    }) : () -> ()
    %add3A_10 = arith.constant 2560 : i32
    %add3A_11 = arith.addi %mul3A_0, %add3A_10 : i32
    "tpu.region"() ({
      %run_scoped3A = tpu.sem_alloc : memref<!tpu.dma_semaphore, #tpu.memory_space<semaphore_mem>>
      %dma_start3A_107 = arith.constant 0 : i32
      %dma_start3A_108 = arith.constant 0 : i32
      %dma_start3A_109 = tpu.memref_slice %arg10[%dma_start3A_107, %dma_start3A_108] : memref<512x32xbf16, #tpu.memory_space<vmem>> -> memref<512x32xbf16, #tpu.memory_space<vmem>>
      %dma_start3A_110 = arith.constant 0 : i32
      %dma_start3A_111 = tpu.memref_slice %arg7[%add3A_11, %dma_start3A_110] : memref<100048x32xbf16, #tpu.memory_space<vmem_shared>> -> memref<512x32xbf16, #tpu.memory_space<vmem_shared>>
      %dma_start3A_112 = arith.constant 0 : i32
      %dma_start3A_113 = tpu.memref_slice %arg7[%add3A_11, %dma_start3A_112] : memref<100048x32xbf16, #tpu.memory_space<vmem_shared>> -> memref<512x32xbf16, #tpu.memory_space<vmem_shared>>
      %dma_start3A_114 = arith.constant 0 : i32
      %dma_start3A_115 = arith.constant 0 : i32
      %dma_start3A_116 = tpu.memref_slice %arg10[%dma_start3A_114, %dma_start3A_115] : memref<512x32xbf16, #tpu.memory_space<vmem>> -> memref<512x32xbf16, #tpu.memory_space<vmem>>
      tpu.enqueue_dma source(%dma_start3A_116 : memref<512x32xbf16, #tpu.memory_space<vmem>>) target(%dma_start3A_113 : memref<512x32xbf16, #tpu.memory_space<vmem_shared>>) target_semaphore(%run_scoped3A : memref<!tpu.dma_semaphore, #tpu.memory_space<semaphore_mem>>)
      %dma_wait3A_117 = arith.constant 0 : i32
      %dma_wait3A_118 = arith.constant 0 : i32
      %dma_wait3A_119 = tpu.memref_slice %arg10[%dma_wait3A_117, %dma_wait3A_118] : memref<512x32xbf16, #tpu.memory_space<vmem>> -> memref<512x32xbf16, #tpu.memory_space<vmem>>
      %dma_wait3A_120 = arith.constant 0 : i32
      %dma_wait3A_121 = tpu.memref_slice %arg7[%add3A_11, %dma_wait3A_120] : memref<100048x32xbf16, #tpu.memory_space<vmem_shared>> -> memref<512x32xbf16, #tpu.memory_space<vmem_shared>>
      %dma_wait3A_122 = arith.constant 0 : i32
      %dma_wait3A_123 = tpu.memref_slice %arg7[%add3A_11, %dma_wait3A_122] : memref<100048x32xbf16, #tpu.memory_space<vmem_shared>> -> memref<512x32xbf16, #tpu.memory_space<vmem_shared>>
      %dma_wait3A_124 = arith.constant 0 : i32
      %dma_wait3A_125 = arith.constant 0 : i32
      %dma_wait3A_126 = tpu.memref_slice %arg10[%dma_wait3A_124, %dma_wait3A_125] : memref<512x32xbf16, #tpu.memory_space<vmem>> -> memref<512x32xbf16, #tpu.memory_space<vmem>>
      tpu.wait_dma2 semaphore(%run_scoped3A : memref<!tpu.dma_semaphore, #tpu.memory_space<semaphore_mem>>) src(%dma_wait3A_126 : memref<512x32xbf16, #tpu.memory_space<vmem>>) dst(%dma_wait3A_123 : memref<512x32xbf16, #tpu.memory_space<vmem_shared>>)
      tpu.yield
    }) : () -> ()
    %add3A_12 = arith.constant 3072 : i32
    %add3A_13 = arith.addi %mul3A_0, %add3A_12 : i32
    "tpu.region"() ({
      %run_scoped3A = tpu.sem_alloc : memref<!tpu.dma_semaphore, #tpu.memory_space<semaphore_mem>>
      %dma_start3A_107 = arith.constant 0 : i32
      %dma_start3A_108 = arith.constant 0 : i32
      %dma_start3A_109 = tpu.memref_slice %arg10[%dma_start3A_107, %dma_start3A_108] : memref<512x32xbf16, #tpu.memory_space<vmem>> -> memref<512x32xbf16, #tpu.memory_space<vmem>>
      %dma_start3A_110 = arith.constant 0 : i32
      %dma_start3A_111 = tpu.memref_slice %arg7[%add3A_13, %dma_start3A_110] : memref<100048x32xbf16, #tpu.memory_space<vmem_shared>> -> memref<512x32xbf16, #tpu.memory_space<vmem_shared>>
      %dma_start3A_112 = arith.constant 0 : i32
      %dma_start3A_113 = tpu.memref_slice %arg7[%add3A_13, %dma_start3A_112] : memref<100048x32xbf16, #tpu.memory_space<vmem_shared>> -> memref<512x32xbf16, #tpu.memory_space<vmem_shared>>
      %dma_start3A_114 = arith.constant 0 : i32
      %dma_start3A_115 = arith.constant 0 : i32
      %dma_start3A_116 = tpu.memref_slice %arg10[%dma_start3A_114, %dma_start3A_115] : memref<512x32xbf16, #tpu.memory_space<vmem>> -> memref<512x32xbf16, #tpu.memory_space<vmem>>
      tpu.enqueue_dma source(%dma_start3A_116 : memref<512x32xbf16, #tpu.memory_space<vmem>>) target(%dma_start3A_113 : memref<512x32xbf16, #tpu.memory_space<vmem_shared>>) target_semaphore(%run_scoped3A : memref<!tpu.dma_semaphore, #tpu.memory_space<semaphore_mem>>)
      %dma_wait3A_117 = arith.constant 0 : i32
      %dma_wait3A_118 = arith.constant 0 : i32
      %dma_wait3A_119 = tpu.memref_slice %arg10[%dma_wait3A_117, %dma_wait3A_118] : memref<512x32xbf16, #tpu.memory_space<vmem>> -> memref<512x32xbf16, #tpu.memory_space<vmem>>
      %dma_wait3A_120 = arith.constant 0 : i32
      %dma_wait3A_121 = tpu.memref_slice %arg7[%add3A_13, %dma_wait3A_120] : memref<100048x32xbf16, #tpu.memory_space<vmem_shared>> -> memref<512x32xbf16, #tpu.memory_space<vmem_shared>>
      %dma_wait3A_122 = arith.constant 0 : i32
      %dma_wait3A_123 = tpu.memref_slice %arg7[%add3A_13, %dma_wait3A_122] : memref<100048x32xbf16, #tpu.memory_space<vmem_shared>> -> memref<512x32xbf16, #tpu.memory_space<vmem_shared>>
      %dma_wait3A_124 = arith.constant 0 : i32
      %dma_wait3A_125 = arith.constant 0 : i32
      %dma_wait3A_126 = tpu.memref_slice %arg10[%dma_wait3A_124, %dma_wait3A_125] : memref<512x32xbf16, #tpu.memory_space<vmem>> -> memref<512x32xbf16, #tpu.memory_space<vmem>>
      tpu.wait_dma2 semaphore(%run_scoped3A : memref<!tpu.dma_semaphore, #tpu.memory_space<semaphore_mem>>) src(%dma_wait3A_126 : memref<512x32xbf16, #tpu.memory_space<vmem>>) dst(%dma_wait3A_123 : memref<512x32xbf16, #tpu.memory_space<vmem_shared>>)
      tpu.yield
    }) : () -> ()
    %add3A_14 = arith.constant 3584 : i32
    %add3A_15 = arith.addi %mul3A_0, %add3A_14 : i32
    "tpu.region"() ({
      %run_scoped3A = tpu.sem_alloc : memref<!tpu.dma_semaphore, #tpu.memory_space<semaphore_mem>>
      %dma_start3A_107 = arith.constant 0 : i32
      %dma_start3A_108 = arith.constant 0 : i32
      %dma_start3A_109 = tpu.memref_slice %arg10[%dma_start3A_107, %dma_start3A_108] : memref<512x32xbf16, #tpu.memory_space<vmem>> -> memref<512x32xbf16, #tpu.memory_space<vmem>>
      %dma_start3A_110 = arith.constant 0 : i32
      %dma_start3A_111 = tpu.memref_slice %arg7[%add3A_15, %dma_start3A_110] : memref<100048x32xbf16, #tpu.memory_space<vmem_shared>> -> memref<512x32xbf16, #tpu.memory_space<vmem_shared>>
      %dma_start3A_112 = arith.constant 0 : i32
      %dma_start3A_113 = tpu.memref_slice %arg7[%add3A_15, %dma_start3A_112] : memref<100048x32xbf16, #tpu.memory_space<vmem_shared>> -> memref<512x32xbf16, #tpu.memory_space<vmem_shared>>
      %dma_start3A_114 = arith.constant 0 : i32
      %dma_start3A_115 = arith.constant 0 : i32
      %dma_start3A_116 = tpu.memref_slice %arg10[%dma_start3A_114, %dma_start3A_115] : memref<512x32xbf16, #tpu.memory_space<vmem>> -> memref<512x32xbf16, #tpu.memory_space<vmem>>
      tpu.enqueue_dma source(%dma_start3A_116 : memref<512x32xbf16, #tpu.memory_space<vmem>>) target(%dma_start3A_113 : memref<512x32xbf16, #tpu.memory_space<vmem_shared>>) target_semaphore(%run_scoped3A : memref<!tpu.dma_semaphore, #tpu.memory_space<semaphore_mem>>)
      %dma_wait3A_117 = arith.constant 0 : i32
      %dma_wait3A_118 = arith.constant 0 : i32
      %dma_wait3A_119 = tpu.memref_slice %arg10[%dma_wait3A_117, %dma_wait3A_118] : memref<512x32xbf16, #tpu.memory_space<vmem>> -> memref<512x32xbf16, #tpu.memory_space<vmem>>
      %dma_wait3A_120 = arith.constant 0 : i32
      %dma_wait3A_121 = tpu.memref_slice %arg7[%add3A_15, %dma_wait3A_120] : memref<100048x32xbf16, #tpu.memory_space<vmem_shared>> -> memref<512x32xbf16, #tpu.memory_space<vmem_shared>>
      %dma_wait3A_122 = arith.constant 0 : i32
      %dma_wait3A_123 = tpu.memref_slice %arg7[%add3A_15, %dma_wait3A_122] : memref<100048x32xbf16, #tpu.memory_space<vmem_shared>> -> memref<512x32xbf16, #tpu.memory_space<vmem_shared>>
      %dma_wait3A_124 = arith.constant 0 : i32
      %dma_wait3A_125 = arith.constant 0 : i32
      %dma_wait3A_126 = tpu.memref_slice %arg10[%dma_wait3A_124, %dma_wait3A_125] : memref<512x32xbf16, #tpu.memory_space<vmem>> -> memref<512x32xbf16, #tpu.memory_space<vmem>>
      tpu.wait_dma2 semaphore(%run_scoped3A : memref<!tpu.dma_semaphore, #tpu.memory_space<semaphore_mem>>) src(%dma_wait3A_126 : memref<512x32xbf16, #tpu.memory_space<vmem>>) dst(%dma_wait3A_123 : memref<512x32xbf16, #tpu.memory_space<vmem_shared>>)
      tpu.yield
    }) : () -> ()
    %add3A_16 = arith.constant 4096 : i32
    %add3A_17 = arith.addi %mul3A_0, %add3A_16 : i32
    "tpu.region"() ({
      %run_scoped3A = tpu.sem_alloc : memref<!tpu.dma_semaphore, #tpu.memory_space<semaphore_mem>>
      %dma_start3A_107 = arith.constant 0 : i32
      %dma_start3A_108 = arith.constant 0 : i32
      %dma_start3A_109 = tpu.memref_slice %arg10[%dma_start3A_107, %dma_start3A_108] : memref<512x32xbf16, #tpu.memory_space<vmem>> -> memref<512x32xbf16, #tpu.memory_space<vmem>>
      %dma_start3A_110 = arith.constant 0 : i32
      %dma_start3A_111 = tpu.memref_slice %arg7[%add3A_17, %dma_start3A_110] : memref<100048x32xbf16, #tpu.memory_space<vmem_shared>> -> memref<512x32xbf16, #tpu.memory_space<vmem_shared>>
      %dma_start3A_112 = arith.constant 0 : i32
      %dma_start3A_113 = tpu.memref_slice %arg7[%add3A_17, %dma_start3A_112] : memref<100048x32xbf16, #tpu.memory_space<vmem_shared>> -> memref<512x32xbf16, #tpu.memory_space<vmem_shared>>
      %dma_start3A_114 = arith.constant 0 : i32
      %dma_start3A_115 = arith.constant 0 : i32
      %dma_start3A_116 = tpu.memref_slice %arg10[%dma_start3A_114, %dma_start3A_115] : memref<512x32xbf16, #tpu.memory_space<vmem>> -> memref<512x32xbf16, #tpu.memory_space<vmem>>
      tpu.enqueue_dma source(%dma_start3A_116 : memref<512x32xbf16, #tpu.memory_space<vmem>>) target(%dma_start3A_113 : memref<512x32xbf16, #tpu.memory_space<vmem_shared>>) target_semaphore(%run_scoped3A : memref<!tpu.dma_semaphore, #tpu.memory_space<semaphore_mem>>)
      %dma_wait3A_117 = arith.constant 0 : i32
      %dma_wait3A_118 = arith.constant 0 : i32
      %dma_wait3A_119 = tpu.memref_slice %arg10[%dma_wait3A_117, %dma_wait3A_118] : memref<512x32xbf16, #tpu.memory_space<vmem>> -> memref<512x32xbf16, #tpu.memory_space<vmem>>
      %dma_wait3A_120 = arith.constant 0 : i32
      %dma_wait3A_121 = tpu.memref_slice %arg7[%add3A_17, %dma_wait3A_120] : memref<100048x32xbf16, #tpu.memory_space<vmem_shared>> -> memref<512x32xbf16, #tpu.memory_space<vmem_shared>>
      %dma_wait3A_122 = arith.constant 0 : i32
      %dma_wait3A_123 = tpu.memref_slice %arg7[%add3A_17, %dma_wait3A_122] : memref<100048x32xbf16, #tpu.memory_space<vmem_shared>> -> memref<512x32xbf16, #tpu.memory_space<vmem_shared>>
      %dma_wait3A_124 = arith.constant 0 : i32
      %dma_wait3A_125 = arith.constant 0 : i32
      %dma_wait3A_126 = tpu.memref_slice %arg10[%dma_wait3A_124, %dma_wait3A_125] : memref<512x32xbf16, #tpu.memory_space<vmem>> -> memref<512x32xbf16, #tpu.memory_space<vmem>>
      tpu.wait_dma2 semaphore(%run_scoped3A : memref<!tpu.dma_semaphore, #tpu.memory_space<semaphore_mem>>) src(%dma_wait3A_126 : memref<512x32xbf16, #tpu.memory_space<vmem>>) dst(%dma_wait3A_123 : memref<512x32xbf16, #tpu.memory_space<vmem_shared>>)
      tpu.yield
    }) : () -> ()
    %add3A_18 = arith.constant 4608 : i32
    %add3A_19 = arith.addi %mul3A_0, %add3A_18 : i32
    "tpu.region"() ({
      %run_scoped3A = tpu.sem_alloc : memref<!tpu.dma_semaphore, #tpu.memory_space<semaphore_mem>>
      %dma_start3A_107 = arith.constant 0 : i32
      %dma_start3A_108 = arith.constant 0 : i32
      %dma_start3A_109 = tpu.memref_slice %arg10[%dma_start3A_107, %dma_start3A_108] : memref<512x32xbf16, #tpu.memory_space<vmem>> -> memref<512x32xbf16, #tpu.memory_space<vmem>>
      %dma_start3A_110 = arith.constant 0 : i32
      %dma_start3A_111 = tpu.memref_slice %arg7[%add3A_19, %dma_start3A_110] : memref<100048x32xbf16, #tpu.memory_space<vmem_shared>> -> memref<512x32xbf16, #tpu.memory_space<vmem_shared>>
      %dma_start3A_112 = arith.constant 0 : i32
      %dma_start3A_113 = tpu.memref_slice %arg7[%add3A_19, %dma_start3A_112] : memref<100048x32xbf16, #tpu.memory_space<vmem_shared>> -> memref<512x32xbf16, #tpu.memory_space<vmem_shared>>
      %dma_start3A_114 = arith.constant 0 : i32
      %dma_start3A_115 = arith.constant 0 : i32
      %dma_start3A_116 = tpu.memref_slice %arg10[%dma_start3A_114, %dma_start3A_115] : memref<512x32xbf16, #tpu.memory_space<vmem>> -> memref<512x32xbf16, #tpu.memory_space<vmem>>
      tpu.enqueue_dma source(%dma_start3A_116 : memref<512x32xbf16, #tpu.memory_space<vmem>>) target(%dma_start3A_113 : memref<512x32xbf16, #tpu.memory_space<vmem_shared>>) target_semaphore(%run_scoped3A : memref<!tpu.dma_semaphore, #tpu.memory_space<semaphore_mem>>)
      %dma_wait3A_117 = arith.constant 0 : i32
      %dma_wait3A_118 = arith.constant 0 : i32
      %dma_wait3A_119 = tpu.memref_slice %arg10[%dma_wait3A_117, %dma_wait3A_118] : memref<512x32xbf16, #tpu.memory_space<vmem>> -> memref<512x32xbf16, #tpu.memory_space<vmem>>
      %dma_wait3A_120 = arith.constant 0 : i32
      %dma_wait3A_121 = tpu.memref_slice %arg7[%add3A_19, %dma_wait3A_120] : memref<100048x32xbf16, #tpu.memory_space<vmem_shared>> -> memref<512x32xbf16, #tpu.memory_space<vmem_shared>>
      %dma_wait3A_122 = arith.constant 0 : i32
      %dma_wait3A_123 = tpu.memref_slice %arg7[%add3A_19, %dma_wait3A_122] : memref<100048x32xbf16, #tpu.memory_space<vmem_shared>> -> memref<512x32xbf16, #tpu.memory_space<vmem_shared>>
      %dma_wait3A_124 = arith.constant 0 : i32
      %dma_wait3A_125 = arith.constant 0 : i32
      %dma_wait3A_126 = tpu.memref_slice %arg10[%dma_wait3A_124, %dma_wait3A_125] : memref<512x32xbf16, #tpu.memory_space<vmem>> -> memref<512x32xbf16, #tpu.memory_space<vmem>>
      tpu.wait_dma2 semaphore(%run_scoped3A : memref<!tpu.dma_semaphore, #tpu.memory_space<semaphore_mem>>) src(%dma_wait3A_126 : memref<512x32xbf16, #tpu.memory_space<vmem>>) dst(%dma_wait3A_123 : memref<512x32xbf16, #tpu.memory_space<vmem_shared>>)
      tpu.yield
    }) : () -> ()
    %add3A_20 = arith.constant 5120 : i32
    %add3A_21 = arith.addi %mul3A_0, %add3A_20 : i32
    "tpu.region"() ({
      %run_scoped3A = tpu.sem_alloc : memref<!tpu.dma_semaphore, #tpu.memory_space<semaphore_mem>>
      %dma_start3A_107 = arith.constant 0 : i32
      %dma_start3A_108 = arith.constant 0 : i32
      %dma_start3A_109 = tpu.memref_slice %arg10[%dma_start3A_107, %dma_start3A_108] : memref<512x32xbf16, #tpu.memory_space<vmem>> -> memref<512x32xbf16, #tpu.memory_space<vmem>>
      %dma_start3A_110 = arith.constant 0 : i32
      %dma_start3A_111 = tpu.memref_slice %arg7[%add3A_21, %dma_start3A_110] : memref<100048x32xbf16, #tpu.memory_space<vmem_shared>> -> memref<512x32xbf16, #tpu.memory_space<vmem_shared>>
      %dma_start3A_112 = arith.constant 0 : i32
      %dma_start3A_113 = tpu.memref_slice %arg7[%add3A_21, %dma_start3A_112] : memref<100048x32xbf16, #tpu.memory_space<vmem_shared>> -> memref<512x32xbf16, #tpu.memory_space<vmem_shared>>
      %dma_start3A_114 = arith.constant 0 : i32
      %dma_start3A_115 = arith.constant 0 : i32
      %dma_start3A_116 = tpu.memref_slice %arg10[%dma_start3A_114, %dma_start3A_115] : memref<512x32xbf16, #tpu.memory_space<vmem>> -> memref<512x32xbf16, #tpu.memory_space<vmem>>
      tpu.enqueue_dma source(%dma_start3A_116 : memref<512x32xbf16, #tpu.memory_space<vmem>>) target(%dma_start3A_113 : memref<512x32xbf16, #tpu.memory_space<vmem_shared>>) target_semaphore(%run_scoped3A : memref<!tpu.dma_semaphore, #tpu.memory_space<semaphore_mem>>)
      %dma_wait3A_117 = arith.constant 0 : i32
      %dma_wait3A_118 = arith.constant 0 : i32
      %dma_wait3A_119 = tpu.memref_slice %arg10[%dma_wait3A_117, %dma_wait3A_118] : memref<512x32xbf16, #tpu.memory_space<vmem>> -> memref<512x32xbf16, #tpu.memory_space<vmem>>
      %dma_wait3A_120 = arith.constant 0 : i32
      %dma_wait3A_121 = tpu.memref_slice %arg7[%add3A_21, %dma_wait3A_120] : memref<100048x32xbf16, #tpu.memory_space<vmem_shared>> -> memref<512x32xbf16, #tpu.memory_space<vmem_shared>>
      %dma_wait3A_122 = arith.constant 0 : i32
      %dma_wait3A_123 = tpu.memref_slice %arg7[%add3A_21, %dma_wait3A_122] : memref<100048x32xbf16, #tpu.memory_space<vmem_shared>> -> memref<512x32xbf16, #tpu.memory_space<vmem_shared>>
      %dma_wait3A_124 = arith.constant 0 : i32
      %dma_wait3A_125 = arith.constant 0 : i32
      %dma_wait3A_126 = tpu.memref_slice %arg10[%dma_wait3A_124, %dma_wait3A_125] : memref<512x32xbf16, #tpu.memory_space<vmem>> -> memref<512x32xbf16, #tpu.memory_space<vmem>>
      tpu.wait_dma2 semaphore(%run_scoped3A : memref<!tpu.dma_semaphore, #tpu.memory_space<semaphore_mem>>) src(%dma_wait3A_126 : memref<512x32xbf16, #tpu.memory_space<vmem>>) dst(%dma_wait3A_123 : memref<512x32xbf16, #tpu.memory_space<vmem_shared>>)
      tpu.yield
    }) : () -> ()
    %add3A_22 = arith.constant 5632 : i32
    %add3A_23 = arith.addi %mul3A_0, %add3A_22 : i32
    "tpu.region"() ({
      %run_scoped3A = tpu.sem_alloc : memref<!tpu.dma_semaphore, #tpu.memory_space<semaphore_mem>>
      %dma_start3A_107 = arith.constant 0 : i32
      %dma_start3A_108 = arith.constant 0 : i32
      %dma_start3A_109 = tpu.memref_slice %arg10[%dma_start3A_107, %dma_start3A_108] : memref<512x32xbf16, #tpu.memory_space<vmem>> -> memref<512x32xbf16, #tpu.memory_space<vmem>>
      %dma_start3A_110 = arith.constant 0 : i32
      %dma_start3A_111 = tpu.memref_slice %arg7[%add3A_23, %dma_start3A_110] : memref<100048x32xbf16, #tpu.memory_space<vmem_shared>> -> memref<512x32xbf16, #tpu.memory_space<vmem_shared>>
      %dma_start3A_112 = arith.constant 0 : i32
      %dma_start3A_113 = tpu.memref_slice %arg7[%add3A_23, %dma_start3A_112] : memref<100048x32xbf16, #tpu.memory_space<vmem_shared>> -> memref<512x32xbf16, #tpu.memory_space<vmem_shared>>
      %dma_start3A_114 = arith.constant 0 : i32
      %dma_start3A_115 = arith.constant 0 : i32
      %dma_start3A_116 = tpu.memref_slice %arg10[%dma_start3A_114, %dma_start3A_115] : memref<512x32xbf16, #tpu.memory_space<vmem>> -> memref<512x32xbf16, #tpu.memory_space<vmem>>
      tpu.enqueue_dma source(%dma_start3A_116 : memref<512x32xbf16, #tpu.memory_space<vmem>>) target(%dma_start3A_113 : memref<512x32xbf16, #tpu.memory_space<vmem_shared>>) target_semaphore(%run_scoped3A : memref<!tpu.dma_semaphore, #tpu.memory_space<semaphore_mem>>)
      %dma_wait3A_117 = arith.constant 0 : i32
      %dma_wait3A_118 = arith.constant 0 : i32
      %dma_wait3A_119 = tpu.memref_slice %arg10[%dma_wait3A_117, %dma_wait3A_118] : memref<512x32xbf16, #tpu.memory_space<vmem>> -> memref<512x32xbf16, #tpu.memory_space<vmem>>
      %dma_wait3A_120 = arith.constant 0 : i32
      %dma_wait3A_121 = tpu.memref_slice %arg7[%add3A_23, %dma_wait3A_120] : memref<100048x32xbf16, #tpu.memory_space<vmem_shared>> -> memref<512x32xbf16, #tpu.memory_space<vmem_shared>>
      %dma_wait3A_122 = arith.constant 0 : i32
      %dma_wait3A_123 = tpu.memref_slice %arg7[%add3A_23, %dma_wait3A_122] : memref<100048x32xbf16, #tpu.memory_space<vmem_shared>> -> memref<512x32xbf16, #tpu.memory_space<vmem_shared>>
      %dma_wait3A_124 = arith.constant 0 : i32
      %dma_wait3A_125 = arith.constant 0 : i32
      %dma_wait3A_126 = tpu.memref_slice %arg10[%dma_wait3A_124, %dma_wait3A_125] : memref<512x32xbf16, #tpu.memory_space<vmem>> -> memref<512x32xbf16, #tpu.memory_space<vmem>>
      tpu.wait_dma2 semaphore(%run_scoped3A : memref<!tpu.dma_semaphore, #tpu.memory_space<semaphore_mem>>) src(%dma_wait3A_126 : memref<512x32xbf16, #tpu.memory_space<vmem>>) dst(%dma_wait3A_123 : memref<512x32xbf16, #tpu.memory_space<vmem_shared>>)
      tpu.yield
    }) : () -> ()
    %lt3A = arith.constant 15 : i32
    %lt3A_24 = arith.cmpi slt, %arg1, %lt3A : i32
    %convert_element_type3A = arith.extui %lt3A_24 : i1 to i32
    %cond3A = arith.constant 0 : i32
    %cond3A_25 = arith.cmpi ne, %convert_element_type3A, %cond3A : i32
    scf.if %cond3A_25 {
      %add3A_107 = arith.constant 6144 : i32
      %add3A_108 = arith.addi %mul3A_0, %add3A_107 : i32
      "tpu.region"() ({
        %run_scoped3A = tpu.sem_alloc : memref<!tpu.dma_semaphore, #tpu.memory_space<semaphore_mem>>
        %dma_start3A_109 = arith.constant 0 : i32
        %dma_start3A_110 = arith.constant 0 : i32
        %dma_start3A_111 = tpu.memref_slice %arg10[%dma_start3A_109, %dma_start3A_110] : memref<512x32xbf16, #tpu.memory_space<vmem>> -> memref<112x32xbf16, #tpu.memory_space<vmem>>
        %dma_start3A_112 = arith.constant 0 : i32
        %dma_start3A_113 = tpu.memref_slice %arg7[%add3A_108, %dma_start3A_112] : memref<100048x32xbf16, #tpu.memory_space<vmem_shared>> -> memref<112x32xbf16, #tpu.memory_space<vmem_shared>>
        %dma_start3A_114 = arith.constant 0 : i32
        %dma_start3A_115 = tpu.memref_slice %arg7[%add3A_108, %dma_start3A_114] : memref<100048x32xbf16, #tpu.memory_space<vmem_shared>> -> memref<112x32xbf16, #tpu.memory_space<vmem_shared>>
        %dma_start3A_116 = arith.constant 0 : i32
        %dma_start3A_117 = arith.constant 0 : i32
        %dma_start3A_118 = tpu.memref_slice %arg10[%dma_start3A_116, %dma_start3A_117] : memref<512x32xbf16, #tpu.memory_space<vmem>> -> memref<112x32xbf16, #tpu.memory_space<vmem>>
        tpu.enqueue_dma source(%dma_start3A_118 : memref<112x32xbf16, #tpu.memory_space<vmem>>) target(%dma_start3A_115 : memref<112x32xbf16, #tpu.memory_space<vmem_shared>>) target_semaphore(%run_scoped3A : memref<!tpu.dma_semaphore, #tpu.memory_space<semaphore_mem>>)
        %dma_wait3A_119 = arith.constant 0 : i32
        %dma_wait3A_120 = arith.constant 0 : i32
        %dma_wait3A_121 = tpu.memref_slice %arg10[%dma_wait3A_119, %dma_wait3A_120] : memref<512x32xbf16, #tpu.memory_space<vmem>> -> memref<112x32xbf16, #tpu.memory_space<vmem>>
        %dma_wait3A_122 = arith.constant 0 : i32
        %dma_wait3A_123 = tpu.memref_slice %arg7[%add3A_108, %dma_wait3A_122] : memref<100048x32xbf16, #tpu.memory_space<vmem_shared>> -> memref<112x32xbf16, #tpu.memory_space<vmem_shared>>
        %dma_wait3A_124 = arith.constant 0 : i32
        %dma_wait3A_125 = tpu.memref_slice %arg7[%add3A_108, %dma_wait3A_124] : memref<100048x32xbf16, #tpu.memory_space<vmem_shared>> -> memref<112x32xbf16, #tpu.memory_space<vmem_shared>>
        %dma_wait3A_126 = arith.constant 0 : i32
        %dma_wait3A_127 = arith.constant 0 : i32
        %dma_wait3A_128 = tpu.memref_slice %arg10[%dma_wait3A_126, %dma_wait3A_127] : memref<512x32xbf16, #tpu.memory_space<vmem>> -> memref<112x32xbf16, #tpu.memory_space<vmem>>
        tpu.wait_dma2 semaphore(%run_scoped3A : memref<!tpu.dma_semaphore, #tpu.memory_space<semaphore_mem>>) src(%dma_wait3A_128 : memref<112x32xbf16, #tpu.memory_space<vmem>>) dst(%dma_wait3A_125 : memref<112x32xbf16, #tpu.memory_space<vmem_shared>>)
        tpu.yield
      }) : () -> ()
    } else {
    }
    %eq3A = arith.constant 15 : i32
    %eq3A_26 = arith.cmpi eq, %arg1, %eq3A : i32
    %convert_element_type3A_27 = arith.extui %eq3A_26 : i1 to i32
    %cond3A_28 = arith.constant 0 : i32
    %cond3A_29 = arith.cmpi ne, %convert_element_type3A_27, %cond3A_28 : i32
    scf.if %cond3A_29 {
      %add3A_107 = arith.constant 6144 : i32
      %add3A_108 = arith.addi %mul3A_0, %add3A_107 : i32
      "tpu.region"() ({
        %run_scoped3A = tpu.sem_alloc : memref<!tpu.dma_semaphore, #tpu.memory_space<semaphore_mem>>
        %dma_start3A_109 = arith.constant 0 : i32
        %dma_start3A_110 = arith.constant 0 : i32
        %dma_start3A_111 = tpu.memref_slice %arg10[%dma_start3A_109, %dma_start3A_110] : memref<512x32xbf16, #tpu.memory_space<vmem>> -> memref<64x32xbf16, #tpu.memory_space<vmem>>
        %dma_start3A_112 = arith.constant 0 : i32
        %dma_start3A_113 = tpu.memref_slice %arg7[%add3A_108, %dma_start3A_112] : memref<100048x32xbf16, #tpu.memory_space<vmem_shared>> -> memref<64x32xbf16, #tpu.memory_space<vmem_shared>>
        %dma_start3A_114 = arith.constant 0 : i32
        %dma_start3A_115 = tpu.memref_slice %arg7[%add3A_108, %dma_start3A_114] : memref<100048x32xbf16, #tpu.memory_space<vmem_shared>> -> memref<64x32xbf16, #tpu.memory_space<vmem_shared>>
        %dma_start3A_116 = arith.constant 0 : i32
        %dma_start3A_117 = arith.constant 0 : i32
        %dma_start3A_118 = tpu.memref_slice %arg10[%dma_start3A_116, %dma_start3A_117] : memref<512x32xbf16, #tpu.memory_space<vmem>> -> memref<64x32xbf16, #tpu.memory_space<vmem>>
        tpu.enqueue_dma source(%dma_start3A_118 : memref<64x32xbf16, #tpu.memory_space<vmem>>) target(%dma_start3A_115 : memref<64x32xbf16, #tpu.memory_space<vmem_shared>>) target_semaphore(%run_scoped3A : memref<!tpu.dma_semaphore, #tpu.memory_space<semaphore_mem>>)
        %dma_wait3A_119 = arith.constant 0 : i32
        %dma_wait3A_120 = arith.constant 0 : i32
        %dma_wait3A_121 = tpu.memref_slice %arg10[%dma_wait3A_119, %dma_wait3A_120] : memref<512x32xbf16, #tpu.memory_space<vmem>> -> memref<64x32xbf16, #tpu.memory_space<vmem>>
        %dma_wait3A_122 = arith.constant 0 : i32
        %dma_wait3A_123 = tpu.memref_slice %arg7[%add3A_108, %dma_wait3A_122] : memref<100048x32xbf16, #tpu.memory_space<vmem_shared>> -> memref<64x32xbf16, #tpu.memory_space<vmem_shared>>
        %dma_wait3A_124 = arith.constant 0 : i32
        %dma_wait3A_125 = tpu.memref_slice %arg7[%add3A_108, %dma_wait3A_124] : memref<100048x32xbf16, #tpu.memory_space<vmem_shared>> -> memref<64x32xbf16, #tpu.memory_space<vmem_shared>>
        %dma_wait3A_126 = arith.constant 0 : i32
        %dma_wait3A_127 = arith.constant 0 : i32
        %dma_wait3A_128 = tpu.memref_slice %arg10[%dma_wait3A_126, %dma_wait3A_127] : memref<512x32xbf16, #tpu.memory_space<vmem>> -> memref<64x32xbf16, #tpu.memory_space<vmem>>
        tpu.wait_dma2 semaphore(%run_scoped3A : memref<!tpu.dma_semaphore, #tpu.memory_space<semaphore_mem>>) src(%dma_wait3A_128 : memref<64x32xbf16, #tpu.memory_space<vmem>>) dst(%dma_wait3A_125 : memref<64x32xbf16, #tpu.memory_space<vmem_shared>>)
        tpu.yield
      }) : () -> ()
    } else {
    }
    %barrier3A = arith.constant 0 : index
    tpu.barrier barrier_id(%barrier3A)
    %mul3A_30 = arith.constant 16 : i32
    %mul3A_31 = arith.muli %arg0, %mul3A_30 : i32
    %add3A_32 = arith.addi %mul3A_31, %arg1 : i32
    %mul3A_33 = arith.constant 100 : i32
    %mul3A_34 = arith.muli %add3A_32, %mul3A_33 : i32
    "tpu.region"() ({
      %run_scoped3A = tpu.sem_alloc : memref<!tpu.dma_semaphore, #tpu.memory_space<semaphore_mem>>
      %dma_start3A_107 = arith.constant 0 : i32
      %dma_start3A_108 = tpu.memref_slice %arg3[%mul3A_34, %dma_start3A_107] : memref<3200x512xi32, #tpu.memory_space<hbm>> -> memref<1x512xi32, #tpu.memory_space<hbm>>
      %dma_start3A_109 = tpu.memref_squeeze %dma_start3A_108 : memref<1x512xi32, #tpu.memory_space<hbm>> -> memref<512xi32, #tpu.memory_space<hbm>>
      %dma_start3A_110 = arith.constant 0 : i32
      %dma_start3A_111 = tpu.memref_slice %arg3[%mul3A_34, %dma_start3A_110] : memref<3200x512xi32, #tpu.memory_space<hbm>> -> memref<1x512xi32, #tpu.memory_space<hbm>>
      %dma_start3A_112 = tpu.memref_squeeze %dma_start3A_111 : memref<1x512xi32, #tpu.memory_space<hbm>> -> memref<512xi32, #tpu.memory_space<hbm>>
      tpu.enqueue_dma source(%dma_start3A_112 : memref<512xi32, #tpu.memory_space<hbm>>) target(%arg8 : memref<512xi32, #tpu.memory_space<vmem>>) target_semaphore(%run_scoped3A : memref<!tpu.dma_semaphore, #tpu.memory_space<semaphore_mem>>)
      %dma_wait3A_113 = arith.constant 0 : i32
      %dma_wait3A_114 = tpu.memref_slice %arg3[%mul3A_34, %dma_wait3A_113] : memref<3200x512xi32, #tpu.memory_space<hbm>> -> memref<1x512xi32, #tpu.memory_space<hbm>>
      %dma_wait3A_115 = tpu.memref_squeeze %dma_wait3A_114 : memref<1x512xi32, #tpu.memory_space<hbm>> -> memref<512xi32, #tpu.memory_space<hbm>>
      %dma_wait3A_116 = arith.constant 0 : i32
      %dma_wait3A_117 = tpu.memref_slice %arg3[%mul3A_34, %dma_wait3A_116] : memref<3200x512xi32, #tpu.memory_space<hbm>> -> memref<1x512xi32, #tpu.memory_space<hbm>>
      %dma_wait3A_118 = tpu.memref_squeeze %dma_wait3A_117 : memref<1x512xi32, #tpu.memory_space<hbm>> -> memref<512xi32, #tpu.memory_space<hbm>>
      tpu.wait_dma2 semaphore(%run_scoped3A : memref<!tpu.dma_semaphore, #tpu.memory_space<semaphore_mem>>) src(%dma_wait3A_118 : memref<512xi32, #tpu.memory_space<hbm>>) dst(%arg8 : memref<512xi32, #tpu.memory_space<vmem>>)
      tpu.yield
    }) : () -> ()
    "tpu.region"() ({
      %run_scoped3A = tpu.sem_alloc : memref<!tpu.dma_semaphore, #tpu.memory_space<semaphore_mem>>
      %dma_start3A_107 = arith.constant 0 : i32
      %dma_start3A_108 = tpu.memref_slice %arg4[%mul3A_34, %dma_start3A_107] : memref<3200x512xi32, #tpu.memory_space<hbm>> -> memref<1x512xi32, #tpu.memory_space<hbm>>
      %dma_start3A_109 = tpu.memref_squeeze %dma_start3A_108 : memref<1x512xi32, #tpu.memory_space<hbm>> -> memref<512xi32, #tpu.memory_space<hbm>>
      %dma_start3A_110 = arith.constant 0 : i32
      %dma_start3A_111 = tpu.memref_slice %arg4[%mul3A_34, %dma_start3A_110] : memref<3200x512xi32, #tpu.memory_space<hbm>> -> memref<1x512xi32, #tpu.memory_space<hbm>>
      %dma_start3A_112 = tpu.memref_squeeze %dma_start3A_111 : memref<1x512xi32, #tpu.memory_space<hbm>> -> memref<512xi32, #tpu.memory_space<hbm>>
      tpu.enqueue_dma source(%dma_start3A_112 : memref<512xi32, #tpu.memory_space<hbm>>) target(%arg9 : memref<512xi32, #tpu.memory_space<vmem>>) target_semaphore(%run_scoped3A : memref<!tpu.dma_semaphore, #tpu.memory_space<semaphore_mem>>)
      %dma_wait3A_113 = arith.constant 0 : i32
      %dma_wait3A_114 = tpu.memref_slice %arg4[%mul3A_34, %dma_wait3A_113] : memref<3200x512xi32, #tpu.memory_space<hbm>> -> memref<1x512xi32, #tpu.memory_space<hbm>>
      %dma_wait3A_115 = tpu.memref_squeeze %dma_wait3A_114 : memref<1x512xi32, #tpu.memory_space<hbm>> -> memref<512xi32, #tpu.memory_space<hbm>>
      %dma_wait3A_116 = arith.constant 0 : i32
      %dma_wait3A_117 = tpu.memref_slice %arg4[%mul3A_34, %dma_wait3A_116] : memref<3200x512xi32, #tpu.memory_space<hbm>> -> memref<1x512xi32, #tpu.memory_space<hbm>>
      %dma_wait3A_118 = tpu.memref_squeeze %dma_wait3A_117 : memref<1x512xi32, #tpu.memory_space<hbm>> -> memref<512xi32, #tpu.memory_space<hbm>>
      tpu.wait_dma2 semaphore(%run_scoped3A : memref<!tpu.dma_semaphore, #tpu.memory_space<semaphore_mem>>) src(%dma_wait3A_118 : memref<512xi32, #tpu.memory_space<hbm>>) dst(%arg9 : memref<512xi32, #tpu.memory_space<vmem>>)
      tpu.yield
    }) : () -> ()
    %dma_start3A = arith.constant 0 : i32
    %dma_start3A_35 = arith.constant 0 : i32
    %dma_start3A_36 = tpu.memref_slice %arg2[%dma_start3A, %dma_start3A_35] : memref<100000x32xbf16, #tpu.memory_space<hbm>> -> memref<100000x32xbf16, #tpu.memory_space<hbm>>
    tpu.enqueue_indirect_dma source(%dma_start3A_36 : memref<100000x32xbf16, #tpu.memory_space<hbm>>) target(%arg10 : memref<512x32xbf16, #tpu.memory_space<vmem>>) offsets(%arg8 : memref<512xi32, #tpu.memory_space<vmem>>) semaphore(%arg14 : memref<!tpu.dma_semaphore, #tpu.memory_space<semaphore_mem>>)
    %add3A_37 = arith.constant 1 : i32
    %add3A_38 = arith.addi %mul3A_34, %add3A_37 : i32
    %dma_start3A_39 = arith.constant 0 : i32
    %dma_start3A_40 = tpu.memref_slice %arg3[%add3A_38, %dma_start3A_39] : memref<3200x512xi32, #tpu.memory_space<hbm>> -> memref<1x512xi32, #tpu.memory_space<hbm>>
    %dma_start3A_41 = tpu.memref_squeeze %dma_start3A_40 : memref<1x512xi32, #tpu.memory_space<hbm>> -> memref<512xi32, #tpu.memory_space<hbm>>
    %dma_start3A_42 = arith.constant 0 : i32
    %dma_start3A_43 = tpu.memref_slice %arg3[%add3A_38, %dma_start3A_42] : memref<3200x512xi32, #tpu.memory_space<hbm>> -> memref<1x512xi32, #tpu.memory_space<hbm>>
    %dma_start3A_44 = tpu.memref_squeeze %dma_start3A_43 : memref<1x512xi32, #tpu.memory_space<hbm>> -> memref<512xi32, #tpu.memory_space<hbm>>
    tpu.enqueue_dma source(%dma_start3A_44 : memref<512xi32, #tpu.memory_space<hbm>>) target(%arg11 : memref<512xi32, #tpu.memory_space<vmem>>) target_semaphore(%arg16 : memref<!tpu.dma_semaphore, #tpu.memory_space<semaphore_mem>>)
    %add3A_45 = arith.constant 1 : i32
    %add3A_46 = arith.addi %mul3A_34, %add3A_45 : i32
    %dma_start3A_47 = arith.constant 0 : i32
    %dma_start3A_48 = tpu.memref_slice %arg4[%add3A_46, %dma_start3A_47] : memref<3200x512xi32, #tpu.memory_space<hbm>> -> memref<1x512xi32, #tpu.memory_space<hbm>>
    %dma_start3A_49 = tpu.memref_squeeze %dma_start3A_48 : memref<1x512xi32, #tpu.memory_space<hbm>> -> memref<512xi32, #tpu.memory_space<hbm>>
    %dma_start3A_50 = arith.constant 0 : i32
    %dma_start3A_51 = tpu.memref_slice %arg4[%add3A_46, %dma_start3A_50] : memref<3200x512xi32, #tpu.memory_space<hbm>> -> memref<1x512xi32, #tpu.memory_space<hbm>>
    %dma_start3A_52 = tpu.memref_squeeze %dma_start3A_51 : memref<1x512xi32, #tpu.memory_space<hbm>> -> memref<512xi32, #tpu.memory_space<hbm>>
    tpu.enqueue_dma source(%dma_start3A_52 : memref<512xi32, #tpu.memory_space<hbm>>) target(%arg12 : memref<512xi32, #tpu.memory_space<vmem>>) target_semaphore(%arg16 : memref<!tpu.dma_semaphore, #tpu.memory_space<semaphore_mem>>)
    %dma_wait3A = arith.constant 0 : i32
    %dma_wait3A_53 = arith.constant 0 : i32
    %dma_wait3A_54 = tpu.memref_slice %arg2[%dma_wait3A, %dma_wait3A_53] : memref<100000x32xbf16, #tpu.memory_space<hbm>> -> memref<100000x32xbf16, #tpu.memory_space<hbm>>
    tpu.wait_indirect_dma semaphore(%arg14 : memref<!tpu.dma_semaphore, #tpu.memory_space<semaphore_mem>>) src(%dma_wait3A_54 : memref<100000x32xbf16, #tpu.memory_space<hbm>>) dst(%arg10 : memref<512x32xbf16, #tpu.memory_space<vmem>>)
    %add3A_55 = arith.constant 1 : i32
    %add3A_56 = arith.addi %mul3A_34, %add3A_55 : i32
    %dma_wait3A_57 = arith.constant 0 : i32
    %dma_wait3A_58 = tpu.memref_slice %arg3[%add3A_56, %dma_wait3A_57] : memref<3200x512xi32, #tpu.memory_space<hbm>> -> memref<1x512xi32, #tpu.memory_space<hbm>>
    %dma_wait3A_59 = tpu.memref_squeeze %dma_wait3A_58 : memref<1x512xi32, #tpu.memory_space<hbm>> -> memref<512xi32, #tpu.memory_space<hbm>>
    %dma_wait3A_60 = arith.constant 0 : i32
    %dma_wait3A_61 = tpu.memref_slice %arg3[%add3A_56, %dma_wait3A_60] : memref<3200x512xi32, #tpu.memory_space<hbm>> -> memref<1x512xi32, #tpu.memory_space<hbm>>
    %dma_wait3A_62 = tpu.memref_squeeze %dma_wait3A_61 : memref<1x512xi32, #tpu.memory_space<hbm>> -> memref<512xi32, #tpu.memory_space<hbm>>
    tpu.wait_dma2 semaphore(%arg16 : memref<!tpu.dma_semaphore, #tpu.memory_space<semaphore_mem>>) src(%dma_wait3A_62 : memref<512xi32, #tpu.memory_space<hbm>>) dst(%arg11 : memref<512xi32, #tpu.memory_space<vmem>>)
    %add3A_63 = arith.constant 1 : i32
    %add3A_64 = arith.addi %mul3A_34, %add3A_63 : i32
    %dma_wait3A_65 = arith.constant 0 : i32
    %dma_wait3A_66 = tpu.memref_slice %arg4[%add3A_64, %dma_wait3A_65] : memref<3200x512xi32, #tpu.memory_space<hbm>> -> memref<1x512xi32, #tpu.memory_space<hbm>>
    %dma_wait3A_67 = tpu.memref_squeeze %dma_wait3A_66 : memref<1x512xi32, #tpu.memory_space<hbm>> -> memref<512xi32, #tpu.memory_space<hbm>>
    %dma_wait3A_68 = arith.constant 0 : i32
    %dma_wait3A_69 = tpu.memref_slice %arg4[%add3A_64, %dma_wait3A_68] : memref<3200x512xi32, #tpu.memory_space<hbm>> -> memref<1x512xi32, #tpu.memory_space<hbm>>
    %dma_wait3A_70 = tpu.memref_squeeze %dma_wait3A_69 : memref<1x512xi32, #tpu.memory_space<hbm>> -> memref<512xi32, #tpu.memory_space<hbm>>
    tpu.wait_dma2 semaphore(%arg16 : memref<!tpu.dma_semaphore, #tpu.memory_space<semaphore_mem>>) src(%dma_wait3A_70 : memref<512xi32, #tpu.memory_space<hbm>>) dst(%arg12 : memref<512xi32, #tpu.memory_space<vmem>>)
    %dma_start3A_71 = arith.constant 0 : i32
    %dma_start3A_72 = arith.constant 0 : i32
    %dma_start3A_73 = tpu.memref_slice %arg2[%dma_start3A_71, %dma_start3A_72] : memref<100000x32xbf16, #tpu.memory_space<hbm>> -> memref<100000x32xbf16, #tpu.memory_space<hbm>>
    tpu.enqueue_indirect_dma source(%dma_start3A_73 : memref<100000x32xbf16, #tpu.memory_space<hbm>>) target(%arg13 : memref<512x32xbf16, #tpu.memory_space<vmem>>) offsets(%arg11 : memref<512xi32, #tpu.memory_space<vmem>>) semaphore(%arg14 : memref<!tpu.dma_semaphore, #tpu.memory_space<semaphore_mem>>)
    %dma_start3A_74 = arith.constant 0 : i32
    %dma_start3A_75 = arith.constant 0 : i32
    %dma_start3A_76 = tpu.memref_slice %arg7[%dma_start3A_74, %dma_start3A_75] : memref<100048x32xbf16, #tpu.memory_space<vmem_shared>> -> memref<100048x32xbf16, #tpu.memory_space<vmem_shared>>
    tpu.enqueue_indirect_dma source(%arg10 : memref<512x32xbf16, #tpu.memory_space<vmem>>) target(%dma_start3A_76 : memref<100048x32xbf16, #tpu.memory_space<vmem_shared>>) offsets(%arg9 : memref<512xi32, #tpu.memory_space<vmem>>) semaphore(%arg15 : memref<!tpu.dma_semaphore, #tpu.memory_space<semaphore_mem>>) {add = true}
    %scan3A = arith.constant 0 : i32
    %scan3A_77 = arith.constant 0 : i32
    %scan3A_78 = arith.constant 49 : i32
    %scan3A_79 = arith.addi %scan3A_77, %scan3A_78 : i32
    %scan3A_80 = arith.constant 1 : i32
    scf.for %scan3A_107 = %scan3A_77 to %scan3A_79 step %scan3A_80  : i32 {
      %mul3A_108 = arith.constant 2 : i32
      %mul3A_109 = arith.muli %mul3A_108, %scan3A_107 : i32
      %add3A_110 = arith.constant 1 : i32
      %add3A_111 = arith.addi %add3A_110, %mul3A_109 : i32
      %add3A_112 = arith.constant 0 : i32
      %add3A_113 = arith.addi %add3A_111, %add3A_112 : i32
      %dma_wait3A_114 = arith.constant 0 : i32
      %dma_wait3A_115 = arith.constant 0 : i32
      %dma_wait3A_116 = tpu.memref_slice %arg7[%dma_wait3A_114, %dma_wait3A_115] : memref<100048x32xbf16, #tpu.memory_space<vmem_shared>> -> memref<100048x32xbf16, #tpu.memory_space<vmem_shared>>
      tpu.wait_indirect_dma semaphore(%arg15 : memref<!tpu.dma_semaphore, #tpu.memory_space<semaphore_mem>>) src(%arg10 : memref<512x32xbf16, #tpu.memory_space<vmem>>) dst(%dma_wait3A_116 : memref<100048x32xbf16, #tpu.memory_space<vmem_shared>>)
      %add3A_117 = arith.constant 1 : i32
      %add3A_118 = arith.addi %add3A_113, %add3A_117 : i32
      %add3A_119 = arith.addi %mul3A_34, %add3A_118 : i32
      %dma_start3A_120 = arith.constant 0 : i32
      %dma_start3A_121 = tpu.memref_slice %arg3[%add3A_119, %dma_start3A_120] : memref<3200x512xi32, #tpu.memory_space<hbm>> -> memref<1x512xi32, #tpu.memory_space<hbm>>
      %dma_start3A_122 = tpu.memref_squeeze %dma_start3A_121 : memref<1x512xi32, #tpu.memory_space<hbm>> -> memref<512xi32, #tpu.memory_space<hbm>>
      %dma_start3A_123 = arith.constant 0 : i32
      %dma_start3A_124 = tpu.memref_slice %arg3[%add3A_119, %dma_start3A_123] : memref<3200x512xi32, #tpu.memory_space<hbm>> -> memref<1x512xi32, #tpu.memory_space<hbm>>
      %dma_start3A_125 = tpu.memref_squeeze %dma_start3A_124 : memref<1x512xi32, #tpu.memory_space<hbm>> -> memref<512xi32, #tpu.memory_space<hbm>>
      tpu.enqueue_dma source(%dma_start3A_125 : memref<512xi32, #tpu.memory_space<hbm>>) target(%arg8 : memref<512xi32, #tpu.memory_space<vmem>>) target_semaphore(%arg16 : memref<!tpu.dma_semaphore, #tpu.memory_space<semaphore_mem>>)
      %add3A_126 = arith.addi %mul3A_34, %add3A_118 : i32
      %dma_start3A_127 = arith.constant 0 : i32
      %dma_start3A_128 = tpu.memref_slice %arg4[%add3A_126, %dma_start3A_127] : memref<3200x512xi32, #tpu.memory_space<hbm>> -> memref<1x512xi32, #tpu.memory_space<hbm>>
      %dma_start3A_129 = tpu.memref_squeeze %dma_start3A_128 : memref<1x512xi32, #tpu.memory_space<hbm>> -> memref<512xi32, #tpu.memory_space<hbm>>
      %dma_start3A_130 = arith.constant 0 : i32
      %dma_start3A_131 = tpu.memref_slice %arg4[%add3A_126, %dma_start3A_130] : memref<3200x512xi32, #tpu.memory_space<hbm>> -> memref<1x512xi32, #tpu.memory_space<hbm>>
      %dma_start3A_132 = tpu.memref_squeeze %dma_start3A_131 : memref<1x512xi32, #tpu.memory_space<hbm>> -> memref<512xi32, #tpu.memory_space<hbm>>
      tpu.enqueue_dma source(%dma_start3A_132 : memref<512xi32, #tpu.memory_space<hbm>>) target(%arg9 : memref<512xi32, #tpu.memory_space<vmem>>) target_semaphore(%arg16 : memref<!tpu.dma_semaphore, #tpu.memory_space<semaphore_mem>>)
      %dma_wait3A_133 = arith.constant 0 : i32
      %dma_wait3A_134 = arith.constant 0 : i32
      %dma_wait3A_135 = tpu.memref_slice %arg2[%dma_wait3A_133, %dma_wait3A_134] : memref<100000x32xbf16, #tpu.memory_space<hbm>> -> memref<100000x32xbf16, #tpu.memory_space<hbm>>
      tpu.wait_indirect_dma semaphore(%arg14 : memref<!tpu.dma_semaphore, #tpu.memory_space<semaphore_mem>>) src(%dma_wait3A_135 : memref<100000x32xbf16, #tpu.memory_space<hbm>>) dst(%arg13 : memref<512x32xbf16, #tpu.memory_space<vmem>>)
      %add3A_136 = arith.constant 1 : i32
      %add3A_137 = arith.addi %add3A_113, %add3A_136 : i32
      %add3A_138 = arith.addi %mul3A_34, %add3A_137 : i32
      %dma_wait3A_139 = arith.constant 0 : i32
      %dma_wait3A_140 = tpu.memref_slice %arg3[%add3A_138, %dma_wait3A_139] : memref<3200x512xi32, #tpu.memory_space<hbm>> -> memref<1x512xi32, #tpu.memory_space<hbm>>
      %dma_wait3A_141 = tpu.memref_squeeze %dma_wait3A_140 : memref<1x512xi32, #tpu.memory_space<hbm>> -> memref<512xi32, #tpu.memory_space<hbm>>
      %dma_wait3A_142 = arith.constant 0 : i32
      %dma_wait3A_143 = tpu.memref_slice %arg3[%add3A_138, %dma_wait3A_142] : memref<3200x512xi32, #tpu.memory_space<hbm>> -> memref<1x512xi32, #tpu.memory_space<hbm>>
      %dma_wait3A_144 = tpu.memref_squeeze %dma_wait3A_143 : memref<1x512xi32, #tpu.memory_space<hbm>> -> memref<512xi32, #tpu.memory_space<hbm>>
      tpu.wait_dma2 semaphore(%arg16 : memref<!tpu.dma_semaphore, #tpu.memory_space<semaphore_mem>>) src(%dma_wait3A_144 : memref<512xi32, #tpu.memory_space<hbm>>) dst(%arg8 : memref<512xi32, #tpu.memory_space<vmem>>)
      %add3A_145 = arith.addi %mul3A_34, %add3A_137 : i32
      %dma_wait3A_146 = arith.constant 0 : i32
      %dma_wait3A_147 = tpu.memref_slice %arg4[%add3A_145, %dma_wait3A_146] : memref<3200x512xi32, #tpu.memory_space<hbm>> -> memref<1x512xi32, #tpu.memory_space<hbm>>
      %dma_wait3A_148 = tpu.memref_squeeze %dma_wait3A_147 : memref<1x512xi32, #tpu.memory_space<hbm>> -> memref<512xi32, #tpu.memory_space<hbm>>
      %dma_wait3A_149 = arith.constant 0 : i32
      %dma_wait3A_150 = tpu.memref_slice %arg4[%add3A_145, %dma_wait3A_149] : memref<3200x512xi32, #tpu.memory_space<hbm>> -> memref<1x512xi32, #tpu.memory_space<hbm>>
      %dma_wait3A_151 = tpu.memref_squeeze %dma_wait3A_150 : memref<1x512xi32, #tpu.memory_space<hbm>> -> memref<512xi32, #tpu.memory_space<hbm>>
      tpu.wait_dma2 semaphore(%arg16 : memref<!tpu.dma_semaphore, #tpu.memory_space<semaphore_mem>>) src(%dma_wait3A_151 : memref<512xi32, #tpu.memory_space<hbm>>) dst(%arg9 : memref<512xi32, #tpu.memory_space<vmem>>)
      %dma_start3A_152 = arith.constant 0 : i32
      %dma_start3A_153 = arith.constant 0 : i32
      %dma_start3A_154 = tpu.memref_slice %arg2[%dma_start3A_152, %dma_start3A_153] : memref<100000x32xbf16, #tpu.memory_space<hbm>> -> memref<100000x32xbf16, #tpu.memory_space<hbm>>
      tpu.enqueue_indirect_dma source(%dma_start3A_154 : memref<100000x32xbf16, #tpu.memory_space<hbm>>) target(%arg10 : memref<512x32xbf16, #tpu.memory_space<vmem>>) offsets(%arg8 : memref<512xi32, #tpu.memory_space<vmem>>) semaphore(%arg14 : memref<!tpu.dma_semaphore, #tpu.memory_space<semaphore_mem>>)
      %dma_start3A_155 = arith.constant 0 : i32
      %dma_start3A_156 = arith.constant 0 : i32
      %dma_start3A_157 = tpu.memref_slice %arg7[%dma_start3A_155, %dma_start3A_156] : memref<100048x32xbf16, #tpu.memory_space<vmem_shared>> -> memref<100048x32xbf16, #tpu.memory_space<vmem_shared>>
      tpu.enqueue_indirect_dma source(%arg13 : memref<512x32xbf16, #tpu.memory_space<vmem>>) target(%dma_start3A_157 : memref<100048x32xbf16, #tpu.memory_space<vmem_shared>>) offsets(%arg12 : memref<512xi32, #tpu.memory_space<vmem>>) semaphore(%arg15 : memref<!tpu.dma_semaphore, #tpu.memory_space<semaphore_mem>>) {add = true}
      %add3A_158 = arith.constant 1 : i32
      %add3A_159 = arith.addi %add3A_111, %add3A_158 : i32
      %dma_wait3A_160 = arith.constant 0 : i32
      %dma_wait3A_161 = arith.constant 0 : i32
      %dma_wait3A_162 = tpu.memref_slice %arg7[%dma_wait3A_160, %dma_wait3A_161] : memref<100048x32xbf16, #tpu.memory_space<vmem_shared>> -> memref<100048x32xbf16, #tpu.memory_space<vmem_shared>>
      tpu.wait_indirect_dma semaphore(%arg15 : memref<!tpu.dma_semaphore, #tpu.memory_space<semaphore_mem>>) src(%arg13 : memref<512x32xbf16, #tpu.memory_space<vmem>>) dst(%dma_wait3A_162 : memref<100048x32xbf16, #tpu.memory_space<vmem_shared>>)
      %add3A_163 = arith.constant 1 : i32
      %add3A_164 = arith.addi %add3A_159, %add3A_163 : i32
      %add3A_165 = arith.addi %mul3A_34, %add3A_164 : i32
      %dma_start3A_166 = arith.constant 0 : i32
      %dma_start3A_167 = tpu.memref_slice %arg3[%add3A_165, %dma_start3A_166] : memref<3200x512xi32, #tpu.memory_space<hbm>> -> memref<1x512xi32, #tpu.memory_space<hbm>>
      %dma_start3A_168 = tpu.memref_squeeze %dma_start3A_167 : memref<1x512xi32, #tpu.memory_space<hbm>> -> memref<512xi32, #tpu.memory_space<hbm>>
      %dma_start3A_169 = arith.constant 0 : i32
      %dma_start3A_170 = tpu.memref_slice %arg3[%add3A_165, %dma_start3A_169] : memref<3200x512xi32, #tpu.memory_space<hbm>> -> memref<1x512xi32, #tpu.memory_space<hbm>>
      %dma_start3A_171 = tpu.memref_squeeze %dma_start3A_170 : memref<1x512xi32, #tpu.memory_space<hbm>> -> memref<512xi32, #tpu.memory_space<hbm>>
      tpu.enqueue_dma source(%dma_start3A_171 : memref<512xi32, #tpu.memory_space<hbm>>) target(%arg11 : memref<512xi32, #tpu.memory_space<vmem>>) target_semaphore(%arg16 : memref<!tpu.dma_semaphore, #tpu.memory_space<semaphore_mem>>)
      %add3A_172 = arith.addi %mul3A_34, %add3A_164 : i32
      %dma_start3A_173 = arith.constant 0 : i32
      %dma_start3A_174 = tpu.memref_slice %arg4[%add3A_172, %dma_start3A_173] : memref<3200x512xi32, #tpu.memory_space<hbm>> -> memref<1x512xi32, #tpu.memory_space<hbm>>
      %dma_start3A_175 = tpu.memref_squeeze %dma_start3A_174 : memref<1x512xi32, #tpu.memory_space<hbm>> -> memref<512xi32, #tpu.memory_space<hbm>>
      %dma_start3A_176 = arith.constant 0 : i32
      %dma_start3A_177 = tpu.memref_slice %arg4[%add3A_172, %dma_start3A_176] : memref<3200x512xi32, #tpu.memory_space<hbm>> -> memref<1x512xi32, #tpu.memory_space<hbm>>
      %dma_start3A_178 = tpu.memref_squeeze %dma_start3A_177 : memref<1x512xi32, #tpu.memory_space<hbm>> -> memref<512xi32, #tpu.memory_space<hbm>>
      tpu.enqueue_dma source(%dma_start3A_178 : memref<512xi32, #tpu.memory_space<hbm>>) target(%arg12 : memref<512xi32, #tpu.memory_space<vmem>>) target_semaphore(%arg16 : memref<!tpu.dma_semaphore, #tpu.memory_space<semaphore_mem>>)
      %dma_wait3A_179 = arith.constant 0 : i32
      %dma_wait3A_180 = arith.constant 0 : i32
      %dma_wait3A_181 = tpu.memref_slice %arg2[%dma_wait3A_179, %dma_wait3A_180] : memref<100000x32xbf16, #tpu.memory_space<hbm>> -> memref<100000x32xbf16, #tpu.memory_space<hbm>>
      tpu.wait_indirect_dma semaphore(%arg14 : memref<!tpu.dma_semaphore, #tpu.memory_space<semaphore_mem>>) src(%dma_wait3A_181 : memref<100000x32xbf16, #tpu.memory_space<hbm>>) dst(%arg10 : memref<512x32xbf16, #tpu.memory_space<vmem>>)
      %add3A_182 = arith.constant 1 : i32
      %add3A_183 = arith.addi %add3A_159, %add3A_182 : i32
      %add3A_184 = arith.addi %mul3A_34, %add3A_183 : i32
      %dma_wait3A_185 = arith.constant 0 : i32
      %dma_wait3A_186 = tpu.memref_slice %arg3[%add3A_184, %dma_wait3A_185] : memref<3200x512xi32, #tpu.memory_space<hbm>> -> memref<1x512xi32, #tpu.memory_space<hbm>>
      %dma_wait3A_187 = tpu.memref_squeeze %dma_wait3A_186 : memref<1x512xi32, #tpu.memory_space<hbm>> -> memref<512xi32, #tpu.memory_space<hbm>>
      %dma_wait3A_188 = arith.constant 0 : i32
      %dma_wait3A_189 = tpu.memref_slice %arg3[%add3A_184, %dma_wait3A_188] : memref<3200x512xi32, #tpu.memory_space<hbm>> -> memref<1x512xi32, #tpu.memory_space<hbm>>
      %dma_wait3A_190 = tpu.memref_squeeze %dma_wait3A_189 : memref<1x512xi32, #tpu.memory_space<hbm>> -> memref<512xi32, #tpu.memory_space<hbm>>
      tpu.wait_dma2 semaphore(%arg16 : memref<!tpu.dma_semaphore, #tpu.memory_space<semaphore_mem>>) src(%dma_wait3A_190 : memref<512xi32, #tpu.memory_space<hbm>>) dst(%arg11 : memref<512xi32, #tpu.memory_space<vmem>>)
      %add3A_191 = arith.addi %mul3A_34, %add3A_183 : i32
      %dma_wait3A_192 = arith.constant 0 : i32
      %dma_wait3A_193 = tpu.memref_slice %arg4[%add3A_191, %dma_wait3A_192] : memref<3200x512xi32, #tpu.memory_space<hbm>> -> memref<1x512xi32, #tpu.memory_space<hbm>>
      %dma_wait3A_194 = tpu.memref_squeeze %dma_wait3A_193 : memref<1x512xi32, #tpu.memory_space<hbm>> -> memref<512xi32, #tpu.memory_space<hbm>>
      %dma_wait3A_195 = arith.constant 0 : i32
      %dma_wait3A_196 = tpu.memref_slice %arg4[%add3A_191, %dma_wait3A_195] : memref<3200x512xi32, #tpu.memory_space<hbm>> -> memref<1x512xi32, #tpu.memory_space<hbm>>
      %dma_wait3A_197 = tpu.memref_squeeze %dma_wait3A_196 : memref<1x512xi32, #tpu.memory_space<hbm>> -> memref<512xi32, #tpu.memory_space<hbm>>
      tpu.wait_dma2 semaphore(%arg16 : memref<!tpu.dma_semaphore, #tpu.memory_space<semaphore_mem>>) src(%dma_wait3A_197 : memref<512xi32, #tpu.memory_space<hbm>>) dst(%arg12 : memref<512xi32, #tpu.memory_space<vmem>>)
      %dma_start3A_198 = arith.constant 0 : i32
      %dma_start3A_199 = arith.constant 0 : i32
      %dma_start3A_200 = tpu.memref_slice %arg2[%dma_start3A_198, %dma_start3A_199] : memref<100000x32xbf16, #tpu.memory_space<hbm>> -> memref<100000x32xbf16, #tpu.memory_space<hbm>>
      tpu.enqueue_indirect_dma source(%dma_start3A_200 : memref<100000x32xbf16, #tpu.memory_space<hbm>>) target(%arg13 : memref<512x32xbf16, #tpu.memory_space<vmem>>) offsets(%arg11 : memref<512xi32, #tpu.memory_space<vmem>>) semaphore(%arg14 : memref<!tpu.dma_semaphore, #tpu.memory_space<semaphore_mem>>)
      %dma_start3A_201 = arith.constant 0 : i32
      %dma_start3A_202 = arith.constant 0 : i32
      %dma_start3A_203 = tpu.memref_slice %arg7[%dma_start3A_201, %dma_start3A_202] : memref<100048x32xbf16, #tpu.memory_space<vmem_shared>> -> memref<100048x32xbf16, #tpu.memory_space<vmem_shared>>
      tpu.enqueue_indirect_dma source(%arg10 : memref<512x32xbf16, #tpu.memory_space<vmem>>) target(%dma_start3A_203 : memref<100048x32xbf16, #tpu.memory_space<vmem_shared>>) offsets(%arg9 : memref<512xi32, #tpu.memory_space<vmem>>) semaphore(%arg15 : memref<!tpu.dma_semaphore, #tpu.memory_space<semaphore_mem>>) {add = true}
    }
    %scan3A_81 = arith.constant 49 : i32
    %dma_wait3A_82 = arith.constant 0 : i32
    %dma_wait3A_83 = arith.constant 0 : i32
    %dma_wait3A_84 = tpu.memref_slice %arg7[%dma_wait3A_82, %dma_wait3A_83] : memref<100048x32xbf16, #tpu.memory_space<vmem_shared>> -> memref<100048x32xbf16, #tpu.memory_space<vmem_shared>>
    tpu.wait_indirect_dma semaphore(%arg15 : memref<!tpu.dma_semaphore, #tpu.memory_space<semaphore_mem>>) src(%arg10 : memref<512x32xbf16, #tpu.memory_space<vmem>>) dst(%dma_wait3A_84 : memref<100048x32xbf16, #tpu.memory_space<vmem_shared>>)
    %dma_wait3A_85 = arith.constant 0 : i32
    %dma_wait3A_86 = arith.constant 0 : i32
    %dma_wait3A_87 = tpu.memref_slice %arg2[%dma_wait3A_85, %dma_wait3A_86] : memref<100000x32xbf16, #tpu.memory_space<hbm>> -> memref<100000x32xbf16, #tpu.memory_space<hbm>>
    tpu.wait_indirect_dma semaphore(%arg14 : memref<!tpu.dma_semaphore, #tpu.memory_space<semaphore_mem>>) src(%dma_wait3A_87 : memref<100000x32xbf16, #tpu.memory_space<hbm>>) dst(%arg13 : memref<512x32xbf16, #tpu.memory_space<vmem>>)
    %dma_start3A_88 = arith.constant 0 : i32
    %dma_start3A_89 = arith.constant 0 : i32
    %dma_start3A_90 = tpu.memref_slice %arg7[%dma_start3A_88, %dma_start3A_89] : memref<100048x32xbf16, #tpu.memory_space<vmem_shared>> -> memref<100048x32xbf16, #tpu.memory_space<vmem_shared>>
    tpu.enqueue_indirect_dma source(%arg13 : memref<512x32xbf16, #tpu.memory_space<vmem>>) target(%dma_start3A_90 : memref<100048x32xbf16, #tpu.memory_space<vmem_shared>>) offsets(%arg12 : memref<512xi32, #tpu.memory_space<vmem>>) semaphore(%arg15 : memref<!tpu.dma_semaphore, #tpu.memory_space<semaphore_mem>>) {add = true}
    %dma_wait3A_91 = arith.constant 0 : i32
    %dma_wait3A_92 = arith.constant 0 : i32
    %dma_wait3A_93 = tpu.memref_slice %arg7[%dma_wait3A_91, %dma_wait3A_92] : memref<100048x32xbf16, #tpu.memory_space<vmem_shared>> -> memref<100048x32xbf16, #tpu.memory_space<vmem_shared>>
    tpu.wait_indirect_dma semaphore(%arg15 : memref<!tpu.dma_semaphore, #tpu.memory_space<semaphore_mem>>) src(%arg13 : memref<512x32xbf16, #tpu.memory_space<vmem>>) dst(%dma_wait3A_93 : memref<100048x32xbf16, #tpu.memory_space<vmem_shared>>)
    %barrier3A_94 = arith.constant 0 : index
    tpu.barrier barrier_id(%barrier3A_94)
    %mul3A_95 = arith.constant 6256 : i32
    %mul3A_96 = arith.muli %arg1, %mul3A_95 : i32
    %lt3A_97 = arith.constant 15 : i32
    %lt3A_98 = arith.cmpi slt, %arg1, %lt3A_97 : i32
    %convert_element_type3A_99 = arith.extui %lt3A_98 : i1 to i32
    %cond3A_100 = arith.constant 0 : i32
    %cond3A_101 = arith.cmpi ne, %convert_element_type3A_99, %cond3A_100 : i32
    scf.if %cond3A_101 {
      "tpu.region"() ({
        %run_scoped3A = tpu.sem_alloc : memref<!tpu.dma_semaphore, #tpu.memory_space<semaphore_mem>>
        %dma_start3A_107 = arith.constant 0 : i32
        %dma_start3A_108 = arith.constant 0 : i32
        %dma_start3A_109 = tpu.memref_slice %arg6[%arg0, %dma_start3A_107, %dma_start3A_108] : memref<2x100000x32xbf16, #tpu.memory_space<hbm>> -> memref<1x100000x32xbf16, #tpu.memory_space<hbm>>
        %dma_start3A_110 = tpu.memref_squeeze %dma_start3A_109 : memref<1x100000x32xbf16, #tpu.memory_space<hbm>> -> memref<100000x32xbf16, #tpu.memory_space<hbm>>
        %dma_start3A_111 = arith.constant 0 : i32
        %dma_start3A_112 = tpu.memref_slice %dma_start3A_110[%mul3A_96, %dma_start3A_111] : memref<100000x32xbf16, #tpu.memory_space<hbm>> -> memref<6256x32xbf16, #tpu.memory_space<hbm>>
        %dma_start3A_113 = arith.constant 0 : i32
        %dma_start3A_114 = tpu.memref_slice %arg7[%mul3A_96, %dma_start3A_113] : memref<100048x32xbf16, #tpu.memory_space<vmem_shared>> -> memref<6256x32xbf16, #tpu.memory_space<vmem_shared>>
        tpu.enqueue_dma source(%dma_start3A_114 : memref<6256x32xbf16, #tpu.memory_space<vmem_shared>>) target(%dma_start3A_112 : memref<6256x32xbf16, #tpu.memory_space<hbm>>) target_semaphore(%run_scoped3A : memref<!tpu.dma_semaphore, #tpu.memory_space<semaphore_mem>>)
        %dma_wait3A_115 = arith.constant 0 : i32
        %dma_wait3A_116 = arith.constant 0 : i32
        %dma_wait3A_117 = tpu.memref_slice %arg6[%arg0, %dma_wait3A_115, %dma_wait3A_116] : memref<2x100000x32xbf16, #tpu.memory_space<hbm>> -> memref<1x100000x32xbf16, #tpu.memory_space<hbm>>
        %dma_wait3A_118 = tpu.memref_squeeze %dma_wait3A_117 : memref<1x100000x32xbf16, #tpu.memory_space<hbm>> -> memref<100000x32xbf16, #tpu.memory_space<hbm>>
        %dma_wait3A_119 = arith.constant 0 : i32
        %dma_wait3A_120 = tpu.memref_slice %dma_wait3A_118[%mul3A_96, %dma_wait3A_119] : memref<100000x32xbf16, #tpu.memory_space<hbm>> -> memref<6256x32xbf16, #tpu.memory_space<hbm>>
        %dma_wait3A_121 = arith.constant 0 : i32
        %dma_wait3A_122 = tpu.memref_slice %arg7[%mul3A_96, %dma_wait3A_121] : memref<100048x32xbf16, #tpu.memory_space<vmem_shared>> -> memref<6256x32xbf16, #tpu.memory_space<vmem_shared>>
        tpu.wait_dma2 semaphore(%run_scoped3A : memref<!tpu.dma_semaphore, #tpu.memory_space<semaphore_mem>>) src(%dma_wait3A_122 : memref<6256x32xbf16, #tpu.memory_space<vmem_shared>>) dst(%dma_wait3A_120 : memref<6256x32xbf16, #tpu.memory_space<hbm>>)
        tpu.yield
      }) : () -> ()
    } else {
    }
    %eq3A_102 = arith.constant 15 : i32
    %eq3A_103 = arith.cmpi eq, %arg1, %eq3A_102 : i32
    %convert_element_type3A_104 = arith.extui %eq3A_103 : i1 to i32
    %cond3A_105 = arith.constant 0 : i32
    %cond3A_106 = arith.cmpi ne, %convert_element_type3A_104, %cond3A_105 : i32
    scf.if %cond3A_106 {
      "tpu.region"() ({
        %run_scoped3A = tpu.sem_alloc : memref<!tpu.dma_semaphore, #tpu.memory_space<semaphore_mem>>
        %dma_start3A_107 = arith.constant 0 : i32
        %dma_start3A_108 = arith.constant 0 : i32
        %dma_start3A_109 = tpu.memref_slice %arg6[%arg0, %dma_start3A_107, %dma_start3A_108] : memref<2x100000x32xbf16, #tpu.memory_space<hbm>> -> memref<1x100000x32xbf16, #tpu.memory_space<hbm>>
        %dma_start3A_110 = tpu.memref_squeeze %dma_start3A_109 : memref<1x100000x32xbf16, #tpu.memory_space<hbm>> -> memref<100000x32xbf16, #tpu.memory_space<hbm>>
        %dma_start3A_111 = arith.constant 0 : i32
        %dma_start3A_112 = tpu.memref_slice %dma_start3A_110[%mul3A_96, %dma_start3A_111] : memref<100000x32xbf16, #tpu.memory_space<hbm>> -> memref<6160x32xbf16, #tpu.memory_space<hbm>>
        %dma_start3A_113 = arith.constant 0 : i32
        %dma_start3A_114 = tpu.memref_slice %arg7[%mul3A_96, %dma_start3A_113] : memref<100048x32xbf16, #tpu.memory_space<vmem_shared>> -> memref<6160x32xbf16, #tpu.memory_space<vmem_shared>>
        tpu.enqueue_dma source(%dma_start3A_114 : memref<6160x32xbf16, #tpu.memory_space<vmem_shared>>) target(%dma_start3A_112 : memref<6160x32xbf16, #tpu.memory_space<hbm>>) target_semaphore(%run_scoped3A : memref<!tpu.dma_semaphore, #tpu.memory_space<semaphore_mem>>)
        %dma_wait3A_115 = arith.constant 0 : i32
        %dma_wait3A_116 = arith.constant 0 : i32
        %dma_wait3A_117 = tpu.memref_slice %arg6[%arg0, %dma_wait3A_115, %dma_wait3A_116] : memref<2x100000x32xbf16, #tpu.memory_space<hbm>> -> memref<1x100000x32xbf16, #tpu.memory_space<hbm>>
        %dma_wait3A_118 = tpu.memref_squeeze %dma_wait3A_117 : memref<1x100000x32xbf16, #tpu.memory_space<hbm>> -> memref<100000x32xbf16, #tpu.memory_space<hbm>>
        %dma_wait3A_119 = arith.constant 0 : i32
        %dma_wait3A_120 = tpu.memref_slice %dma_wait3A_118[%mul3A_96, %dma_wait3A_119] : memref<100000x32xbf16, #tpu.memory_space<hbm>> -> memref<6160x32xbf16, #tpu.memory_space<hbm>>
        %dma_wait3A_121 = arith.constant 0 : i32
        %dma_wait3A_122 = tpu.memref_slice %arg7[%mul3A_96, %dma_wait3A_121] : memref<100048x32xbf16, #tpu.memory_space<vmem_shared>> -> memref<6160x32xbf16, #tpu.memory_space<vmem_shared>>
        tpu.wait_dma2 semaphore(%run_scoped3A : memref<!tpu.dma_semaphore, #tpu.memory_space<semaphore_mem>>) src(%dma_wait3A_122 : memref<6160x32xbf16, #tpu.memory_space<vmem_shared>>) dst(%dma_wait3A_120 : memref<6160x32xbf16, #tpu.memory_space<hbm>>)
        tpu.yield
      }) : () -> ()
    } else {
    }
    return
  }
}

#map = affine_map<(d0, d1) -> (0, 0)>
#map1 = affine_map<(d0, d1) -> (0, 0, 0)>
module attributes {stable_mosaic.version = 14 : i64} {
  func.func @_shift_body(%arg0: i32, %arg1: i32, %arg2: memref<100000x32xbf16, #tpu.memory_space<hbm>>, %arg3: memref<3200x512xi32, #tpu.memory_space<hbm>>, %arg4: memref<3200x512xi32, #tpu.memory_space<hbm>>, %arg5: memref<512x32xbf16, #tpu.memory_space<hbm>>, %arg6: memref<2x100000x32xbf16, #tpu.memory_space<hbm>>, %arg7: memref<100048x32xbf16, #tpu.memory_space<vmem_shared>>, %arg8: memref<512xi32, #tpu.memory_space<vmem>>, %arg9: memref<512xi32, #tpu.memory_space<vmem>>, %arg10: memref<512x32xbf16, #tpu.memory_space<vmem>>, %arg11: memref<512xi32, #tpu.memory_space<vmem>>, %arg12: memref<512xi32, #tpu.memory_space<vmem>>, %arg13: memref<512x32xbf16, #tpu.memory_space<vmem>>, %arg14: memref<!tpu.dma_semaphore, #tpu.memory_space<semaphore_mem>>, %arg15: memref<!tpu.dma_semaphore, #tpu.memory_space<semaphore_mem>>, %arg16: memref<!tpu.dma_semaphore, #tpu.memory_space<semaphore_mem>>) attributes {dimension_semantics = [#tpu.dimension_semantics<core_parallel>, #tpu.dimension_semantics<subcore_parallel>], iteration_bounds = array<i64: 2, 16>, scalar_prefetch = 0 : i64, scratch_operands = 10 : i64, tpu.core_type = #tpu.core_type<sc_vector_subcore>, window_params = [{transform_indices = #map}, {transform_indices = #map}, {transform_indices = #map}, {transform_indices = #map}, {transform_indices = #map1}]} {
    "tpu.region"() ({
      %run_scoped3A = tpu.sem_alloc : memref<!tpu.dma_semaphore, #tpu.memory_space<semaphore_mem>>
      tpu.enqueue_dma source(%arg5 : memref<512x32xbf16, #tpu.memory_space<hbm>>) target(%arg10 : memref<512x32xbf16, #tpu.memory_space<vmem>>) target_semaphore(%run_scoped3A : memref<!tpu.dma_semaphore, #tpu.memory_space<semaphore_mem>>)
      tpu.wait_dma2 semaphore(%run_scoped3A : memref<!tpu.dma_semaphore, #tpu.memory_space<semaphore_mem>>) src(%arg5 : memref<512x32xbf16, #tpu.memory_space<hbm>>) dst(%arg10 : memref<512x32xbf16, #tpu.memory_space<vmem>>)
      tpu.yield
    }) : () -> ()
    %mul3A = arith.constant 6256 : i32
    %mul3A_0 = arith.muli %arg1, %mul3A : i32
    %add3A = arith.constant 0 : i32
    %add3A_1 = arith.addi %mul3A_0, %add3A : i32
    "tpu.region"() ({
      %run_scoped3A = tpu.sem_alloc : memref<!tpu.dma_semaphore, #tpu.memory_space<semaphore_mem>>
      %dma_start3A_107 = arith.constant 0 : i32
      %dma_start3A_108 = arith.constant 0 : i32
      %dma_start3A_109 = tpu.memref_slice %arg10[%dma_start3A_107, %dma_start3A_108] : memref<512x32xbf16, #tpu.memory_space<vmem>> -> memref<512x32xbf16, #tpu.memory_space<vmem>>
      %dma_start3A_110 = arith.constant 0 : i32
      %dma_start3A_111 = tpu.memref_slice %arg7[%add3A_1, %dma_start3A_110] : memref<100048x32xbf16, #tpu.memory_space<vmem_shared>> -> memref<512x32xbf16, #tpu.memory_space<vmem_shared>>
      %dma_start3A_112 = arith.constant 0 : i32
      %dma_start3A_113 = tpu.memref_slice %arg7[%add3A_1, %dma_start3A_112] : memref<100048x32xbf16, #tpu.memory_space<vmem_shared>> -> memref<512x32xbf16, #tpu.memory_space<vmem_shared>>
      %dma_start3A_114 = arith.constant 0 : i32
      %dma_start3A_115 = arith.constant 0 : i32
      %dma_start3A_116 = tpu.memref_slice %arg10[%dma_start3A_114, %dma_start3A_115] : memref<512x32xbf16, #tpu.memory_space<vmem>> -> memref<512x32xbf16, #tpu.memory_space<vmem>>
      tpu.enqueue_dma source(%dma_start3A_116 : memref<512x32xbf16, #tpu.memory_space<vmem>>) target(%dma_start3A_113 : memref<512x32xbf16, #tpu.memory_space<vmem_shared>>) target_semaphore(%run_scoped3A : memref<!tpu.dma_semaphore, #tpu.memory_space<semaphore_mem>>)
      %dma_wait3A_117 = arith.constant 0 : i32
      %dma_wait3A_118 = arith.constant 0 : i32
      %dma_wait3A_119 = tpu.memref_slice %arg10[%dma_wait3A_117, %dma_wait3A_118] : memref<512x32xbf16, #tpu.memory_space<vmem>> -> memref<512x32xbf16, #tpu.memory_space<vmem>>
      %dma_wait3A_120 = arith.constant 0 : i32
      %dma_wait3A_121 = tpu.memref_slice %arg7[%add3A_1, %dma_wait3A_120] : memref<100048x32xbf16, #tpu.memory_space<vmem_shared>> -> memref<512x32xbf16, #tpu.memory_space<vmem_shared>>
      %dma_wait3A_122 = arith.constant 0 : i32
      %dma_wait3A_123 = tpu.memref_slice %arg7[%add3A_1, %dma_wait3A_122] : memref<100048x32xbf16, #tpu.memory_space<vmem_shared>> -> memref<512x32xbf16, #tpu.memory_space<vmem_shared>>
      %dma_wait3A_124 = arith.constant 0 : i32
      %dma_wait3A_125 = arith.constant 0 : i32
      %dma_wait3A_126 = tpu.memref_slice %arg10[%dma_wait3A_124, %dma_wait3A_125] : memref<512x32xbf16, #tpu.memory_space<vmem>> -> memref<512x32xbf16, #tpu.memory_space<vmem>>
      tpu.wait_dma2 semaphore(%run_scoped3A : memref<!tpu.dma_semaphore, #tpu.memory_space<semaphore_mem>>) src(%dma_wait3A_126 : memref<512x32xbf16, #tpu.memory_space<vmem>>) dst(%dma_wait3A_123 : memref<512x32xbf16, #tpu.memory_space<vmem_shared>>)
      tpu.yield
    }) : () -> ()
    %add3A_2 = arith.constant 512 : i32
    %add3A_3 = arith.addi %mul3A_0, %add3A_2 : i32
    "tpu.region"() ({
      %run_scoped3A = tpu.sem_alloc : memref<!tpu.dma_semaphore, #tpu.memory_space<semaphore_mem>>
      %dma_start3A_107 = arith.constant 0 : i32
      %dma_start3A_108 = arith.constant 0 : i32
      %dma_start3A_109 = tpu.memref_slice %arg10[%dma_start3A_107, %dma_start3A_108] : memref<512x32xbf16, #tpu.memory_space<vmem>> -> memref<512x32xbf16, #tpu.memory_space<vmem>>
      %dma_start3A_110 = arith.constant 0 : i32
      %dma_start3A_111 = tpu.memref_slice %arg7[%add3A_3, %dma_start3A_110] : memref<100048x32xbf16, #tpu.memory_space<vmem_shared>> -> memref<512x32xbf16, #tpu.memory_space<vmem_shared>>
      %dma_start3A_112 = arith.constant 0 : i32
      %dma_start3A_113 = tpu.memref_slice %arg7[%add3A_3, %dma_start3A_112] : memref<100048x32xbf16, #tpu.memory_space<vmem_shared>> -> memref<512x32xbf16, #tpu.memory_space<vmem_shared>>
      %dma_start3A_114 = arith.constant 0 : i32
      %dma_start3A_115 = arith.constant 0 : i32
      %dma_start3A_116 = tpu.memref_slice %arg10[%dma_start3A_114, %dma_start3A_115] : memref<512x32xbf16, #tpu.memory_space<vmem>> -> memref<512x32xbf16, #tpu.memory_space<vmem>>
      tpu.enqueue_dma source(%dma_start3A_116 : memref<512x32xbf16, #tpu.memory_space<vmem>>) target(%dma_start3A_113 : memref<512x32xbf16, #tpu.memory_space<vmem_shared>>) target_semaphore(%run_scoped3A : memref<!tpu.dma_semaphore, #tpu.memory_space<semaphore_mem>>)
      %dma_wait3A_117 = arith.constant 0 : i32
      %dma_wait3A_118 = arith.constant 0 : i32
      %dma_wait3A_119 = tpu.memref_slice %arg10[%dma_wait3A_117, %dma_wait3A_118] : memref<512x32xbf16, #tpu.memory_space<vmem>> -> memref<512x32xbf16, #tpu.memory_space<vmem>>
      %dma_wait3A_120 = arith.constant 0 : i32
      %dma_wait3A_121 = tpu.memref_slice %arg7[%add3A_3, %dma_wait3A_120] : memref<100048x32xbf16, #tpu.memory_space<vmem_shared>> -> memref<512x32xbf16, #tpu.memory_space<vmem_shared>>
      %dma_wait3A_122 = arith.constant 0 : i32
      %dma_wait3A_123 = tpu.memref_slice %arg7[%add3A_3, %dma_wait3A_122] : memref<100048x32xbf16, #tpu.memory_space<vmem_shared>> -> memref<512x32xbf16, #tpu.memory_space<vmem_shared>>
      %dma_wait3A_124 = arith.constant 0 : i32
      %dma_wait3A_125 = arith.constant 0 : i32
      %dma_wait3A_126 = tpu.memref_slice %arg10[%dma_wait3A_124, %dma_wait3A_125] : memref<512x32xbf16, #tpu.memory_space<vmem>> -> memref<512x32xbf16, #tpu.memory_space<vmem>>
      tpu.wait_dma2 semaphore(%run_scoped3A : memref<!tpu.dma_semaphore, #tpu.memory_space<semaphore_mem>>) src(%dma_wait3A_126 : memref<512x32xbf16, #tpu.memory_space<vmem>>) dst(%dma_wait3A_123 : memref<512x32xbf16, #tpu.memory_space<vmem_shared>>)
      tpu.yield
    }) : () -> ()
    %add3A_4 = arith.constant 1024 : i32
    %add3A_5 = arith.addi %mul3A_0, %add3A_4 : i32
    "tpu.region"() ({
      %run_scoped3A = tpu.sem_alloc : memref<!tpu.dma_semaphore, #tpu.memory_space<semaphore_mem>>
      %dma_start3A_107 = arith.constant 0 : i32
      %dma_start3A_108 = arith.constant 0 : i32
      %dma_start3A_109 = tpu.memref_slice %arg10[%dma_start3A_107, %dma_start3A_108] : memref<512x32xbf16, #tpu.memory_space<vmem>> -> memref<512x32xbf16, #tpu.memory_space<vmem>>
      %dma_start3A_110 = arith.constant 0 : i32
      %dma_start3A_111 = tpu.memref_slice %arg7[%add3A_5, %dma_start3A_110] : memref<100048x32xbf16, #tpu.memory_space<vmem_shared>> -> memref<512x32xbf16, #tpu.memory_space<vmem_shared>>
      %dma_start3A_112 = arith.constant 0 : i32
      %dma_start3A_113 = tpu.memref_slice %arg7[%add3A_5, %dma_start3A_112] : memref<100048x32xbf16, #tpu.memory_space<vmem_shared>> -> memref<512x32xbf16, #tpu.memory_space<vmem_shared>>
      %dma_start3A_114 = arith.constant 0 : i32
      %dma_start3A_115 = arith.constant 0 : i32
      %dma_start3A_116 = tpu.memref_slice %arg10[%dma_start3A_114, %dma_start3A_115] : memref<512x32xbf16, #tpu.memory_space<vmem>> -> memref<512x32xbf16, #tpu.memory_space<vmem>>
      tpu.enqueue_dma source(%dma_start3A_116 : memref<512x32xbf16, #tpu.memory_space<vmem>>) target(%dma_start3A_113 : memref<512x32xbf16, #tpu.memory_space<vmem_shared>>) target_semaphore(%run_scoped3A : memref<!tpu.dma_semaphore, #tpu.memory_space<semaphore_mem>>)
      %dma_wait3A_117 = arith.constant 0 : i32
      %dma_wait3A_118 = arith.constant 0 : i32
      %dma_wait3A_119 = tpu.memref_slice %arg10[%dma_wait3A_117, %dma_wait3A_118] : memref<512x32xbf16, #tpu.memory_space<vmem>> -> memref<512x32xbf16, #tpu.memory_space<vmem>>
      %dma_wait3A_120 = arith.constant 0 : i32
      %dma_wait3A_121 = tpu.memref_slice %arg7[%add3A_5, %dma_wait3A_120] : memref<100048x32xbf16, #tpu.memory_space<vmem_shared>> -> memref<512x32xbf16, #tpu.memory_space<vmem_shared>>
      %dma_wait3A_122 = arith.constant 0 : i32
      %dma_wait3A_123 = tpu.memref_slice %arg7[%add3A_5, %dma_wait3A_122] : memref<100048x32xbf16, #tpu.memory_space<vmem_shared>> -> memref<512x32xbf16, #tpu.memory_space<vmem_shared>>
      %dma_wait3A_124 = arith.constant 0 : i32
      %dma_wait3A_125 = arith.constant 0 : i32
      %dma_wait3A_126 = tpu.memref_slice %arg10[%dma_wait3A_124, %dma_wait3A_125] : memref<512x32xbf16, #tpu.memory_space<vmem>> -> memref<512x32xbf16, #tpu.memory_space<vmem>>
      tpu.wait_dma2 semaphore(%run_scoped3A : memref<!tpu.dma_semaphore, #tpu.memory_space<semaphore_mem>>) src(%dma_wait3A_126 : memref<512x32xbf16, #tpu.memory_space<vmem>>) dst(%dma_wait3A_123 : memref<512x32xbf16, #tpu.memory_space<vmem_shared>>)
      tpu.yield
    }) : () -> ()
    %add3A_6 = arith.constant 1536 : i32
    %add3A_7 = arith.addi %mul3A_0, %add3A_6 : i32
    "tpu.region"() ({
      %run_scoped3A = tpu.sem_alloc : memref<!tpu.dma_semaphore, #tpu.memory_space<semaphore_mem>>
      %dma_start3A_107 = arith.constant 0 : i32
      %dma_start3A_108 = arith.constant 0 : i32
      %dma_start3A_109 = tpu.memref_slice %arg10[%dma_start3A_107, %dma_start3A_108] : memref<512x32xbf16, #tpu.memory_space<vmem>> -> memref<512x32xbf16, #tpu.memory_space<vmem>>
      %dma_start3A_110 = arith.constant 0 : i32
      %dma_start3A_111 = tpu.memref_slice %arg7[%add3A_7, %dma_start3A_110] : memref<100048x32xbf16, #tpu.memory_space<vmem_shared>> -> memref<512x32xbf16, #tpu.memory_space<vmem_shared>>
      %dma_start3A_112 = arith.constant 0 : i32
      %dma_start3A_113 = tpu.memref_slice %arg7[%add3A_7, %dma_start3A_112] : memref<100048x32xbf16, #tpu.memory_space<vmem_shared>> -> memref<512x32xbf16, #tpu.memory_space<vmem_shared>>
      %dma_start3A_114 = arith.constant 0 : i32
      %dma_start3A_115 = arith.constant 0 : i32
      %dma_start3A_116 = tpu.memref_slice %arg10[%dma_start3A_114, %dma_start3A_115] : memref<512x32xbf16, #tpu.memory_space<vmem>> -> memref<512x32xbf16, #tpu.memory_space<vmem>>
      tpu.enqueue_dma source(%dma_start3A_116 : memref<512x32xbf16, #tpu.memory_space<vmem>>) target(%dma_start3A_113 : memref<512x32xbf16, #tpu.memory_space<vmem_shared>>) target_semaphore(%run_scoped3A : memref<!tpu.dma_semaphore, #tpu.memory_space<semaphore_mem>>)
      %dma_wait3A_117 = arith.constant 0 : i32
      %dma_wait3A_118 = arith.constant 0 : i32
      %dma_wait3A_119 = tpu.memref_slice %arg10[%dma_wait3A_117, %dma_wait3A_118] : memref<512x32xbf16, #tpu.memory_space<vmem>> -> memref<512x32xbf16, #tpu.memory_space<vmem>>
      %dma_wait3A_120 = arith.constant 0 : i32
      %dma_wait3A_121 = tpu.memref_slice %arg7[%add3A_7, %dma_wait3A_120] : memref<100048x32xbf16, #tpu.memory_space<vmem_shared>> -> memref<512x32xbf16, #tpu.memory_space<vmem_shared>>
      %dma_wait3A_122 = arith.constant 0 : i32
      %dma_wait3A_123 = tpu.memref_slice %arg7[%add3A_7, %dma_wait3A_122] : memref<100048x32xbf16, #tpu.memory_space<vmem_shared>> -> memref<512x32xbf16, #tpu.memory_space<vmem_shared>>
      %dma_wait3A_124 = arith.constant 0 : i32
      %dma_wait3A_125 = arith.constant 0 : i32
      %dma_wait3A_126 = tpu.memref_slice %arg10[%dma_wait3A_124, %dma_wait3A_125] : memref<512x32xbf16, #tpu.memory_space<vmem>> -> memref<512x32xbf16, #tpu.memory_space<vmem>>
      tpu.wait_dma2 semaphore(%run_scoped3A : memref<!tpu.dma_semaphore, #tpu.memory_space<semaphore_mem>>) src(%dma_wait3A_126 : memref<512x32xbf16, #tpu.memory_space<vmem>>) dst(%dma_wait3A_123 : memref<512x32xbf16, #tpu.memory_space<vmem_shared>>)
      tpu.yield
    }) : () -> ()
    %add3A_8 = arith.constant 2048 : i32
    %add3A_9 = arith.addi %mul3A_0, %add3A_8 : i32
    "tpu.region"() ({
      %run_scoped3A = tpu.sem_alloc : memref<!tpu.dma_semaphore, #tpu.memory_space<semaphore_mem>>
      %dma_start3A_107 = arith.constant 0 : i32
      %dma_start3A_108 = arith.constant 0 : i32
      %dma_start3A_109 = tpu.memref_slice %arg10[%dma_start3A_107, %dma_start3A_108] : memref<512x32xbf16, #tpu.memory_space<vmem>> -> memref<512x32xbf16, #tpu.memory_space<vmem>>
      %dma_start3A_110 = arith.constant 0 : i32
      %dma_start3A_111 = tpu.memref_slice %arg7[%add3A_9, %dma_start3A_110] : memref<100048x32xbf16, #tpu.memory_space<vmem_shared>> -> memref<512x32xbf16, #tpu.memory_space<vmem_shared>>
      %dma_start3A_112 = arith.constant 0 : i32
      %dma_start3A_113 = tpu.memref_slice %arg7[%add3A_9, %dma_start3A_112] : memref<100048x32xbf16, #tpu.memory_space<vmem_shared>> -> memref<512x32xbf16, #tpu.memory_space<vmem_shared>>
      %dma_start3A_114 = arith.constant 0 : i32
      %dma_start3A_115 = arith.constant 0 : i32
      %dma_start3A_116 = tpu.memref_slice %arg10[%dma_start3A_114, %dma_start3A_115] : memref<512x32xbf16, #tpu.memory_space<vmem>> -> memref<512x32xbf16, #tpu.memory_space<vmem>>
      tpu.enqueue_dma source(%dma_start3A_116 : memref<512x32xbf16, #tpu.memory_space<vmem>>) target(%dma_start3A_113 : memref<512x32xbf16, #tpu.memory_space<vmem_shared>>) target_semaphore(%run_scoped3A : memref<!tpu.dma_semaphore, #tpu.memory_space<semaphore_mem>>)
      %dma_wait3A_117 = arith.constant 0 : i32
      %dma_wait3A_118 = arith.constant 0 : i32
      %dma_wait3A_119 = tpu.memref_slice %arg10[%dma_wait3A_117, %dma_wait3A_118] : memref<512x32xbf16, #tpu.memory_space<vmem>> -> memref<512x32xbf16, #tpu.memory_space<vmem>>
      %dma_wait3A_120 = arith.constant 0 : i32
      %dma_wait3A_121 = tpu.memref_slice %arg7[%add3A_9, %dma_wait3A_120] : memref<100048x32xbf16, #tpu.memory_space<vmem_shared>> -> memref<512x32xbf16, #tpu.memory_space<vmem_shared>>
      %dma_wait3A_122 = arith.constant 0 : i32
      %dma_wait3A_123 = tpu.memref_slice %arg7[%add3A_9, %dma_wait3A_122] : memref<100048x32xbf16, #tpu.memory_space<vmem_shared>> -> memref<512x32xbf16, #tpu.memory_space<vmem_shared>>
      %dma_wait3A_124 = arith.constant 0 : i32
      %dma_wait3A_125 = arith.constant 0 : i32
      %dma_wait3A_126 = tpu.memref_slice %arg10[%dma_wait3A_124, %dma_wait3A_125] : memref<512x32xbf16, #tpu.memory_space<vmem>> -> memref<512x32xbf16, #tpu.memory_space<vmem>>
      tpu.wait_dma2 semaphore(%run_scoped3A : memref<!tpu.dma_semaphore, #tpu.memory_space<semaphore_mem>>) src(%dma_wait3A_126 : memref<512x32xbf16, #tpu.memory_space<vmem>>) dst(%dma_wait3A_123 : memref<512x32xbf16, #tpu.memory_space<vmem_shared>>)
      tpu.yield
    }) : () -> ()
    %add3A_10 = arith.constant 2560 : i32
    %add3A_11 = arith.addi %mul3A_0, %add3A_10 : i32
    "tpu.region"() ({
      %run_scoped3A = tpu.sem_alloc : memref<!tpu.dma_semaphore, #tpu.memory_space<semaphore_mem>>
      %dma_start3A_107 = arith.constant 0 : i32
      %dma_start3A_108 = arith.constant 0 : i32
      %dma_start3A_109 = tpu.memref_slice %arg10[%dma_start3A_107, %dma_start3A_108] : memref<512x32xbf16, #tpu.memory_space<vmem>> -> memref<512x32xbf16, #tpu.memory_space<vmem>>
      %dma_start3A_110 = arith.constant 0 : i32
      %dma_start3A_111 = tpu.memref_slice %arg7[%add3A_11, %dma_start3A_110] : memref<100048x32xbf16, #tpu.memory_space<vmem_shared>> -> memref<512x32xbf16, #tpu.memory_space<vmem_shared>>
      %dma_start3A_112 = arith.constant 0 : i32
      %dma_start3A_113 = tpu.memref_slice %arg7[%add3A_11, %dma_start3A_112] : memref<100048x32xbf16, #tpu.memory_space<vmem_shared>> -> memref<512x32xbf16, #tpu.memory_space<vmem_shared>>
      %dma_start3A_114 = arith.constant 0 : i32
      %dma_start3A_115 = arith.constant 0 : i32
      %dma_start3A_116 = tpu.memref_slice %arg10[%dma_start3A_114, %dma_start3A_115] : memref<512x32xbf16, #tpu.memory_space<vmem>> -> memref<512x32xbf16, #tpu.memory_space<vmem>>
      tpu.enqueue_dma source(%dma_start3A_116 : memref<512x32xbf16, #tpu.memory_space<vmem>>) target(%dma_start3A_113 : memref<512x32xbf16, #tpu.memory_space<vmem_shared>>) target_semaphore(%run_scoped3A : memref<!tpu.dma_semaphore, #tpu.memory_space<semaphore_mem>>)
      %dma_wait3A_117 = arith.constant 0 : i32
      %dma_wait3A_118 = arith.constant 0 : i32
      %dma_wait3A_119 = tpu.memref_slice %arg10[%dma_wait3A_117, %dma_wait3A_118] : memref<512x32xbf16, #tpu.memory_space<vmem>> -> memref<512x32xbf16, #tpu.memory_space<vmem>>
      %dma_wait3A_120 = arith.constant 0 : i32
      %dma_wait3A_121 = tpu.memref_slice %arg7[%add3A_11, %dma_wait3A_120] : memref<100048x32xbf16, #tpu.memory_space<vmem_shared>> -> memref<512x32xbf16, #tpu.memory_space<vmem_shared>>
      %dma_wait3A_122 = arith.constant 0 : i32
      %dma_wait3A_123 = tpu.memref_slice %arg7[%add3A_11, %dma_wait3A_122] : memref<100048x32xbf16, #tpu.memory_space<vmem_shared>> -> memref<512x32xbf16, #tpu.memory_space<vmem_shared>>
      %dma_wait3A_124 = arith.constant 0 : i32
      %dma_wait3A_125 = arith.constant 0 : i32
      %dma_wait3A_126 = tpu.memref_slice %arg10[%dma_wait3A_124, %dma_wait3A_125] : memref<512x32xbf16, #tpu.memory_space<vmem>> -> memref<512x32xbf16, #tpu.memory_space<vmem>>
      tpu.wait_dma2 semaphore(%run_scoped3A : memref<!tpu.dma_semaphore, #tpu.memory_space<semaphore_mem>>) src(%dma_wait3A_126 : memref<512x32xbf16, #tpu.memory_space<vmem>>) dst(%dma_wait3A_123 : memref<512x32xbf16, #tpu.memory_space<vmem_shared>>)
      tpu.yield
    }) : () -> ()
    %add3A_12 = arith.constant 3072 : i32
    %add3A_13 = arith.addi %mul3A_0, %add3A_12 : i32
    "tpu.region"() ({
      %run_scoped3A = tpu.sem_alloc : memref<!tpu.dma_semaphore, #tpu.memory_space<semaphore_mem>>
      %dma_start3A_107 = arith.constant 0 : i32
      %dma_start3A_108 = arith.constant 0 : i32
      %dma_start3A_109 = tpu.memref_slice %arg10[%dma_start3A_107, %dma_start3A_108] : memref<512x32xbf16, #tpu.memory_space<vmem>> -> memref<512x32xbf16, #tpu.memory_space<vmem>>
      %dma_start3A_110 = arith.constant 0 : i32
      %dma_start3A_111 = tpu.memref_slice %arg7[%add3A_13, %dma_start3A_110] : memref<100048x32xbf16, #tpu.memory_space<vmem_shared>> -> memref<512x32xbf16, #tpu.memory_space<vmem_shared>>
      %dma_start3A_112 = arith.constant 0 : i32
      %dma_start3A_113 = tpu.memref_slice %arg7[%add3A_13, %dma_start3A_112] : memref<100048x32xbf16, #tpu.memory_space<vmem_shared>> -> memref<512x32xbf16, #tpu.memory_space<vmem_shared>>
      %dma_start3A_114 = arith.constant 0 : i32
      %dma_start3A_115 = arith.constant 0 : i32
      %dma_start3A_116 = tpu.memref_slice %arg10[%dma_start3A_114, %dma_start3A_115] : memref<512x32xbf16, #tpu.memory_space<vmem>> -> memref<512x32xbf16, #tpu.memory_space<vmem>>
      tpu.enqueue_dma source(%dma_start3A_116 : memref<512x32xbf16, #tpu.memory_space<vmem>>) target(%dma_start3A_113 : memref<512x32xbf16, #tpu.memory_space<vmem_shared>>) target_semaphore(%run_scoped3A : memref<!tpu.dma_semaphore, #tpu.memory_space<semaphore_mem>>)
      %dma_wait3A_117 = arith.constant 0 : i32
      %dma_wait3A_118 = arith.constant 0 : i32
      %dma_wait3A_119 = tpu.memref_slice %arg10[%dma_wait3A_117, %dma_wait3A_118] : memref<512x32xbf16, #tpu.memory_space<vmem>> -> memref<512x32xbf16, #tpu.memory_space<vmem>>
      %dma_wait3A_120 = arith.constant 0 : i32
      %dma_wait3A_121 = tpu.memref_slice %arg7[%add3A_13, %dma_wait3A_120] : memref<100048x32xbf16, #tpu.memory_space<vmem_shared>> -> memref<512x32xbf16, #tpu.memory_space<vmem_shared>>
      %dma_wait3A_122 = arith.constant 0 : i32
      %dma_wait3A_123 = tpu.memref_slice %arg7[%add3A_13, %dma_wait3A_122] : memref<100048x32xbf16, #tpu.memory_space<vmem_shared>> -> memref<512x32xbf16, #tpu.memory_space<vmem_shared>>
      %dma_wait3A_124 = arith.constant 0 : i32
      %dma_wait3A_125 = arith.constant 0 : i32
      %dma_wait3A_126 = tpu.memref_slice %arg10[%dma_wait3A_124, %dma_wait3A_125] : memref<512x32xbf16, #tpu.memory_space<vmem>> -> memref<512x32xbf16, #tpu.memory_space<vmem>>
      tpu.wait_dma2 semaphore(%run_scoped3A : memref<!tpu.dma_semaphore, #tpu.memory_space<semaphore_mem>>) src(%dma_wait3A_126 : memref<512x32xbf16, #tpu.memory_space<vmem>>) dst(%dma_wait3A_123 : memref<512x32xbf16, #tpu.memory_space<vmem_shared>>)
      tpu.yield
    }) : () -> ()
    %add3A_14 = arith.constant 3584 : i32
    %add3A_15 = arith.addi %mul3A_0, %add3A_14 : i32
    "tpu.region"() ({
      %run_scoped3A = tpu.sem_alloc : memref<!tpu.dma_semaphore, #tpu.memory_space<semaphore_mem>>
      %dma_start3A_107 = arith.constant 0 : i32
      %dma_start3A_108 = arith.constant 0 : i32
      %dma_start3A_109 = tpu.memref_slice %arg10[%dma_start3A_107, %dma_start3A_108] : memref<512x32xbf16, #tpu.memory_space<vmem>> -> memref<512x32xbf16, #tpu.memory_space<vmem>>
      %dma_start3A_110 = arith.constant 0 : i32
      %dma_start3A_111 = tpu.memref_slice %arg7[%add3A_15, %dma_start3A_110] : memref<100048x32xbf16, #tpu.memory_space<vmem_shared>> -> memref<512x32xbf16, #tpu.memory_space<vmem_shared>>
      %dma_start3A_112 = arith.constant 0 : i32
      %dma_start3A_113 = tpu.memref_slice %arg7[%add3A_15, %dma_start3A_112] : memref<100048x32xbf16, #tpu.memory_space<vmem_shared>> -> memref<512x32xbf16, #tpu.memory_space<vmem_shared>>
      %dma_start3A_114 = arith.constant 0 : i32
      %dma_start3A_115 = arith.constant 0 : i32
      %dma_start3A_116 = tpu.memref_slice %arg10[%dma_start3A_114, %dma_start3A_115] : memref<512x32xbf16, #tpu.memory_space<vmem>> -> memref<512x32xbf16, #tpu.memory_space<vmem>>
      tpu.enqueue_dma source(%dma_start3A_116 : memref<512x32xbf16, #tpu.memory_space<vmem>>) target(%dma_start3A_113 : memref<512x32xbf16, #tpu.memory_space<vmem_shared>>) target_semaphore(%run_scoped3A : memref<!tpu.dma_semaphore, #tpu.memory_space<semaphore_mem>>)
      %dma_wait3A_117 = arith.constant 0 : i32
      %dma_wait3A_118 = arith.constant 0 : i32
      %dma_wait3A_119 = tpu.memref_slice %arg10[%dma_wait3A_117, %dma_wait3A_118] : memref<512x32xbf16, #tpu.memory_space<vmem>> -> memref<512x32xbf16, #tpu.memory_space<vmem>>
      %dma_wait3A_120 = arith.constant 0 : i32
      %dma_wait3A_121 = tpu.memref_slice %arg7[%add3A_15, %dma_wait3A_120] : memref<100048x32xbf16, #tpu.memory_space<vmem_shared>> -> memref<512x32xbf16, #tpu.memory_space<vmem_shared>>
      %dma_wait3A_122 = arith.constant 0 : i32
      %dma_wait3A_123 = tpu.memref_slice %arg7[%add3A_15, %dma_wait3A_122] : memref<100048x32xbf16, #tpu.memory_space<vmem_shared>> -> memref<512x32xbf16, #tpu.memory_space<vmem_shared>>
      %dma_wait3A_124 = arith.constant 0 : i32
      %dma_wait3A_125 = arith.constant 0 : i32
      %dma_wait3A_126 = tpu.memref_slice %arg10[%dma_wait3A_124, %dma_wait3A_125] : memref<512x32xbf16, #tpu.memory_space<vmem>> -> memref<512x32xbf16, #tpu.memory_space<vmem>>
      tpu.wait_dma2 semaphore(%run_scoped3A : memref<!tpu.dma_semaphore, #tpu.memory_space<semaphore_mem>>) src(%dma_wait3A_126 : memref<512x32xbf16, #tpu.memory_space<vmem>>) dst(%dma_wait3A_123 : memref<512x32xbf16, #tpu.memory_space<vmem_shared>>)
      tpu.yield
    }) : () -> ()
    %add3A_16 = arith.constant 4096 : i32
    %add3A_17 = arith.addi %mul3A_0, %add3A_16 : i32
    "tpu.region"() ({
      %run_scoped3A = tpu.sem_alloc : memref<!tpu.dma_semaphore, #tpu.memory_space<semaphore_mem>>
      %dma_start3A_107 = arith.constant 0 : i32
      %dma_start3A_108 = arith.constant 0 : i32
      %dma_start3A_109 = tpu.memref_slice %arg10[%dma_start3A_107, %dma_start3A_108] : memref<512x32xbf16, #tpu.memory_space<vmem>> -> memref<512x32xbf16, #tpu.memory_space<vmem>>
      %dma_start3A_110 = arith.constant 0 : i32
      %dma_start3A_111 = tpu.memref_slice %arg7[%add3A_17, %dma_start3A_110] : memref<100048x32xbf16, #tpu.memory_space<vmem_shared>> -> memref<512x32xbf16, #tpu.memory_space<vmem_shared>>
      %dma_start3A_112 = arith.constant 0 : i32
      %dma_start3A_113 = tpu.memref_slice %arg7[%add3A_17, %dma_start3A_112] : memref<100048x32xbf16, #tpu.memory_space<vmem_shared>> -> memref<512x32xbf16, #tpu.memory_space<vmem_shared>>
      %dma_start3A_114 = arith.constant 0 : i32
      %dma_start3A_115 = arith.constant 0 : i32
      %dma_start3A_116 = tpu.memref_slice %arg10[%dma_start3A_114, %dma_start3A_115] : memref<512x32xbf16, #tpu.memory_space<vmem>> -> memref<512x32xbf16, #tpu.memory_space<vmem>>
      tpu.enqueue_dma source(%dma_start3A_116 : memref<512x32xbf16, #tpu.memory_space<vmem>>) target(%dma_start3A_113 : memref<512x32xbf16, #tpu.memory_space<vmem_shared>>) target_semaphore(%run_scoped3A : memref<!tpu.dma_semaphore, #tpu.memory_space<semaphore_mem>>)
      %dma_wait3A_117 = arith.constant 0 : i32
      %dma_wait3A_118 = arith.constant 0 : i32
      %dma_wait3A_119 = tpu.memref_slice %arg10[%dma_wait3A_117, %dma_wait3A_118] : memref<512x32xbf16, #tpu.memory_space<vmem>> -> memref<512x32xbf16, #tpu.memory_space<vmem>>
      %dma_wait3A_120 = arith.constant 0 : i32
      %dma_wait3A_121 = tpu.memref_slice %arg7[%add3A_17, %dma_wait3A_120] : memref<100048x32xbf16, #tpu.memory_space<vmem_shared>> -> memref<512x32xbf16, #tpu.memory_space<vmem_shared>>
      %dma_wait3A_122 = arith.constant 0 : i32
      %dma_wait3A_123 = tpu.memref_slice %arg7[%add3A_17, %dma_wait3A_122] : memref<100048x32xbf16, #tpu.memory_space<vmem_shared>> -> memref<512x32xbf16, #tpu.memory_space<vmem_shared>>
      %dma_wait3A_124 = arith.constant 0 : i32
      %dma_wait3A_125 = arith.constant 0 : i32
      %dma_wait3A_126 = tpu.memref_slice %arg10[%dma_wait3A_124, %dma_wait3A_125] : memref<512x32xbf16, #tpu.memory_space<vmem>> -> memref<512x32xbf16, #tpu.memory_space<vmem>>
      tpu.wait_dma2 semaphore(%run_scoped3A : memref<!tpu.dma_semaphore, #tpu.memory_space<semaphore_mem>>) src(%dma_wait3A_126 : memref<512x32xbf16, #tpu.memory_space<vmem>>) dst(%dma_wait3A_123 : memref<512x32xbf16, #tpu.memory_space<vmem_shared>>)
      tpu.yield
    }) : () -> ()
    %add3A_18 = arith.constant 4608 : i32
    %add3A_19 = arith.addi %mul3A_0, %add3A_18 : i32
    "tpu.region"() ({
      %run_scoped3A = tpu.sem_alloc : memref<!tpu.dma_semaphore, #tpu.memory_space<semaphore_mem>>
      %dma_start3A_107 = arith.constant 0 : i32
      %dma_start3A_108 = arith.constant 0 : i32
      %dma_start3A_109 = tpu.memref_slice %arg10[%dma_start3A_107, %dma_start3A_108] : memref<512x32xbf16, #tpu.memory_space<vmem>> -> memref<512x32xbf16, #tpu.memory_space<vmem>>
      %dma_start3A_110 = arith.constant 0 : i32
      %dma_start3A_111 = tpu.memref_slice %arg7[%add3A_19, %dma_start3A_110] : memref<100048x32xbf16, #tpu.memory_space<vmem_shared>> -> memref<512x32xbf16, #tpu.memory_space<vmem_shared>>
      %dma_start3A_112 = arith.constant 0 : i32
      %dma_start3A_113 = tpu.memref_slice %arg7[%add3A_19, %dma_start3A_112] : memref<100048x32xbf16, #tpu.memory_space<vmem_shared>> -> memref<512x32xbf16, #tpu.memory_space<vmem_shared>>
      %dma_start3A_114 = arith.constant 0 : i32
      %dma_start3A_115 = arith.constant 0 : i32
      %dma_start3A_116 = tpu.memref_slice %arg10[%dma_start3A_114, %dma_start3A_115] : memref<512x32xbf16, #tpu.memory_space<vmem>> -> memref<512x32xbf16, #tpu.memory_space<vmem>>
      tpu.enqueue_dma source(%dma_start3A_116 : memref<512x32xbf16, #tpu.memory_space<vmem>>) target(%dma_start3A_113 : memref<512x32xbf16, #tpu.memory_space<vmem_shared>>) target_semaphore(%run_scoped3A : memref<!tpu.dma_semaphore, #tpu.memory_space<semaphore_mem>>)
      %dma_wait3A_117 = arith.constant 0 : i32
      %dma_wait3A_118 = arith.constant 0 : i32
      %dma_wait3A_119 = tpu.memref_slice %arg10[%dma_wait3A_117, %dma_wait3A_118] : memref<512x32xbf16, #tpu.memory_space<vmem>> -> memref<512x32xbf16, #tpu.memory_space<vmem>>
      %dma_wait3A_120 = arith.constant 0 : i32
      %dma_wait3A_121 = tpu.memref_slice %arg7[%add3A_19, %dma_wait3A_120] : memref<100048x32xbf16, #tpu.memory_space<vmem_shared>> -> memref<512x32xbf16, #tpu.memory_space<vmem_shared>>
      %dma_wait3A_122 = arith.constant 0 : i32
      %dma_wait3A_123 = tpu.memref_slice %arg7[%add3A_19, %dma_wait3A_122] : memref<100048x32xbf16, #tpu.memory_space<vmem_shared>> -> memref<512x32xbf16, #tpu.memory_space<vmem_shared>>
      %dma_wait3A_124 = arith.constant 0 : i32
      %dma_wait3A_125 = arith.constant 0 : i32
      %dma_wait3A_126 = tpu.memref_slice %arg10[%dma_wait3A_124, %dma_wait3A_125] : memref<512x32xbf16, #tpu.memory_space<vmem>> -> memref<512x32xbf16, #tpu.memory_space<vmem>>
      tpu.wait_dma2 semaphore(%run_scoped3A : memref<!tpu.dma_semaphore, #tpu.memory_space<semaphore_mem>>) src(%dma_wait3A_126 : memref<512x32xbf16, #tpu.memory_space<vmem>>) dst(%dma_wait3A_123 : memref<512x32xbf16, #tpu.memory_space<vmem_shared>>)
      tpu.yield
    }) : () -> ()
    %add3A_20 = arith.constant 5120 : i32
    %add3A_21 = arith.addi %mul3A_0, %add3A_20 : i32
    "tpu.region"() ({
      %run_scoped3A = tpu.sem_alloc : memref<!tpu.dma_semaphore, #tpu.memory_space<semaphore_mem>>
      %dma_start3A_107 = arith.constant 0 : i32
      %dma_start3A_108 = arith.constant 0 : i32
      %dma_start3A_109 = tpu.memref_slice %arg10[%dma_start3A_107, %dma_start3A_108] : memref<512x32xbf16, #tpu.memory_space<vmem>> -> memref<512x32xbf16, #tpu.memory_space<vmem>>
      %dma_start3A_110 = arith.constant 0 : i32
      %dma_start3A_111 = tpu.memref_slice %arg7[%add3A_21, %dma_start3A_110] : memref<100048x32xbf16, #tpu.memory_space<vmem_shared>> -> memref<512x32xbf16, #tpu.memory_space<vmem_shared>>
      %dma_start3A_112 = arith.constant 0 : i32
      %dma_start3A_113 = tpu.memref_slice %arg7[%add3A_21, %dma_start3A_112] : memref<100048x32xbf16, #tpu.memory_space<vmem_shared>> -> memref<512x32xbf16, #tpu.memory_space<vmem_shared>>
      %dma_start3A_114 = arith.constant 0 : i32
      %dma_start3A_115 = arith.constant 0 : i32
      %dma_start3A_116 = tpu.memref_slice %arg10[%dma_start3A_114, %dma_start3A_115] : memref<512x32xbf16, #tpu.memory_space<vmem>> -> memref<512x32xbf16, #tpu.memory_space<vmem>>
      tpu.enqueue_dma source(%dma_start3A_116 : memref<512x32xbf16, #tpu.memory_space<vmem>>) target(%dma_start3A_113 : memref<512x32xbf16, #tpu.memory_space<vmem_shared>>) target_semaphore(%run_scoped3A : memref<!tpu.dma_semaphore, #tpu.memory_space<semaphore_mem>>)
      %dma_wait3A_117 = arith.constant 0 : i32
      %dma_wait3A_118 = arith.constant 0 : i32
      %dma_wait3A_119 = tpu.memref_slice %arg10[%dma_wait3A_117, %dma_wait3A_118] : memref<512x32xbf16, #tpu.memory_space<vmem>> -> memref<512x32xbf16, #tpu.memory_space<vmem>>
      %dma_wait3A_120 = arith.constant 0 : i32
      %dma_wait3A_121 = tpu.memref_slice %arg7[%add3A_21, %dma_wait3A_120] : memref<100048x32xbf16, #tpu.memory_space<vmem_shared>> -> memref<512x32xbf16, #tpu.memory_space<vmem_shared>>
      %dma_wait3A_122 = arith.constant 0 : i32
      %dma_wait3A_123 = tpu.memref_slice %arg7[%add3A_21, %dma_wait3A_122] : memref<100048x32xbf16, #tpu.memory_space<vmem_shared>> -> memref<512x32xbf16, #tpu.memory_space<vmem_shared>>
      %dma_wait3A_124 = arith.constant 0 : i32
      %dma_wait3A_125 = arith.constant 0 : i32
      %dma_wait3A_126 = tpu.memref_slice %arg10[%dma_wait3A_124, %dma_wait3A_125] : memref<512x32xbf16, #tpu.memory_space<vmem>> -> memref<512x32xbf16, #tpu.memory_space<vmem>>
      tpu.wait_dma2 semaphore(%run_scoped3A : memref<!tpu.dma_semaphore, #tpu.memory_space<semaphore_mem>>) src(%dma_wait3A_126 : memref<512x32xbf16, #tpu.memory_space<vmem>>) dst(%dma_wait3A_123 : memref<512x32xbf16, #tpu.memory_space<vmem_shared>>)
      tpu.yield
    }) : () -> ()
    %add3A_22 = arith.constant 5632 : i32
    %add3A_23 = arith.addi %mul3A_0, %add3A_22 : i32
    "tpu.region"() ({
      %run_scoped3A = tpu.sem_alloc : memref<!tpu.dma_semaphore, #tpu.memory_space<semaphore_mem>>
      %dma_start3A_107 = arith.constant 0 : i32
      %dma_start3A_108 = arith.constant 0 : i32
      %dma_start3A_109 = tpu.memref_slice %arg10[%dma_start3A_107, %dma_start3A_108] : memref<512x32xbf16, #tpu.memory_space<vmem>> -> memref<512x32xbf16, #tpu.memory_space<vmem>>
      %dma_start3A_110 = arith.constant 0 : i32
      %dma_start3A_111 = tpu.memref_slice %arg7[%add3A_23, %dma_start3A_110] : memref<100048x32xbf16, #tpu.memory_space<vmem_shared>> -> memref<512x32xbf16, #tpu.memory_space<vmem_shared>>
      %dma_start3A_112 = arith.constant 0 : i32
      %dma_start3A_113 = tpu.memref_slice %arg7[%add3A_23, %dma_start3A_112] : memref<100048x32xbf16, #tpu.memory_space<vmem_shared>> -> memref<512x32xbf16, #tpu.memory_space<vmem_shared>>
      %dma_start3A_114 = arith.constant 0 : i32
      %dma_start3A_115 = arith.constant 0 : i32
      %dma_start3A_116 = tpu.memref_slice %arg10[%dma_start3A_114, %dma_start3A_115] : memref<512x32xbf16, #tpu.memory_space<vmem>> -> memref<512x32xbf16, #tpu.memory_space<vmem>>
      tpu.enqueue_dma source(%dma_start3A_116 : memref<512x32xbf16, #tpu.memory_space<vmem>>) target(%dma_start3A_113 : memref<512x32xbf16, #tpu.memory_space<vmem_shared>>) target_semaphore(%run_scoped3A : memref<!tpu.dma_semaphore, #tpu.memory_space<semaphore_mem>>)
      %dma_wait3A_117 = arith.constant 0 : i32
      %dma_wait3A_118 = arith.constant 0 : i32
      %dma_wait3A_119 = tpu.memref_slice %arg10[%dma_wait3A_117, %dma_wait3A_118] : memref<512x32xbf16, #tpu.memory_space<vmem>> -> memref<512x32xbf16, #tpu.memory_space<vmem>>
      %dma_wait3A_120 = arith.constant 0 : i32
      %dma_wait3A_121 = tpu.memref_slice %arg7[%add3A_23, %dma_wait3A_120] : memref<100048x32xbf16, #tpu.memory_space<vmem_shared>> -> memref<512x32xbf16, #tpu.memory_space<vmem_shared>>
      %dma_wait3A_122 = arith.constant 0 : i32
      %dma_wait3A_123 = tpu.memref_slice %arg7[%add3A_23, %dma_wait3A_122] : memref<100048x32xbf16, #tpu.memory_space<vmem_shared>> -> memref<512x32xbf16, #tpu.memory_space<vmem_shared>>
      %dma_wait3A_124 = arith.constant 0 : i32
      %dma_wait3A_125 = arith.constant 0 : i32
      %dma_wait3A_126 = tpu.memref_slice %arg10[%dma_wait3A_124, %dma_wait3A_125] : memref<512x32xbf16, #tpu.memory_space<vmem>> -> memref<512x32xbf16, #tpu.memory_space<vmem>>
      tpu.wait_dma2 semaphore(%run_scoped3A : memref<!tpu.dma_semaphore, #tpu.memory_space<semaphore_mem>>) src(%dma_wait3A_126 : memref<512x32xbf16, #tpu.memory_space<vmem>>) dst(%dma_wait3A_123 : memref<512x32xbf16, #tpu.memory_space<vmem_shared>>)
      tpu.yield
    }) : () -> ()
    %lt3A = arith.constant 15 : i32
    %lt3A_24 = arith.cmpi slt, %arg1, %lt3A : i32
    %convert_element_type3A = arith.extui %lt3A_24 : i1 to i32
    %cond3A = arith.constant 0 : i32
    %cond3A_25 = arith.cmpi ne, %convert_element_type3A, %cond3A : i32
    scf.if %cond3A_25 {
      %add3A_107 = arith.constant 6144 : i32
      %add3A_108 = arith.addi %mul3A_0, %add3A_107 : i32
      "tpu.region"() ({
        %run_scoped3A = tpu.sem_alloc : memref<!tpu.dma_semaphore, #tpu.memory_space<semaphore_mem>>
        %dma_start3A_109 = arith.constant 0 : i32
        %dma_start3A_110 = arith.constant 0 : i32
        %dma_start3A_111 = tpu.memref_slice %arg10[%dma_start3A_109, %dma_start3A_110] : memref<512x32xbf16, #tpu.memory_space<vmem>> -> memref<112x32xbf16, #tpu.memory_space<vmem>>
        %dma_start3A_112 = arith.constant 0 : i32
        %dma_start3A_113 = tpu.memref_slice %arg7[%add3A_108, %dma_start3A_112] : memref<100048x32xbf16, #tpu.memory_space<vmem_shared>> -> memref<112x32xbf16, #tpu.memory_space<vmem_shared>>
        %dma_start3A_114 = arith.constant 0 : i32
        %dma_start3A_115 = tpu.memref_slice %arg7[%add3A_108, %dma_start3A_114] : memref<100048x32xbf16, #tpu.memory_space<vmem_shared>> -> memref<112x32xbf16, #tpu.memory_space<vmem_shared>>
        %dma_start3A_116 = arith.constant 0 : i32
        %dma_start3A_117 = arith.constant 0 : i32
        %dma_start3A_118 = tpu.memref_slice %arg10[%dma_start3A_116, %dma_start3A_117] : memref<512x32xbf16, #tpu.memory_space<vmem>> -> memref<112x32xbf16, #tpu.memory_space<vmem>>
        tpu.enqueue_dma source(%dma_start3A_118 : memref<112x32xbf16, #tpu.memory_space<vmem>>) target(%dma_start3A_115 : memref<112x32xbf16, #tpu.memory_space<vmem_shared>>) target_semaphore(%run_scoped3A : memref<!tpu.dma_semaphore, #tpu.memory_space<semaphore_mem>>)
        %dma_wait3A_119 = arith.constant 0 : i32
        %dma_wait3A_120 = arith.constant 0 : i32
        %dma_wait3A_121 = tpu.memref_slice %arg10[%dma_wait3A_119, %dma_wait3A_120] : memref<512x32xbf16, #tpu.memory_space<vmem>> -> memref<112x32xbf16, #tpu.memory_space<vmem>>
        %dma_wait3A_122 = arith.constant 0 : i32
        %dma_wait3A_123 = tpu.memref_slice %arg7[%add3A_108, %dma_wait3A_122] : memref<100048x32xbf16, #tpu.memory_space<vmem_shared>> -> memref<112x32xbf16, #tpu.memory_space<vmem_shared>>
        %dma_wait3A_124 = arith.constant 0 : i32
        %dma_wait3A_125 = tpu.memref_slice %arg7[%add3A_108, %dma_wait3A_124] : memref<100048x32xbf16, #tpu.memory_space<vmem_shared>> -> memref<112x32xbf16, #tpu.memory_space<vmem_shared>>
        %dma_wait3A_126 = arith.constant 0 : i32
        %dma_wait3A_127 = arith.constant 0 : i32
        %dma_wait3A_128 = tpu.memref_slice %arg10[%dma_wait3A_126, %dma_wait3A_127] : memref<512x32xbf16, #tpu.memory_space<vmem>> -> memref<112x32xbf16, #tpu.memory_space<vmem>>
        tpu.wait_dma2 semaphore(%run_scoped3A : memref<!tpu.dma_semaphore, #tpu.memory_space<semaphore_mem>>) src(%dma_wait3A_128 : memref<112x32xbf16, #tpu.memory_space<vmem>>) dst(%dma_wait3A_125 : memref<112x32xbf16, #tpu.memory_space<vmem_shared>>)
        tpu.yield
      }) : () -> ()
    } else {
    }
    %eq3A = arith.constant 15 : i32
    %eq3A_26 = arith.cmpi eq, %arg1, %eq3A : i32
    %convert_element_type3A_27 = arith.extui %eq3A_26 : i1 to i32
    %cond3A_28 = arith.constant 0 : i32
    %cond3A_29 = arith.cmpi ne, %convert_element_type3A_27, %cond3A_28 : i32
    scf.if %cond3A_29 {
      %add3A_107 = arith.constant 6144 : i32
      %add3A_108 = arith.addi %mul3A_0, %add3A_107 : i32
      "tpu.region"() ({
        %run_scoped3A = tpu.sem_alloc : memref<!tpu.dma_semaphore, #tpu.memory_space<semaphore_mem>>
        %dma_start3A_109 = arith.constant 0 : i32
        %dma_start3A_110 = arith.constant 0 : i32
        %dma_start3A_111 = tpu.memref_slice %arg10[%dma_start3A_109, %dma_start3A_110] : memref<512x32xbf16, #tpu.memory_space<vmem>> -> memref<64x32xbf16, #tpu.memory_space<vmem>>
        %dma_start3A_112 = arith.constant 0 : i32
        %dma_start3A_113 = tpu.memref_slice %arg7[%add3A_108, %dma_start3A_112] : memref<100048x32xbf16, #tpu.memory_space<vmem_shared>> -> memref<64x32xbf16, #tpu.memory_space<vmem_shared>>
        %dma_start3A_114 = arith.constant 0 : i32
        %dma_start3A_115 = tpu.memref_slice %arg7[%add3A_108, %dma_start3A_114] : memref<100048x32xbf16, #tpu.memory_space<vmem_shared>> -> memref<64x32xbf16, #tpu.memory_space<vmem_shared>>
        %dma_start3A_116 = arith.constant 0 : i32
        %dma_start3A_117 = arith.constant 0 : i32
        %dma_start3A_118 = tpu.memref_slice %arg10[%dma_start3A_116, %dma_start3A_117] : memref<512x32xbf16, #tpu.memory_space<vmem>> -> memref<64x32xbf16, #tpu.memory_space<vmem>>
        tpu.enqueue_dma source(%dma_start3A_118 : memref<64x32xbf16, #tpu.memory_space<vmem>>) target(%dma_start3A_115 : memref<64x32xbf16, #tpu.memory_space<vmem_shared>>) target_semaphore(%run_scoped3A : memref<!tpu.dma_semaphore, #tpu.memory_space<semaphore_mem>>)
        %dma_wait3A_119 = arith.constant 0 : i32
        %dma_wait3A_120 = arith.constant 0 : i32
        %dma_wait3A_121 = tpu.memref_slice %arg10[%dma_wait3A_119, %dma_wait3A_120] : memref<512x32xbf16, #tpu.memory_space<vmem>> -> memref<64x32xbf16, #tpu.memory_space<vmem>>
        %dma_wait3A_122 = arith.constant 0 : i32
        %dma_wait3A_123 = tpu.memref_slice %arg7[%add3A_108, %dma_wait3A_122] : memref<100048x32xbf16, #tpu.memory_space<vmem_shared>> -> memref<64x32xbf16, #tpu.memory_space<vmem_shared>>
        %dma_wait3A_124 = arith.constant 0 : i32
        %dma_wait3A_125 = tpu.memref_slice %arg7[%add3A_108, %dma_wait3A_124] : memref<100048x32xbf16, #tpu.memory_space<vmem_shared>> -> memref<64x32xbf16, #tpu.memory_space<vmem_shared>>
        %dma_wait3A_126 = arith.constant 0 : i32
        %dma_wait3A_127 = arith.constant 0 : i32
        %dma_wait3A_128 = tpu.memref_slice %arg10[%dma_wait3A_126, %dma_wait3A_127] : memref<512x32xbf16, #tpu.memory_space<vmem>> -> memref<64x32xbf16, #tpu.memory_space<vmem>>
        tpu.wait_dma2 semaphore(%run_scoped3A : memref<!tpu.dma_semaphore, #tpu.memory_space<semaphore_mem>>) src(%dma_wait3A_128 : memref<64x32xbf16, #tpu.memory_space<vmem>>) dst(%dma_wait3A_125 : memref<64x32xbf16, #tpu.memory_space<vmem_shared>>)
        tpu.yield
      }) : () -> ()
    } else {
    }
    %barrier3A = arith.constant 0 : index
    tpu.barrier barrier_id(%barrier3A)
    %mul3A_30 = arith.constant 16 : i32
    %mul3A_31 = arith.muli %arg0, %mul3A_30 : i32
    %add3A_32 = arith.addi %mul3A_31, %arg1 : i32
    %mul3A_33 = arith.constant 100 : i32
    %mul3A_34 = arith.muli %add3A_32, %mul3A_33 : i32
    "tpu.region"() ({
      %run_scoped3A = tpu.sem_alloc : memref<!tpu.dma_semaphore, #tpu.memory_space<semaphore_mem>>
      %dma_start3A_107 = arith.constant 0 : i32
      %dma_start3A_108 = tpu.memref_slice %arg3[%mul3A_34, %dma_start3A_107] : memref<3200x512xi32, #tpu.memory_space<hbm>> -> memref<1x512xi32, #tpu.memory_space<hbm>>
      %dma_start3A_109 = tpu.memref_squeeze %dma_start3A_108 : memref<1x512xi32, #tpu.memory_space<hbm>> -> memref<512xi32, #tpu.memory_space<hbm>>
      %dma_start3A_110 = arith.constant 0 : i32
      %dma_start3A_111 = tpu.memref_slice %arg3[%mul3A_34, %dma_start3A_110] : memref<3200x512xi32, #tpu.memory_space<hbm>> -> memref<1x512xi32, #tpu.memory_space<hbm>>
      %dma_start3A_112 = tpu.memref_squeeze %dma_start3A_111 : memref<1x512xi32, #tpu.memory_space<hbm>> -> memref<512xi32, #tpu.memory_space<hbm>>
      tpu.enqueue_dma source(%dma_start3A_112 : memref<512xi32, #tpu.memory_space<hbm>>) target(%arg8 : memref<512xi32, #tpu.memory_space<vmem>>) target_semaphore(%run_scoped3A : memref<!tpu.dma_semaphore, #tpu.memory_space<semaphore_mem>>)
      %dma_wait3A_113 = arith.constant 0 : i32
      %dma_wait3A_114 = tpu.memref_slice %arg3[%mul3A_34, %dma_wait3A_113] : memref<3200x512xi32, #tpu.memory_space<hbm>> -> memref<1x512xi32, #tpu.memory_space<hbm>>
      %dma_wait3A_115 = tpu.memref_squeeze %dma_wait3A_114 : memref<1x512xi32, #tpu.memory_space<hbm>> -> memref<512xi32, #tpu.memory_space<hbm>>
      %dma_wait3A_116 = arith.constant 0 : i32
      %dma_wait3A_117 = tpu.memref_slice %arg3[%mul3A_34, %dma_wait3A_116] : memref<3200x512xi32, #tpu.memory_space<hbm>> -> memref<1x512xi32, #tpu.memory_space<hbm>>
      %dma_wait3A_118 = tpu.memref_squeeze %dma_wait3A_117 : memref<1x512xi32, #tpu.memory_space<hbm>> -> memref<512xi32, #tpu.memory_space<hbm>>
      tpu.wait_dma2 semaphore(%run_scoped3A : memref<!tpu.dma_semaphore, #tpu.memory_space<semaphore_mem>>) src(%dma_wait3A_118 : memref<512xi32, #tpu.memory_space<hbm>>) dst(%arg8 : memref<512xi32, #tpu.memory_space<vmem>>)
      tpu.yield
    }) : () -> ()
    "tpu.region"() ({
      %run_scoped3A = tpu.sem_alloc : memref<!tpu.dma_semaphore, #tpu.memory_space<semaphore_mem>>
      %dma_start3A_107 = arith.constant 0 : i32
      %dma_start3A_108 = tpu.memref_slice %arg4[%mul3A_34, %dma_start3A_107] : memref<3200x512xi32, #tpu.memory_space<hbm>> -> memref<1x512xi32, #tpu.memory_space<hbm>>
      %dma_start3A_109 = tpu.memref_squeeze %dma_start3A_108 : memref<1x512xi32, #tpu.memory_space<hbm>> -> memref<512xi32, #tpu.memory_space<hbm>>
      %dma_start3A_110 = arith.constant 0 : i32
      %dma_start3A_111 = tpu.memref_slice %arg4[%mul3A_34, %dma_start3A_110] : memref<3200x512xi32, #tpu.memory_space<hbm>> -> memref<1x512xi32, #tpu.memory_space<hbm>>
      %dma_start3A_112 = tpu.memref_squeeze %dma_start3A_111 : memref<1x512xi32, #tpu.memory_space<hbm>> -> memref<512xi32, #tpu.memory_space<hbm>>
      tpu.enqueue_dma source(%dma_start3A_112 : memref<512xi32, #tpu.memory_space<hbm>>) target(%arg9 : memref<512xi32, #tpu.memory_space<vmem>>) target_semaphore(%run_scoped3A : memref<!tpu.dma_semaphore, #tpu.memory_space<semaphore_mem>>)
      %dma_wait3A_113 = arith.constant 0 : i32
      %dma_wait3A_114 = tpu.memref_slice %arg4[%mul3A_34, %dma_wait3A_113] : memref<3200x512xi32, #tpu.memory_space<hbm>> -> memref<1x512xi32, #tpu.memory_space<hbm>>
      %dma_wait3A_115 = tpu.memref_squeeze %dma_wait3A_114 : memref<1x512xi32, #tpu.memory_space<hbm>> -> memref<512xi32, #tpu.memory_space<hbm>>
      %dma_wait3A_116 = arith.constant 0 : i32
      %dma_wait3A_117 = tpu.memref_slice %arg4[%mul3A_34, %dma_wait3A_116] : memref<3200x512xi32, #tpu.memory_space<hbm>> -> memref<1x512xi32, #tpu.memory_space<hbm>>
      %dma_wait3A_118 = tpu.memref_squeeze %dma_wait3A_117 : memref<1x512xi32, #tpu.memory_space<hbm>> -> memref<512xi32, #tpu.memory_space<hbm>>
      tpu.wait_dma2 semaphore(%run_scoped3A : memref<!tpu.dma_semaphore, #tpu.memory_space<semaphore_mem>>) src(%dma_wait3A_118 : memref<512xi32, #tpu.memory_space<hbm>>) dst(%arg9 : memref<512xi32, #tpu.memory_space<vmem>>)
      tpu.yield
    }) : () -> ()
    %dma_start3A = arith.constant 0 : i32
    %dma_start3A_35 = arith.constant 0 : i32
    %dma_start3A_36 = tpu.memref_slice %arg2[%dma_start3A, %dma_start3A_35] : memref<100000x32xbf16, #tpu.memory_space<hbm>> -> memref<100000x32xbf16, #tpu.memory_space<hbm>>
    tpu.enqueue_indirect_dma source(%dma_start3A_36 : memref<100000x32xbf16, #tpu.memory_space<hbm>>) target(%arg10 : memref<512x32xbf16, #tpu.memory_space<vmem>>) offsets(%arg8 : memref<512xi32, #tpu.memory_space<vmem>>) semaphore(%arg14 : memref<!tpu.dma_semaphore, #tpu.memory_space<semaphore_mem>>)
    %add3A_37 = arith.constant 1 : i32
    %add3A_38 = arith.addi %mul3A_34, %add3A_37 : i32
    %dma_start3A_39 = arith.constant 0 : i32
    %dma_start3A_40 = tpu.memref_slice %arg3[%add3A_38, %dma_start3A_39] : memref<3200x512xi32, #tpu.memory_space<hbm>> -> memref<1x512xi32, #tpu.memory_space<hbm>>
    %dma_start3A_41 = tpu.memref_squeeze %dma_start3A_40 : memref<1x512xi32, #tpu.memory_space<hbm>> -> memref<512xi32, #tpu.memory_space<hbm>>
    %dma_start3A_42 = arith.constant 0 : i32
    %dma_start3A_43 = tpu.memref_slice %arg3[%add3A_38, %dma_start3A_42] : memref<3200x512xi32, #tpu.memory_space<hbm>> -> memref<1x512xi32, #tpu.memory_space<hbm>>
    %dma_start3A_44 = tpu.memref_squeeze %dma_start3A_43 : memref<1x512xi32, #tpu.memory_space<hbm>> -> memref<512xi32, #tpu.memory_space<hbm>>
    tpu.enqueue_dma source(%dma_start3A_44 : memref<512xi32, #tpu.memory_space<hbm>>) target(%arg11 : memref<512xi32, #tpu.memory_space<vmem>>) target_semaphore(%arg16 : memref<!tpu.dma_semaphore, #tpu.memory_space<semaphore_mem>>)
    %add3A_45 = arith.constant 1 : i32
    %add3A_46 = arith.addi %mul3A_34, %add3A_45 : i32
    %dma_start3A_47 = arith.constant 0 : i32
    %dma_start3A_48 = tpu.memref_slice %arg4[%add3A_46, %dma_start3A_47] : memref<3200x512xi32, #tpu.memory_space<hbm>> -> memref<1x512xi32, #tpu.memory_space<hbm>>
    %dma_start3A_49 = tpu.memref_squeeze %dma_start3A_48 : memref<1x512xi32, #tpu.memory_space<hbm>> -> memref<512xi32, #tpu.memory_space<hbm>>
    %dma_start3A_50 = arith.constant 0 : i32
    %dma_start3A_51 = tpu.memref_slice %arg4[%add3A_46, %dma_start3A_50] : memref<3200x512xi32, #tpu.memory_space<hbm>> -> memref<1x512xi32, #tpu.memory_space<hbm>>
    %dma_start3A_52 = tpu.memref_squeeze %dma_start3A_51 : memref<1x512xi32, #tpu.memory_space<hbm>> -> memref<512xi32, #tpu.memory_space<hbm>>
    tpu.enqueue_dma source(%dma_start3A_52 : memref<512xi32, #tpu.memory_space<hbm>>) target(%arg12 : memref<512xi32, #tpu.memory_space<vmem>>) target_semaphore(%arg16 : memref<!tpu.dma_semaphore, #tpu.memory_space<semaphore_mem>>)
    %dma_wait3A = arith.constant 0 : i32
    %dma_wait3A_53 = arith.constant 0 : i32
    %dma_wait3A_54 = tpu.memref_slice %arg2[%dma_wait3A, %dma_wait3A_53] : memref<100000x32xbf16, #tpu.memory_space<hbm>> -> memref<100000x32xbf16, #tpu.memory_space<hbm>>
    tpu.wait_indirect_dma semaphore(%arg14 : memref<!tpu.dma_semaphore, #tpu.memory_space<semaphore_mem>>) src(%dma_wait3A_54 : memref<100000x32xbf16, #tpu.memory_space<hbm>>) dst(%arg10 : memref<512x32xbf16, #tpu.memory_space<vmem>>)
    %add3A_55 = arith.constant 1 : i32
    %add3A_56 = arith.addi %mul3A_34, %add3A_55 : i32
    %dma_wait3A_57 = arith.constant 0 : i32
    %dma_wait3A_58 = tpu.memref_slice %arg3[%add3A_56, %dma_wait3A_57] : memref<3200x512xi32, #tpu.memory_space<hbm>> -> memref<1x512xi32, #tpu.memory_space<hbm>>
    %dma_wait3A_59 = tpu.memref_squeeze %dma_wait3A_58 : memref<1x512xi32, #tpu.memory_space<hbm>> -> memref<512xi32, #tpu.memory_space<hbm>>
    %dma_wait3A_60 = arith.constant 0 : i32
    %dma_wait3A_61 = tpu.memref_slice %arg3[%add3A_56, %dma_wait3A_60] : memref<3200x512xi32, #tpu.memory_space<hbm>> -> memref<1x512xi32, #tpu.memory_space<hbm>>
    %dma_wait3A_62 = tpu.memref_squeeze %dma_wait3A_61 : memref<1x512xi32, #tpu.memory_space<hbm>> -> memref<512xi32, #tpu.memory_space<hbm>>
    tpu.wait_dma2 semaphore(%arg16 : memref<!tpu.dma_semaphore, #tpu.memory_space<semaphore_mem>>) src(%dma_wait3A_62 : memref<512xi32, #tpu.memory_space<hbm>>) dst(%arg11 : memref<512xi32, #tpu.memory_space<vmem>>)
    %add3A_63 = arith.constant 1 : i32
    %add3A_64 = arith.addi %mul3A_34, %add3A_63 : i32
    %dma_wait3A_65 = arith.constant 0 : i32
    %dma_wait3A_66 = tpu.memref_slice %arg4[%add3A_64, %dma_wait3A_65] : memref<3200x512xi32, #tpu.memory_space<hbm>> -> memref<1x512xi32, #tpu.memory_space<hbm>>
    %dma_wait3A_67 = tpu.memref_squeeze %dma_wait3A_66 : memref<1x512xi32, #tpu.memory_space<hbm>> -> memref<512xi32, #tpu.memory_space<hbm>>
    %dma_wait3A_68 = arith.constant 0 : i32
    %dma_wait3A_69 = tpu.memref_slice %arg4[%add3A_64, %dma_wait3A_68] : memref<3200x512xi32, #tpu.memory_space<hbm>> -> memref<1x512xi32, #tpu.memory_space<hbm>>
    %dma_wait3A_70 = tpu.memref_squeeze %dma_wait3A_69 : memref<1x512xi32, #tpu.memory_space<hbm>> -> memref<512xi32, #tpu.memory_space<hbm>>
    tpu.wait_dma2 semaphore(%arg16 : memref<!tpu.dma_semaphore, #tpu.memory_space<semaphore_mem>>) src(%dma_wait3A_70 : memref<512xi32, #tpu.memory_space<hbm>>) dst(%arg12 : memref<512xi32, #tpu.memory_space<vmem>>)
    %dma_start3A_71 = arith.constant 0 : i32
    %dma_start3A_72 = arith.constant 0 : i32
    %dma_start3A_73 = tpu.memref_slice %arg2[%dma_start3A_71, %dma_start3A_72] : memref<100000x32xbf16, #tpu.memory_space<hbm>> -> memref<100000x32xbf16, #tpu.memory_space<hbm>>
    tpu.enqueue_indirect_dma source(%dma_start3A_73 : memref<100000x32xbf16, #tpu.memory_space<hbm>>) target(%arg13 : memref<512x32xbf16, #tpu.memory_space<vmem>>) offsets(%arg11 : memref<512xi32, #tpu.memory_space<vmem>>) semaphore(%arg14 : memref<!tpu.dma_semaphore, #tpu.memory_space<semaphore_mem>>)
    %dma_start3A_74 = arith.constant 0 : i32
    %dma_start3A_75 = arith.constant 0 : i32
    %dma_start3A_76 = tpu.memref_slice %arg7[%dma_start3A_74, %dma_start3A_75] : memref<100048x32xbf16, #tpu.memory_space<vmem_shared>> -> memref<100048x32xbf16, #tpu.memory_space<vmem_shared>>
    tpu.enqueue_indirect_dma source(%arg10 : memref<512x32xbf16, #tpu.memory_space<vmem>>) target(%dma_start3A_76 : memref<100048x32xbf16, #tpu.memory_space<vmem_shared>>) offsets(%arg9 : memref<512xi32, #tpu.memory_space<vmem>>) semaphore(%arg15 : memref<!tpu.dma_semaphore, #tpu.memory_space<semaphore_mem>>) {add = true}
    %scan3A = arith.constant 0 : i32
    %scan3A_77 = arith.constant 0 : i32
    %scan3A_78 = arith.constant 49 : i32
    %scan3A_79 = arith.addi %scan3A_77, %scan3A_78 : i32
    %scan3A_80 = arith.constant 1 : i32
    scf.for %scan3A_107 = %scan3A_77 to %scan3A_79 step %scan3A_80  : i32 {
      %mul3A_108 = arith.constant 2 : i32
      %mul3A_109 = arith.muli %mul3A_108, %scan3A_107 : i32
      %add3A_110 = arith.constant 1 : i32
      %add3A_111 = arith.addi %add3A_110, %mul3A_109 : i32
      %add3A_112 = arith.constant 0 : i32
      %add3A_113 = arith.addi %add3A_111, %add3A_112 : i32
      %dma_wait3A_114 = arith.constant 0 : i32
      %dma_wait3A_115 = arith.constant 0 : i32
      %dma_wait3A_116 = tpu.memref_slice %arg7[%dma_wait3A_114, %dma_wait3A_115] : memref<100048x32xbf16, #tpu.memory_space<vmem_shared>> -> memref<100048x32xbf16, #tpu.memory_space<vmem_shared>>
      tpu.wait_indirect_dma semaphore(%arg15 : memref<!tpu.dma_semaphore, #tpu.memory_space<semaphore_mem>>) src(%arg10 : memref<512x32xbf16, #tpu.memory_space<vmem>>) dst(%dma_wait3A_116 : memref<100048x32xbf16, #tpu.memory_space<vmem_shared>>)
      %add3A_117 = arith.constant 1 : i32
      %add3A_118 = arith.addi %add3A_113, %add3A_117 : i32
      %add3A_119 = arith.addi %mul3A_34, %add3A_118 : i32
      %dma_start3A_120 = arith.constant 0 : i32
      %dma_start3A_121 = tpu.memref_slice %arg3[%add3A_119, %dma_start3A_120] : memref<3200x512xi32, #tpu.memory_space<hbm>> -> memref<1x512xi32, #tpu.memory_space<hbm>>
      %dma_start3A_122 = tpu.memref_squeeze %dma_start3A_121 : memref<1x512xi32, #tpu.memory_space<hbm>> -> memref<512xi32, #tpu.memory_space<hbm>>
      %dma_start3A_123 = arith.constant 0 : i32
      %dma_start3A_124 = tpu.memref_slice %arg3[%add3A_119, %dma_start3A_123] : memref<3200x512xi32, #tpu.memory_space<hbm>> -> memref<1x512xi32, #tpu.memory_space<hbm>>
      %dma_start3A_125 = tpu.memref_squeeze %dma_start3A_124 : memref<1x512xi32, #tpu.memory_space<hbm>> -> memref<512xi32, #tpu.memory_space<hbm>>
      tpu.enqueue_dma source(%dma_start3A_125 : memref<512xi32, #tpu.memory_space<hbm>>) target(%arg8 : memref<512xi32, #tpu.memory_space<vmem>>) target_semaphore(%arg16 : memref<!tpu.dma_semaphore, #tpu.memory_space<semaphore_mem>>)
      %add3A_126 = arith.addi %mul3A_34, %add3A_118 : i32
      %dma_start3A_127 = arith.constant 0 : i32
      %dma_start3A_128 = tpu.memref_slice %arg4[%add3A_126, %dma_start3A_127] : memref<3200x512xi32, #tpu.memory_space<hbm>> -> memref<1x512xi32, #tpu.memory_space<hbm>>
      %dma_start3A_129 = tpu.memref_squeeze %dma_start3A_128 : memref<1x512xi32, #tpu.memory_space<hbm>> -> memref<512xi32, #tpu.memory_space<hbm>>
      %dma_start3A_130 = arith.constant 0 : i32
      %dma_start3A_131 = tpu.memref_slice %arg4[%add3A_126, %dma_start3A_130] : memref<3200x512xi32, #tpu.memory_space<hbm>> -> memref<1x512xi32, #tpu.memory_space<hbm>>
      %dma_start3A_132 = tpu.memref_squeeze %dma_start3A_131 : memref<1x512xi32, #tpu.memory_space<hbm>> -> memref<512xi32, #tpu.memory_space<hbm>>
      tpu.enqueue_dma source(%dma_start3A_132 : memref<512xi32, #tpu.memory_space<hbm>>) target(%arg9 : memref<512xi32, #tpu.memory_space<vmem>>) target_semaphore(%arg16 : memref<!tpu.dma_semaphore, #tpu.memory_space<semaphore_mem>>)
      %dma_wait3A_133 = arith.constant 0 : i32
      %dma_wait3A_134 = arith.constant 0 : i32
      %dma_wait3A_135 = tpu.memref_slice %arg2[%dma_wait3A_133, %dma_wait3A_134] : memref<100000x32xbf16, #tpu.memory_space<hbm>> -> memref<100000x32xbf16, #tpu.memory_space<hbm>>
      tpu.wait_indirect_dma semaphore(%arg14 : memref<!tpu.dma_semaphore, #tpu.memory_space<semaphore_mem>>) src(%dma_wait3A_135 : memref<100000x32xbf16, #tpu.memory_space<hbm>>) dst(%arg13 : memref<512x32xbf16, #tpu.memory_space<vmem>>)
      %add3A_136 = arith.constant 1 : i32
      %add3A_137 = arith.addi %add3A_113, %add3A_136 : i32
      %add3A_138 = arith.addi %mul3A_34, %add3A_137 : i32
      %dma_wait3A_139 = arith.constant 0 : i32
      %dma_wait3A_140 = tpu.memref_slice %arg3[%add3A_138, %dma_wait3A_139] : memref<3200x512xi32, #tpu.memory_space<hbm>> -> memref<1x512xi32, #tpu.memory_space<hbm>>
      %dma_wait3A_141 = tpu.memref_squeeze %dma_wait3A_140 : memref<1x512xi32, #tpu.memory_space<hbm>> -> memref<512xi32, #tpu.memory_space<hbm>>
      %dma_wait3A_142 = arith.constant 0 : i32
      %dma_wait3A_143 = tpu.memref_slice %arg3[%add3A_138, %dma_wait3A_142] : memref<3200x512xi32, #tpu.memory_space<hbm>> -> memref<1x512xi32, #tpu.memory_space<hbm>>
      %dma_wait3A_144 = tpu.memref_squeeze %dma_wait3A_143 : memref<1x512xi32, #tpu.memory_space<hbm>> -> memref<512xi32, #tpu.memory_space<hbm>>
      tpu.wait_dma2 semaphore(%arg16 : memref<!tpu.dma_semaphore, #tpu.memory_space<semaphore_mem>>) src(%dma_wait3A_144 : memref<512xi32, #tpu.memory_space<hbm>>) dst(%arg8 : memref<512xi32, #tpu.memory_space<vmem>>)
      %add3A_145 = arith.addi %mul3A_34, %add3A_137 : i32
      %dma_wait3A_146 = arith.constant 0 : i32
      %dma_wait3A_147 = tpu.memref_slice %arg4[%add3A_145, %dma_wait3A_146] : memref<3200x512xi32, #tpu.memory_space<hbm>> -> memref<1x512xi32, #tpu.memory_space<hbm>>
      %dma_wait3A_148 = tpu.memref_squeeze %dma_wait3A_147 : memref<1x512xi32, #tpu.memory_space<hbm>> -> memref<512xi32, #tpu.memory_space<hbm>>
      %dma_wait3A_149 = arith.constant 0 : i32
      %dma_wait3A_150 = tpu.memref_slice %arg4[%add3A_145, %dma_wait3A_149] : memref<3200x512xi32, #tpu.memory_space<hbm>> -> memref<1x512xi32, #tpu.memory_space<hbm>>
      %dma_wait3A_151 = tpu.memref_squeeze %dma_wait3A_150 : memref<1x512xi32, #tpu.memory_space<hbm>> -> memref<512xi32, #tpu.memory_space<hbm>>
      tpu.wait_dma2 semaphore(%arg16 : memref<!tpu.dma_semaphore, #tpu.memory_space<semaphore_mem>>) src(%dma_wait3A_151 : memref<512xi32, #tpu.memory_space<hbm>>) dst(%arg9 : memref<512xi32, #tpu.memory_space<vmem>>)
      %dma_start3A_152 = arith.constant 0 : i32
      %dma_start3A_153 = arith.constant 0 : i32
      %dma_start3A_154 = tpu.memref_slice %arg2[%dma_start3A_152, %dma_start3A_153] : memref<100000x32xbf16, #tpu.memory_space<hbm>> -> memref<100000x32xbf16, #tpu.memory_space<hbm>>
      tpu.enqueue_indirect_dma source(%dma_start3A_154 : memref<100000x32xbf16, #tpu.memory_space<hbm>>) target(%arg10 : memref<512x32xbf16, #tpu.memory_space<vmem>>) offsets(%arg8 : memref<512xi32, #tpu.memory_space<vmem>>) semaphore(%arg14 : memref<!tpu.dma_semaphore, #tpu.memory_space<semaphore_mem>>)
      %dma_start3A_155 = arith.constant 0 : i32
      %dma_start3A_156 = arith.constant 0 : i32
      %dma_start3A_157 = tpu.memref_slice %arg7[%dma_start3A_155, %dma_start3A_156] : memref<100048x32xbf16, #tpu.memory_space<vmem_shared>> -> memref<100048x32xbf16, #tpu.memory_space<vmem_shared>>
      tpu.enqueue_indirect_dma source(%arg13 : memref<512x32xbf16, #tpu.memory_space<vmem>>) target(%dma_start3A_157 : memref<100048x32xbf16, #tpu.memory_space<vmem_shared>>) offsets(%arg12 : memref<512xi32, #tpu.memory_space<vmem>>) semaphore(%arg15 : memref<!tpu.dma_semaphore, #tpu.memory_space<semaphore_mem>>) {add = true}
      %add3A_158 = arith.constant 1 : i32
      %add3A_159 = arith.addi %add3A_111, %add3A_158 : i32
      %dma_wait3A_160 = arith.constant 0 : i32
      %dma_wait3A_161 = arith.constant 0 : i32
      %dma_wait3A_162 = tpu.memref_slice %arg7[%dma_wait3A_160, %dma_wait3A_161] : memref<100048x32xbf16, #tpu.memory_space<vmem_shared>> -> memref<100048x32xbf16, #tpu.memory_space<vmem_shared>>
      tpu.wait_indirect_dma semaphore(%arg15 : memref<!tpu.dma_semaphore, #tpu.memory_space<semaphore_mem>>) src(%arg13 : memref<512x32xbf16, #tpu.memory_space<vmem>>) dst(%dma_wait3A_162 : memref<100048x32xbf16, #tpu.memory_space<vmem_shared>>)
      %add3A_163 = arith.constant 1 : i32
      %add3A_164 = arith.addi %add3A_159, %add3A_163 : i32
      %add3A_165 = arith.addi %mul3A_34, %add3A_164 : i32
      %dma_start3A_166 = arith.constant 0 : i32
      %dma_start3A_167 = tpu.memref_slice %arg3[%add3A_165, %dma_start3A_166] : memref<3200x512xi32, #tpu.memory_space<hbm>> -> memref<1x512xi32, #tpu.memory_space<hbm>>
      %dma_start3A_168 = tpu.memref_squeeze %dma_start3A_167 : memref<1x512xi32, #tpu.memory_space<hbm>> -> memref<512xi32, #tpu.memory_space<hbm>>
      %dma_start3A_169 = arith.constant 0 : i32
      %dma_start3A_170 = tpu.memref_slice %arg3[%add3A_165, %dma_start3A_169] : memref<3200x512xi32, #tpu.memory_space<hbm>> -> memref<1x512xi32, #tpu.memory_space<hbm>>
      %dma_start3A_171 = tpu.memref_squeeze %dma_start3A_170 : memref<1x512xi32, #tpu.memory_space<hbm>> -> memref<512xi32, #tpu.memory_space<hbm>>
      tpu.enqueue_dma source(%dma_start3A_171 : memref<512xi32, #tpu.memory_space<hbm>>) target(%arg11 : memref<512xi32, #tpu.memory_space<vmem>>) target_semaphore(%arg16 : memref<!tpu.dma_semaphore, #tpu.memory_space<semaphore_mem>>)
      %add3A_172 = arith.addi %mul3A_34, %add3A_164 : i32
      %dma_start3A_173 = arith.constant 0 : i32
      %dma_start3A_174 = tpu.memref_slice %arg4[%add3A_172, %dma_start3A_173] : memref<3200x512xi32, #tpu.memory_space<hbm>> -> memref<1x512xi32, #tpu.memory_space<hbm>>
      %dma_start3A_175 = tpu.memref_squeeze %dma_start3A_174 : memref<1x512xi32, #tpu.memory_space<hbm>> -> memref<512xi32, #tpu.memory_space<hbm>>
      %dma_start3A_176 = arith.constant 0 : i32
      %dma_start3A_177 = tpu.memref_slice %arg4[%add3A_172, %dma_start3A_176] : memref<3200x512xi32, #tpu.memory_space<hbm>> -> memref<1x512xi32, #tpu.memory_space<hbm>>
      %dma_start3A_178 = tpu.memref_squeeze %dma_start3A_177 : memref<1x512xi32, #tpu.memory_space<hbm>> -> memref<512xi32, #tpu.memory_space<hbm>>
      tpu.enqueue_dma source(%dma_start3A_178 : memref<512xi32, #tpu.memory_space<hbm>>) target(%arg12 : memref<512xi32, #tpu.memory_space<vmem>>) target_semaphore(%arg16 : memref<!tpu.dma_semaphore, #tpu.memory_space<semaphore_mem>>)
      %dma_wait3A_179 = arith.constant 0 : i32
      %dma_wait3A_180 = arith.constant 0 : i32
      %dma_wait3A_181 = tpu.memref_slice %arg2[%dma_wait3A_179, %dma_wait3A_180] : memref<100000x32xbf16, #tpu.memory_space<hbm>> -> memref<100000x32xbf16, #tpu.memory_space<hbm>>
      tpu.wait_indirect_dma semaphore(%arg14 : memref<!tpu.dma_semaphore, #tpu.memory_space<semaphore_mem>>) src(%dma_wait3A_181 : memref<100000x32xbf16, #tpu.memory_space<hbm>>) dst(%arg10 : memref<512x32xbf16, #tpu.memory_space<vmem>>)
      %add3A_182 = arith.constant 1 : i32
      %add3A_183 = arith.addi %add3A_159, %add3A_182 : i32
      %add3A_184 = arith.addi %mul3A_34, %add3A_183 : i32
      %dma_wait3A_185 = arith.constant 0 : i32
      %dma_wait3A_186 = tpu.memref_slice %arg3[%add3A_184, %dma_wait3A_185] : memref<3200x512xi32, #tpu.memory_space<hbm>> -> memref<1x512xi32, #tpu.memory_space<hbm>>
      %dma_wait3A_187 = tpu.memref_squeeze %dma_wait3A_186 : memref<1x512xi32, #tpu.memory_space<hbm>> -> memref<512xi32, #tpu.memory_space<hbm>>
      %dma_wait3A_188 = arith.constant 0 : i32
      %dma_wait3A_189 = tpu.memref_slice %arg3[%add3A_184, %dma_wait3A_188] : memref<3200x512xi32, #tpu.memory_space<hbm>> -> memref<1x512xi32, #tpu.memory_space<hbm>>
      %dma_wait3A_190 = tpu.memref_squeeze %dma_wait3A_189 : memref<1x512xi32, #tpu.memory_space<hbm>> -> memref<512xi32, #tpu.memory_space<hbm>>
      tpu.wait_dma2 semaphore(%arg16 : memref<!tpu.dma_semaphore, #tpu.memory_space<semaphore_mem>>) src(%dma_wait3A_190 : memref<512xi32, #tpu.memory_space<hbm>>) dst(%arg11 : memref<512xi32, #tpu.memory_space<vmem>>)
      %add3A_191 = arith.addi %mul3A_34, %add3A_183 : i32
      %dma_wait3A_192 = arith.constant 0 : i32
      %dma_wait3A_193 = tpu.memref_slice %arg4[%add3A_191, %dma_wait3A_192] : memref<3200x512xi32, #tpu.memory_space<hbm>> -> memref<1x512xi32, #tpu.memory_space<hbm>>
      %dma_wait3A_194 = tpu.memref_squeeze %dma_wait3A_193 : memref<1x512xi32, #tpu.memory_space<hbm>> -> memref<512xi32, #tpu.memory_space<hbm>>
      %dma_wait3A_195 = arith.constant 0 : i32
      %dma_wait3A_196 = tpu.memref_slice %arg4[%add3A_191, %dma_wait3A_195] : memref<3200x512xi32, #tpu.memory_space<hbm>> -> memref<1x512xi32, #tpu.memory_space<hbm>>
      %dma_wait3A_197 = tpu.memref_squeeze %dma_wait3A_196 : memref<1x512xi32, #tpu.memory_space<hbm>> -> memref<512xi32, #tpu.memory_space<hbm>>
      tpu.wait_dma2 semaphore(%arg16 : memref<!tpu.dma_semaphore, #tpu.memory_space<semaphore_mem>>) src(%dma_wait3A_197 : memref<512xi32, #tpu.memory_space<hbm>>) dst(%arg12 : memref<512xi32, #tpu.memory_space<vmem>>)
      %dma_start3A_198 = arith.constant 0 : i32
      %dma_start3A_199 = arith.constant 0 : i32
      %dma_start3A_200 = tpu.memref_slice %arg2[%dma_start3A_198, %dma_start3A_199] : memref<100000x32xbf16, #tpu.memory_space<hbm>> -> memref<100000x32xbf16, #tpu.memory_space<hbm>>
      tpu.enqueue_indirect_dma source(%dma_start3A_200 : memref<100000x32xbf16, #tpu.memory_space<hbm>>) target(%arg13 : memref<512x32xbf16, #tpu.memory_space<vmem>>) offsets(%arg11 : memref<512xi32, #tpu.memory_space<vmem>>) semaphore(%arg14 : memref<!tpu.dma_semaphore, #tpu.memory_space<semaphore_mem>>)
      %dma_start3A_201 = arith.constant 0 : i32
      %dma_start3A_202 = arith.constant 0 : i32
      %dma_start3A_203 = tpu.memref_slice %arg7[%dma_start3A_201, %dma_start3A_202] : memref<100048x32xbf16, #tpu.memory_space<vmem_shared>> -> memref<100048x32xbf16, #tpu.memory_space<vmem_shared>>
      tpu.enqueue_indirect_dma source(%arg10 : memref<512x32xbf16, #tpu.memory_space<vmem>>) target(%dma_start3A_203 : memref<100048x32xbf16, #tpu.memory_space<vmem_shared>>) offsets(%arg9 : memref<512xi32, #tpu.memory_space<vmem>>) semaphore(%arg15 : memref<!tpu.dma_semaphore, #tpu.memory_space<semaphore_mem>>) {add = true}
    }
    %scan3A_81 = arith.constant 49 : i32
    %dma_wait3A_82 = arith.constant 0 : i32
    %dma_wait3A_83 = arith.constant 0 : i32
    %dma_wait3A_84 = tpu.memref_slice %arg7[%dma_wait3A_82, %dma_wait3A_83] : memref<100048x32xbf16, #tpu.memory_space<vmem_shared>> -> memref<100048x32xbf16, #tpu.memory_space<vmem_shared>>
    tpu.wait_indirect_dma semaphore(%arg15 : memref<!tpu.dma_semaphore, #tpu.memory_space<semaphore_mem>>) src(%arg10 : memref<512x32xbf16, #tpu.memory_space<vmem>>) dst(%dma_wait3A_84 : memref<100048x32xbf16, #tpu.memory_space<vmem_shared>>)
    %dma_wait3A_85 = arith.constant 0 : i32
    %dma_wait3A_86 = arith.constant 0 : i32
    %dma_wait3A_87 = tpu.memref_slice %arg2[%dma_wait3A_85, %dma_wait3A_86] : memref<100000x32xbf16, #tpu.memory_space<hbm>> -> memref<100000x32xbf16, #tpu.memory_space<hbm>>
    tpu.wait_indirect_dma semaphore(%arg14 : memref<!tpu.dma_semaphore, #tpu.memory_space<semaphore_mem>>) src(%dma_wait3A_87 : memref<100000x32xbf16, #tpu.memory_space<hbm>>) dst(%arg13 : memref<512x32xbf16, #tpu.memory_space<vmem>>)
    %dma_start3A_88 = arith.constant 0 : i32
    %dma_start3A_89 = arith.constant 0 : i32
    %dma_start3A_90 = tpu.memref_slice %arg7[%dma_start3A_88, %dma_start3A_89] : memref<100048x32xbf16, #tpu.memory_space<vmem_shared>> -> memref<100048x32xbf16, #tpu.memory_space<vmem_shared>>
    tpu.enqueue_indirect_dma source(%arg13 : memref<512x32xbf16, #tpu.memory_space<vmem>>) target(%dma_start3A_90 : memref<100048x32xbf16, #tpu.memory_space<vmem_shared>>) offsets(%arg12 : memref<512xi32, #tpu.memory_space<vmem>>) semaphore(%arg15 : memref<!tpu.dma_semaphore, #tpu.memory_space<semaphore_mem>>) {add = true}
    %dma_wait3A_91 = arith.constant 0 : i32
    %dma_wait3A_92 = arith.constant 0 : i32
    %dma_wait3A_93 = tpu.memref_slice %arg7[%dma_wait3A_91, %dma_wait3A_92] : memref<100048x32xbf16, #tpu.memory_space<vmem_shared>> -> memref<100048x32xbf16, #tpu.memory_space<vmem_shared>>
    tpu.wait_indirect_dma semaphore(%arg15 : memref<!tpu.dma_semaphore, #tpu.memory_space<semaphore_mem>>) src(%arg13 : memref<512x32xbf16, #tpu.memory_space<vmem>>) dst(%dma_wait3A_93 : memref<100048x32xbf16, #tpu.memory_space<vmem_shared>>)
    %barrier3A_94 = arith.constant 0 : index
    tpu.barrier barrier_id(%barrier3A_94)
    %mul3A_95 = arith.constant 6256 : i32
    %mul3A_96 = arith.muli %arg1, %mul3A_95 : i32
    %lt3A_97 = arith.constant 15 : i32
    %lt3A_98 = arith.cmpi slt, %arg1, %lt3A_97 : i32
    %convert_element_type3A_99 = arith.extui %lt3A_98 : i1 to i32
    %cond3A_100 = arith.constant 0 : i32
    %cond3A_101 = arith.cmpi ne, %convert_element_type3A_99, %cond3A_100 : i32
    scf.if %cond3A_101 {
      "tpu.region"() ({
        %run_scoped3A = tpu.sem_alloc : memref<!tpu.dma_semaphore, #tpu.memory_space<semaphore_mem>>
        %dma_start3A_107 = arith.constant 0 : i32
        %dma_start3A_108 = arith.constant 0 : i32
        %dma_start3A_109 = tpu.memref_slice %arg6[%arg0, %dma_start3A_107, %dma_start3A_108] : memref<2x100000x32xbf16, #tpu.memory_space<hbm>> -> memref<1x100000x32xbf16, #tpu.memory_space<hbm>>
        %dma_start3A_110 = tpu.memref_squeeze %dma_start3A_109 : memref<1x100000x32xbf16, #tpu.memory_space<hbm>> -> memref<100000x32xbf16, #tpu.memory_space<hbm>>
        %dma_start3A_111 = arith.constant 0 : i32
        %dma_start3A_112 = tpu.memref_slice %dma_start3A_110[%mul3A_96, %dma_start3A_111] : memref<100000x32xbf16, #tpu.memory_space<hbm>> -> memref<6256x32xbf16, #tpu.memory_space<hbm>>
        %dma_start3A_113 = arith.constant 0 : i32
        %dma_start3A_114 = tpu.memref_slice %arg7[%mul3A_96, %dma_start3A_113] : memref<100048x32xbf16, #tpu.memory_space<vmem_shared>> -> memref<6256x32xbf16, #tpu.memory_space<vmem_shared>>
        tpu.enqueue_dma source(%dma_start3A_114 : memref<6256x32xbf16, #tpu.memory_space<vmem_shared>>) target(%dma_start3A_112 : memref<6256x32xbf16, #tpu.memory_space<hbm>>) target_semaphore(%run_scoped3A : memref<!tpu.dma_semaphore, #tpu.memory_space<semaphore_mem>>)
        %dma_wait3A_115 = arith.constant 0 : i32
        %dma_wait3A_116 = arith.constant 0 : i32
        %dma_wait3A_117 = tpu.memref_slice %arg6[%arg0, %dma_wait3A_115, %dma_wait3A_116] : memref<2x100000x32xbf16, #tpu.memory_space<hbm>> -> memref<1x100000x32xbf16, #tpu.memory_space<hbm>>
        %dma_wait3A_118 = tpu.memref_squeeze %dma_wait3A_117 : memref<1x100000x32xbf16, #tpu.memory_space<hbm>> -> memref<100000x32xbf16, #tpu.memory_space<hbm>>
        %dma_wait3A_119 = arith.constant 0 : i32
        %dma_wait3A_120 = tpu.memref_slice %dma_wait3A_118[%mul3A_96, %dma_wait3A_119] : memref<100000x32xbf16, #tpu.memory_space<hbm>> -> memref<6256x32xbf16, #tpu.memory_space<hbm>>
        %dma_wait3A_121 = arith.constant 0 : i32
        %dma_wait3A_122 = tpu.memref_slice %arg7[%mul3A_96, %dma_wait3A_121] : memref<100048x32xbf16, #tpu.memory_space<vmem_shared>> -> memref<6256x32xbf16, #tpu.memory_space<vmem_shared>>
        tpu.wait_dma2 semaphore(%run_scoped3A : memref<!tpu.dma_semaphore, #tpu.memory_space<semaphore_mem>>) src(%dma_wait3A_122 : memref<6256x32xbf16, #tpu.memory_space<vmem_shared>>) dst(%dma_wait3A_120 : memref<6256x32xbf16, #tpu.memory_space<hbm>>)
        tpu.yield
      }) : () -> ()
    } else {
    }
    %eq3A_102 = arith.constant 15 : i32
    %eq3A_103 = arith.cmpi eq, %arg1, %eq3A_102 : i32
    %convert_element_type3A_104 = arith.extui %eq3A_103 : i1 to i32
    %cond3A_105 = arith.constant 0 : i32
    %cond3A_106 = arith.cmpi ne, %convert_element_type3A_104, %cond3A_105 : i32
    scf.if %cond3A_106 {
      "tpu.region"() ({
        %run_scoped3A = tpu.sem_alloc : memref<!tpu.dma_semaphore, #tpu.memory_space<semaphore_mem>>
        %dma_start3A_107 = arith.constant 0 : i32
        %dma_start3A_108 = arith.constant 0 : i32
        %dma_start3A_109 = tpu.memref_slice %arg6[%arg0, %dma_start3A_107, %dma_start3A_108] : memref<2x100000x32xbf16, #tpu.memory_space<hbm>> -> memref<1x100000x32xbf16, #tpu.memory_space<hbm>>
        %dma_start3A_110 = tpu.memref_squeeze %dma_start3A_109 : memref<1x100000x32xbf16, #tpu.memory_space<hbm>> -> memref<100000x32xbf16, #tpu.memory_space<hbm>>
        %dma_start3A_111 = arith.constant 0 : i32
        %dma_start3A_112 = tpu.memref_slice %dma_start3A_110[%mul3A_96, %dma_start3A_111] : memref<100000x32xbf16, #tpu.memory_space<hbm>> -> memref<6160x32xbf16, #tpu.memory_space<hbm>>
        %dma_start3A_113 = arith.constant 0 : i32
        %dma_start3A_114 = tpu.memref_slice %arg7[%mul3A_96, %dma_start3A_113] : memref<100048x32xbf16, #tpu.memory_space<vmem_shared>> -> memref<6160x32xbf16, #tpu.memory_space<vmem_shared>>
        tpu.enqueue_dma source(%dma_start3A_114 : memref<6160x32xbf16, #tpu.memory_space<vmem_shared>>) target(%dma_start3A_112 : memref<6160x32xbf16, #tpu.memory_space<hbm>>) target_semaphore(%run_scoped3A : memref<!tpu.dma_semaphore, #tpu.memory_space<semaphore_mem>>)
        %dma_wait3A_115 = arith.constant 0 : i32
        %dma_wait3A_116 = arith.constant 0 : i32
        %dma_wait3A_117 = tpu.memref_slice %arg6[%arg0, %dma_wait3A_115, %dma_wait3A_116] : memref<2x100000x32xbf16, #tpu.memory_space<hbm>> -> memref<1x100000x32xbf16, #tpu.memory_space<hbm>>
        %dma_wait3A_118 = tpu.memref_squeeze %dma_wait3A_117 : memref<1x100000x32xbf16, #tpu.memory_space<hbm>> -> memref<100000x32xbf16, #tpu.memory_space<hbm>>
        %dma_wait3A_119 = arith.constant 0 : i32
        %dma_wait3A_120 = tpu.memref_slice %dma_wait3A_118[%mul3A_96, %dma_wait3A_119] : memref<100000x32xbf16, #tpu.memory_space<hbm>> -> memref<6160x32xbf16, #tpu.memory_space<hbm>>
        %dma_wait3A_121 = arith.constant 0 : i32
        %dma_wait3A_122 = tpu.memref_slice %arg7[%mul3A_96, %dma_wait3A_121] : memref<100048x32xbf16, #tpu.memory_space<vmem_shared>> -> memref<6160x32xbf16, #tpu.memory_space<vmem_shared>>
        tpu.wait_dma2 semaphore(%run_scoped3A : memref<!tpu.dma_semaphore, #tpu.memory_space<semaphore_mem>>) src(%dma_wait3A_122 : memref<6160x32xbf16, #tpu.memory_space<vmem_shared>>) dst(%dma_wait3A_120 : memref<6160x32xbf16, #tpu.memory_space<hbm>>)
        tpu.yield
      }) : () -> ()
    } else {
    }
    return
  }
}

#map = affine_map<(d0, d1) -> (0, 0)>
#map1 = affine_map<(d0, d1) -> (0, 0, 0)>
module attributes {stable_mosaic.version = 14 : i64} {
  func.func @_shift_body(%arg0: i32, %arg1: i32, %arg2: memref<100000x32xbf16, #tpu.memory_space<hbm>>, %arg3: memref<3200x512xi32, #tpu.memory_space<hbm>>, %arg4: memref<3200x512xi32, #tpu.memory_space<hbm>>, %arg5: memref<512x32xbf16, #tpu.memory_space<hbm>>, %arg6: memref<2x100000x32xbf16, #tpu.memory_space<hbm>>, %arg7: memref<100048x32xbf16, #tpu.memory_space<vmem_shared>>, %arg8: memref<512xi32, #tpu.memory_space<vmem>>, %arg9: memref<512xi32, #tpu.memory_space<vmem>>, %arg10: memref<512x32xbf16, #tpu.memory_space<vmem>>, %arg11: memref<512xi32, #tpu.memory_space<vmem>>, %arg12: memref<512xi32, #tpu.memory_space<vmem>>, %arg13: memref<512x32xbf16, #tpu.memory_space<vmem>>, %arg14: memref<!tpu.dma_semaphore, #tpu.memory_space<semaphore_mem>>, %arg15: memref<!tpu.dma_semaphore, #tpu.memory_space<semaphore_mem>>, %arg16: memref<!tpu.dma_semaphore, #tpu.memory_space<semaphore_mem>>) attributes {dimension_semantics = [#tpu.dimension_semantics<core_parallel>, #tpu.dimension_semantics<subcore_parallel>], iteration_bounds = array<i64: 2, 16>, scalar_prefetch = 0 : i64, scratch_operands = 10 : i64, tpu.core_type = #tpu.core_type<sc_vector_subcore>, window_params = [{transform_indices = #map}, {transform_indices = #map}, {transform_indices = #map}, {transform_indices = #map}, {transform_indices = #map1}]} {
    "tpu.region"() ({
      %run_scoped3A = tpu.sem_alloc : memref<!tpu.dma_semaphore, #tpu.memory_space<semaphore_mem>>
      tpu.enqueue_dma source(%arg5 : memref<512x32xbf16, #tpu.memory_space<hbm>>) target(%arg10 : memref<512x32xbf16, #tpu.memory_space<vmem>>) target_semaphore(%run_scoped3A : memref<!tpu.dma_semaphore, #tpu.memory_space<semaphore_mem>>)
      tpu.wait_dma2 semaphore(%run_scoped3A : memref<!tpu.dma_semaphore, #tpu.memory_space<semaphore_mem>>) src(%arg5 : memref<512x32xbf16, #tpu.memory_space<hbm>>) dst(%arg10 : memref<512x32xbf16, #tpu.memory_space<vmem>>)
      tpu.yield
    }) : () -> ()
    %mul3A = arith.constant 6256 : i32
    %mul3A_0 = arith.muli %arg1, %mul3A : i32
    %add3A = arith.constant 0 : i32
    %add3A_1 = arith.addi %mul3A_0, %add3A : i32
    "tpu.region"() ({
      %run_scoped3A = tpu.sem_alloc : memref<!tpu.dma_semaphore, #tpu.memory_space<semaphore_mem>>
      %dma_start3A_107 = arith.constant 0 : i32
      %dma_start3A_108 = arith.constant 0 : i32
      %dma_start3A_109 = tpu.memref_slice %arg10[%dma_start3A_107, %dma_start3A_108] : memref<512x32xbf16, #tpu.memory_space<vmem>> -> memref<512x32xbf16, #tpu.memory_space<vmem>>
      %dma_start3A_110 = arith.constant 0 : i32
      %dma_start3A_111 = tpu.memref_slice %arg7[%add3A_1, %dma_start3A_110] : memref<100048x32xbf16, #tpu.memory_space<vmem_shared>> -> memref<512x32xbf16, #tpu.memory_space<vmem_shared>>
      %dma_start3A_112 = arith.constant 0 : i32
      %dma_start3A_113 = tpu.memref_slice %arg7[%add3A_1, %dma_start3A_112] : memref<100048x32xbf16, #tpu.memory_space<vmem_shared>> -> memref<512x32xbf16, #tpu.memory_space<vmem_shared>>
      %dma_start3A_114 = arith.constant 0 : i32
      %dma_start3A_115 = arith.constant 0 : i32
      %dma_start3A_116 = tpu.memref_slice %arg10[%dma_start3A_114, %dma_start3A_115] : memref<512x32xbf16, #tpu.memory_space<vmem>> -> memref<512x32xbf16, #tpu.memory_space<vmem>>
      tpu.enqueue_dma source(%dma_start3A_116 : memref<512x32xbf16, #tpu.memory_space<vmem>>) target(%dma_start3A_113 : memref<512x32xbf16, #tpu.memory_space<vmem_shared>>) target_semaphore(%run_scoped3A : memref<!tpu.dma_semaphore, #tpu.memory_space<semaphore_mem>>)
      %dma_wait3A_117 = arith.constant 0 : i32
      %dma_wait3A_118 = arith.constant 0 : i32
      %dma_wait3A_119 = tpu.memref_slice %arg10[%dma_wait3A_117, %dma_wait3A_118] : memref<512x32xbf16, #tpu.memory_space<vmem>> -> memref<512x32xbf16, #tpu.memory_space<vmem>>
      %dma_wait3A_120 = arith.constant 0 : i32
      %dma_wait3A_121 = tpu.memref_slice %arg7[%add3A_1, %dma_wait3A_120] : memref<100048x32xbf16, #tpu.memory_space<vmem_shared>> -> memref<512x32xbf16, #tpu.memory_space<vmem_shared>>
      %dma_wait3A_122 = arith.constant 0 : i32
      %dma_wait3A_123 = tpu.memref_slice %arg7[%add3A_1, %dma_wait3A_122] : memref<100048x32xbf16, #tpu.memory_space<vmem_shared>> -> memref<512x32xbf16, #tpu.memory_space<vmem_shared>>
      %dma_wait3A_124 = arith.constant 0 : i32
      %dma_wait3A_125 = arith.constant 0 : i32
      %dma_wait3A_126 = tpu.memref_slice %arg10[%dma_wait3A_124, %dma_wait3A_125] : memref<512x32xbf16, #tpu.memory_space<vmem>> -> memref<512x32xbf16, #tpu.memory_space<vmem>>
      tpu.wait_dma2 semaphore(%run_scoped3A : memref<!tpu.dma_semaphore, #tpu.memory_space<semaphore_mem>>) src(%dma_wait3A_126 : memref<512x32xbf16, #tpu.memory_space<vmem>>) dst(%dma_wait3A_123 : memref<512x32xbf16, #tpu.memory_space<vmem_shared>>)
      tpu.yield
    }) : () -> ()
    %add3A_2 = arith.constant 512 : i32
    %add3A_3 = arith.addi %mul3A_0, %add3A_2 : i32
    "tpu.region"() ({
      %run_scoped3A = tpu.sem_alloc : memref<!tpu.dma_semaphore, #tpu.memory_space<semaphore_mem>>
      %dma_start3A_107 = arith.constant 0 : i32
      %dma_start3A_108 = arith.constant 0 : i32
      %dma_start3A_109 = tpu.memref_slice %arg10[%dma_start3A_107, %dma_start3A_108] : memref<512x32xbf16, #tpu.memory_space<vmem>> -> memref<512x32xbf16, #tpu.memory_space<vmem>>
      %dma_start3A_110 = arith.constant 0 : i32
      %dma_start3A_111 = tpu.memref_slice %arg7[%add3A_3, %dma_start3A_110] : memref<100048x32xbf16, #tpu.memory_space<vmem_shared>> -> memref<512x32xbf16, #tpu.memory_space<vmem_shared>>
      %dma_start3A_112 = arith.constant 0 : i32
      %dma_start3A_113 = tpu.memref_slice %arg7[%add3A_3, %dma_start3A_112] : memref<100048x32xbf16, #tpu.memory_space<vmem_shared>> -> memref<512x32xbf16, #tpu.memory_space<vmem_shared>>
      %dma_start3A_114 = arith.constant 0 : i32
      %dma_start3A_115 = arith.constant 0 : i32
      %dma_start3A_116 = tpu.memref_slice %arg10[%dma_start3A_114, %dma_start3A_115] : memref<512x32xbf16, #tpu.memory_space<vmem>> -> memref<512x32xbf16, #tpu.memory_space<vmem>>
      tpu.enqueue_dma source(%dma_start3A_116 : memref<512x32xbf16, #tpu.memory_space<vmem>>) target(%dma_start3A_113 : memref<512x32xbf16, #tpu.memory_space<vmem_shared>>) target_semaphore(%run_scoped3A : memref<!tpu.dma_semaphore, #tpu.memory_space<semaphore_mem>>)
      %dma_wait3A_117 = arith.constant 0 : i32
      %dma_wait3A_118 = arith.constant 0 : i32
      %dma_wait3A_119 = tpu.memref_slice %arg10[%dma_wait3A_117, %dma_wait3A_118] : memref<512x32xbf16, #tpu.memory_space<vmem>> -> memref<512x32xbf16, #tpu.memory_space<vmem>>
      %dma_wait3A_120 = arith.constant 0 : i32
      %dma_wait3A_121 = tpu.memref_slice %arg7[%add3A_3, %dma_wait3A_120] : memref<100048x32xbf16, #tpu.memory_space<vmem_shared>> -> memref<512x32xbf16, #tpu.memory_space<vmem_shared>>
      %dma_wait3A_122 = arith.constant 0 : i32
      %dma_wait3A_123 = tpu.memref_slice %arg7[%add3A_3, %dma_wait3A_122] : memref<100048x32xbf16, #tpu.memory_space<vmem_shared>> -> memref<512x32xbf16, #tpu.memory_space<vmem_shared>>
      %dma_wait3A_124 = arith.constant 0 : i32
      %dma_wait3A_125 = arith.constant 0 : i32
      %dma_wait3A_126 = tpu.memref_slice %arg10[%dma_wait3A_124, %dma_wait3A_125] : memref<512x32xbf16, #tpu.memory_space<vmem>> -> memref<512x32xbf16, #tpu.memory_space<vmem>>
      tpu.wait_dma2 semaphore(%run_scoped3A : memref<!tpu.dma_semaphore, #tpu.memory_space<semaphore_mem>>) src(%dma_wait3A_126 : memref<512x32xbf16, #tpu.memory_space<vmem>>) dst(%dma_wait3A_123 : memref<512x32xbf16, #tpu.memory_space<vmem_shared>>)
      tpu.yield
    }) : () -> ()
    %add3A_4 = arith.constant 1024 : i32
    %add3A_5 = arith.addi %mul3A_0, %add3A_4 : i32
    "tpu.region"() ({
      %run_scoped3A = tpu.sem_alloc : memref<!tpu.dma_semaphore, #tpu.memory_space<semaphore_mem>>
      %dma_start3A_107 = arith.constant 0 : i32
      %dma_start3A_108 = arith.constant 0 : i32
      %dma_start3A_109 = tpu.memref_slice %arg10[%dma_start3A_107, %dma_start3A_108] : memref<512x32xbf16, #tpu.memory_space<vmem>> -> memref<512x32xbf16, #tpu.memory_space<vmem>>
      %dma_start3A_110 = arith.constant 0 : i32
      %dma_start3A_111 = tpu.memref_slice %arg7[%add3A_5, %dma_start3A_110] : memref<100048x32xbf16, #tpu.memory_space<vmem_shared>> -> memref<512x32xbf16, #tpu.memory_space<vmem_shared>>
      %dma_start3A_112 = arith.constant 0 : i32
      %dma_start3A_113 = tpu.memref_slice %arg7[%add3A_5, %dma_start3A_112] : memref<100048x32xbf16, #tpu.memory_space<vmem_shared>> -> memref<512x32xbf16, #tpu.memory_space<vmem_shared>>
      %dma_start3A_114 = arith.constant 0 : i32
      %dma_start3A_115 = arith.constant 0 : i32
      %dma_start3A_116 = tpu.memref_slice %arg10[%dma_start3A_114, %dma_start3A_115] : memref<512x32xbf16, #tpu.memory_space<vmem>> -> memref<512x32xbf16, #tpu.memory_space<vmem>>
      tpu.enqueue_dma source(%dma_start3A_116 : memref<512x32xbf16, #tpu.memory_space<vmem>>) target(%dma_start3A_113 : memref<512x32xbf16, #tpu.memory_space<vmem_shared>>) target_semaphore(%run_scoped3A : memref<!tpu.dma_semaphore, #tpu.memory_space<semaphore_mem>>)
      %dma_wait3A_117 = arith.constant 0 : i32
      %dma_wait3A_118 = arith.constant 0 : i32
      %dma_wait3A_119 = tpu.memref_slice %arg10[%dma_wait3A_117, %dma_wait3A_118] : memref<512x32xbf16, #tpu.memory_space<vmem>> -> memref<512x32xbf16, #tpu.memory_space<vmem>>
      %dma_wait3A_120 = arith.constant 0 : i32
      %dma_wait3A_121 = tpu.memref_slice %arg7[%add3A_5, %dma_wait3A_120] : memref<100048x32xbf16, #tpu.memory_space<vmem_shared>> -> memref<512x32xbf16, #tpu.memory_space<vmem_shared>>
      %dma_wait3A_122 = arith.constant 0 : i32
      %dma_wait3A_123 = tpu.memref_slice %arg7[%add3A_5, %dma_wait3A_122] : memref<100048x32xbf16, #tpu.memory_space<vmem_shared>> -> memref<512x32xbf16, #tpu.memory_space<vmem_shared>>
      %dma_wait3A_124 = arith.constant 0 : i32
      %dma_wait3A_125 = arith.constant 0 : i32
      %dma_wait3A_126 = tpu.memref_slice %arg10[%dma_wait3A_124, %dma_wait3A_125] : memref<512x32xbf16, #tpu.memory_space<vmem>> -> memref<512x32xbf16, #tpu.memory_space<vmem>>
      tpu.wait_dma2 semaphore(%run_scoped3A : memref<!tpu.dma_semaphore, #tpu.memory_space<semaphore_mem>>) src(%dma_wait3A_126 : memref<512x32xbf16, #tpu.memory_space<vmem>>) dst(%dma_wait3A_123 : memref<512x32xbf16, #tpu.memory_space<vmem_shared>>)
      tpu.yield
    }) : () -> ()
    %add3A_6 = arith.constant 1536 : i32
    %add3A_7 = arith.addi %mul3A_0, %add3A_6 : i32
    "tpu.region"() ({
      %run_scoped3A = tpu.sem_alloc : memref<!tpu.dma_semaphore, #tpu.memory_space<semaphore_mem>>
      %dma_start3A_107 = arith.constant 0 : i32
      %dma_start3A_108 = arith.constant 0 : i32
      %dma_start3A_109 = tpu.memref_slice %arg10[%dma_start3A_107, %dma_start3A_108] : memref<512x32xbf16, #tpu.memory_space<vmem>> -> memref<512x32xbf16, #tpu.memory_space<vmem>>
      %dma_start3A_110 = arith.constant 0 : i32
      %dma_start3A_111 = tpu.memref_slice %arg7[%add3A_7, %dma_start3A_110] : memref<100048x32xbf16, #tpu.memory_space<vmem_shared>> -> memref<512x32xbf16, #tpu.memory_space<vmem_shared>>
      %dma_start3A_112 = arith.constant 0 : i32
      %dma_start3A_113 = tpu.memref_slice %arg7[%add3A_7, %dma_start3A_112] : memref<100048x32xbf16, #tpu.memory_space<vmem_shared>> -> memref<512x32xbf16, #tpu.memory_space<vmem_shared>>
      %dma_start3A_114 = arith.constant 0 : i32
      %dma_start3A_115 = arith.constant 0 : i32
      %dma_start3A_116 = tpu.memref_slice %arg10[%dma_start3A_114, %dma_start3A_115] : memref<512x32xbf16, #tpu.memory_space<vmem>> -> memref<512x32xbf16, #tpu.memory_space<vmem>>
      tpu.enqueue_dma source(%dma_start3A_116 : memref<512x32xbf16, #tpu.memory_space<vmem>>) target(%dma_start3A_113 : memref<512x32xbf16, #tpu.memory_space<vmem_shared>>) target_semaphore(%run_scoped3A : memref<!tpu.dma_semaphore, #tpu.memory_space<semaphore_mem>>)
      %dma_wait3A_117 = arith.constant 0 : i32
      %dma_wait3A_118 = arith.constant 0 : i32
      %dma_wait3A_119 = tpu.memref_slice %arg10[%dma_wait3A_117, %dma_wait3A_118] : memref<512x32xbf16, #tpu.memory_space<vmem>> -> memref<512x32xbf16, #tpu.memory_space<vmem>>
      %dma_wait3A_120 = arith.constant 0 : i32
      %dma_wait3A_121 = tpu.memref_slice %arg7[%add3A_7, %dma_wait3A_120] : memref<100048x32xbf16, #tpu.memory_space<vmem_shared>> -> memref<512x32xbf16, #tpu.memory_space<vmem_shared>>
      %dma_wait3A_122 = arith.constant 0 : i32
      %dma_wait3A_123 = tpu.memref_slice %arg7[%add3A_7, %dma_wait3A_122] : memref<100048x32xbf16, #tpu.memory_space<vmem_shared>> -> memref<512x32xbf16, #tpu.memory_space<vmem_shared>>
      %dma_wait3A_124 = arith.constant 0 : i32
      %dma_wait3A_125 = arith.constant 0 : i32
      %dma_wait3A_126 = tpu.memref_slice %arg10[%dma_wait3A_124, %dma_wait3A_125] : memref<512x32xbf16, #tpu.memory_space<vmem>> -> memref<512x32xbf16, #tpu.memory_space<vmem>>
      tpu.wait_dma2 semaphore(%run_scoped3A : memref<!tpu.dma_semaphore, #tpu.memory_space<semaphore_mem>>) src(%dma_wait3A_126 : memref<512x32xbf16, #tpu.memory_space<vmem>>) dst(%dma_wait3A_123 : memref<512x32xbf16, #tpu.memory_space<vmem_shared>>)
      tpu.yield
    }) : () -> ()
    %add3A_8 = arith.constant 2048 : i32
    %add3A_9 = arith.addi %mul3A_0, %add3A_8 : i32
    "tpu.region"() ({
      %run_scoped3A = tpu.sem_alloc : memref<!tpu.dma_semaphore, #tpu.memory_space<semaphore_mem>>
      %dma_start3A_107 = arith.constant 0 : i32
      %dma_start3A_108 = arith.constant 0 : i32
      %dma_start3A_109 = tpu.memref_slice %arg10[%dma_start3A_107, %dma_start3A_108] : memref<512x32xbf16, #tpu.memory_space<vmem>> -> memref<512x32xbf16, #tpu.memory_space<vmem>>
      %dma_start3A_110 = arith.constant 0 : i32
      %dma_start3A_111 = tpu.memref_slice %arg7[%add3A_9, %dma_start3A_110] : memref<100048x32xbf16, #tpu.memory_space<vmem_shared>> -> memref<512x32xbf16, #tpu.memory_space<vmem_shared>>
      %dma_start3A_112 = arith.constant 0 : i32
      %dma_start3A_113 = tpu.memref_slice %arg7[%add3A_9, %dma_start3A_112] : memref<100048x32xbf16, #tpu.memory_space<vmem_shared>> -> memref<512x32xbf16, #tpu.memory_space<vmem_shared>>
      %dma_start3A_114 = arith.constant 0 : i32
      %dma_start3A_115 = arith.constant 0 : i32
      %dma_start3A_116 = tpu.memref_slice %arg10[%dma_start3A_114, %dma_start3A_115] : memref<512x32xbf16, #tpu.memory_space<vmem>> -> memref<512x32xbf16, #tpu.memory_space<vmem>>
      tpu.enqueue_dma source(%dma_start3A_116 : memref<512x32xbf16, #tpu.memory_space<vmem>>) target(%dma_start3A_113 : memref<512x32xbf16, #tpu.memory_space<vmem_shared>>) target_semaphore(%run_scoped3A : memref<!tpu.dma_semaphore, #tpu.memory_space<semaphore_mem>>)
      %dma_wait3A_117 = arith.constant 0 : i32
      %dma_wait3A_118 = arith.constant 0 : i32
      %dma_wait3A_119 = tpu.memref_slice %arg10[%dma_wait3A_117, %dma_wait3A_118] : memref<512x32xbf16, #tpu.memory_space<vmem>> -> memref<512x32xbf16, #tpu.memory_space<vmem>>
      %dma_wait3A_120 = arith.constant 0 : i32
      %dma_wait3A_121 = tpu.memref_slice %arg7[%add3A_9, %dma_wait3A_120] : memref<100048x32xbf16, #tpu.memory_space<vmem_shared>> -> memref<512x32xbf16, #tpu.memory_space<vmem_shared>>
      %dma_wait3A_122 = arith.constant 0 : i32
      %dma_wait3A_123 = tpu.memref_slice %arg7[%add3A_9, %dma_wait3A_122] : memref<100048x32xbf16, #tpu.memory_space<vmem_shared>> -> memref<512x32xbf16, #tpu.memory_space<vmem_shared>>
      %dma_wait3A_124 = arith.constant 0 : i32
      %dma_wait3A_125 = arith.constant 0 : i32
      %dma_wait3A_126 = tpu.memref_slice %arg10[%dma_wait3A_124, %dma_wait3A_125] : memref<512x32xbf16, #tpu.memory_space<vmem>> -> memref<512x32xbf16, #tpu.memory_space<vmem>>
      tpu.wait_dma2 semaphore(%run_scoped3A : memref<!tpu.dma_semaphore, #tpu.memory_space<semaphore_mem>>) src(%dma_wait3A_126 : memref<512x32xbf16, #tpu.memory_space<vmem>>) dst(%dma_wait3A_123 : memref<512x32xbf16, #tpu.memory_space<vmem_shared>>)
      tpu.yield
    }) : () -> ()
    %add3A_10 = arith.constant 2560 : i32
    %add3A_11 = arith.addi %mul3A_0, %add3A_10 : i32
    "tpu.region"() ({
      %run_scoped3A = tpu.sem_alloc : memref<!tpu.dma_semaphore, #tpu.memory_space<semaphore_mem>>
      %dma_start3A_107 = arith.constant 0 : i32
      %dma_start3A_108 = arith.constant 0 : i32
      %dma_start3A_109 = tpu.memref_slice %arg10[%dma_start3A_107, %dma_start3A_108] : memref<512x32xbf16, #tpu.memory_space<vmem>> -> memref<512x32xbf16, #tpu.memory_space<vmem>>
      %dma_start3A_110 = arith.constant 0 : i32
      %dma_start3A_111 = tpu.memref_slice %arg7[%add3A_11, %dma_start3A_110] : memref<100048x32xbf16, #tpu.memory_space<vmem_shared>> -> memref<512x32xbf16, #tpu.memory_space<vmem_shared>>
      %dma_start3A_112 = arith.constant 0 : i32
      %dma_start3A_113 = tpu.memref_slice %arg7[%add3A_11, %dma_start3A_112] : memref<100048x32xbf16, #tpu.memory_space<vmem_shared>> -> memref<512x32xbf16, #tpu.memory_space<vmem_shared>>
      %dma_start3A_114 = arith.constant 0 : i32
      %dma_start3A_115 = arith.constant 0 : i32
      %dma_start3A_116 = tpu.memref_slice %arg10[%dma_start3A_114, %dma_start3A_115] : memref<512x32xbf16, #tpu.memory_space<vmem>> -> memref<512x32xbf16, #tpu.memory_space<vmem>>
      tpu.enqueue_dma source(%dma_start3A_116 : memref<512x32xbf16, #tpu.memory_space<vmem>>) target(%dma_start3A_113 : memref<512x32xbf16, #tpu.memory_space<vmem_shared>>) target_semaphore(%run_scoped3A : memref<!tpu.dma_semaphore, #tpu.memory_space<semaphore_mem>>)
      %dma_wait3A_117 = arith.constant 0 : i32
      %dma_wait3A_118 = arith.constant 0 : i32
      %dma_wait3A_119 = tpu.memref_slice %arg10[%dma_wait3A_117, %dma_wait3A_118] : memref<512x32xbf16, #tpu.memory_space<vmem>> -> memref<512x32xbf16, #tpu.memory_space<vmem>>
      %dma_wait3A_120 = arith.constant 0 : i32
      %dma_wait3A_121 = tpu.memref_slice %arg7[%add3A_11, %dma_wait3A_120] : memref<100048x32xbf16, #tpu.memory_space<vmem_shared>> -> memref<512x32xbf16, #tpu.memory_space<vmem_shared>>
      %dma_wait3A_122 = arith.constant 0 : i32
      %dma_wait3A_123 = tpu.memref_slice %arg7[%add3A_11, %dma_wait3A_122] : memref<100048x32xbf16, #tpu.memory_space<vmem_shared>> -> memref<512x32xbf16, #tpu.memory_space<vmem_shared>>
      %dma_wait3A_124 = arith.constant 0 : i32
      %dma_wait3A_125 = arith.constant 0 : i32
      %dma_wait3A_126 = tpu.memref_slice %arg10[%dma_wait3A_124, %dma_wait3A_125] : memref<512x32xbf16, #tpu.memory_space<vmem>> -> memref<512x32xbf16, #tpu.memory_space<vmem>>
      tpu.wait_dma2 semaphore(%run_scoped3A : memref<!tpu.dma_semaphore, #tpu.memory_space<semaphore_mem>>) src(%dma_wait3A_126 : memref<512x32xbf16, #tpu.memory_space<vmem>>) dst(%dma_wait3A_123 : memref<512x32xbf16, #tpu.memory_space<vmem_shared>>)
      tpu.yield
    }) : () -> ()
    %add3A_12 = arith.constant 3072 : i32
    %add3A_13 = arith.addi %mul3A_0, %add3A_12 : i32
    "tpu.region"() ({
      %run_scoped3A = tpu.sem_alloc : memref<!tpu.dma_semaphore, #tpu.memory_space<semaphore_mem>>
      %dma_start3A_107 = arith.constant 0 : i32
      %dma_start3A_108 = arith.constant 0 : i32
      %dma_start3A_109 = tpu.memref_slice %arg10[%dma_start3A_107, %dma_start3A_108] : memref<512x32xbf16, #tpu.memory_space<vmem>> -> memref<512x32xbf16, #tpu.memory_space<vmem>>
      %dma_start3A_110 = arith.constant 0 : i32
      %dma_start3A_111 = tpu.memref_slice %arg7[%add3A_13, %dma_start3A_110] : memref<100048x32xbf16, #tpu.memory_space<vmem_shared>> -> memref<512x32xbf16, #tpu.memory_space<vmem_shared>>
      %dma_start3A_112 = arith.constant 0 : i32
      %dma_start3A_113 = tpu.memref_slice %arg7[%add3A_13, %dma_start3A_112] : memref<100048x32xbf16, #tpu.memory_space<vmem_shared>> -> memref<512x32xbf16, #tpu.memory_space<vmem_shared>>
      %dma_start3A_114 = arith.constant 0 : i32
      %dma_start3A_115 = arith.constant 0 : i32
      %dma_start3A_116 = tpu.memref_slice %arg10[%dma_start3A_114, %dma_start3A_115] : memref<512x32xbf16, #tpu.memory_space<vmem>> -> memref<512x32xbf16, #tpu.memory_space<vmem>>
      tpu.enqueue_dma source(%dma_start3A_116 : memref<512x32xbf16, #tpu.memory_space<vmem>>) target(%dma_start3A_113 : memref<512x32xbf16, #tpu.memory_space<vmem_shared>>) target_semaphore(%run_scoped3A : memref<!tpu.dma_semaphore, #tpu.memory_space<semaphore_mem>>)
      %dma_wait3A_117 = arith.constant 0 : i32
      %dma_wait3A_118 = arith.constant 0 : i32
      %dma_wait3A_119 = tpu.memref_slice %arg10[%dma_wait3A_117, %dma_wait3A_118] : memref<512x32xbf16, #tpu.memory_space<vmem>> -> memref<512x32xbf16, #tpu.memory_space<vmem>>
      %dma_wait3A_120 = arith.constant 0 : i32
      %dma_wait3A_121 = tpu.memref_slice %arg7[%add3A_13, %dma_wait3A_120] : memref<100048x32xbf16, #tpu.memory_space<vmem_shared>> -> memref<512x32xbf16, #tpu.memory_space<vmem_shared>>
      %dma_wait3A_122 = arith.constant 0 : i32
      %dma_wait3A_123 = tpu.memref_slice %arg7[%add3A_13, %dma_wait3A_122] : memref<100048x32xbf16, #tpu.memory_space<vmem_shared>> -> memref<512x32xbf16, #tpu.memory_space<vmem_shared>>
      %dma_wait3A_124 = arith.constant 0 : i32
      %dma_wait3A_125 = arith.constant 0 : i32
      %dma_wait3A_126 = tpu.memref_slice %arg10[%dma_wait3A_124, %dma_wait3A_125] : memref<512x32xbf16, #tpu.memory_space<vmem>> -> memref<512x32xbf16, #tpu.memory_space<vmem>>
      tpu.wait_dma2 semaphore(%run_scoped3A : memref<!tpu.dma_semaphore, #tpu.memory_space<semaphore_mem>>) src(%dma_wait3A_126 : memref<512x32xbf16, #tpu.memory_space<vmem>>) dst(%dma_wait3A_123 : memref<512x32xbf16, #tpu.memory_space<vmem_shared>>)
      tpu.yield
    }) : () -> ()
    %add3A_14 = arith.constant 3584 : i32
    %add3A_15 = arith.addi %mul3A_0, %add3A_14 : i32
    "tpu.region"() ({
      %run_scoped3A = tpu.sem_alloc : memref<!tpu.dma_semaphore, #tpu.memory_space<semaphore_mem>>
      %dma_start3A_107 = arith.constant 0 : i32
      %dma_start3A_108 = arith.constant 0 : i32
      %dma_start3A_109 = tpu.memref_slice %arg10[%dma_start3A_107, %dma_start3A_108] : memref<512x32xbf16, #tpu.memory_space<vmem>> -> memref<512x32xbf16, #tpu.memory_space<vmem>>
      %dma_start3A_110 = arith.constant 0 : i32
      %dma_start3A_111 = tpu.memref_slice %arg7[%add3A_15, %dma_start3A_110] : memref<100048x32xbf16, #tpu.memory_space<vmem_shared>> -> memref<512x32xbf16, #tpu.memory_space<vmem_shared>>
      %dma_start3A_112 = arith.constant 0 : i32
      %dma_start3A_113 = tpu.memref_slice %arg7[%add3A_15, %dma_start3A_112] : memref<100048x32xbf16, #tpu.memory_space<vmem_shared>> -> memref<512x32xbf16, #tpu.memory_space<vmem_shared>>
      %dma_start3A_114 = arith.constant 0 : i32
      %dma_start3A_115 = arith.constant 0 : i32
      %dma_start3A_116 = tpu.memref_slice %arg10[%dma_start3A_114, %dma_start3A_115] : memref<512x32xbf16, #tpu.memory_space<vmem>> -> memref<512x32xbf16, #tpu.memory_space<vmem>>
      tpu.enqueue_dma source(%dma_start3A_116 : memref<512x32xbf16, #tpu.memory_space<vmem>>) target(%dma_start3A_113 : memref<512x32xbf16, #tpu.memory_space<vmem_shared>>) target_semaphore(%run_scoped3A : memref<!tpu.dma_semaphore, #tpu.memory_space<semaphore_mem>>)
      %dma_wait3A_117 = arith.constant 0 : i32
      %dma_wait3A_118 = arith.constant 0 : i32
      %dma_wait3A_119 = tpu.memref_slice %arg10[%dma_wait3A_117, %dma_wait3A_118] : memref<512x32xbf16, #tpu.memory_space<vmem>> -> memref<512x32xbf16, #tpu.memory_space<vmem>>
      %dma_wait3A_120 = arith.constant 0 : i32
      %dma_wait3A_121 = tpu.memref_slice %arg7[%add3A_15, %dma_wait3A_120] : memref<100048x32xbf16, #tpu.memory_space<vmem_shared>> -> memref<512x32xbf16, #tpu.memory_space<vmem_shared>>
      %dma_wait3A_122 = arith.constant 0 : i32
      %dma_wait3A_123 = tpu.memref_slice %arg7[%add3A_15, %dma_wait3A_122] : memref<100048x32xbf16, #tpu.memory_space<vmem_shared>> -> memref<512x32xbf16, #tpu.memory_space<vmem_shared>>
      %dma_wait3A_124 = arith.constant 0 : i32
      %dma_wait3A_125 = arith.constant 0 : i32
      %dma_wait3A_126 = tpu.memref_slice %arg10[%dma_wait3A_124, %dma_wait3A_125] : memref<512x32xbf16, #tpu.memory_space<vmem>> -> memref<512x32xbf16, #tpu.memory_space<vmem>>
      tpu.wait_dma2 semaphore(%run_scoped3A : memref<!tpu.dma_semaphore, #tpu.memory_space<semaphore_mem>>) src(%dma_wait3A_126 : memref<512x32xbf16, #tpu.memory_space<vmem>>) dst(%dma_wait3A_123 : memref<512x32xbf16, #tpu.memory_space<vmem_shared>>)
      tpu.yield
    }) : () -> ()
    %add3A_16 = arith.constant 4096 : i32
    %add3A_17 = arith.addi %mul3A_0, %add3A_16 : i32
    "tpu.region"() ({
      %run_scoped3A = tpu.sem_alloc : memref<!tpu.dma_semaphore, #tpu.memory_space<semaphore_mem>>
      %dma_start3A_107 = arith.constant 0 : i32
      %dma_start3A_108 = arith.constant 0 : i32
      %dma_start3A_109 = tpu.memref_slice %arg10[%dma_start3A_107, %dma_start3A_108] : memref<512x32xbf16, #tpu.memory_space<vmem>> -> memref<512x32xbf16, #tpu.memory_space<vmem>>
      %dma_start3A_110 = arith.constant 0 : i32
      %dma_start3A_111 = tpu.memref_slice %arg7[%add3A_17, %dma_start3A_110] : memref<100048x32xbf16, #tpu.memory_space<vmem_shared>> -> memref<512x32xbf16, #tpu.memory_space<vmem_shared>>
      %dma_start3A_112 = arith.constant 0 : i32
      %dma_start3A_113 = tpu.memref_slice %arg7[%add3A_17, %dma_start3A_112] : memref<100048x32xbf16, #tpu.memory_space<vmem_shared>> -> memref<512x32xbf16, #tpu.memory_space<vmem_shared>>
      %dma_start3A_114 = arith.constant 0 : i32
      %dma_start3A_115 = arith.constant 0 : i32
      %dma_start3A_116 = tpu.memref_slice %arg10[%dma_start3A_114, %dma_start3A_115] : memref<512x32xbf16, #tpu.memory_space<vmem>> -> memref<512x32xbf16, #tpu.memory_space<vmem>>
      tpu.enqueue_dma source(%dma_start3A_116 : memref<512x32xbf16, #tpu.memory_space<vmem>>) target(%dma_start3A_113 : memref<512x32xbf16, #tpu.memory_space<vmem_shared>>) target_semaphore(%run_scoped3A : memref<!tpu.dma_semaphore, #tpu.memory_space<semaphore_mem>>)
      %dma_wait3A_117 = arith.constant 0 : i32
      %dma_wait3A_118 = arith.constant 0 : i32
      %dma_wait3A_119 = tpu.memref_slice %arg10[%dma_wait3A_117, %dma_wait3A_118] : memref<512x32xbf16, #tpu.memory_space<vmem>> -> memref<512x32xbf16, #tpu.memory_space<vmem>>
      %dma_wait3A_120 = arith.constant 0 : i32
      %dma_wait3A_121 = tpu.memref_slice %arg7[%add3A_17, %dma_wait3A_120] : memref<100048x32xbf16, #tpu.memory_space<vmem_shared>> -> memref<512x32xbf16, #tpu.memory_space<vmem_shared>>
      %dma_wait3A_122 = arith.constant 0 : i32
      %dma_wait3A_123 = tpu.memref_slice %arg7[%add3A_17, %dma_wait3A_122] : memref<100048x32xbf16, #tpu.memory_space<vmem_shared>> -> memref<512x32xbf16, #tpu.memory_space<vmem_shared>>
      %dma_wait3A_124 = arith.constant 0 : i32
      %dma_wait3A_125 = arith.constant 0 : i32
      %dma_wait3A_126 = tpu.memref_slice %arg10[%dma_wait3A_124, %dma_wait3A_125] : memref<512x32xbf16, #tpu.memory_space<vmem>> -> memref<512x32xbf16, #tpu.memory_space<vmem>>
      tpu.wait_dma2 semaphore(%run_scoped3A : memref<!tpu.dma_semaphore, #tpu.memory_space<semaphore_mem>>) src(%dma_wait3A_126 : memref<512x32xbf16, #tpu.memory_space<vmem>>) dst(%dma_wait3A_123 : memref<512x32xbf16, #tpu.memory_space<vmem_shared>>)
      tpu.yield
    }) : () -> ()
    %add3A_18 = arith.constant 4608 : i32
    %add3A_19 = arith.addi %mul3A_0, %add3A_18 : i32
    "tpu.region"() ({
      %run_scoped3A = tpu.sem_alloc : memref<!tpu.dma_semaphore, #tpu.memory_space<semaphore_mem>>
      %dma_start3A_107 = arith.constant 0 : i32
      %dma_start3A_108 = arith.constant 0 : i32
      %dma_start3A_109 = tpu.memref_slice %arg10[%dma_start3A_107, %dma_start3A_108] : memref<512x32xbf16, #tpu.memory_space<vmem>> -> memref<512x32xbf16, #tpu.memory_space<vmem>>
      %dma_start3A_110 = arith.constant 0 : i32
      %dma_start3A_111 = tpu.memref_slice %arg7[%add3A_19, %dma_start3A_110] : memref<100048x32xbf16, #tpu.memory_space<vmem_shared>> -> memref<512x32xbf16, #tpu.memory_space<vmem_shared>>
      %dma_start3A_112 = arith.constant 0 : i32
      %dma_start3A_113 = tpu.memref_slice %arg7[%add3A_19, %dma_start3A_112] : memref<100048x32xbf16, #tpu.memory_space<vmem_shared>> -> memref<512x32xbf16, #tpu.memory_space<vmem_shared>>
      %dma_start3A_114 = arith.constant 0 : i32
      %dma_start3A_115 = arith.constant 0 : i32
      %dma_start3A_116 = tpu.memref_slice %arg10[%dma_start3A_114, %dma_start3A_115] : memref<512x32xbf16, #tpu.memory_space<vmem>> -> memref<512x32xbf16, #tpu.memory_space<vmem>>
      tpu.enqueue_dma source(%dma_start3A_116 : memref<512x32xbf16, #tpu.memory_space<vmem>>) target(%dma_start3A_113 : memref<512x32xbf16, #tpu.memory_space<vmem_shared>>) target_semaphore(%run_scoped3A : memref<!tpu.dma_semaphore, #tpu.memory_space<semaphore_mem>>)
      %dma_wait3A_117 = arith.constant 0 : i32
      %dma_wait3A_118 = arith.constant 0 : i32
      %dma_wait3A_119 = tpu.memref_slice %arg10[%dma_wait3A_117, %dma_wait3A_118] : memref<512x32xbf16, #tpu.memory_space<vmem>> -> memref<512x32xbf16, #tpu.memory_space<vmem>>
      %dma_wait3A_120 = arith.constant 0 : i32
      %dma_wait3A_121 = tpu.memref_slice %arg7[%add3A_19, %dma_wait3A_120] : memref<100048x32xbf16, #tpu.memory_space<vmem_shared>> -> memref<512x32xbf16, #tpu.memory_space<vmem_shared>>
      %dma_wait3A_122 = arith.constant 0 : i32
      %dma_wait3A_123 = tpu.memref_slice %arg7[%add3A_19, %dma_wait3A_122] : memref<100048x32xbf16, #tpu.memory_space<vmem_shared>> -> memref<512x32xbf16, #tpu.memory_space<vmem_shared>>
      %dma_wait3A_124 = arith.constant 0 : i32
      %dma_wait3A_125 = arith.constant 0 : i32
      %dma_wait3A_126 = tpu.memref_slice %arg10[%dma_wait3A_124, %dma_wait3A_125] : memref<512x32xbf16, #tpu.memory_space<vmem>> -> memref<512x32xbf16, #tpu.memory_space<vmem>>
      tpu.wait_dma2 semaphore(%run_scoped3A : memref<!tpu.dma_semaphore, #tpu.memory_space<semaphore_mem>>) src(%dma_wait3A_126 : memref<512x32xbf16, #tpu.memory_space<vmem>>) dst(%dma_wait3A_123 : memref<512x32xbf16, #tpu.memory_space<vmem_shared>>)
      tpu.yield
    }) : () -> ()
    %add3A_20 = arith.constant 5120 : i32
    %add3A_21 = arith.addi %mul3A_0, %add3A_20 : i32
    "tpu.region"() ({
      %run_scoped3A = tpu.sem_alloc : memref<!tpu.dma_semaphore, #tpu.memory_space<semaphore_mem>>
      %dma_start3A_107 = arith.constant 0 : i32
      %dma_start3A_108 = arith.constant 0 : i32
      %dma_start3A_109 = tpu.memref_slice %arg10[%dma_start3A_107, %dma_start3A_108] : memref<512x32xbf16, #tpu.memory_space<vmem>> -> memref<512x32xbf16, #tpu.memory_space<vmem>>
      %dma_start3A_110 = arith.constant 0 : i32
      %dma_start3A_111 = tpu.memref_slice %arg7[%add3A_21, %dma_start3A_110] : memref<100048x32xbf16, #tpu.memory_space<vmem_shared>> -> memref<512x32xbf16, #tpu.memory_space<vmem_shared>>
      %dma_start3A_112 = arith.constant 0 : i32
      %dma_start3A_113 = tpu.memref_slice %arg7[%add3A_21, %dma_start3A_112] : memref<100048x32xbf16, #tpu.memory_space<vmem_shared>> -> memref<512x32xbf16, #tpu.memory_space<vmem_shared>>
      %dma_start3A_114 = arith.constant 0 : i32
      %dma_start3A_115 = arith.constant 0 : i32
      %dma_start3A_116 = tpu.memref_slice %arg10[%dma_start3A_114, %dma_start3A_115] : memref<512x32xbf16, #tpu.memory_space<vmem>> -> memref<512x32xbf16, #tpu.memory_space<vmem>>
      tpu.enqueue_dma source(%dma_start3A_116 : memref<512x32xbf16, #tpu.memory_space<vmem>>) target(%dma_start3A_113 : memref<512x32xbf16, #tpu.memory_space<vmem_shared>>) target_semaphore(%run_scoped3A : memref<!tpu.dma_semaphore, #tpu.memory_space<semaphore_mem>>)
      %dma_wait3A_117 = arith.constant 0 : i32
      %dma_wait3A_118 = arith.constant 0 : i32
      %dma_wait3A_119 = tpu.memref_slice %arg10[%dma_wait3A_117, %dma_wait3A_118] : memref<512x32xbf16, #tpu.memory_space<vmem>> -> memref<512x32xbf16, #tpu.memory_space<vmem>>
      %dma_wait3A_120 = arith.constant 0 : i32
      %dma_wait3A_121 = tpu.memref_slice %arg7[%add3A_21, %dma_wait3A_120] : memref<100048x32xbf16, #tpu.memory_space<vmem_shared>> -> memref<512x32xbf16, #tpu.memory_space<vmem_shared>>
      %dma_wait3A_122 = arith.constant 0 : i32
      %dma_wait3A_123 = tpu.memref_slice %arg7[%add3A_21, %dma_wait3A_122] : memref<100048x32xbf16, #tpu.memory_space<vmem_shared>> -> memref<512x32xbf16, #tpu.memory_space<vmem_shared>>
      %dma_wait3A_124 = arith.constant 0 : i32
      %dma_wait3A_125 = arith.constant 0 : i32
      %dma_wait3A_126 = tpu.memref_slice %arg10[%dma_wait3A_124, %dma_wait3A_125] : memref<512x32xbf16, #tpu.memory_space<vmem>> -> memref<512x32xbf16, #tpu.memory_space<vmem>>
      tpu.wait_dma2 semaphore(%run_scoped3A : memref<!tpu.dma_semaphore, #tpu.memory_space<semaphore_mem>>) src(%dma_wait3A_126 : memref<512x32xbf16, #tpu.memory_space<vmem>>) dst(%dma_wait3A_123 : memref<512x32xbf16, #tpu.memory_space<vmem_shared>>)
      tpu.yield
    }) : () -> ()
    %add3A_22 = arith.constant 5632 : i32
    %add3A_23 = arith.addi %mul3A_0, %add3A_22 : i32
    "tpu.region"() ({
      %run_scoped3A = tpu.sem_alloc : memref<!tpu.dma_semaphore, #tpu.memory_space<semaphore_mem>>
      %dma_start3A_107 = arith.constant 0 : i32
      %dma_start3A_108 = arith.constant 0 : i32
      %dma_start3A_109 = tpu.memref_slice %arg10[%dma_start3A_107, %dma_start3A_108] : memref<512x32xbf16, #tpu.memory_space<vmem>> -> memref<512x32xbf16, #tpu.memory_space<vmem>>
      %dma_start3A_110 = arith.constant 0 : i32
      %dma_start3A_111 = tpu.memref_slice %arg7[%add3A_23, %dma_start3A_110] : memref<100048x32xbf16, #tpu.memory_space<vmem_shared>> -> memref<512x32xbf16, #tpu.memory_space<vmem_shared>>
      %dma_start3A_112 = arith.constant 0 : i32
      %dma_start3A_113 = tpu.memref_slice %arg7[%add3A_23, %dma_start3A_112] : memref<100048x32xbf16, #tpu.memory_space<vmem_shared>> -> memref<512x32xbf16, #tpu.memory_space<vmem_shared>>
      %dma_start3A_114 = arith.constant 0 : i32
      %dma_start3A_115 = arith.constant 0 : i32
      %dma_start3A_116 = tpu.memref_slice %arg10[%dma_start3A_114, %dma_start3A_115] : memref<512x32xbf16, #tpu.memory_space<vmem>> -> memref<512x32xbf16, #tpu.memory_space<vmem>>
      tpu.enqueue_dma source(%dma_start3A_116 : memref<512x32xbf16, #tpu.memory_space<vmem>>) target(%dma_start3A_113 : memref<512x32xbf16, #tpu.memory_space<vmem_shared>>) target_semaphore(%run_scoped3A : memref<!tpu.dma_semaphore, #tpu.memory_space<semaphore_mem>>)
      %dma_wait3A_117 = arith.constant 0 : i32
      %dma_wait3A_118 = arith.constant 0 : i32
      %dma_wait3A_119 = tpu.memref_slice %arg10[%dma_wait3A_117, %dma_wait3A_118] : memref<512x32xbf16, #tpu.memory_space<vmem>> -> memref<512x32xbf16, #tpu.memory_space<vmem>>
      %dma_wait3A_120 = arith.constant 0 : i32
      %dma_wait3A_121 = tpu.memref_slice %arg7[%add3A_23, %dma_wait3A_120] : memref<100048x32xbf16, #tpu.memory_space<vmem_shared>> -> memref<512x32xbf16, #tpu.memory_space<vmem_shared>>
      %dma_wait3A_122 = arith.constant 0 : i32
      %dma_wait3A_123 = tpu.memref_slice %arg7[%add3A_23, %dma_wait3A_122] : memref<100048x32xbf16, #tpu.memory_space<vmem_shared>> -> memref<512x32xbf16, #tpu.memory_space<vmem_shared>>
      %dma_wait3A_124 = arith.constant 0 : i32
      %dma_wait3A_125 = arith.constant 0 : i32
      %dma_wait3A_126 = tpu.memref_slice %arg10[%dma_wait3A_124, %dma_wait3A_125] : memref<512x32xbf16, #tpu.memory_space<vmem>> -> memref<512x32xbf16, #tpu.memory_space<vmem>>
      tpu.wait_dma2 semaphore(%run_scoped3A : memref<!tpu.dma_semaphore, #tpu.memory_space<semaphore_mem>>) src(%dma_wait3A_126 : memref<512x32xbf16, #tpu.memory_space<vmem>>) dst(%dma_wait3A_123 : memref<512x32xbf16, #tpu.memory_space<vmem_shared>>)
      tpu.yield
    }) : () -> ()
    %lt3A = arith.constant 15 : i32
    %lt3A_24 = arith.cmpi slt, %arg1, %lt3A : i32
    %convert_element_type3A = arith.extui %lt3A_24 : i1 to i32
    %cond3A = arith.constant 0 : i32
    %cond3A_25 = arith.cmpi ne, %convert_element_type3A, %cond3A : i32
    scf.if %cond3A_25 {
      %add3A_107 = arith.constant 6144 : i32
      %add3A_108 = arith.addi %mul3A_0, %add3A_107 : i32
      "tpu.region"() ({
        %run_scoped3A = tpu.sem_alloc : memref<!tpu.dma_semaphore, #tpu.memory_space<semaphore_mem>>
        %dma_start3A_109 = arith.constant 0 : i32
        %dma_start3A_110 = arith.constant 0 : i32
        %dma_start3A_111 = tpu.memref_slice %arg10[%dma_start3A_109, %dma_start3A_110] : memref<512x32xbf16, #tpu.memory_space<vmem>> -> memref<112x32xbf16, #tpu.memory_space<vmem>>
        %dma_start3A_112 = arith.constant 0 : i32
        %dma_start3A_113 = tpu.memref_slice %arg7[%add3A_108, %dma_start3A_112] : memref<100048x32xbf16, #tpu.memory_space<vmem_shared>> -> memref<112x32xbf16, #tpu.memory_space<vmem_shared>>
        %dma_start3A_114 = arith.constant 0 : i32
        %dma_start3A_115 = tpu.memref_slice %arg7[%add3A_108, %dma_start3A_114] : memref<100048x32xbf16, #tpu.memory_space<vmem_shared>> -> memref<112x32xbf16, #tpu.memory_space<vmem_shared>>
        %dma_start3A_116 = arith.constant 0 : i32
        %dma_start3A_117 = arith.constant 0 : i32
        %dma_start3A_118 = tpu.memref_slice %arg10[%dma_start3A_116, %dma_start3A_117] : memref<512x32xbf16, #tpu.memory_space<vmem>> -> memref<112x32xbf16, #tpu.memory_space<vmem>>
        tpu.enqueue_dma source(%dma_start3A_118 : memref<112x32xbf16, #tpu.memory_space<vmem>>) target(%dma_start3A_115 : memref<112x32xbf16, #tpu.memory_space<vmem_shared>>) target_semaphore(%run_scoped3A : memref<!tpu.dma_semaphore, #tpu.memory_space<semaphore_mem>>)
        %dma_wait3A_119 = arith.constant 0 : i32
        %dma_wait3A_120 = arith.constant 0 : i32
        %dma_wait3A_121 = tpu.memref_slice %arg10[%dma_wait3A_119, %dma_wait3A_120] : memref<512x32xbf16, #tpu.memory_space<vmem>> -> memref<112x32xbf16, #tpu.memory_space<vmem>>
        %dma_wait3A_122 = arith.constant 0 : i32
        %dma_wait3A_123 = tpu.memref_slice %arg7[%add3A_108, %dma_wait3A_122] : memref<100048x32xbf16, #tpu.memory_space<vmem_shared>> -> memref<112x32xbf16, #tpu.memory_space<vmem_shared>>
        %dma_wait3A_124 = arith.constant 0 : i32
        %dma_wait3A_125 = tpu.memref_slice %arg7[%add3A_108, %dma_wait3A_124] : memref<100048x32xbf16, #tpu.memory_space<vmem_shared>> -> memref<112x32xbf16, #tpu.memory_space<vmem_shared>>
        %dma_wait3A_126 = arith.constant 0 : i32
        %dma_wait3A_127 = arith.constant 0 : i32
        %dma_wait3A_128 = tpu.memref_slice %arg10[%dma_wait3A_126, %dma_wait3A_127] : memref<512x32xbf16, #tpu.memory_space<vmem>> -> memref<112x32xbf16, #tpu.memory_space<vmem>>
        tpu.wait_dma2 semaphore(%run_scoped3A : memref<!tpu.dma_semaphore, #tpu.memory_space<semaphore_mem>>) src(%dma_wait3A_128 : memref<112x32xbf16, #tpu.memory_space<vmem>>) dst(%dma_wait3A_125 : memref<112x32xbf16, #tpu.memory_space<vmem_shared>>)
        tpu.yield
      }) : () -> ()
    } else {
    }
    %eq3A = arith.constant 15 : i32
    %eq3A_26 = arith.cmpi eq, %arg1, %eq3A : i32
    %convert_element_type3A_27 = arith.extui %eq3A_26 : i1 to i32
    %cond3A_28 = arith.constant 0 : i32
    %cond3A_29 = arith.cmpi ne, %convert_element_type3A_27, %cond3A_28 : i32
    scf.if %cond3A_29 {
      %add3A_107 = arith.constant 6144 : i32
      %add3A_108 = arith.addi %mul3A_0, %add3A_107 : i32
      "tpu.region"() ({
        %run_scoped3A = tpu.sem_alloc : memref<!tpu.dma_semaphore, #tpu.memory_space<semaphore_mem>>
        %dma_start3A_109 = arith.constant 0 : i32
        %dma_start3A_110 = arith.constant 0 : i32
        %dma_start3A_111 = tpu.memref_slice %arg10[%dma_start3A_109, %dma_start3A_110] : memref<512x32xbf16, #tpu.memory_space<vmem>> -> memref<64x32xbf16, #tpu.memory_space<vmem>>
        %dma_start3A_112 = arith.constant 0 : i32
        %dma_start3A_113 = tpu.memref_slice %arg7[%add3A_108, %dma_start3A_112] : memref<100048x32xbf16, #tpu.memory_space<vmem_shared>> -> memref<64x32xbf16, #tpu.memory_space<vmem_shared>>
        %dma_start3A_114 = arith.constant 0 : i32
        %dma_start3A_115 = tpu.memref_slice %arg7[%add3A_108, %dma_start3A_114] : memref<100048x32xbf16, #tpu.memory_space<vmem_shared>> -> memref<64x32xbf16, #tpu.memory_space<vmem_shared>>
        %dma_start3A_116 = arith.constant 0 : i32
        %dma_start3A_117 = arith.constant 0 : i32
        %dma_start3A_118 = tpu.memref_slice %arg10[%dma_start3A_116, %dma_start3A_117] : memref<512x32xbf16, #tpu.memory_space<vmem>> -> memref<64x32xbf16, #tpu.memory_space<vmem>>
        tpu.enqueue_dma source(%dma_start3A_118 : memref<64x32xbf16, #tpu.memory_space<vmem>>) target(%dma_start3A_115 : memref<64x32xbf16, #tpu.memory_space<vmem_shared>>) target_semaphore(%run_scoped3A : memref<!tpu.dma_semaphore, #tpu.memory_space<semaphore_mem>>)
        %dma_wait3A_119 = arith.constant 0 : i32
        %dma_wait3A_120 = arith.constant 0 : i32
        %dma_wait3A_121 = tpu.memref_slice %arg10[%dma_wait3A_119, %dma_wait3A_120] : memref<512x32xbf16, #tpu.memory_space<vmem>> -> memref<64x32xbf16, #tpu.memory_space<vmem>>
        %dma_wait3A_122 = arith.constant 0 : i32
        %dma_wait3A_123 = tpu.memref_slice %arg7[%add3A_108, %dma_wait3A_122] : memref<100048x32xbf16, #tpu.memory_space<vmem_shared>> -> memref<64x32xbf16, #tpu.memory_space<vmem_shared>>
        %dma_wait3A_124 = arith.constant 0 : i32
        %dma_wait3A_125 = tpu.memref_slice %arg7[%add3A_108, %dma_wait3A_124] : memref<100048x32xbf16, #tpu.memory_space<vmem_shared>> -> memref<64x32xbf16, #tpu.memory_space<vmem_shared>>
        %dma_wait3A_126 = arith.constant 0 : i32
        %dma_wait3A_127 = arith.constant 0 : i32
        %dma_wait3A_128 = tpu.memref_slice %arg10[%dma_wait3A_126, %dma_wait3A_127] : memref<512x32xbf16, #tpu.memory_space<vmem>> -> memref<64x32xbf16, #tpu.memory_space<vmem>>
        tpu.wait_dma2 semaphore(%run_scoped3A : memref<!tpu.dma_semaphore, #tpu.memory_space<semaphore_mem>>) src(%dma_wait3A_128 : memref<64x32xbf16, #tpu.memory_space<vmem>>) dst(%dma_wait3A_125 : memref<64x32xbf16, #tpu.memory_space<vmem_shared>>)
        tpu.yield
      }) : () -> ()
    } else {
    }
    %barrier3A = arith.constant 0 : index
    tpu.barrier barrier_id(%barrier3A)
    %mul3A_30 = arith.constant 16 : i32
    %mul3A_31 = arith.muli %arg0, %mul3A_30 : i32
    %add3A_32 = arith.addi %mul3A_31, %arg1 : i32
    %mul3A_33 = arith.constant 100 : i32
    %mul3A_34 = arith.muli %add3A_32, %mul3A_33 : i32
    "tpu.region"() ({
      %run_scoped3A = tpu.sem_alloc : memref<!tpu.dma_semaphore, #tpu.memory_space<semaphore_mem>>
      %dma_start3A_107 = arith.constant 0 : i32
      %dma_start3A_108 = tpu.memref_slice %arg3[%mul3A_34, %dma_start3A_107] : memref<3200x512xi32, #tpu.memory_space<hbm>> -> memref<1x512xi32, #tpu.memory_space<hbm>>
      %dma_start3A_109 = tpu.memref_squeeze %dma_start3A_108 : memref<1x512xi32, #tpu.memory_space<hbm>> -> memref<512xi32, #tpu.memory_space<hbm>>
      %dma_start3A_110 = arith.constant 0 : i32
      %dma_start3A_111 = tpu.memref_slice %arg3[%mul3A_34, %dma_start3A_110] : memref<3200x512xi32, #tpu.memory_space<hbm>> -> memref<1x512xi32, #tpu.memory_space<hbm>>
      %dma_start3A_112 = tpu.memref_squeeze %dma_start3A_111 : memref<1x512xi32, #tpu.memory_space<hbm>> -> memref<512xi32, #tpu.memory_space<hbm>>
      tpu.enqueue_dma source(%dma_start3A_112 : memref<512xi32, #tpu.memory_space<hbm>>) target(%arg8 : memref<512xi32, #tpu.memory_space<vmem>>) target_semaphore(%run_scoped3A : memref<!tpu.dma_semaphore, #tpu.memory_space<semaphore_mem>>)
      %dma_wait3A_113 = arith.constant 0 : i32
      %dma_wait3A_114 = tpu.memref_slice %arg3[%mul3A_34, %dma_wait3A_113] : memref<3200x512xi32, #tpu.memory_space<hbm>> -> memref<1x512xi32, #tpu.memory_space<hbm>>
      %dma_wait3A_115 = tpu.memref_squeeze %dma_wait3A_114 : memref<1x512xi32, #tpu.memory_space<hbm>> -> memref<512xi32, #tpu.memory_space<hbm>>
      %dma_wait3A_116 = arith.constant 0 : i32
      %dma_wait3A_117 = tpu.memref_slice %arg3[%mul3A_34, %dma_wait3A_116] : memref<3200x512xi32, #tpu.memory_space<hbm>> -> memref<1x512xi32, #tpu.memory_space<hbm>>
      %dma_wait3A_118 = tpu.memref_squeeze %dma_wait3A_117 : memref<1x512xi32, #tpu.memory_space<hbm>> -> memref<512xi32, #tpu.memory_space<hbm>>
      tpu.wait_dma2 semaphore(%run_scoped3A : memref<!tpu.dma_semaphore, #tpu.memory_space<semaphore_mem>>) src(%dma_wait3A_118 : memref<512xi32, #tpu.memory_space<hbm>>) dst(%arg8 : memref<512xi32, #tpu.memory_space<vmem>>)
      tpu.yield
    }) : () -> ()
    "tpu.region"() ({
      %run_scoped3A = tpu.sem_alloc : memref<!tpu.dma_semaphore, #tpu.memory_space<semaphore_mem>>
      %dma_start3A_107 = arith.constant 0 : i32
      %dma_start3A_108 = tpu.memref_slice %arg4[%mul3A_34, %dma_start3A_107] : memref<3200x512xi32, #tpu.memory_space<hbm>> -> memref<1x512xi32, #tpu.memory_space<hbm>>
      %dma_start3A_109 = tpu.memref_squeeze %dma_start3A_108 : memref<1x512xi32, #tpu.memory_space<hbm>> -> memref<512xi32, #tpu.memory_space<hbm>>
      %dma_start3A_110 = arith.constant 0 : i32
      %dma_start3A_111 = tpu.memref_slice %arg4[%mul3A_34, %dma_start3A_110] : memref<3200x512xi32, #tpu.memory_space<hbm>> -> memref<1x512xi32, #tpu.memory_space<hbm>>
      %dma_start3A_112 = tpu.memref_squeeze %dma_start3A_111 : memref<1x512xi32, #tpu.memory_space<hbm>> -> memref<512xi32, #tpu.memory_space<hbm>>
      tpu.enqueue_dma source(%dma_start3A_112 : memref<512xi32, #tpu.memory_space<hbm>>) target(%arg9 : memref<512xi32, #tpu.memory_space<vmem>>) target_semaphore(%run_scoped3A : memref<!tpu.dma_semaphore, #tpu.memory_space<semaphore_mem>>)
      %dma_wait3A_113 = arith.constant 0 : i32
      %dma_wait3A_114 = tpu.memref_slice %arg4[%mul3A_34, %dma_wait3A_113] : memref<3200x512xi32, #tpu.memory_space<hbm>> -> memref<1x512xi32, #tpu.memory_space<hbm>>
      %dma_wait3A_115 = tpu.memref_squeeze %dma_wait3A_114 : memref<1x512xi32, #tpu.memory_space<hbm>> -> memref<512xi32, #tpu.memory_space<hbm>>
      %dma_wait3A_116 = arith.constant 0 : i32
      %dma_wait3A_117 = tpu.memref_slice %arg4[%mul3A_34, %dma_wait3A_116] : memref<3200x512xi32, #tpu.memory_space<hbm>> -> memref<1x512xi32, #tpu.memory_space<hbm>>
      %dma_wait3A_118 = tpu.memref_squeeze %dma_wait3A_117 : memref<1x512xi32, #tpu.memory_space<hbm>> -> memref<512xi32, #tpu.memory_space<hbm>>
      tpu.wait_dma2 semaphore(%run_scoped3A : memref<!tpu.dma_semaphore, #tpu.memory_space<semaphore_mem>>) src(%dma_wait3A_118 : memref<512xi32, #tpu.memory_space<hbm>>) dst(%arg9 : memref<512xi32, #tpu.memory_space<vmem>>)
      tpu.yield
    }) : () -> ()
    %dma_start3A = arith.constant 0 : i32
    %dma_start3A_35 = arith.constant 0 : i32
    %dma_start3A_36 = tpu.memref_slice %arg2[%dma_start3A, %dma_start3A_35] : memref<100000x32xbf16, #tpu.memory_space<hbm>> -> memref<100000x32xbf16, #tpu.memory_space<hbm>>
    tpu.enqueue_indirect_dma source(%dma_start3A_36 : memref<100000x32xbf16, #tpu.memory_space<hbm>>) target(%arg10 : memref<512x32xbf16, #tpu.memory_space<vmem>>) offsets(%arg8 : memref<512xi32, #tpu.memory_space<vmem>>) semaphore(%arg14 : memref<!tpu.dma_semaphore, #tpu.memory_space<semaphore_mem>>)
    %add3A_37 = arith.constant 1 : i32
    %add3A_38 = arith.addi %mul3A_34, %add3A_37 : i32
    %dma_start3A_39 = arith.constant 0 : i32
    %dma_start3A_40 = tpu.memref_slice %arg3[%add3A_38, %dma_start3A_39] : memref<3200x512xi32, #tpu.memory_space<hbm>> -> memref<1x512xi32, #tpu.memory_space<hbm>>
    %dma_start3A_41 = tpu.memref_squeeze %dma_start3A_40 : memref<1x512xi32, #tpu.memory_space<hbm>> -> memref<512xi32, #tpu.memory_space<hbm>>
    %dma_start3A_42 = arith.constant 0 : i32
    %dma_start3A_43 = tpu.memref_slice %arg3[%add3A_38, %dma_start3A_42] : memref<3200x512xi32, #tpu.memory_space<hbm>> -> memref<1x512xi32, #tpu.memory_space<hbm>>
    %dma_start3A_44 = tpu.memref_squeeze %dma_start3A_43 : memref<1x512xi32, #tpu.memory_space<hbm>> -> memref<512xi32, #tpu.memory_space<hbm>>
    tpu.enqueue_dma source(%dma_start3A_44 : memref<512xi32, #tpu.memory_space<hbm>>) target(%arg11 : memref<512xi32, #tpu.memory_space<vmem>>) target_semaphore(%arg16 : memref<!tpu.dma_semaphore, #tpu.memory_space<semaphore_mem>>)
    %add3A_45 = arith.constant 1 : i32
    %add3A_46 = arith.addi %mul3A_34, %add3A_45 : i32
    %dma_start3A_47 = arith.constant 0 : i32
    %dma_start3A_48 = tpu.memref_slice %arg4[%add3A_46, %dma_start3A_47] : memref<3200x512xi32, #tpu.memory_space<hbm>> -> memref<1x512xi32, #tpu.memory_space<hbm>>
    %dma_start3A_49 = tpu.memref_squeeze %dma_start3A_48 : memref<1x512xi32, #tpu.memory_space<hbm>> -> memref<512xi32, #tpu.memory_space<hbm>>
    %dma_start3A_50 = arith.constant 0 : i32
    %dma_start3A_51 = tpu.memref_slice %arg4[%add3A_46, %dma_start3A_50] : memref<3200x512xi32, #tpu.memory_space<hbm>> -> memref<1x512xi32, #tpu.memory_space<hbm>>
    %dma_start3A_52 = tpu.memref_squeeze %dma_start3A_51 : memref<1x512xi32, #tpu.memory_space<hbm>> -> memref<512xi32, #tpu.memory_space<hbm>>
    tpu.enqueue_dma source(%dma_start3A_52 : memref<512xi32, #tpu.memory_space<hbm>>) target(%arg12 : memref<512xi32, #tpu.memory_space<vmem>>) target_semaphore(%arg16 : memref<!tpu.dma_semaphore, #tpu.memory_space<semaphore_mem>>)
    %dma_wait3A = arith.constant 0 : i32
    %dma_wait3A_53 = arith.constant 0 : i32
    %dma_wait3A_54 = tpu.memref_slice %arg2[%dma_wait3A, %dma_wait3A_53] : memref<100000x32xbf16, #tpu.memory_space<hbm>> -> memref<100000x32xbf16, #tpu.memory_space<hbm>>
    tpu.wait_indirect_dma semaphore(%arg14 : memref<!tpu.dma_semaphore, #tpu.memory_space<semaphore_mem>>) src(%dma_wait3A_54 : memref<100000x32xbf16, #tpu.memory_space<hbm>>) dst(%arg10 : memref<512x32xbf16, #tpu.memory_space<vmem>>)
    %add3A_55 = arith.constant 1 : i32
    %add3A_56 = arith.addi %mul3A_34, %add3A_55 : i32
    %dma_wait3A_57 = arith.constant 0 : i32
    %dma_wait3A_58 = tpu.memref_slice %arg3[%add3A_56, %dma_wait3A_57] : memref<3200x512xi32, #tpu.memory_space<hbm>> -> memref<1x512xi32, #tpu.memory_space<hbm>>
    %dma_wait3A_59 = tpu.memref_squeeze %dma_wait3A_58 : memref<1x512xi32, #tpu.memory_space<hbm>> -> memref<512xi32, #tpu.memory_space<hbm>>
    %dma_wait3A_60 = arith.constant 0 : i32
    %dma_wait3A_61 = tpu.memref_slice %arg3[%add3A_56, %dma_wait3A_60] : memref<3200x512xi32, #tpu.memory_space<hbm>> -> memref<1x512xi32, #tpu.memory_space<hbm>>
    %dma_wait3A_62 = tpu.memref_squeeze %dma_wait3A_61 : memref<1x512xi32, #tpu.memory_space<hbm>> -> memref<512xi32, #tpu.memory_space<hbm>>
    tpu.wait_dma2 semaphore(%arg16 : memref<!tpu.dma_semaphore, #tpu.memory_space<semaphore_mem>>) src(%dma_wait3A_62 : memref<512xi32, #tpu.memory_space<hbm>>) dst(%arg11 : memref<512xi32, #tpu.memory_space<vmem>>)
    %add3A_63 = arith.constant 1 : i32
    %add3A_64 = arith.addi %mul3A_34, %add3A_63 : i32
    %dma_wait3A_65 = arith.constant 0 : i32
    %dma_wait3A_66 = tpu.memref_slice %arg4[%add3A_64, %dma_wait3A_65] : memref<3200x512xi32, #tpu.memory_space<hbm>> -> memref<1x512xi32, #tpu.memory_space<hbm>>
    %dma_wait3A_67 = tpu.memref_squeeze %dma_wait3A_66 : memref<1x512xi32, #tpu.memory_space<hbm>> -> memref<512xi32, #tpu.memory_space<hbm>>
    %dma_wait3A_68 = arith.constant 0 : i32
    %dma_wait3A_69 = tpu.memref_slice %arg4[%add3A_64, %dma_wait3A_68] : memref<3200x512xi32, #tpu.memory_space<hbm>> -> memref<1x512xi32, #tpu.memory_space<hbm>>
    %dma_wait3A_70 = tpu.memref_squeeze %dma_wait3A_69 : memref<1x512xi32, #tpu.memory_space<hbm>> -> memref<512xi32, #tpu.memory_space<hbm>>
    tpu.wait_dma2 semaphore(%arg16 : memref<!tpu.dma_semaphore, #tpu.memory_space<semaphore_mem>>) src(%dma_wait3A_70 : memref<512xi32, #tpu.memory_space<hbm>>) dst(%arg12 : memref<512xi32, #tpu.memory_space<vmem>>)
    %dma_start3A_71 = arith.constant 0 : i32
    %dma_start3A_72 = arith.constant 0 : i32
    %dma_start3A_73 = tpu.memref_slice %arg2[%dma_start3A_71, %dma_start3A_72] : memref<100000x32xbf16, #tpu.memory_space<hbm>> -> memref<100000x32xbf16, #tpu.memory_space<hbm>>
    tpu.enqueue_indirect_dma source(%dma_start3A_73 : memref<100000x32xbf16, #tpu.memory_space<hbm>>) target(%arg13 : memref<512x32xbf16, #tpu.memory_space<vmem>>) offsets(%arg11 : memref<512xi32, #tpu.memory_space<vmem>>) semaphore(%arg14 : memref<!tpu.dma_semaphore, #tpu.memory_space<semaphore_mem>>)
    %dma_start3A_74 = arith.constant 0 : i32
    %dma_start3A_75 = arith.constant 0 : i32
    %dma_start3A_76 = tpu.memref_slice %arg7[%dma_start3A_74, %dma_start3A_75] : memref<100048x32xbf16, #tpu.memory_space<vmem_shared>> -> memref<100048x32xbf16, #tpu.memory_space<vmem_shared>>
    tpu.enqueue_indirect_dma source(%arg10 : memref<512x32xbf16, #tpu.memory_space<vmem>>) target(%dma_start3A_76 : memref<100048x32xbf16, #tpu.memory_space<vmem_shared>>) offsets(%arg9 : memref<512xi32, #tpu.memory_space<vmem>>) semaphore(%arg15 : memref<!tpu.dma_semaphore, #tpu.memory_space<semaphore_mem>>) {add = true}
    %scan3A = arith.constant 0 : i32
    %scan3A_77 = arith.constant 0 : i32
    %scan3A_78 = arith.constant 49 : i32
    %scan3A_79 = arith.addi %scan3A_77, %scan3A_78 : i32
    %scan3A_80 = arith.constant 1 : i32
    scf.for %scan3A_107 = %scan3A_77 to %scan3A_79 step %scan3A_80  : i32 {
      %mul3A_108 = arith.constant 2 : i32
      %mul3A_109 = arith.muli %mul3A_108, %scan3A_107 : i32
      %add3A_110 = arith.constant 1 : i32
      %add3A_111 = arith.addi %add3A_110, %mul3A_109 : i32
      %add3A_112 = arith.constant 0 : i32
      %add3A_113 = arith.addi %add3A_111, %add3A_112 : i32
      %dma_wait3A_114 = arith.constant 0 : i32
      %dma_wait3A_115 = arith.constant 0 : i32
      %dma_wait3A_116 = tpu.memref_slice %arg7[%dma_wait3A_114, %dma_wait3A_115] : memref<100048x32xbf16, #tpu.memory_space<vmem_shared>> -> memref<100048x32xbf16, #tpu.memory_space<vmem_shared>>
      tpu.wait_indirect_dma semaphore(%arg15 : memref<!tpu.dma_semaphore, #tpu.memory_space<semaphore_mem>>) src(%arg10 : memref<512x32xbf16, #tpu.memory_space<vmem>>) dst(%dma_wait3A_116 : memref<100048x32xbf16, #tpu.memory_space<vmem_shared>>)
      %add3A_117 = arith.constant 1 : i32
      %add3A_118 = arith.addi %add3A_113, %add3A_117 : i32
      %add3A_119 = arith.addi %mul3A_34, %add3A_118 : i32
      %dma_start3A_120 = arith.constant 0 : i32
      %dma_start3A_121 = tpu.memref_slice %arg3[%add3A_119, %dma_start3A_120] : memref<3200x512xi32, #tpu.memory_space<hbm>> -> memref<1x512xi32, #tpu.memory_space<hbm>>
      %dma_start3A_122 = tpu.memref_squeeze %dma_start3A_121 : memref<1x512xi32, #tpu.memory_space<hbm>> -> memref<512xi32, #tpu.memory_space<hbm>>
      %dma_start3A_123 = arith.constant 0 : i32
      %dma_start3A_124 = tpu.memref_slice %arg3[%add3A_119, %dma_start3A_123] : memref<3200x512xi32, #tpu.memory_space<hbm>> -> memref<1x512xi32, #tpu.memory_space<hbm>>
      %dma_start3A_125 = tpu.memref_squeeze %dma_start3A_124 : memref<1x512xi32, #tpu.memory_space<hbm>> -> memref<512xi32, #tpu.memory_space<hbm>>
      tpu.enqueue_dma source(%dma_start3A_125 : memref<512xi32, #tpu.memory_space<hbm>>) target(%arg8 : memref<512xi32, #tpu.memory_space<vmem>>) target_semaphore(%arg16 : memref<!tpu.dma_semaphore, #tpu.memory_space<semaphore_mem>>)
      %add3A_126 = arith.addi %mul3A_34, %add3A_118 : i32
      %dma_start3A_127 = arith.constant 0 : i32
      %dma_start3A_128 = tpu.memref_slice %arg4[%add3A_126, %dma_start3A_127] : memref<3200x512xi32, #tpu.memory_space<hbm>> -> memref<1x512xi32, #tpu.memory_space<hbm>>
      %dma_start3A_129 = tpu.memref_squeeze %dma_start3A_128 : memref<1x512xi32, #tpu.memory_space<hbm>> -> memref<512xi32, #tpu.memory_space<hbm>>
      %dma_start3A_130 = arith.constant 0 : i32
      %dma_start3A_131 = tpu.memref_slice %arg4[%add3A_126, %dma_start3A_130] : memref<3200x512xi32, #tpu.memory_space<hbm>> -> memref<1x512xi32, #tpu.memory_space<hbm>>
      %dma_start3A_132 = tpu.memref_squeeze %dma_start3A_131 : memref<1x512xi32, #tpu.memory_space<hbm>> -> memref<512xi32, #tpu.memory_space<hbm>>
      tpu.enqueue_dma source(%dma_start3A_132 : memref<512xi32, #tpu.memory_space<hbm>>) target(%arg9 : memref<512xi32, #tpu.memory_space<vmem>>) target_semaphore(%arg16 : memref<!tpu.dma_semaphore, #tpu.memory_space<semaphore_mem>>)
      %dma_wait3A_133 = arith.constant 0 : i32
      %dma_wait3A_134 = arith.constant 0 : i32
      %dma_wait3A_135 = tpu.memref_slice %arg2[%dma_wait3A_133, %dma_wait3A_134] : memref<100000x32xbf16, #tpu.memory_space<hbm>> -> memref<100000x32xbf16, #tpu.memory_space<hbm>>
      tpu.wait_indirect_dma semaphore(%arg14 : memref<!tpu.dma_semaphore, #tpu.memory_space<semaphore_mem>>) src(%dma_wait3A_135 : memref<100000x32xbf16, #tpu.memory_space<hbm>>) dst(%arg13 : memref<512x32xbf16, #tpu.memory_space<vmem>>)
      %add3A_136 = arith.constant 1 : i32
      %add3A_137 = arith.addi %add3A_113, %add3A_136 : i32
      %add3A_138 = arith.addi %mul3A_34, %add3A_137 : i32
      %dma_wait3A_139 = arith.constant 0 : i32
      %dma_wait3A_140 = tpu.memref_slice %arg3[%add3A_138, %dma_wait3A_139] : memref<3200x512xi32, #tpu.memory_space<hbm>> -> memref<1x512xi32, #tpu.memory_space<hbm>>
      %dma_wait3A_141 = tpu.memref_squeeze %dma_wait3A_140 : memref<1x512xi32, #tpu.memory_space<hbm>> -> memref<512xi32, #tpu.memory_space<hbm>>
      %dma_wait3A_142 = arith.constant 0 : i32
      %dma_wait3A_143 = tpu.memref_slice %arg3[%add3A_138, %dma_wait3A_142] : memref<3200x512xi32, #tpu.memory_space<hbm>> -> memref<1x512xi32, #tpu.memory_space<hbm>>
      %dma_wait3A_144 = tpu.memref_squeeze %dma_wait3A_143 : memref<1x512xi32, #tpu.memory_space<hbm>> -> memref<512xi32, #tpu.memory_space<hbm>>
      tpu.wait_dma2 semaphore(%arg16 : memref<!tpu.dma_semaphore, #tpu.memory_space<semaphore_mem>>) src(%dma_wait3A_144 : memref<512xi32, #tpu.memory_space<hbm>>) dst(%arg8 : memref<512xi32, #tpu.memory_space<vmem>>)
      %add3A_145 = arith.addi %mul3A_34, %add3A_137 : i32
      %dma_wait3A_146 = arith.constant 0 : i32
      %dma_wait3A_147 = tpu.memref_slice %arg4[%add3A_145, %dma_wait3A_146] : memref<3200x512xi32, #tpu.memory_space<hbm>> -> memref<1x512xi32, #tpu.memory_space<hbm>>
      %dma_wait3A_148 = tpu.memref_squeeze %dma_wait3A_147 : memref<1x512xi32, #tpu.memory_space<hbm>> -> memref<512xi32, #tpu.memory_space<hbm>>
      %dma_wait3A_149 = arith.constant 0 : i32
      %dma_wait3A_150 = tpu.memref_slice %arg4[%add3A_145, %dma_wait3A_149] : memref<3200x512xi32, #tpu.memory_space<hbm>> -> memref<1x512xi32, #tpu.memory_space<hbm>>
      %dma_wait3A_151 = tpu.memref_squeeze %dma_wait3A_150 : memref<1x512xi32, #tpu.memory_space<hbm>> -> memref<512xi32, #tpu.memory_space<hbm>>
      tpu.wait_dma2 semaphore(%arg16 : memref<!tpu.dma_semaphore, #tpu.memory_space<semaphore_mem>>) src(%dma_wait3A_151 : memref<512xi32, #tpu.memory_space<hbm>>) dst(%arg9 : memref<512xi32, #tpu.memory_space<vmem>>)
      %dma_start3A_152 = arith.constant 0 : i32
      %dma_start3A_153 = arith.constant 0 : i32
      %dma_start3A_154 = tpu.memref_slice %arg2[%dma_start3A_152, %dma_start3A_153] : memref<100000x32xbf16, #tpu.memory_space<hbm>> -> memref<100000x32xbf16, #tpu.memory_space<hbm>>
      tpu.enqueue_indirect_dma source(%dma_start3A_154 : memref<100000x32xbf16, #tpu.memory_space<hbm>>) target(%arg10 : memref<512x32xbf16, #tpu.memory_space<vmem>>) offsets(%arg8 : memref<512xi32, #tpu.memory_space<vmem>>) semaphore(%arg14 : memref<!tpu.dma_semaphore, #tpu.memory_space<semaphore_mem>>)
      %dma_start3A_155 = arith.constant 0 : i32
      %dma_start3A_156 = arith.constant 0 : i32
      %dma_start3A_157 = tpu.memref_slice %arg7[%dma_start3A_155, %dma_start3A_156] : memref<100048x32xbf16, #tpu.memory_space<vmem_shared>> -> memref<100048x32xbf16, #tpu.memory_space<vmem_shared>>
      tpu.enqueue_indirect_dma source(%arg13 : memref<512x32xbf16, #tpu.memory_space<vmem>>) target(%dma_start3A_157 : memref<100048x32xbf16, #tpu.memory_space<vmem_shared>>) offsets(%arg12 : memref<512xi32, #tpu.memory_space<vmem>>) semaphore(%arg15 : memref<!tpu.dma_semaphore, #tpu.memory_space<semaphore_mem>>) {add = true}
      %add3A_158 = arith.constant 1 : i32
      %add3A_159 = arith.addi %add3A_111, %add3A_158 : i32
      %dma_wait3A_160 = arith.constant 0 : i32
      %dma_wait3A_161 = arith.constant 0 : i32
      %dma_wait3A_162 = tpu.memref_slice %arg7[%dma_wait3A_160, %dma_wait3A_161] : memref<100048x32xbf16, #tpu.memory_space<vmem_shared>> -> memref<100048x32xbf16, #tpu.memory_space<vmem_shared>>
      tpu.wait_indirect_dma semaphore(%arg15 : memref<!tpu.dma_semaphore, #tpu.memory_space<semaphore_mem>>) src(%arg13 : memref<512x32xbf16, #tpu.memory_space<vmem>>) dst(%dma_wait3A_162 : memref<100048x32xbf16, #tpu.memory_space<vmem_shared>>)
      %add3A_163 = arith.constant 1 : i32
      %add3A_164 = arith.addi %add3A_159, %add3A_163 : i32
      %add3A_165 = arith.addi %mul3A_34, %add3A_164 : i32
      %dma_start3A_166 = arith.constant 0 : i32
      %dma_start3A_167 = tpu.memref_slice %arg3[%add3A_165, %dma_start3A_166] : memref<3200x512xi32, #tpu.memory_space<hbm>> -> memref<1x512xi32, #tpu.memory_space<hbm>>
      %dma_start3A_168 = tpu.memref_squeeze %dma_start3A_167 : memref<1x512xi32, #tpu.memory_space<hbm>> -> memref<512xi32, #tpu.memory_space<hbm>>
      %dma_start3A_169 = arith.constant 0 : i32
      %dma_start3A_170 = tpu.memref_slice %arg3[%add3A_165, %dma_start3A_169] : memref<3200x512xi32, #tpu.memory_space<hbm>> -> memref<1x512xi32, #tpu.memory_space<hbm>>
      %dma_start3A_171 = tpu.memref_squeeze %dma_start3A_170 : memref<1x512xi32, #tpu.memory_space<hbm>> -> memref<512xi32, #tpu.memory_space<hbm>>
      tpu.enqueue_dma source(%dma_start3A_171 : memref<512xi32, #tpu.memory_space<hbm>>) target(%arg11 : memref<512xi32, #tpu.memory_space<vmem>>) target_semaphore(%arg16 : memref<!tpu.dma_semaphore, #tpu.memory_space<semaphore_mem>>)
      %add3A_172 = arith.addi %mul3A_34, %add3A_164 : i32
      %dma_start3A_173 = arith.constant 0 : i32
      %dma_start3A_174 = tpu.memref_slice %arg4[%add3A_172, %dma_start3A_173] : memref<3200x512xi32, #tpu.memory_space<hbm>> -> memref<1x512xi32, #tpu.memory_space<hbm>>
      %dma_start3A_175 = tpu.memref_squeeze %dma_start3A_174 : memref<1x512xi32, #tpu.memory_space<hbm>> -> memref<512xi32, #tpu.memory_space<hbm>>
      %dma_start3A_176 = arith.constant 0 : i32
      %dma_start3A_177 = tpu.memref_slice %arg4[%add3A_172, %dma_start3A_176] : memref<3200x512xi32, #tpu.memory_space<hbm>> -> memref<1x512xi32, #tpu.memory_space<hbm>>
      %dma_start3A_178 = tpu.memref_squeeze %dma_start3A_177 : memref<1x512xi32, #tpu.memory_space<hbm>> -> memref<512xi32, #tpu.memory_space<hbm>>
      tpu.enqueue_dma source(%dma_start3A_178 : memref<512xi32, #tpu.memory_space<hbm>>) target(%arg12 : memref<512xi32, #tpu.memory_space<vmem>>) target_semaphore(%arg16 : memref<!tpu.dma_semaphore, #tpu.memory_space<semaphore_mem>>)
      %dma_wait3A_179 = arith.constant 0 : i32
      %dma_wait3A_180 = arith.constant 0 : i32
      %dma_wait3A_181 = tpu.memref_slice %arg2[%dma_wait3A_179, %dma_wait3A_180] : memref<100000x32xbf16, #tpu.memory_space<hbm>> -> memref<100000x32xbf16, #tpu.memory_space<hbm>>
      tpu.wait_indirect_dma semaphore(%arg14 : memref<!tpu.dma_semaphore, #tpu.memory_space<semaphore_mem>>) src(%dma_wait3A_181 : memref<100000x32xbf16, #tpu.memory_space<hbm>>) dst(%arg10 : memref<512x32xbf16, #tpu.memory_space<vmem>>)
      %add3A_182 = arith.constant 1 : i32
      %add3A_183 = arith.addi %add3A_159, %add3A_182 : i32
      %add3A_184 = arith.addi %mul3A_34, %add3A_183 : i32
      %dma_wait3A_185 = arith.constant 0 : i32
      %dma_wait3A_186 = tpu.memref_slice %arg3[%add3A_184, %dma_wait3A_185] : memref<3200x512xi32, #tpu.memory_space<hbm>> -> memref<1x512xi32, #tpu.memory_space<hbm>>
      %dma_wait3A_187 = tpu.memref_squeeze %dma_wait3A_186 : memref<1x512xi32, #tpu.memory_space<hbm>> -> memref<512xi32, #tpu.memory_space<hbm>>
      %dma_wait3A_188 = arith.constant 0 : i32
      %dma_wait3A_189 = tpu.memref_slice %arg3[%add3A_184, %dma_wait3A_188] : memref<3200x512xi32, #tpu.memory_space<hbm>> -> memref<1x512xi32, #tpu.memory_space<hbm>>
      %dma_wait3A_190 = tpu.memref_squeeze %dma_wait3A_189 : memref<1x512xi32, #tpu.memory_space<hbm>> -> memref<512xi32, #tpu.memory_space<hbm>>
      tpu.wait_dma2 semaphore(%arg16 : memref<!tpu.dma_semaphore, #tpu.memory_space<semaphore_mem>>) src(%dma_wait3A_190 : memref<512xi32, #tpu.memory_space<hbm>>) dst(%arg11 : memref<512xi32, #tpu.memory_space<vmem>>)
      %add3A_191 = arith.addi %mul3A_34, %add3A_183 : i32
      %dma_wait3A_192 = arith.constant 0 : i32
      %dma_wait3A_193 = tpu.memref_slice %arg4[%add3A_191, %dma_wait3A_192] : memref<3200x512xi32, #tpu.memory_space<hbm>> -> memref<1x512xi32, #tpu.memory_space<hbm>>
      %dma_wait3A_194 = tpu.memref_squeeze %dma_wait3A_193 : memref<1x512xi32, #tpu.memory_space<hbm>> -> memref<512xi32, #tpu.memory_space<hbm>>
      %dma_wait3A_195 = arith.constant 0 : i32
      %dma_wait3A_196 = tpu.memref_slice %arg4[%add3A_191, %dma_wait3A_195] : memref<3200x512xi32, #tpu.memory_space<hbm>> -> memref<1x512xi32, #tpu.memory_space<hbm>>
      %dma_wait3A_197 = tpu.memref_squeeze %dma_wait3A_196 : memref<1x512xi32, #tpu.memory_space<hbm>> -> memref<512xi32, #tpu.memory_space<hbm>>
      tpu.wait_dma2 semaphore(%arg16 : memref<!tpu.dma_semaphore, #tpu.memory_space<semaphore_mem>>) src(%dma_wait3A_197 : memref<512xi32, #tpu.memory_space<hbm>>) dst(%arg12 : memref<512xi32, #tpu.memory_space<vmem>>)
      %dma_start3A_198 = arith.constant 0 : i32
      %dma_start3A_199 = arith.constant 0 : i32
      %dma_start3A_200 = tpu.memref_slice %arg2[%dma_start3A_198, %dma_start3A_199] : memref<100000x32xbf16, #tpu.memory_space<hbm>> -> memref<100000x32xbf16, #tpu.memory_space<hbm>>
      tpu.enqueue_indirect_dma source(%dma_start3A_200 : memref<100000x32xbf16, #tpu.memory_space<hbm>>) target(%arg13 : memref<512x32xbf16, #tpu.memory_space<vmem>>) offsets(%arg11 : memref<512xi32, #tpu.memory_space<vmem>>) semaphore(%arg14 : memref<!tpu.dma_semaphore, #tpu.memory_space<semaphore_mem>>)
      %dma_start3A_201 = arith.constant 0 : i32
      %dma_start3A_202 = arith.constant 0 : i32
      %dma_start3A_203 = tpu.memref_slice %arg7[%dma_start3A_201, %dma_start3A_202] : memref<100048x32xbf16, #tpu.memory_space<vmem_shared>> -> memref<100048x32xbf16, #tpu.memory_space<vmem_shared>>
      tpu.enqueue_indirect_dma source(%arg10 : memref<512x32xbf16, #tpu.memory_space<vmem>>) target(%dma_start3A_203 : memref<100048x32xbf16, #tpu.memory_space<vmem_shared>>) offsets(%arg9 : memref<512xi32, #tpu.memory_space<vmem>>) semaphore(%arg15 : memref<!tpu.dma_semaphore, #tpu.memory_space<semaphore_mem>>) {add = true}
    }
    %scan3A_81 = arith.constant 49 : i32
    %dma_wait3A_82 = arith.constant 0 : i32
    %dma_wait3A_83 = arith.constant 0 : i32
    %dma_wait3A_84 = tpu.memref_slice %arg7[%dma_wait3A_82, %dma_wait3A_83] : memref<100048x32xbf16, #tpu.memory_space<vmem_shared>> -> memref<100048x32xbf16, #tpu.memory_space<vmem_shared>>
    tpu.wait_indirect_dma semaphore(%arg15 : memref<!tpu.dma_semaphore, #tpu.memory_space<semaphore_mem>>) src(%arg10 : memref<512x32xbf16, #tpu.memory_space<vmem>>) dst(%dma_wait3A_84 : memref<100048x32xbf16, #tpu.memory_space<vmem_shared>>)
    %dma_wait3A_85 = arith.constant 0 : i32
    %dma_wait3A_86 = arith.constant 0 : i32
    %dma_wait3A_87 = tpu.memref_slice %arg2[%dma_wait3A_85, %dma_wait3A_86] : memref<100000x32xbf16, #tpu.memory_space<hbm>> -> memref<100000x32xbf16, #tpu.memory_space<hbm>>
    tpu.wait_indirect_dma semaphore(%arg14 : memref<!tpu.dma_semaphore, #tpu.memory_space<semaphore_mem>>) src(%dma_wait3A_87 : memref<100000x32xbf16, #tpu.memory_space<hbm>>) dst(%arg13 : memref<512x32xbf16, #tpu.memory_space<vmem>>)
    %dma_start3A_88 = arith.constant 0 : i32
    %dma_start3A_89 = arith.constant 0 : i32
    %dma_start3A_90 = tpu.memref_slice %arg7[%dma_start3A_88, %dma_start3A_89] : memref<100048x32xbf16, #tpu.memory_space<vmem_shared>> -> memref<100048x32xbf16, #tpu.memory_space<vmem_shared>>
    tpu.enqueue_indirect_dma source(%arg13 : memref<512x32xbf16, #tpu.memory_space<vmem>>) target(%dma_start3A_90 : memref<100048x32xbf16, #tpu.memory_space<vmem_shared>>) offsets(%arg12 : memref<512xi32, #tpu.memory_space<vmem>>) semaphore(%arg15 : memref<!tpu.dma_semaphore, #tpu.memory_space<semaphore_mem>>) {add = true}
    %dma_wait3A_91 = arith.constant 0 : i32
    %dma_wait3A_92 = arith.constant 0 : i32
    %dma_wait3A_93 = tpu.memref_slice %arg7[%dma_wait3A_91, %dma_wait3A_92] : memref<100048x32xbf16, #tpu.memory_space<vmem_shared>> -> memref<100048x32xbf16, #tpu.memory_space<vmem_shared>>
    tpu.wait_indirect_dma semaphore(%arg15 : memref<!tpu.dma_semaphore, #tpu.memory_space<semaphore_mem>>) src(%arg13 : memref<512x32xbf16, #tpu.memory_space<vmem>>) dst(%dma_wait3A_93 : memref<100048x32xbf16, #tpu.memory_space<vmem_shared>>)
    %barrier3A_94 = arith.constant 0 : index
    tpu.barrier barrier_id(%barrier3A_94)
    %mul3A_95 = arith.constant 6256 : i32
    %mul3A_96 = arith.muli %arg1, %mul3A_95 : i32
    %lt3A_97 = arith.constant 15 : i32
    %lt3A_98 = arith.cmpi slt, %arg1, %lt3A_97 : i32
    %convert_element_type3A_99 = arith.extui %lt3A_98 : i1 to i32
    %cond3A_100 = arith.constant 0 : i32
    %cond3A_101 = arith.cmpi ne, %convert_element_type3A_99, %cond3A_100 : i32
    scf.if %cond3A_101 {
      "tpu.region"() ({
        %run_scoped3A = tpu.sem_alloc : memref<!tpu.dma_semaphore, #tpu.memory_space<semaphore_mem>>
        %dma_start3A_107 = arith.constant 0 : i32
        %dma_start3A_108 = arith.constant 0 : i32
        %dma_start3A_109 = tpu.memref_slice %arg6[%arg0, %dma_start3A_107, %dma_start3A_108] : memref<2x100000x32xbf16, #tpu.memory_space<hbm>> -> memref<1x100000x32xbf16, #tpu.memory_space<hbm>>
        %dma_start3A_110 = tpu.memref_squeeze %dma_start3A_109 : memref<1x100000x32xbf16, #tpu.memory_space<hbm>> -> memref<100000x32xbf16, #tpu.memory_space<hbm>>
        %dma_start3A_111 = arith.constant 0 : i32
        %dma_start3A_112 = tpu.memref_slice %dma_start3A_110[%mul3A_96, %dma_start3A_111] : memref<100000x32xbf16, #tpu.memory_space<hbm>> -> memref<6256x32xbf16, #tpu.memory_space<hbm>>
        %dma_start3A_113 = arith.constant 0 : i32
        %dma_start3A_114 = tpu.memref_slice %arg7[%mul3A_96, %dma_start3A_113] : memref<100048x32xbf16, #tpu.memory_space<vmem_shared>> -> memref<6256x32xbf16, #tpu.memory_space<vmem_shared>>
        tpu.enqueue_dma source(%dma_start3A_114 : memref<6256x32xbf16, #tpu.memory_space<vmem_shared>>) target(%dma_start3A_112 : memref<6256x32xbf16, #tpu.memory_space<hbm>>) target_semaphore(%run_scoped3A : memref<!tpu.dma_semaphore, #tpu.memory_space<semaphore_mem>>)
        %dma_wait3A_115 = arith.constant 0 : i32
        %dma_wait3A_116 = arith.constant 0 : i32
        %dma_wait3A_117 = tpu.memref_slice %arg6[%arg0, %dma_wait3A_115, %dma_wait3A_116] : memref<2x100000x32xbf16, #tpu.memory_space<hbm>> -> memref<1x100000x32xbf16, #tpu.memory_space<hbm>>
        %dma_wait3A_118 = tpu.memref_squeeze %dma_wait3A_117 : memref<1x100000x32xbf16, #tpu.memory_space<hbm>> -> memref<100000x32xbf16, #tpu.memory_space<hbm>>
        %dma_wait3A_119 = arith.constant 0 : i32
        %dma_wait3A_120 = tpu.memref_slice %dma_wait3A_118[%mul3A_96, %dma_wait3A_119] : memref<100000x32xbf16, #tpu.memory_space<hbm>> -> memref<6256x32xbf16, #tpu.memory_space<hbm>>
        %dma_wait3A_121 = arith.constant 0 : i32
        %dma_wait3A_122 = tpu.memref_slice %arg7[%mul3A_96, %dma_wait3A_121] : memref<100048x32xbf16, #tpu.memory_space<vmem_shared>> -> memref<6256x32xbf16, #tpu.memory_space<vmem_shared>>
        tpu.wait_dma2 semaphore(%run_scoped3A : memref<!tpu.dma_semaphore, #tpu.memory_space<semaphore_mem>>) src(%dma_wait3A_122 : memref<6256x32xbf16, #tpu.memory_space<vmem_shared>>) dst(%dma_wait3A_120 : memref<6256x32xbf16, #tpu.memory_space<hbm>>)
        tpu.yield
      }) : () -> ()
    } else {
    }
    %eq3A_102 = arith.constant 15 : i32
    %eq3A_103 = arith.cmpi eq, %arg1, %eq3A_102 : i32
    %convert_element_type3A_104 = arith.extui %eq3A_103 : i1 to i32
    %cond3A_105 = arith.constant 0 : i32
    %cond3A_106 = arith.cmpi ne, %convert_element_type3A_104, %cond3A_105 : i32
    scf.if %cond3A_106 {
      "tpu.region"() ({
        %run_scoped3A = tpu.sem_alloc : memref<!tpu.dma_semaphore, #tpu.memory_space<semaphore_mem>>
        %dma_start3A_107 = arith.constant 0 : i32
        %dma_start3A_108 = arith.constant 0 : i32
        %dma_start3A_109 = tpu.memref_slice %arg6[%arg0, %dma_start3A_107, %dma_start3A_108] : memref<2x100000x32xbf16, #tpu.memory_space<hbm>> -> memref<1x100000x32xbf16, #tpu.memory_space<hbm>>
        %dma_start3A_110 = tpu.memref_squeeze %dma_start3A_109 : memref<1x100000x32xbf16, #tpu.memory_space<hbm>> -> memref<100000x32xbf16, #tpu.memory_space<hbm>>
        %dma_start3A_111 = arith.constant 0 : i32
        %dma_start3A_112 = tpu.memref_slice %dma_start3A_110[%mul3A_96, %dma_start3A_111] : memref<100000x32xbf16, #tpu.memory_space<hbm>> -> memref<6160x32xbf16, #tpu.memory_space<hbm>>
        %dma_start3A_113 = arith.constant 0 : i32
        %dma_start3A_114 = tpu.memref_slice %arg7[%mul3A_96, %dma_start3A_113] : memref<100048x32xbf16, #tpu.memory_space<vmem_shared>> -> memref<6160x32xbf16, #tpu.memory_space<vmem_shared>>
        tpu.enqueue_dma source(%dma_start3A_114 : memref<6160x32xbf16, #tpu.memory_space<vmem_shared>>) target(%dma_start3A_112 : memref<6160x32xbf16, #tpu.memory_space<hbm>>) target_semaphore(%run_scoped3A : memref<!tpu.dma_semaphore, #tpu.memory_space<semaphore_mem>>)
        %dma_wait3A_115 = arith.constant 0 : i32
        %dma_wait3A_116 = arith.constant 0 : i32
        %dma_wait3A_117 = tpu.memref_slice %arg6[%arg0, %dma_wait3A_115, %dma_wait3A_116] : memref<2x100000x32xbf16, #tpu.memory_space<hbm>> -> memref<1x100000x32xbf16, #tpu.memory_space<hbm>>
        %dma_wait3A_118 = tpu.memref_squeeze %dma_wait3A_117 : memref<1x100000x32xbf16, #tpu.memory_space<hbm>> -> memref<100000x32xbf16, #tpu.memory_space<hbm>>
        %dma_wait3A_119 = arith.constant 0 : i32
        %dma_wait3A_120 = tpu.memref_slice %dma_wait3A_118[%mul3A_96, %dma_wait3A_119] : memref<100000x32xbf16, #tpu.memory_space<hbm>> -> memref<6160x32xbf16, #tpu.memory_space<hbm>>
        %dma_wait3A_121 = arith.constant 0 : i32
        %dma_wait3A_122 = tpu.memref_slice %arg7[%mul3A_96, %dma_wait3A_121] : memref<100048x32xbf16, #tpu.memory_space<vmem_shared>> -> memref<6160x32xbf16, #tpu.memory_space<vmem_shared>>
        tpu.wait_dma2 semaphore(%run_scoped3A : memref<!tpu.dma_semaphore, #tpu.memory_space<semaphore_mem>>) src(%dma_wait3A_122 : memref<6160x32xbf16, #tpu.memory_space<vmem_shared>>) dst(%dma_wait3A_120 : memref<6160x32xbf16, #tpu.memory_space<hbm>>)
        tpu.yield
      }) : () -> ()
    } else {
    }
    return
  }
}

module attributes {stable_mosaic.version = 14 : i64} {
  func.func @_mlp_res2_kernel(%arg0: i32, %arg1: memref<2000x32xbf16, #tpu.memory_space<vmem>>, %arg2: memref<2000x32xbf16, #tpu.memory_space<vmem>>, %arg3: memref<2000x32xf32, #tpu.memory_space<vmem>>, %arg4: memref<32x256xbf16, #tpu.memory_space<vmem>>, %arg5: memref<1x256xf32, #tpu.memory_space<vmem>>, %arg6: memref<256x32xbf16, #tpu.memory_space<vmem>>, %arg7: memref<1x32xf32, #tpu.memory_space<vmem>>, %arg8: memref<2000x32xf32, #tpu.memory_space<vmem>>) attributes {dimension_semantics = [#tpu.dimension_semantics<arbitrary>], iteration_bounds = array<i64: 50>, scalar_prefetch = 0 : i64, scratch_operands = 0 : i64, tpu.core_type = #tpu.core_type<tc>, window_params = [{transform_indices = @transform_0, window_bounds = array<i64: 2000, 32>}, {transform_indices = @transform_1, window_bounds = array<i64: 2000, 32>}, {transform_indices = @transform_2, window_bounds = array<i64: 2000, 32>}, {pipeline_mode = #tpu.pipeline_mode<synchronous>, transform_indices = @transform_3, window_bounds = array<i64: 32, 256>}, {pipeline_mode = #tpu.pipeline_mode<synchronous>, transform_indices = @transform_4, window_bounds = array<i64: 1, 256>}, {pipeline_mode = #tpu.pipeline_mode<synchronous>, transform_indices = @transform_5, window_bounds = array<i64: 256, 32>}, {pipeline_mode = #tpu.pipeline_mode<synchronous>, transform_indices = @transform_6, window_bounds = array<i64: 1, 32>}, {transform_indices = @transform_7, window_bounds = array<i64: 2000, 32>}]} {
    %get3A = arith.constant 0 : index
    %get3A_0 = arith.constant 0 : index
    %get3A_1 = vector.load %arg1[%get3A, %get3A_0] : memref<2000x32xbf16, #tpu.memory_space<vmem>>, vector<2000x32xbf16>
    %convert_element_type3A = arith.extf %get3A_1 : vector<2000x32xbf16> to vector<2000x32xf32>
    %get3A_2 = arith.constant 0 : index
    %get3A_3 = arith.constant 0 : index
    %get3A_4 = vector.load %arg2[%get3A_2, %get3A_3] : memref<2000x32xbf16, #tpu.memory_space<vmem>>, vector<2000x32xbf16>
    %convert_element_type3A_5 = arith.extf %get3A_4 : vector<2000x32xbf16> to vector<2000x32xf32>
    %add3A = arith.addf %convert_element_type3A, %convert_element_type3A_5 : vector<2000x32xf32>
    %convert_element_type3A_6 = arith.truncf %add3A : vector<2000x32xf32> to vector<2000x32xbf16>
    %get3A_7 = arith.constant 0 : index
    %get3A_8 = arith.constant 0 : index
    %get3A_9 = vector.load %arg4[%get3A_7, %get3A_8] : memref<32x256xbf16, #tpu.memory_space<vmem>>, vector<32x256xbf16>
    %dot_general3A = arith.constant dense<0.000000e+00> : vector<2000x256xf32>
    %dot_general3A_10 = tpu.matmul %convert_element_type3A_6, %get3A_9, %dot_general3A {dimension_numbers = #tpu.dot_dimension_numbers<[1], [0], [0], [1], [0, 0, 1, 1], [], []>, transpose_lhs_hint = false} : vector<2000x32xbf16>, vector<32x256xbf16>, vector<2000x256xf32> -> vector<2000x256xf32>
    %get3A_11 = arith.constant 0 : index
    %get3A_12 = arith.constant 0 : index
    %get3A_13 = vector.load %arg5[%get3A_11, %get3A_12] : memref<1x256xf32, #tpu.memory_space<vmem>>, vector<1x256xf32>
    %add3A_14 = vector.broadcast %get3A_13 : vector<1x256xf32> to vector<2000x256xf32>
    %add3A_15 = arith.addf %dot_general3A_10, %add3A_14 : vector<2000x256xf32>
    %max3A = arith.constant 0.000000e+00 : f32
    %max3A_16 = vector.broadcast %max3A : f32 to vector<2000x256xf32>
    %max3A_17 = arith.maximumf %add3A_15, %max3A_16 : vector<2000x256xf32>
    %convert_element_type3A_18 = arith.truncf %max3A_17 : vector<2000x256xf32> to vector<2000x256xbf16>
    %get3A_19 = arith.constant 0 : index
    %get3A_20 = arith.constant 0 : index
    %get3A_21 = vector.load %arg3[%get3A_19, %get3A_20] : memref<2000x32xf32, #tpu.memory_space<vmem>>, vector<2000x32xf32>
    %get3A_22 = arith.constant 0 : index
    %get3A_23 = arith.constant 0 : index
    %get3A_24 = vector.load %arg6[%get3A_22, %get3A_23] : memref<256x32xbf16, #tpu.memory_space<vmem>>, vector<256x32xbf16>
    %dot_general3A_25 = arith.constant dense<0.000000e+00> : vector<2000x32xf32>
    %dot_general3A_26 = tpu.matmul %convert_element_type3A_18, %get3A_24, %dot_general3A_25 {dimension_numbers = #tpu.dot_dimension_numbers<[1], [0], [0], [1], [0, 0, 1, 1], [], []>, transpose_lhs_hint = false} : vector<2000x256xbf16>, vector<256x32xbf16>, vector<2000x32xf32> -> vector<2000x32xf32>
    %add3A_27 = arith.addf %get3A_21, %dot_general3A_26 : vector<2000x32xf32>
    %get3A_28 = arith.constant 0 : index
    %get3A_29 = arith.constant 0 : index
    %get3A_30 = vector.load %arg7[%get3A_28, %get3A_29] : memref<1x32xf32, #tpu.memory_space<vmem>>, vector<1x32xf32>
    %add3A_31 = vector.broadcast %get3A_30 : vector<1x32xf32> to vector<2000x32xf32>
    %add3A_32 = arith.addf %add3A_27, %add3A_31 : vector<2000x32xf32>
    %swap3A = arith.constant 0 : index
    %swap3A_33 = arith.constant 0 : index
    %swap3A_34 = vector.load %arg8[%swap3A, %swap3A_33] : memref<2000x32xf32, #tpu.memory_space<vmem>>, vector<2000x32xf32>
    tpu.vector_store %arg8[%swap3A, %swap3A_33], %add3A_32 {strides = array<i32>} : memref<2000x32xf32, #tpu.memory_space<vmem>>, vector<2000x32xf32>,
    return
  }
  func.func @transform_0(%arg0: i32) -> (i32, i32) {
    %c0_i32 = arith.constant 0 : i32
    %c0_i32_0 = arith.constant 0 : i32
    return %arg0, %c0_i32 : i32, i32
  }
  func.func @transform_1(%arg0: i32) -> (i32, i32) {
    %c0_i32 = arith.constant 0 : i32
    %c0_i32_0 = arith.constant 0 : i32
    return %arg0, %c0_i32 : i32, i32
  }
  func.func @transform_2(%arg0: i32) -> (i32, i32) {
    %c0_i32 = arith.constant 0 : i32
    %c0_i32_0 = arith.constant 0 : i32
    return %arg0, %c0_i32 : i32, i32
  }
  func.func @transform_3(%arg0: i32) -> (i32, i32) {
    %c0_i32 = arith.constant 0 : i32
    %c0_i32_0 = arith.constant 0 : i32
    %c0_i32_1 = arith.constant 0 : i32
    return %c0_i32, %c0_i32_0 : i32, i32
  }
  func.func @transform_4(%arg0: i32) -> (i32, i32) {
    %c0_i32 = arith.constant 0 : i32
    %c0_i32_0 = arith.constant 0 : i32
    %c0_i32_1 = arith.constant 0 : i32
    return %c0_i32, %c0_i32_0 : i32, i32
  }
  func.func @transform_5(%arg0: i32) -> (i32, i32) {
    %c0_i32 = arith.constant 0 : i32
    %c0_i32_0 = arith.constant 0 : i32
    %c0_i32_1 = arith.constant 0 : i32
    return %c0_i32, %c0_i32_0 : i32, i32
  }
  func.func @transform_6(%arg0: i32) -> (i32, i32) {
    %c0_i32 = arith.constant 0 : i32
    %c0_i32_0 = arith.constant 0 : i32
    %c0_i32_1 = arith.constant 0 : i32
    return %c0_i32, %c0_i32_0 : i32, i32
  }
  func.func @transform_7(%arg0: i32) -> (i32, i32) {
    %c0_i32 = arith.constant 0 : i32
    %c0_i32_0 = arith.constant 0 : i32
    return %arg0, %c0_i32 : i32, i32
  }
}

</mosaic_0001>

<sc_bundles>
// kernel: kernel.10.cloned.1.call-start
scs
__scs_entry_jumppad:
0x0: {  	(pc) =	sbr.rel $0x88, $3  }
0x1: {  	(tag) =	ssettag $0x0;
	lr =	simm.s32 $0x1  }
0x2: {  	[smem:$0x3F7E] =	sst lr;
	_ =	strace $0xD0000000  }
0x3: {  	_ = 	snop  }
0x4: {  	_ = 	snop  }
0x5: {  	_ = 	snop  }
0x6: {  	_ = 	snop  }
0x7: {  	_ = 	snop  }
__scs_overlays_trampoline_lowered:
0x8: {  	[smem:$0x3F8D] =	sst s0  }
0x9: {  	[smem:$0x3F8E] =	sst s1  }
0xa: {  	[smem:$0x3F8F] =	sst s2  }
0xb: {  	[smem:$0x3F90] =	sst s3  }
0xc: {  	[smem:$0x3F91] =	sst s4  }
0xd: {  	[smem:$0x3F92] =	sst s5  }
0xe: {  	[smem:$0x3F93] =	sst s6  }
0xf: {  	[smem:$0x3F94] =	sst s7  }
0x10: {  	[smem:$0x3F95] =	sst s8  }
0x11: {  	[smem:$0x3F96] =	sst s9;
	s0 =	simm.s32 @!p0 $0x0  }
0x12: {  	s1 =	sld [smem:$0x3F7C];
	s0 =	simm.s32 @p0 $0x1  }
0x13: {  	[smem:$0x3F97] =	sst s0;
	s0 =	simm.s32 @!p1 $0x0  }
0x14: {  	s2 =	sld [smem:$0x3F7B];
	s0 =	simm.s32 @p1 $0x1  }
0x15: {  	[smem:$0x3F98] =	sst s0;
	s0 =	simm.s32 @!p2 $0x0  }
0x16: {  	s3 =	sld [smem:$0x3FDB];
	s0 =	simm.s32 @p2 $0x1  }
0x17: {  	s4 =	simm.s32 $0x1BF5;
	[smem:$0x3F9A] =	sst s0  }
0x18: {  	s0 =	sld [smem:$0x3F7D];
	_ =	swait.ge [sflag:s4], $0x0  }
0x19: {  	s7 =	sld [smem:$0x3F7E]  }
0x1a: {  	s8 =	sadd.s32 $0xFFFFE003, lr  }
0x1b: {  	s9 =	sadd.s32 $0xFFFFFEF7, lr;
	s5 =	simm.s32 $0xFFFFFFFF;
	p2 =	slt.u32 s8, $0xFFFFF086  }
0x1c: {  	p1 =	slt.u32 s9, $0xF7A;
	s5 =	simm.s32 @!p2 $0x0  }
0x1d: {  	s5 =	simm.s32 @p1 $0x1;
	p0 =	seq.s32 s7, s2  }
0x1e: {  	s7 =	smul.u32 @!p0 $0xF7A, s2;
	p2 =	seq.s32 @!p0 s5, $0x0  }
0x1f: {  	s9 =	smul.u32 $0xF7A, s1;
	s8 =	simm.s32 @!p0 $0x1BF5;
	p2 =	por !p2, p0  }
0x20: {  	[sflag:s8] =	ssyncset.s32 @!p0 $0xFFFFF086;
	s6 =	sadd.s32 @!p0 s3, s7;
	s7 =	simm.s32 @!p0 $0x108  }
0x21: {  	s3 =	sadd.s32 s3, s9;
	s6 =	sadd.s32 @!p0 $0x88, s6;
	s7 =	simm.s32 @p2 $0x1082  }
0x22: {  	[simem:s7], [sflag:s8] =	dma.local @!p0 [hbm:s6], $0xF7A  }
0x23: {  	s9 =	sor.u32 $0xD0000000, s2;
	s6 =	simm.s32 $0x108;
	_ =	swait.ge @!p0 [sflag:s8], $0x0  }
0x24: {  	s3 =	sadd.s32 $0x88, s3;
	s6 =	simm.s32 @!p1 $0x1082;
	[sflag:s4] =	ssyncset.s32 $0xFFFFF086  }
0x25: {  	[simem:s6], [sflag:s4] =	dma.local [hbm:s3], $0xF7A  }
0x26: {  	[smem:$0x3F7E] =	sst s1;
	(tag) =	ssettag s2;
	_ =	strace s9  }
0x27: {  	s1 =	sld [smem:$0x3F8E]  }
0x28: {  	s2 =	sld [smem:$0x3F8F]  }
0x29: {  	s4 =	sld [smem:$0x3F91]  }
0x2a: {  	p0 =	seq.s32 s5, $0x0;
	s5 =	sld [smem:$0x3F92]  }
0x2b: {  	s6 =	sld [smem:$0x3F93]  }
0x2c: {  	s7 =	sld [smem:$0x3F94]  }
0x2d: {  	s3 =	simm.s32 $0x108;
	s8 =	sld [smem:$0x3F95]  }
0x2e: {  	s3 =	simm.s32 @!p0 $0x1082;
	s9 =	sld [smem:$0x3F96]  }
0x2f: {  	lr =	sadd.s32 s0, s3;
	s0 =	sld [smem:$0x3F8D]  }
0x30: {  	s3 =	sld [smem:$0x3F90]  }
0x31: {  	[smem:$0x3F99] =	sst s10  }
0x32: {  	s10 =	sld [smem:$0x3F97];
	_ =	sdelay $0x3  }
0x33: {  	p0 =	seq.s32 s10, $0x1;
	s10 =	sld [smem:$0x3F99];
	_ =	sdelay $0x3  }
0x34: {  	[smem:$0x3F99] =	sst s10  }
0x35: {  	s10 =	sld [smem:$0x3F98];
	_ =	sdelay $0x3  }
0x36: {  	p1 =	seq.s32 s10, $0x1;
	s10 =	sld [smem:$0x3F99];
	_ =	sdelay $0x3  }
0x37: {  	[smem:$0x3F99] =	sst s10  }
0x38: {  	s10 =	sld [smem:$0x3F9A]  }
0x39: {  	_ = 	snop;
	(pc) =	sbr.ind lr, $3  }
0x3a: {  	_ = 	snop  }
0x3b: {  	_ = 	snop  }
0x3c: {  	p2 =	seq.s32 s10, $0x1;
	s10 =	sld [smem:$0x3F99]  }
0x3d: {  	_ =	shalt  }
0x3e: {  	_ =	shalt  }
0x3f: {  	_ =	shalt  }
0x40: {  	_ =	shalt  }
0x41: {  	_ =	shalt  }
0x42: {  	_ =	shalt  }
0x43: {  	_ =	shalt  }
0x44: {  	_ =	shalt  }
0x45: {  	_ =	shalt  }
0x46: {  	_ =	shalt  }
0x47: {  	_ =	shalt  }
0x48: {  	_ =	shalt  }
0x49: {  	_ =	shalt  }
0x4a: {  	_ =	shalt  }
0x4b: {  	_ =	shalt  }
0x4c: {  	_ =	shalt  }
0x4d: {  	_ =	shalt  }
0x4e: {  	_ =	shalt  }
0x4f: {  	_ =	shalt  }
0x50: {  	_ =	shalt  }
0x51: {  	_ =	shalt  }
0x52: {  	_ =	shalt  }
0x53: {  	_ =	shalt  }
0x54: {  	_ =	shalt  }
0x55: {  	_ =	shalt  }
0x56: {  	_ =	shalt  }
0x57: {  	_ =	shalt  }
0x58: {  	_ =	shalt  }
0x59: {  	_ =	shalt  }
0x5a: {  	_ =	shalt  }
0x5b: {  	_ =	shalt  }
0x5c: {  	_ =	shalt  }
0x5d: {  	_ =	shalt  }
0x5e: {  	_ =	shalt  }
0x5f: {  	_ =	shalt  }
0x60: {  	_ =	shalt  }
0x61: {  	_ =	shalt  }
0x62: {  	_ =	shalt  }
0x63: {  	_ =	shalt  }
0x64: {  	_ =	shalt  }
0x65: {  	_ =	shalt  }
0x66: {  	_ =	shalt  }
0x67: {  	_ =	shalt  }
0x68: {  	_ =	shalt  }
0x69: {  	_ =	shalt  }
0x6a: {  	_ =	shalt  }
0x6b: {  	_ =	shalt  }
0x6c: {  	_ =	shalt  }
0x6d: {  	_ =	shalt  }
0x6e: {  	_ =	shalt  }
0x6f: {  	_ =	shalt  }
0x70: {  	_ =	shalt  }
0x71: {  	_ =	shalt  }
0x72: {  	_ =	shalt  }
0x73: {  	_ =	shalt  }
0x74: {  	_ =	shalt  }
0x75: {  	_ =	shalt  }
0x76: {  	_ =	shalt  }
0x77: {  	_ =	shalt  }
0x78: {  	_ =	shalt  }
0x79: {  	_ =	shalt  }
0x7a: {  	_ =	shalt  }
0x7b: {  	_ =	shalt  }
0x7c: {  	_ =	shalt  }
0x7d: {  	_ =	shalt  }
0x7e: {  	_ =	shalt  }
0x7f: {  	_ =	shalt  }
0x80: {  	_ =	shalt  }
0x81: {  	_ =	shalt  }
0x82: {  	_ =	shalt  }
0x83: {  	_ =	shalt  }
0x84: {  	_ =	shalt  }
0x85: {  	_ =	shalt  }
0x86: {  	_ =	shalt  }
0x87: {  	_ =	shalt  }
.Lfunc_end0:
.L_simem_size_0:
called_computation_lowered:
.L_overlay_start_0:
0x88: {  	s2 =	sld [smem:$0x3FD9]  }
0x89: {  	s3 =	sld [smem:$0x3FFE];
	_ =	sdelay $0x1  }
0x8a: {  	s1 =	srdreg.scid  }
0x8b: {  	s0 =	sand.u32 $0x1, s1  }
0x8c: {  	s17 =	sshll.u32 s0, $0xA;
	s2 =	sadd.s32 s3, s2  }
0x8d: {  	s2 =	sadd.s32 s2, s17  }
0x8e: {  	[smem:$0x3FA5] =	sst s2  }
0x8f: {  	_ = 	snop  }
0x90: {  	(tm) =	ssettm $0x1  }
0x91: {  	s18 =	sld [smem:$0x3FFB];
	_ =	sdelay $0x3  }
0x92: {  	_ =	strace s18  }
0x93: {  	s2 =	sld [smem:$0x3FFC];
	_ =	sdelay $0x3  }
0x94: {  	_ =	strace s2  }
0x95: {  	s2 =	sld [smem:$0x3FFD];
	_ =	sdelay $0x3  }
0x96: {  	_ =	strace s2  }
0x97: {  	_ =	strace $0x8FFFFFFF  }
0x98: {  	s19 =	sld [smem:$0x3FDB];
	_ =	sdelay $0x1  }
0x99: {  	s20 =	simm.s32 $_scs_section_size  }
0x9a: {  	s4 =	simm.s32 $_size__tile_overlayer_lowered;
	s5 =	simm.s32 $_tile_overlayer_lowered  }
0x9b: {  	s6 =	simm.s32 $0x1BFF;
	s21 =	sshll.u32 s5, $0x1;
	s3 =	sadd.s32 s20, s19  }
0x9c: {  	s22 =	simm.s32 $0x0;
	s4 =	sshll.u32 s4, $0x1;
	s5 =	sadd.s32 s21, s3  }
0x9d: {  	[timem:s22], [sflag:s6] =	dma.local [hbm:s5], s4  }
0x9e: {  	_ =	swait.ge [sflag:s6], s4  }
0x9f: {  	s4 =	ssub.s32 $0x0, s4;
	[sflag:s6] =	ssyncset.done $0x0  }
0xa0: {  	[sflag:s6] =	ssyncadd.s32 s4;
	_ =	sdelay $0x1  }
0xa1: {  	s23 =	simm.s32 $0x1B8B  }
0xa2: {  	_ =	swait.ge [sflag:s23], $0x1  }
0xa3: {  	[sflag:s23] =	ssyncset.done $0x0  }
0xa4: {  	[sflag:s23] =	ssyncadd.s32 $0xFFFFFFFF  }
0xa5: {  	s4 =	sld [smem:$0x0]  }
0xa6: {  	s5 =	sand.u32 $0xFFFFFFFE, s1  }
0xa7: {  	p0 =	sne.s32 s1, s5  }
0xa8: {  	s5 =	sshll.u32 @p0 s5, $0xE  }
0xa9: {  	s5 =	sadd.s32 @p0 $0x11B8D, s5;
	s6 =	sshll.u32 @p0 s4, $0x11  }
0xaa: {  	s5 =	sor.u32 @p0 s6, s5  }
0xab: {  	[sflag:s5] =	ssyncadd.remote.s32 @p0 $0x1;
	_ =	sdelay $0x1  }
0xac: {  	s5 =	simm.s32 @p0 $0x1B8D  }
0xad: {  	_ =	swait.eq @p0 [sflag:s5], $0x1  }
0xae: {  	[sflag:s5] =	ssyncadd.s32 @p0 $0xFFFFFFFF  }
0xaf: {  	s6 =	sshll.u32 @!p0 s1, $0xE  }
0xb0: {  	s6 =	sor.u32 @!p0 $0x4000, s6;
	s5 =	simm.s32 @!p0 $0x1B8D  }
0xb1: {  	s4 =	sshll.u32 @!p0 s4, $0x11;
	s6 =	sadd.s32 @!p0 $0x11B8D, s6;
	_ =	swait.eq @!p0 [sflag:s5], $0x1  }
0xb2: {  	s4 =	sor.u32 @!p0 s4, s6;
	[sflag:s5] =	ssyncadd.s32 @!p0 $0xFFFFFFFF  }
0xb3: {  	s25 =	simm.s32 $0x1B8E;
	s24 =	sld [smem:$0x3FFE];
	[sflag:s4] =	ssyncadd.remote.s32 @!p0 $0x1  }
0xb4: {  	s26 =	simm.s32 $execute0_lowered;
	[smem:$0x3FD2] =	sst s25  }
0xb5: {  	s5 =	sshll.u32 s26, $0x1;
	_ =	strace $0x80000049;
	[dreg:$0x1] =	wrdreg $0xFFFFFFFF  }
0xb6: {  	s28 =	simm.s32 $_size_execute0_lowered;
	s3 =	sadd.s32 s3, s5;
	[dreg:$0x0] =	wrdreg $0x0  }
0xb7: {  	s5 =	sshll.u32 s28, $0x1;
	[dreg:$0x2] =	wrdreg s3  }
0xb8: {  	[dreg:$0x3] =	wrdreg s5  }
0xb9: {  	[dreg:$0x4] =	wrdreg $0xC0  }
0xba: {  	_ =	task [dreg:s22], $0x5FFFF  }
0xbb: {  	[dreg:$0x1] =	wrdreg $0xFFFFFFFF  }
0xbc: {  	[dreg:$0x0] =	wrdreg $0x60  }
0xbd: {  	[dreg:$0x2] =	wrdreg s24  }
0xbe: {  	[dreg:$0x3] =	wrdreg $0x0  }
0xbf: {  	[dreg:$0x4] =	wrdreg $0x9  }
0xc0: {  	_ =	task.clear_ibuf [dreg:s22], $0x5FFFF;
	_ =	strace $0x90000049  }
0xc1: {  	s29 =	simm.s32 $0x9;
	_ =	strace $0x8000004B  }
0xc2: {  	_ =	swait.ge [sflag:s29], $0x1  }
0xc3: {  	[sflag:s29] =	ssyncadd.s32 $0xFFFFFFFF  }
0xc4: {  	_ =	strace $0x9000004B  }
0xc5: {  	_ =	sfence  }
0xc6: {  	s30 =	sld [smem:$0x0];
	_ =	sdelay $0x2  }
0xc7: {  	s31 =	sshll.u32 s1, $0xD;
	s1 =	sshrl.u32 s1, $0x2  }
0xc8: {  	s4 =	sand.u32 $0x4000, s31;
	s1 =	sadd.s32 s1, s30  }
0xc9: {  	s0 =	sor.u32 s4, s0;
	s1 =	sshll.u32 s1, $0x11  }
0xca: {  	s0 =	sor.u32 s1, s0  }
0xcb: {  	s0 =	sadd.s32 $0x8F2B, s0  }
0xcc: {  	[sflag:s0] =	ssyncadd.remote.s32 $0x1  }
0xcd: {  	_ =	sfence.sel $0xFFFF  }
0xce: {  	[dreg:$0x0] =	wrdreg $0xFFFFFFFF;
	(pc) =	sbr.abs _section_cstart, $3  }
0xcf: {  	[dreg:$0x1] =	wrdreg $0xFFFFFFFF  }
0xd0: {  	_ =	task.clear_ibuf [dreg:s22], $0x2FFFF;
	_ =	strace $0x9FFFFFFF  }
0xd1: {  	(tm) =	ssettm $0x7FFFFFFF  }
tec
execute0_lowered:
.L_overlay_start_1:
0x0: {  	(tag) =	ssettag $0x1  }
0x1: {  	s0 =	rddreg [dreg:$0x0]  }
0x2: {  	s1 =	rddreg [dreg:$0x1];
	s2 =	simm.s32 $0x0;
	s4 =	srdreg.scid  }
0x3: {  	s13 =	stileid.u32;
	[smem:$0x7FF] =	sst s2;
	s3 =	sadd.s32 $0xFC600, s0  }
0x4: {  	s5 =	sadd.s32 $0x68A00, s0;
	s4 =	sand.u32 $0x1, s4;
	s9 =	smul.u32 $0x30E00, s13  }
0x5: {  	s7 =	sadd.s32 $0x5800, s0;
	s8 =	sadd.s32 $0x37800, s0;
	s11 =	smul.u32 $0x61C00, s13  }
0x6: {  	s24 =	smul.u32 $0x64, s13;
	p0 =	seq.s32 s13, $0xF;
	s31 =	sadd.s32 $0x186900, s1  }
0x7: {  	_ =	strace $0x8000004A;
	s6 =	smul.u32 $0x30D40, s4;
	[dreg:$0x3] =	wrdreg s8  }
0x8: {  	s20 =	ssub.s32 $0x2, s4;
	s12 =	sshll.u32 s4, $0x4;
	s4 =	smul.u32 $0x640, s4  }
0x9: {  	s10 =	sshrl.u32 s20, $0x1;
	s21 =	sor.u32 s13, s12;
	s11 =	sshrl.u32 s11, $0x2  }
0xa: {  	s22 =	sshrl.u32 s9, $0x1;
	s8 =	ssub.s32 s20, s10;
	s10 =	sadd.s32 s11, s1  }
0xb: {  	s13 =	simm.s32 $0x1AED0;
	s0 =	sadd.s32 s6, s0;
	s11 =	sadd.s32 $0x2000, s10  }
0xc: {  	s12 =	smul.u32 $0x1900, s21;
	s23 =	sadd.s32 $0x4000, s10;
	[dreg:$0x4] =	wrdreg s11  }
0xd: {  	s6 =	sadd.s32 s22, s1;
	s14 =	sadd.s32 $0x6000, s10;
	[dreg:$0x5] =	wrdreg s23  }
0xe: {  	s4 =	sadd.s32 s24, s4;
	s25 =	sadd.s32 $0x8000, s10;
	[dreg:$0x6] =	wrdreg s14  }
0xf: {  	s26 =	sadd.s32 $0xA000, s10;
	s15 =	sadd.s32 $0xC000, s10;
	[dreg:$0x7] =	wrdreg s25  }
0x10: {  	s4 =	sshll.u32 s4, $0x6;
	s21 =	sadd.s32 $0x12000, s10;
	[dreg:$0x8] =	wrdreg s26  }
0x11: {  	s22 =	sadd.s32 $0x14000, s10;
	s24 =	sadd.s32 $0x18000, s10;
	[dreg:$0x9] =	wrdreg s15  }
0x12: {  	s16 =	sadd.s32 s5, s12;
	s17 =	sadd.s32 s7, s12;
	s18 =	sor.u32 $0x40, s12  }
0x13: {  	s19 =	sor.u32 $0x80, s4;
	s20 =	sadd.s32 s4, s5;
	s4 =	sadd.s32 s4, s7  }
0x14: {  	s25 =	sadd.s32 $0xE000, s10;
	s26 =	sadd.s32 $0x10000, s10;
	s23 =	sadd.s32 $0x16000, s10  }
0x15: {  	s10 =	simm.s32 $0x1ACD0;
	s14 =	simm.s32 $0x2;
	[dreg:$0xa] =	wrdreg s16  }
0x16: {  	s15 =	simm.s32 $0x0;
	[dreg:$0xb] =	wrdreg s17;
	s12 =	sadd.s32 s5, s18  }
0x17: {  	s11 =	sadd.s32 s7, s18;
	s17 =	sadd.s32 s19, s5;
	[dreg:$0xe] =	wrdreg s25  }
0x18: {  	s18 =	sadd.s32 s19, s7;
	[dreg:$0xf] =	wrdreg s26;
	s25 =	sadd.s32 $0x12D400, s0  }
0x19: {  	s0 =	sshrl.u32 s9, $0x4;
	s26 =	smax.u32 s8, $0x1;
	s28 =	sadd.s32 $0xC0, s20  }
0x1a: {  	s29 =	sadd.s32 $0xC0, s4;
	s4 =	simm.s32 $0x4;
	s5 =	simm.s32 $0x186D0  }
0x1b: {  	s7 =	simm.s32 $0x188D0;
	s8 =	simm.s32 $0x200;
	[dreg:$0xc] =	wrdreg s12  }
0x1c: {  	s9 =	simm.s32 $0x1AAD0;
	[dreg:$0xd] =	wrdreg s11;
	s30 =	sadd.s32 @!p0 s0, s25  }
0x1d: {  	s0 =	simm.s32 $0x18AD0;
	s11 =	simm.s32 $0x1;
	s12 =	simm.s32 $0x3  }
.LBB2_1:
0x1e: {  	s16 =	rddreg [dreg:$0x3]  }
0x1f: {  	[tilespmem:s0], [sflag:$0x4] =	stream.linear.gather [hbm4b:s16+s2], $0x2000, $0x38;
	[tilespmem:$0x1CED0] =	vst v63  }
0x20: {  	_ =	swait.ge [sflag:s4], $0x2000  }
0x21: {  	[sflag:s4] =	ssyncset.done $0x0  }
0x22: {  	[sflag:s4] =	ssyncadd.s32 $0xFFFFE000  }
0x23: {  	[spmem:s6] =	stream.linear.scatter [tilespmem:s0], [sflag:$0x4], $0x2000, $0x38;
	[tilespmem:$0x1CED0] =	vst v63  }
0x24: {  	_ =	swait.ge [sflag:s4], $0x2000  }
0x25: {  	[sflag:s4] =	ssyncset.done $0x0  }
0x26: {  	s19 =	rddreg [dreg:$0x4];
	[sflag:s4] =	ssyncadd.s32 $0xFFFFE000  }
0x27: {  	[spmem:s19] =	stream.linear.scatter [tilespmem:s0], [sflag:$0x4], $0x2000, $0x38;
	[tilespmem:$0x1CED0] =	vst v63  }
0x28: {  	_ =	swait.ge [sflag:s4], $0x2000  }
0x29: {  	[sflag:s4] =	ssyncset.done $0x0  }
0x2a: {  	s20 =	rddreg [dreg:$0x5];
	[sflag:s4] =	ssyncadd.s32 $0xFFFFE000  }
0x2b: {  	[spmem:s20] =	stream.linear.scatter [tilespmem:s0], [sflag:$0x4], $0x2000, $0x38;
	[tilespmem:$0x1CED0] =	vst v63  }
0x2c: {  	_ =	swait.ge [sflag:s4], $0x2000  }
0x2d: {  	[sflag:s4] =	ssyncset.done $0x0  }
0x2e: {  	s19 =	rddreg [dreg:$0x6];
	[sflag:s4] =	ssyncadd.s32 $0xFFFFE000  }
0x2f: {  	[spmem:s19] =	stream.linear.scatter [tilespmem:s0], [sflag:$0x4], $0x2000, $0x38;
	[tilespmem:$0x1CED0] =	vst v63  }
0x30: {  	_ =	swait.ge [sflag:s4], $0x2000  }
0x31: {  	[sflag:s4] =	ssyncset.done $0x0  }
0x32: {  	s20 =	rddreg [dreg:$0x7];
	[sflag:s4] =	ssyncadd.s32 $0xFFFFE000  }
0x33: {  	[spmem:s20] =	stream.linear.scatter [tilespmem:s0], [sflag:$0x4], $0x2000, $0x38;
	[tilespmem:$0x1CED0] =	vst v63  }
0x34: {  	_ =	swait.ge [sflag:s4], $0x2000  }
0x35: {  	[sflag:s4] =	ssyncset.done $0x0  }
0x36: {  	s19 =	rddreg [dreg:$0x8];
	[sflag:s4] =	ssyncadd.s32 $0xFFFFE000  }
0x37: {  	[spmem:s19] =	stream.linear.scatter [tilespmem:s0], [sflag:$0x4], $0x2000, $0x38;
	[tilespmem:$0x1CED0] =	vst v63  }
0x38: {  	_ =	swait.ge [sflag:s4], $0x2000  }
0x39: {  	[sflag:s4] =	ssyncset.done $0x0  }
0x3a: {  	s20 =	rddreg [dreg:$0x9];
	[sflag:s4] =	ssyncadd.s32 $0xFFFFE000  }
0x3b: {  	[spmem:s20] =	stream.linear.scatter [tilespmem:s0], [sflag:$0x4], $0x2000, $0x38;
	[tilespmem:$0x1CED0] =	vst v63  }
0x3c: {  	_ =	swait.ge [sflag:s4], $0x2000  }
0x3d: {  	[sflag:s4] =	ssyncset.done $0x0  }
0x3e: {  	s19 =	rddreg [dreg:$0xe];
	[sflag:s4] =	ssyncadd.s32 $0xFFFFE000  }
0x3f: {  	[spmem:s19] =	stream.linear.scatter [tilespmem:s0], [sflag:$0x4], $0x2000, $0x38;
	[tilespmem:$0x1CED0] =	vst v63  }
0x40: {  	_ =	swait.ge [sflag:s4], $0x2000  }
0x41: {  	[sflag:s4] =	ssyncset.done $0x0  }
0x42: {  	s20 =	rddreg [dreg:$0xf];
	[sflag:s4] =	ssyncadd.s32 $0xFFFFE000  }
0x43: {  	[spmem:s20] =	stream.linear.scatter [tilespmem:s0], [sflag:$0x4], $0x2000, $0x38;
	[tilespmem:$0x1CED0] =	vst v63  }
0x44: {  	_ =	swait.ge [sflag:s4], $0x2000  }
0x45: {  	[sflag:s4] =	ssyncset.done $0x0  }
0x46: {  	[sflag:s4] =	ssyncadd.s32 $0xFFFFE000  }
0x47: {  	[spmem:s21] =	stream.linear.scatter [tilespmem:s0], [sflag:$0x4], $0x2000, $0x38;
	[tilespmem:$0x1CED0] =	vst v63  }
0x48: {  	_ =	swait.ge [sflag:s4], $0x2000  }
0x49: {  	[sflag:s4] =	ssyncset.done $0x0  }
0x4a: {  	[sflag:s4] =	ssyncadd.s32 $0xFFFFE000  }
0x4b: {  	[spmem:s22] =	stream.linear.scatter [tilespmem:s0], [sflag:$0x4], $0x2000, $0x38;
	[tilespmem:$0x1CED0] =	vst v63  }
0x4c: {  	_ =	swait.ge [sflag:s4], $0x2000  }
0x4d: {  	[sflag:s4] =	ssyncset.done $0x0  }
0x4e: {  	[sflag:s4] =	ssyncadd.s32 $0xFFFFE000  }
0x4f: {  	[spmem:s23] =	stream.linear.scatter [tilespmem:s0], [sflag:$0x4], $0x2000, $0x38;
	[tilespmem:$0x1CED0] =	vst v63  }
0x50: {  	_ =	swait.ge [sflag:s4], $0x2000  }
0x51: {  	[sflag:s4] =	ssyncset.done $0x0  }
0x52: {  	s16 =	simm.s32 @p0 $0x18AD0;
	[sflag:s4] =	ssyncadd.s32 $0xFFFFE000  }
0x53: {  	[spmem:s31] =	stream.linear.scatter @p0 [tilespmem:s16], [sflag:$0x4], $0x400, $0x38;
	[tilespmem:$0x1CED0] =	vst v63  }
0x54: {  	s16 =	simm.s32 @p0 $0x4  }
0x55: {  	_ =	swait.ge @p0 [sflag:s16], $0x400  }
0x56: {  	[sflag:s16] =	ssyncset.done @p0 $0x0  }
0x57: {  	[sflag:s16] =	ssyncadd.s32 @p0 $0xFFFFFC00;
	s16 =	simm.s32 @!p0 $0x18AD0  }
0x58: {  	[spmem:s24] =	stream.linear.scatter @!p0 [tilespmem:s16], [sflag:$0x4], $0x700, $0x38;
	[tilespmem:$0x1CED0] =	vst v63  }
0x59: {  	s16 =	simm.s32 @!p0 $0x4  }
0x5a: {  	_ =	swait.ge @!p0 [sflag:s16], $0x700  }
0x5b: {  	[sflag:s16] =	ssyncset.done @!p0 $0x0  }
0x5c: {  	[sflag:s16] =	ssyncadd.s32 @!p0 $0xFFFFF900  }
0x5d: {  	[bflag:$0x0] =	sbarrier.arrive $0xFFFF  }
0x5e: {  	s19 =	rddreg [dreg:$0xa]  }
0x5f: {  	[tilespmem:s5], [sflag:$0x4] =	stream.linear.gather [hbm4b:s19+s2], $0x200, $0x38;
	[tilespmem:$0x1CED0] =	vst v63  }
0x60: {  	_ =	swait.ge [sflag:s4], $0x200  }
0x61: {  	[sflag:s4] =	ssyncset.done $0x0  }
0x62: {  	s20 =	rddreg [dreg:$0xb];
	[sflag:s4] =	ssyncadd.s32 $0xFFFFFE00  }
0x63: {  	[tilespmem:s7], [sflag:$0x4] =	stream.linear.gather [hbm4b:s20+s2], $0x200, $0x38;
	[tilespmem:$0x1CED0] =	vst v63  }
0x64: {  	_ =	swait.ge [sflag:s4], $0x200  }
0x65: {  	[sflag:s4] =	ssyncset.done $0x0  }
0x66: {  	[sflag:s4] =	ssyncadd.s32 $0xFFFFFE00  }
0x67: {  	[tilespmem:s0], [sflag:$0x1] =	stream.indirect.gather [hbm4b:s3+s8], $0x10, s5, s8, $0xb8;
	[tilespmem:$0x1CED0] =	vst v63  }
0x68: {  	s19 =	rddreg [dreg:$0xc]  }
0x69: {  	[tilespmem:s9], [sflag:$0x3] =	stream.linear.gather [hbm4b:s19+s2], $0x200, $0x38;
	[tilespmem:$0x1CED0] =	vst v63  }
0x6a: {  	s20 =	rddreg [dreg:$0xd]  }
0x6b: {  	[tilespmem:s10], [sflag:$0x3] =	stream.linear.gather [hbm4b:s20+s2], $0x200, $0x38;
	[tilespmem:$0x1CED0] =	vst v63  }
0x6c: {  	_ =	swait.ge [sflag:s11], $0x2000  }
0x6d: {  	[sflag:s11] =	ssyncset.done $0x0  }
0x6e: {  	[sflag:s11] =	ssyncadd.s32 $0xFFFFE000  }
0x6f: {  	_ =	swait.ge [sflag:s12], $0x200  }
0x70: {  	[sflag:s12] =	ssyncset.done $0x0  }
0x71: {  	[sflag:s12] =	ssyncadd.s32 $0xFFFFFE00  }
0x72: {  	_ =	swait.ge [sflag:s12], $0x200  }
0x73: {  	[sflag:s12] =	ssyncset.done $0x0  }
0x74: {  	[sflag:s12] =	ssyncadd.s32 $0xFFFFFE00  }
0x75: {  	[tilespmem:s13], [sflag:$0x1] =	stream.indirect.gather [hbm4b:s3+s8], $0x10, s9, s8, $0xb8;
	[tilespmem:$0x1CED0] =	vst v63  }
0x76: {  	_ = 	snop  }
0x77: {  	[spmem:s1] =	stream.indirect.scatter.add.bf16 [tilespmem:s0], [sflag:$0x2], $0x10, s7, s8, $0xb8;
	[tilespmem:$0x1CED0] =	vst v63  }
0x78: {  	_ =	swait.ge [sflag:s14], $0x2000  }
0x79: {  	[sflag:s14] =	ssyncset.done $0x0  }
0x7a: {  	s19 =	sadd.s32 $0x0, s17;
	[sflag:s14] =	ssyncadd.s32 $0xFFFFE000  }
0x7b: {  	[tilespmem:s5], [sflag:$0x3] =	stream.linear.gather [hbm4b:s19+s2], $0x200, $0x38;
	[tilespmem:$0x1CED0] =	vst v63  }
0x7c: {  	s20 =	sadd.s32 $0x0, s18  }
0x7d: {  	[tilespmem:s7], [sflag:$0x3] =	stream.linear.gather [hbm4b:s20+s2], $0x200, $0x38;
	[tilespmem:$0x1CED0] =	vst v63  }
0x7e: {  	_ =	swait.ge [sflag:s11], $0x2000  }
0x7f: {  	[sflag:s11] =	ssyncset.done $0x0  }
0x80: {  	[sflag:s11] =	ssyncadd.s32 $0xFFFFE000  }
0x81: {  	_ =	swait.ge [sflag:s12], $0x200  }
0x82: {  	[sflag:s12] =	ssyncset.done $0x0  }
0x83: {  	[sflag:s12] =	ssyncadd.s32 $0xFFFFFE00  }
0x84: {  	_ =	swait.ge [sflag:s12], $0x200  }
0x85: {  	[sflag:s12] =	ssyncset.done $0x0  }
0x86: {  	[sflag:s12] =	ssyncadd.s32 $0xFFFFFE00  }
0x87: {  	[tilespmem:s0], [sflag:$0x1] =	stream.indirect.gather [hbm4b:s3+s8], $0x10, s5, s8, $0xb8;
	[tilespmem:$0x1CED0] =	vst v63  }
0x88: {  	_ = 	snop  }
0x89: {  	[spmem:s1] =	stream.indirect.scatter.add.bf16 [tilespmem:s13], [sflag:$0x2], $0x10, s10, s8, $0xb8;
	[tilespmem:$0x1CED0] =	vst v63  }
0x8a: {  	_ =	swait.ge [sflag:s14], $0x2000  }
0x8b: {  	[sflag:s14] =	ssyncset.done $0x0  }
0x8c: {  	s19 =	sadd.s32 $0x0, s28;
	[sflag:s14] =	ssyncadd.s32 $0xFFFFE000  }
0x8d: {  	[tilespmem:s9], [sflag:$0x3] =	stream.linear.gather [hbm4b:s19+s2], $0x200, $0x38;
	[tilespmem:$0x1CED0] =	vst v63  }
0x8e: {  	s20 =	sadd.s32 $0x0, s29  }
0x8f: {  	[tilespmem:s10], [sflag:$0x3] =	stream.linear.gather [hbm4b:s20+s2], $0x200, $0x38;
	[tilespmem:$0x1CED0] =	vst v63  }
0x90: {  	_ =	swait.ge [sflag:s11], $0x2000  }
0x91: {  	[sflag:s11] =	ssyncset.done $0x0  }
0x92: {  	[sflag:s11] =	ssyncadd.s32 $0xFFFFE000  }
0x93: {  	_ =	swait.ge [sflag:s12], $0x200  }
0x94: {  	[sflag:s12] =	ssyncset.done $0x0  }
0x95: {  	[sflag:s12] =	ssyncadd.s32 $0xFFFFFE00  }
0x96: {  	_ =	swait.ge [sflag:s12], $0x200  }
0x97: {  	[sflag:s12] =	ssyncset.done $0x0  }
0x98: {  	s16 =	simm.s32 $0x80;
	[sflag:s12] =	ssyncadd.s32 $0xFFFFFE00  }
0x99: {  	[tilespmem:s13], [sflag:$0x1] =	stream.indirect.gather [hbm4b:s3+s8], $0x10, s9, s8, $0xb8;
	[tilespmem:$0x1CED0] =	vst v63  }
.LBB2_2:
0x9a: {  	[spmem:s1] =	stream.indirect.scatter.add.bf16 [tilespmem:s0], [sflag:$0x2], $0x10, s7, s8, $0xb8;
	[tilespmem:$0x1CED0] =	vst v63  }
0x9b: {  	s19 =	smov.u32 s16  }
0x9c: {  	p1 =	sne.s32 s16, $0x1800;
	s16 =	sadd.s32 $0x80, s16;
	_ =	swait.ge [sflag:s14], $0x2000  }
0x9d: {  	[sflag:s14] =	ssyncset.done $0x0  }
0x9e: {  	s20 =	sadd.s32 s19, s17;
	[sflag:s14] =	ssyncadd.s32 $0xFFFFE000  }
0x9f: {  	[tilespmem:s5], [sflag:$0x3] =	stream.linear.gather [hbm4b:s20+s2], $0x200, $0x38;
	[tilespmem:$0x1CED0] =	vst v63  }
0xa0: {  	s20 =	sadd.s32 s19, s18  }
0xa1: {  	[tilespmem:s7], [sflag:$0x3] =	stream.linear.gather [hbm4b:s20+s2], $0x200, $0x38;
	[tilespmem:$0x1CED0] =	vst v63  }
0xa2: {  	_ =	swait.ge [sflag:s11], $0x2000  }
0xa3: {  	[sflag:s11] =	ssyncset.done $0x0  }
0xa4: {  	[sflag:s11] =	ssyncadd.s32 $0xFFFFE000  }
0xa5: {  	_ =	swait.ge [sflag:s12], $0x200  }
0xa6: {  	[sflag:s12] =	ssyncset.done $0x0  }
0xa7: {  	[sflag:s12] =	ssyncadd.s32 $0xFFFFFE00  }
0xa8: {  	_ =	swait.ge [sflag:s12], $0x200  }
0xa9: {  	[sflag:s12] =	ssyncset.done $0x0  }
0xaa: {  	[sflag:s12] =	ssyncadd.s32 $0xFFFFFE00  }
0xab: {  	[tilespmem:s0], [sflag:$0x1] =	stream.indirect.gather [hbm4b:s3+s8], $0x10, s5, s8, $0xb8;
	[tilespmem:$0x1CED0] =	vst v63  }
0xac: {  	_ = 	snop  }
0xad: {  	[spmem:s1] =	stream.indirect.scatter.add.bf16 [tilespmem:s13], [sflag:$0x2], $0x10, s10, s8, $0xb8;
	[tilespmem:$0x1CED0] =	vst v63  }
0xae: {  	_ =	swait.ge [sflag:s14], $0x2000  }
0xaf: {  	[sflag:s14] =	ssyncset.done $0x0  }
0xb0: {  	s20 =	sadd.s32 s19, s28;
	[sflag:s14] =	ssyncadd.s32 $0xFFFFE000  }
0xb1: {  	[tilespmem:s9], [sflag:$0x3] =	stream.linear.gather [hbm4b:s20+s2], $0x200, $0x38;
	[tilespmem:$0x1CED0] =	vst v63  }
0xb2: {  	s19 =	sadd.s32 s19, s29  }
0xb3: {  	[tilespmem:s10], [sflag:$0x3] =	stream.linear.gather [hbm4b:s19+s2], $0x200, $0x38;
	[tilespmem:$0x1CED0] =	vst v63  }
0xb4: {  	_ =	swait.ge [sflag:s11], $0x2000  }
0xb5: {  	[sflag:s11] =	ssyncset.done $0x0  }
0xb6: {  	[sflag:s11] =	ssyncadd.s32 $0xFFFFE000  }
0xb7: {  	_ =	swait.ge [sflag:s12], $0x200  }
0xb8: {  	[sflag:s12] =	ssyncset.done $0x0  }
.Ltmp0:
0xb9: {  	[sflag:s12] =	ssyncadd.s32 $0xFFFFFE00;
	(pc) =	sbr.rel @p1 .LBB2_2-.Ltmp0, $4  }
0xba: {  	_ =	swait.ge [sflag:s12], $0x200  }
0xbb: {  	[sflag:s12] =	ssyncset.done $0x0  }
0xbc: {  	[sflag:s12] =	ssyncadd.s32 $0xFFFFFE00  }
0xbd: {  	[tilespmem:s13], [sflag:$0x1] =	stream.indirect.gather [hbm4b:s3+s8], $0x10, s9, s8, $0xb8;
	[tilespmem:$0x1CED0] =	vst v63  }
0xbe: {  	[spmem:s1] =	stream.indirect.scatter.add.bf16 [tilespmem:s0], [sflag:$0x2], $0x10, s7, s8, $0xb8;
	[tilespmem:$0x1CED0] =	vst v63  }
0xbf: {  	_ =	swait.ge [sflag:s14], $0x2000  }
0xc0: {  	[sflag:s14] =	ssyncset.done $0x0  }
0xc1: {  	[sflag:s14] =	ssyncadd.s32 $0xFFFFE000  }
0xc2: {  	_ =	swait.ge [sflag:s11], $0x2000  }
0xc3: {  	[sflag:s11] =	ssyncset.done $0x0  }
0xc4: {  	[sflag:s11] =	ssyncadd.s32 $0xFFFFE000  }
0xc5: {  	[spmem:s1] =	stream.indirect.scatter.add.bf16 [tilespmem:s13], [sflag:$0x2], $0x10, s10, s8, $0xb8;
	[tilespmem:$0x1CED0] =	vst v63  }
0xc6: {  	_ =	swait.ge [sflag:s14], $0x2000  }
0xc7: {  	[sflag:s14] =	ssyncset.done $0x0  }
0xc8: {  	s16 =	sadd.s32 @p0 $0x2DD20, s25;
	[sflag:s14] =	ssyncadd.s32 $0xFFFFE000  }
0xc9: {  	s19 =	sshrl.u32 @p0 s6, $0x3;
	s20 =	simm.s32 @p0 $0x1FC4;
	[bflag:$0x0] =	sbarrier.arrive $0xFFFF  }
0xca: {  	[hbm:s16], [sflag:s20] =	dma.local @p0 [spmem:s19], $0x3020  }
0xcb: {  	s16 =	simm.s32 @p0 $0x4  }
0xcc: {  	s15 =	sadd.s32 $0x1, s15;
	s19 =	stileid.u32;
	_ =	swait.ge @p0 [sflag:s16], $0x3020  }
0xcd: {  	p1 =	sne.s32 s15, s26;
	s19 =	sshll.u32 @!p0 s19, $0x6;
	[sflag:s16] =	ssyncset.done @p0 $0x0  }
0xce: {  	[sflag:s16] =	ssyncadd.s32 @p0 $0xFFFFCFE0;
	s16 =	sor.u32 @!p0 $0x1C04, s19;
	s19 =	sshrl.u32 @!p0 s6, $0x3  }
0xcf: {  	[hbm:s30], [sflag:s16] =	dma.local @!p0 [spmem:s19], $0x30E0  }
.Ltmp1:
0xd0: {  	_ = 	snop;
	(pc) =	sbr.rel @p1 .LBB2_1-.Ltmp1, $4  }
0xd1: {  	s16 =	simm.s32 @!p0 $0x4  }
0xd2: {  	_ =	swait.ge @!p0 [sflag:s16], $0x30E0  }
0xd3: {  	[sflag:s16] =	ssyncset.done @!p0 $0x0  }
0xd4: {  	[sflag:s16] =	ssyncadd.s32 @!p0 $0xFFFFCF20  }
0xd5: {  	_ =	sfence.sel $0x180000  }
0xd6: {  	[bflag:$0x0] =	sbarrier.arrive $0xFFFF  }
0xd7: {  	_ =	strace $0x9000004A  }
0xd8: {  	s0 =	stileid.u32;
	[bflag:$0x2] =	sbarrier.arrive $0xFFFF  }
0xd9: {  	p0 =	sne.s32 s0, $0x0;
	s0 =	rddreg [dreg:$0x2]  }
0xda: {  	s0 =	sadd.s32 @!p0 $0x100000, s0  }
0xdb: {  	[sflag:s0] =	ssyncadd.tile.s32 @!p0 $0x1;
	_ =	shalt  }
.Lfunc_end2:
_tile_overlayer_lowered:
.L_overlay_start_2:
0xdc: {  	(tag) =	ssettag $0x2  }
0xdd: {  	s0 =	rddreg [dreg:$0x0];
	s2 =	stileid.u32  }
0xde: {  	s1 =	rddreg [dreg:$0x1];
	p0 =	sne.s32 s2, $0x0  }
0xdf: {  	s3 =	rddreg [dreg:$0x2];
	[bflag:$0x3] =	sbarrier.arrive $0xFFFF;
	s2 =	simm.s32 @!p0 $0x1C04  }
0xe0: {  	[timem:s3], [sflag:s2] =	dma.local @!p0 [hbm:s0], s1  }
0xe1: {  	s0 =	simm.s32 @!p0 $0x4  }
0xe2: {  	_ =	swait.ge @!p0 [sflag:s0], s1  }
0xe3: {  	s1 =	ssub.s32 @!p0 $0x0, s1;
	[sflag:s0] =	ssyncset.done @!p0 $0x0  }
0xe4: {  	[sflag:s0] =	ssyncadd.s32 @!p0 s1  }
0xe5: {  	[bflag:$0x3] =	sbarrier.arrive $0xFFFF  }
0xe6: {  	_ =	shalt  }

// kernel: kernel.13.cloned.1.call-start
scs
__scs_entry_jumppad:
0x0: {  	(pc) =	sbr.rel $0x88, $3  }
0x1: {  	(tag) =	ssettag $0x0;
	lr =	simm.s32 $0x1  }
0x2: {  	[smem:$0x3F7E] =	sst lr;
	_ =	strace $0xD0000000  }
0x3: {  	_ = 	snop  }
0x4: {  	_ = 	snop  }
0x5: {  	_ = 	snop  }
0x6: {  	_ = 	snop  }
0x7: {  	_ = 	snop  }
__scs_overlays_trampoline_lowered:
0x8: {  	[smem:$0x3F8D] =	sst s0  }
0x9: {  	[smem:$0x3F8E] =	sst s1  }
0xa: {  	[smem:$0x3F8F] =	sst s2  }
0xb: {  	[smem:$0x3F90] =	sst s3  }
0xc: {  	[smem:$0x3F91] =	sst s4  }
0xd: {  	[smem:$0x3F92] =	sst s5  }
0xe: {  	[smem:$0x3F93] =	sst s6  }
0xf: {  	[smem:$0x3F94] =	sst s7  }
0x10: {  	[smem:$0x3F95] =	sst s8  }
0x11: {  	[smem:$0x3F96] =	sst s9;
	s0 =	simm.s32 @!p0 $0x0  }
0x12: {  	s1 =	sld [smem:$0x3F7C];
	s0 =	simm.s32 @p0 $0x1  }
0x13: {  	[smem:$0x3F97] =	sst s0;
	s0 =	simm.s32 @!p1 $0x0  }
0x14: {  	s2 =	sld [smem:$0x3F7B];
	s0 =	simm.s32 @p1 $0x1  }
0x15: {  	[smem:$0x3F98] =	sst s0;
	s0 =	simm.s32 @!p2 $0x0  }
0x16: {  	s3 =	sld [smem:$0x3FDB];
	s0 =	simm.s32 @p2 $0x1  }
0x17: {  	s4 =	simm.s32 $0x1BF5;
	[smem:$0x3F9A] =	sst s0  }
0x18: {  	s0 =	sld [smem:$0x3F7D];
	_ =	swait.ge [sflag:s4], $0x0  }
0x19: {  	s7 =	sld [smem:$0x3F7E]  }
0x1a: {  	s8 =	sadd.s32 $0xFFFFE003, lr  }
0x1b: {  	s9 =	sadd.s32 $0xFFFFFEF7, lr;
	s5 =	simm.s32 $0xFFFFFFFF;
	p2 =	slt.u32 s8, $0xFFFFF086  }
0x1c: {  	p1 =	slt.u32 s9, $0xF7A;
	s5 =	simm.s32 @!p2 $0x0  }
0x1d: {  	s5 =	simm.s32 @p1 $0x1;
	p0 =	seq.s32 s7, s2  }
0x1e: {  	s7 =	smul.u32 @!p0 $0xF7A, s2;
	p2 =	seq.s32 @!p0 s5, $0x0  }
0x1f: {  	s9 =	smul.u32 $0xF7A, s1;
	s8 =	simm.s32 @!p0 $0x1BF5;
	p2 =	por !p2, p0  }
0x20: {  	[sflag:s8] =	ssyncset.s32 @!p0 $0xFFFFF086;
	s6 =	sadd.s32 @!p0 s3, s7;
	s7 =	simm.s32 @!p0 $0x108  }
0x21: {  	s3 =	sadd.s32 s3, s9;
	s6 =	sadd.s32 @!p0 $0x88, s6;
	s7 =	simm.s32 @p2 $0x1082  }
0x22: {  	[simem:s7], [sflag:s8] =	dma.local @!p0 [hbm:s6], $0xF7A  }
0x23: {  	s9 =	sor.u32 $0xD0000000, s2;
	s6 =	simm.s32 $0x108;
	_ =	swait.ge @!p0 [sflag:s8], $0x0  }
0x24: {  	s3 =	sadd.s32 $0x88, s3;
	s6 =	simm.s32 @!p1 $0x1082;
	[sflag:s4] =	ssyncset.s32 $0xFFFFF086  }
0x25: {  	[simem:s6], [sflag:s4] =	dma.local [hbm:s3], $0xF7A  }
0x26: {  	[smem:$0x3F7E] =	sst s1;
	(tag) =	ssettag s2;
	_ =	strace s9  }
0x27: {  	s1 =	sld [smem:$0x3F8E]  }
0x28: {  	s2 =	sld [smem:$0x3F8F]  }
0x29: {  	s4 =	sld [smem:$0x3F91]  }
0x2a: {  	p0 =	seq.s32 s5, $0x0;
	s5 =	sld [smem:$0x3F92]  }
0x2b: {  	s6 =	sld [smem:$0x3F93]  }
0x2c: {  	s7 =	sld [smem:$0x3F94]  }
0x2d: {  	s3 =	simm.s32 $0x108;
	s8 =	sld [smem:$0x3F95]  }
0x2e: {  	s3 =	simm.s32 @!p0 $0x1082;
	s9 =	sld [smem:$0x3F96]  }
0x2f: {  	lr =	sadd.s32 s0, s3;
	s0 =	sld [smem:$0x3F8D]  }
0x30: {  	s3 =	sld [smem:$0x3F90]  }
0x31: {  	[smem:$0x3F99] =	sst s10  }
0x32: {  	s10 =	sld [smem:$0x3F97];
	_ =	sdelay $0x3  }
0x33: {  	p0 =	seq.s32 s10, $0x1;
	s10 =	sld [smem:$0x3F99];
	_ =	sdelay $0x3  }
0x34: {  	[smem:$0x3F99] =	sst s10  }
0x35: {  	s10 =	sld [smem:$0x3F98];
	_ =	sdelay $0x3  }
0x36: {  	p1 =	seq.s32 s10, $0x1;
	s10 =	sld [smem:$0x3F99];
	_ =	sdelay $0x3  }
0x37: {  	[smem:$0x3F99] =	sst s10  }
0x38: {  	s10 =	sld [smem:$0x3F9A]  }
0x39: {  	_ = 	snop;
	(pc) =	sbr.ind lr, $3  }
0x3a: {  	_ = 	snop  }
0x3b: {  	_ = 	snop  }
0x3c: {  	p2 =	seq.s32 s10, $0x1;
	s10 =	sld [smem:$0x3F99]  }
0x3d: {  	_ =	shalt  }
0x3e: {  	_ =	shalt  }
0x3f: {  	_ =	shalt  }
0x40: {  	_ =	shalt  }
0x41: {  	_ =	shalt  }
0x42: {  	_ =	shalt  }
0x43: {  	_ =	shalt  }
0x44: {  	_ =	shalt  }
0x45: {  	_ =	shalt  }
0x46: {  	_ =	shalt  }
0x47: {  	_ =	shalt  }
0x48: {  	_ =	shalt  }
0x49: {  	_ =	shalt  }
0x4a: {  	_ =	shalt  }
0x4b: {  	_ =	shalt  }
0x4c: {  	_ =	shalt  }
0x4d: {  	_ =	shalt  }
0x4e: {  	_ =	shalt  }
0x4f: {  	_ =	shalt  }
0x50: {  	_ =	shalt  }
0x51: {  	_ =	shalt  }
0x52: {  	_ =	shalt  }
0x53: {  	_ =	shalt  }
0x54: {  	_ =	shalt  }
0x55: {  	_ =	shalt  }
0x56: {  	_ =	shalt  }
0x57: {  	_ =	shalt  }
0x58: {  	_ =	shalt  }
0x59: {  	_ =	shalt  }
0x5a: {  	_ =	shalt  }
0x5b: {  	_ =	shalt  }
0x5c: {  	_ =	shalt  }
0x5d: {  	_ =	shalt  }
0x5e: {  	_ =	shalt  }
0x5f: {  	_ =	shalt  }
0x60: {  	_ =	shalt  }
0x61: {  	_ =	shalt  }
0x62: {  	_ =	shalt  }
0x63: {  	_ =	shalt  }
0x64: {  	_ =	shalt  }
0x65: {  	_ =	shalt  }
0x66: {  	_ =	shalt  }
0x67: {  	_ =	shalt  }
0x68: {  	_ =	shalt  }
0x69: {  	_ =	shalt  }
0x6a: {  	_ =	shalt  }
0x6b: {  	_ =	shalt  }
0x6c: {  	_ =	shalt  }
0x6d: {  	_ =	shalt  }
0x6e: {  	_ =	shalt  }
0x6f: {  	_ =	shalt  }
0x70: {  	_ =	shalt  }
0x71: {  	_ =	shalt  }
0x72: {  	_ =	shalt  }
0x73: {  	_ =	shalt  }
0x74: {  	_ =	shalt  }
0x75: {  	_ =	shalt  }
0x76: {  	_ =	shalt  }
0x77: {  	_ =	shalt  }
0x78: {  	_ =	shalt  }
0x79: {  	_ =	shalt  }
0x7a: {  	_ =	shalt  }
0x7b: {  	_ =	shalt  }
0x7c: {  	_ =	shalt  }
0x7d: {  	_ =	shalt  }
0x7e: {  	_ =	shalt  }
0x7f: {  	_ =	shalt  }
0x80: {  	_ =	shalt  }
0x81: {  	_ =	shalt  }
0x82: {  	_ =	shalt  }
0x83: {  	_ =	shalt  }
0x84: {  	_ =	shalt  }
0x85: {  	_ =	shalt  }
0x86: {  	_ =	shalt  }
0x87: {  	_ =	shalt  }
.Lfunc_end0:
.L_simem_size_0:
called_computation.1_lowered:
.L_overlay_start_0:
0x88: {  	s2 =	sld [smem:$0x3FD9]  }
0x89: {  	s3 =	sld [smem:$0x3FFE];
	_ =	sdelay $0x1  }
0x8a: {  	s1 =	srdreg.scid  }
0x8b: {  	s0 =	sand.u32 $0x1, s1  }
0x8c: {  	s16 =	sshll.u32 s0, $0xA;
	s2 =	sadd.s32 s3, s2  }
0x8d: {  	s2 =	sadd.s32 s2, s16  }
0x8e: {  	[smem:$0x3FA5] =	sst s2  }
0x8f: {  	_ = 	snop  }
0x90: {  	(tm) =	ssettm $0x1  }
0x91: {  	s17 =	sld [smem:$0x3FFB];
	_ =	sdelay $0x3  }
0x92: {  	_ =	strace s17  }
0x93: {  	s2 =	sld [smem:$0x3FFC];
	_ =	sdelay $0x3  }
0x94: {  	_ =	strace s2  }
0x95: {  	s2 =	sld [smem:$0x3FFD];
	_ =	sdelay $0x3  }
0x96: {  	_ =	strace s2  }
0x97: {  	_ =	strace $0x8FFFFFFF  }
0x98: {  	s18 =	sld [smem:$0x3FDB];
	_ =	sdelay $0x1  }
0x99: {  	s19 =	simm.s32 $_scs_section_size  }
0x9a: {  	s4 =	simm.s32 $_size__tile_overlayer_lowered;
	s5 =	simm.s32 $_tile_overlayer_lowered  }
0x9b: {  	s22 =	simm.s32 $0x1BFF;
	s21 =	sshll.u32 s5, $0x1;
	s2 =	sadd.s32 s19, s18  }
0x9c: {  	s6 =	simm.s32 $0x0;
	s20 =	sshll.u32 s4, $0x1;
	s4 =	sadd.s32 s21, s2  }
0x9d: {  	[timem:s6], [sflag:s22] =	dma.local [hbm:s4], s20  }
0x9e: {  	_ =	swait.ge [sflag:s22], s20  }
0x9f: {  	s3 =	ssub.s32 $0x0, s20;
	[sflag:s22] =	ssyncset.done $0x0  }
0xa0: {  	[sflag:s22] =	ssyncadd.s32 s3;
	_ =	sdelay $0x1  }
0xa1: {  	s23 =	simm.s32 $0x1B8B  }
0xa2: {  	_ =	swait.ge [sflag:s23], $0x1  }
0xa3: {  	[sflag:s23] =	ssyncset.done $0x0  }
0xa4: {  	s25 =	simm.s32 $0x1B8E;
	s24 =	sld [smem:$0x3FFE];
	[sflag:s23] =	ssyncadd.s32 $0xFFFFFFFF  }
0xa5: {  	s26 =	simm.s32 $execute0_lowered;
	[smem:$0x3FD2] =	sst s25  }
0xa6: {  	s4 =	sshll.u32 s26, $0x1;
	_ =	strace $0x80000046;
	[dreg:$0x1] =	wrdreg $0xFFFFFFFF  }
0xa7: {  	s28 =	simm.s32 $_size_execute0_lowered;
	s2 =	sadd.s32 s2, s4;
	[dreg:$0x0] =	wrdreg $0x0  }
0xa8: {  	s4 =	sshll.u32 s28, $0x1;
	[dreg:$0x2] =	wrdreg s2  }
0xa9: {  	[dreg:$0x3] =	wrdreg s4  }
0xaa: {  	[dreg:$0x4] =	wrdreg $0xC0  }
0xab: {  	_ =	task [dreg:s6], $0x5FFFF  }
0xac: {  	[dreg:$0x1] =	wrdreg $0xFFFFFFFF  }
0xad: {  	[dreg:$0x0] =	wrdreg $0x60  }
0xae: {  	[dreg:$0x2] =	wrdreg s24  }
0xaf: {  	[dreg:$0x3] =	wrdreg $0x0  }
0xb0: {  	[dreg:$0x4] =	wrdreg $0xA  }
0xb1: {  	_ =	task.clear_ibuf [dreg:s6], $0x5FFFF;
	_ =	strace $0x90000046  }
0xb2: {  	s29 =	simm.s32 $0xA;
	_ =	strace $0x80000048  }
0xb3: {  	_ =	swait.ge [sflag:s29], $0x1  }
0xb4: {  	[sflag:s29] =	ssyncadd.s32 $0xFFFFFFFF  }
0xb5: {  	_ =	strace $0x90000048  }
0xb6: {  	_ =	sfence  }
0xb7: {  	s30 =	sld [smem:$0x0];
	_ =	sdelay $0x2  }
0xb8: {  	s31 =	sshll.u32 s1, $0xD;
	s1 =	sshrl.u32 s1, $0x2  }
0xb9: {  	s3 =	sand.u32 $0x4000, s31;
	s1 =	sadd.s32 s1, s30  }
0xba: {  	s0 =	sor.u32 s3, s0;
	s1 =	sshll.u32 s1, $0x11  }
0xbb: {  	s0 =	sor.u32 s1, s0  }
0xbc: {  	s0 =	sadd.s32 $0x8F2B, s0  }
0xbd: {  	[sflag:s0] =	ssyncadd.remote.s32 $0x1  }
0xbe: {  	_ =	sfence.sel $0xFFFF  }
0xbf: {  	[dreg:$0x0] =	wrdreg $0xFFFFFFFF;
	(pc) =	sbr.abs _section_cstart, $3  }
0xc0: {  	[dreg:$0x1] =	wrdreg $0xFFFFFFFF  }
0xc1: {  	_ =	task.clear_ibuf [dreg:s6], $0x2FFFF;
	_ =	strace $0x9FFFFFFF  }
0xc2: {  	(tm) =	ssettm $0x7FFFFFFF  }
0xc3: {  	_ =	shalt  }
tec
execute0_lowered:
.L_overlay_start_1:
0x0: {  	(tag) =	ssettag $0x1  }
0x1: {  	s0 =	rddreg [dreg:$0x0]  }
0x2: {  	s1 =	rddreg [dreg:$0x1];
	s2 =	simm.s32 $0x0;
	s4 =	srdreg.scid  }
0x3: {  	s13 =	stileid.u32;
	[smem:$0x7FF] =	sst s2;
	s3 =	sadd.s32 $0x37C00, s0  }
0x4: {  	s5 =	sadd.s32 $0x68A00, s0;
	s4 =	sand.u32 $0x1, s4;
	s9 =	smul.u32 $0x30E00, s13  }
0x5: {  	s7 =	sadd.s32 $0x5800, s0;
	s8 =	sadd.s32 $0x37800, s0;
	s11 =	smul.u32 $0x61C00, s13  }
0x6: {  	s24 =	smul.u32 $0x64, s13;
	p0 =	seq.s32 s13, $0xF;
	s31 =	sadd.s32 $0x186900, s1  }
0x7: {  	_ =	strace $0x80000047;
	s6 =	smul.u32 $0x30D40, s4;
	[dreg:$0x3] =	wrdreg s8  }
0x8: {  	s20 =	ssub.s32 $0x2, s4;
	s12 =	sshll.u32 s4, $0x4;
	s4 =	smul.u32 $0x640, s4  }
0x9: {  	s10 =	sshrl.u32 s20, $0x1;
	s21 =	sor.u32 s13, s12;
	s11 =	sshrl.u32 s11, $0x2  }
0xa: {  	s22 =	sshrl.u32 s9, $0x1;
	s8 =	ssub.s32 s20, s10;
	s10 =	sadd.s32 s11, s1  }
0xb: {  	s13 =	simm.s32 $0x1AED0;
	s0 =	sadd.s32 s6, s0;
	s11 =	sadd.s32 $0x2000, s10  }
0xc: {  	s12 =	smul.u32 $0x1900, s21;
	s23 =	sadd.s32 $0x4000, s10;
	[dreg:$0x4] =	wrdreg s11  }
0xd: {  	s6 =	sadd.s32 s22, s1;
	s14 =	sadd.s32 $0x6000, s10;
	[dreg:$0x5] =	wrdreg s23  }
0xe: {  	s4 =	sadd.s32 s24, s4;
	s25 =	sadd.s32 $0x8000, s10;
	[dreg:$0x6] =	wrdreg s14  }
0xf: {  	s26 =	sadd.s32 $0xA000, s10;
	s15 =	sadd.s32 $0xC000, s10;
	[dreg:$0x7] =	wrdreg s25  }
0x10: {  	s4 =	sshll.u32 s4, $0x6;
	s21 =	sadd.s32 $0x12000, s10;
	[dreg:$0x8] =	wrdreg s26  }
0x11: {  	s22 =	sadd.s32 $0x14000, s10;
	s24 =	sadd.s32 $0x18000, s10;
	[dreg:$0x9] =	wrdreg s15  }
0x12: {  	s16 =	sadd.s32 s5, s12;
	s17 =	sadd.s32 s7, s12;
	s18 =	sor.u32 $0x40, s12  }
0x13: {  	s19 =	sor.u32 $0x80, s4;
	s20 =	sadd.s32 s4, s5;
	s4 =	sadd.s32 s4, s7  }
0x14: {  	s25 =	sadd.s32 $0xE000, s10;
	s26 =	sadd.s32 $0x10000, s10;
	s23 =	sadd.s32 $0x16000, s10  }
0x15: {  	s10 =	simm.s32 $0x1ACD0;
	s14 =	simm.s32 $0x2;
	[dreg:$0xa] =	wrdreg s16  }
0x16: {  	s15 =	simm.s32 $0x0;
	[dreg:$0xb] =	wrdreg s17;
	s12 =	sadd.s32 s5, s18  }
0x17: {  	s11 =	sadd.s32 s7, s18;
	s17 =	sadd.s32 s19, s5;
	[dreg:$0xe] =	wrdreg s25  }
0x18: {  	s18 =	sadd.s32 s19, s7;
	[dreg:$0xf] =	wrdreg s26;
	s25 =	sadd.s32 $0x9AA00, s0  }
0x19: {  	s0 =	sshrl.u32 s9, $0x4;
	s26 =	smax.u32 s8, $0x1;
	s28 =	sadd.s32 $0xC0, s20  }
0x1a: {  	s29 =	sadd.s32 $0xC0, s4;
	s4 =	simm.s32 $0x4;
	s5 =	simm.s32 $0x186D0  }
0x1b: {  	s7 =	simm.s32 $0x188D0;
	s8 =	simm.s32 $0x200;
	[dreg:$0xc] =	wrdreg s12  }
0x1c: {  	s9 =	simm.s32 $0x1AAD0;
	[dreg:$0xd] =	wrdreg s11;
	s30 =	sadd.s32 @!p0 s0, s25  }
0x1d: {  	s0 =	simm.s32 $0x18AD0;
	s11 =	simm.s32 $0x1;
	s12 =	simm.s32 $0x3  }
.LBB2_1:
0x1e: {  	s16 =	rddreg [dreg:$0x3]  }
0x1f: {  	[tilespmem:s0], [sflag:$0x4] =	stream.linear.gather [hbm4b:s16+s2], $0x2000, $0x38;
	[tilespmem:$0x1CED0] =	vst v63  }
0x20: {  	_ =	swait.ge [sflag:s4], $0x2000  }
0x21: {  	[sflag:s4] =	ssyncset.done $0x0  }
0x22: {  	[sflag:s4] =	ssyncadd.s32 $0xFFFFE000  }
0x23: {  	[spmem:s6] =	stream.linear.scatter [tilespmem:s0], [sflag:$0x4], $0x2000, $0x38;
	[tilespmem:$0x1CED0] =	vst v63  }
0x24: {  	_ =	swait.ge [sflag:s4], $0x2000  }
0x25: {  	[sflag:s4] =	ssyncset.done $0x0  }
0x26: {  	s19 =	rddreg [dreg:$0x4];
	[sflag:s4] =	ssyncadd.s32 $0xFFFFE000  }
0x27: {  	[spmem:s19] =	stream.linear.scatter [tilespmem:s0], [sflag:$0x4], $0x2000, $0x38;
	[tilespmem:$0x1CED0] =	vst v63  }
0x28: {  	_ =	swait.ge [sflag:s4], $0x2000  }
0x29: {  	[sflag:s4] =	ssyncset.done $0x0  }
0x2a: {  	s20 =	rddreg [dreg:$0x5];
	[sflag:s4] =	ssyncadd.s32 $0xFFFFE000  }
0x2b: {  	[spmem:s20] =	stream.linear.scatter [tilespmem:s0], [sflag:$0x4], $0x2000, $0x38;
	[tilespmem:$0x1CED0] =	vst v63  }
0x2c: {  	_ =	swait.ge [sflag:s4], $0x2000  }
0x2d: {  	[sflag:s4] =	ssyncset.done $0x0  }
0x2e: {  	s19 =	rddreg [dreg:$0x6];
	[sflag:s4] =	ssyncadd.s32 $0xFFFFE000  }
0x2f: {  	[spmem:s19] =	stream.linear.scatter [tilespmem:s0], [sflag:$0x4], $0x2000, $0x38;
	[tilespmem:$0x1CED0] =	vst v63  }
0x30: {  	_ =	swait.ge [sflag:s4], $0x2000  }
0x31: {  	[sflag:s4] =	ssyncset.done $0x0  }
0x32: {  	s20 =	rddreg [dreg:$0x7];
	[sflag:s4] =	ssyncadd.s32 $0xFFFFE000  }
0x33: {  	[spmem:s20] =	stream.linear.scatter [tilespmem:s0], [sflag:$0x4], $0x2000, $0x38;
	[tilespmem:$0x1CED0] =	vst v63  }
0x34: {  	_ =	swait.ge [sflag:s4], $0x2000  }
0x35: {  	[sflag:s4] =	ssyncset.done $0x0  }
0x36: {  	s19 =	rddreg [dreg:$0x8];
	[sflag:s4] =	ssyncadd.s32 $0xFFFFE000  }
0x37: {  	[spmem:s19] =	stream.linear.scatter [tilespmem:s0], [sflag:$0x4], $0x2000, $0x38;
	[tilespmem:$0x1CED0] =	vst v63  }
0x38: {  	_ =	swait.ge [sflag:s4], $0x2000  }
0x39: {  	[sflag:s4] =	ssyncset.done $0x0  }
0x3a: {  	s20 =	rddreg [dreg:$0x9];
	[sflag:s4] =	ssyncadd.s32 $0xFFFFE000  }
0x3b: {  	[spmem:s20] =	stream.linear.scatter [tilespmem:s0], [sflag:$0x4], $0x2000, $0x38;
	[tilespmem:$0x1CED0] =	vst v63  }
0x3c: {  	_ =	swait.ge [sflag:s4], $0x2000  }
0x3d: {  	[sflag:s4] =	ssyncset.done $0x0  }
0x3e: {  	s19 =	rddreg [dreg:$0xe];
	[sflag:s4] =	ssyncadd.s32 $0xFFFFE000  }
0x3f: {  	[spmem:s19] =	stream.linear.scatter [tilespmem:s0], [sflag:$0x4], $0x2000, $0x38;
	[tilespmem:$0x1CED0] =	vst v63  }
0x40: {  	_ =	swait.ge [sflag:s4], $0x2000  }
0x41: {  	[sflag:s4] =	ssyncset.done $0x0  }
0x42: {  	s20 =	rddreg [dreg:$0xf];
	[sflag:s4] =	ssyncadd.s32 $0xFFFFE000  }
0x43: {  	[spmem:s20] =	stream.linear.scatter [tilespmem:s0], [sflag:$0x4], $0x2000, $0x38;
	[tilespmem:$0x1CED0] =	vst v63  }
0x44: {  	_ =	swait.ge [sflag:s4], $0x2000  }
0x45: {  	[sflag:s4] =	ssyncset.done $0x0  }
0x46: {  	[sflag:s4] =	ssyncadd.s32 $0xFFFFE000  }
0x47: {  	[spmem:s21] =	stream.linear.scatter [tilespmem:s0], [sflag:$0x4], $0x2000, $0x38;
	[tilespmem:$0x1CED0] =	vst v63  }
0x48: {  	_ =	swait.ge [sflag:s4], $0x2000  }
0x49: {  	[sflag:s4] =	ssyncset.done $0x0  }
0x4a: {  	[sflag:s4] =	ssyncadd.s32 $0xFFFFE000  }
0x4b: {  	[spmem:s22] =	stream.linear.scatter [tilespmem:s0], [sflag:$0x4], $0x2000, $0x38;
	[tilespmem:$0x1CED0] =	vst v63  }
0x4c: {  	_ =	swait.ge [sflag:s4], $0x2000  }
0x4d: {  	[sflag:s4] =	ssyncset.done $0x0  }
0x4e: {  	[sflag:s4] =	ssyncadd.s32 $0xFFFFE000  }
0x4f: {  	[spmem:s23] =	stream.linear.scatter [tilespmem:s0], [sflag:$0x4], $0x2000, $0x38;
	[tilespmem:$0x1CED0] =	vst v63  }
0x50: {  	_ =	swait.ge [sflag:s4], $0x2000  }
0x51: {  	[sflag:s4] =	ssyncset.done $0x0  }
0x52: {  	s16 =	simm.s32 @p0 $0x18AD0;
	[sflag:s4] =	ssyncadd.s32 $0xFFFFE000  }
0x53: {  	[spmem:s31] =	stream.linear.scatter @p0 [tilespmem:s16], [sflag:$0x4], $0x400, $0x38;
	[tilespmem:$0x1CED0] =	vst v63  }
0x54: {  	s16 =	simm.s32 @p0 $0x4  }
0x55: {  	_ =	swait.ge @p0 [sflag:s16], $0x400  }
0x56: {  	[sflag:s16] =	ssyncset.done @p0 $0x0  }
0x57: {  	[sflag:s16] =	ssyncadd.s32 @p0 $0xFFFFFC00;
	s16 =	simm.s32 @!p0 $0x18AD0  }
0x58: {  	[spmem:s24] =	stream.linear.scatter @!p0 [tilespmem:s16], [sflag:$0x4], $0x700, $0x38;
	[tilespmem:$0x1CED0] =	vst v63  }
0x59: {  	s16 =	simm.s32 @!p0 $0x4  }
0x5a: {  	_ =	swait.ge @!p0 [sflag:s16], $0x700  }
0x5b: {  	[sflag:s16] =	ssyncset.done @!p0 $0x0  }
0x5c: {  	[sflag:s16] =	ssyncadd.s32 @!p0 $0xFFFFF900  }
0x5d: {  	[bflag:$0x0] =	sbarrier.arrive $0xFFFF  }
0x5e: {  	s19 =	rddreg [dreg:$0xa]  }
0x5f: {  	[tilespmem:s5], [sflag:$0x4] =	stream.linear.gather [hbm4b:s19+s2], $0x200, $0x38;
	[tilespmem:$0x1CED0] =	vst v63  }
0x60: {  	_ =	swait.ge [sflag:s4], $0x200  }
0x61: {  	[sflag:s4] =	ssyncset.done $0x0  }
0x62: {  	s20 =	rddreg [dreg:$0xb];
	[sflag:s4] =	ssyncadd.s32 $0xFFFFFE00  }
0x63: {  	[tilespmem:s7], [sflag:$0x4] =	stream.linear.gather [hbm4b:s20+s2], $0x200, $0x38;
	[tilespmem:$0x1CED0] =	vst v63  }
0x64: {  	_ =	swait.ge [sflag:s4], $0x200  }
0x65: {  	[sflag:s4] =	ssyncset.done $0x0  }
0x66: {  	[sflag:s4] =	ssyncadd.s32 $0xFFFFFE00  }
0x67: {  	[tilespmem:s0], [sflag:$0x1] =	stream.indirect.gather [hbm4b:s3+s8], $0x10, s5, s8, $0xb8;
	[tilespmem:$0x1CED0] =	vst v63  }
0x68: {  	s19 =	rddreg [dreg:$0xc]  }
0x69: {  	[tilespmem:s9], [sflag:$0x3] =	stream.linear.gather [hbm4b:s19+s2], $0x200, $0x38;
	[tilespmem:$0x1CED0] =	vst v63  }
0x6a: {  	s20 =	rddreg [dreg:$0xd]  }
0x6b: {  	[tilespmem:s10], [sflag:$0x3] =	stream.linear.gather [hbm4b:s20+s2], $0x200, $0x38;
	[tilespmem:$0x1CED0] =	vst v63  }
0x6c: {  	_ =	swait.ge [sflag:s11], $0x2000  }
0x6d: {  	[sflag:s11] =	ssyncset.done $0x0  }
0x6e: {  	[sflag:s11] =	ssyncadd.s32 $0xFFFFE000  }
0x6f: {  	_ =	swait.ge [sflag:s12], $0x200  }
0x70: {  	[sflag:s12] =	ssyncset.done $0x0  }
0x71: {  	[sflag:s12] =	ssyncadd.s32 $0xFFFFFE00  }
0x72: {  	_ =	swait.ge [sflag:s12], $0x200  }
0x73: {  	[sflag:s12] =	ssyncset.done $0x0  }
0x74: {  	[sflag:s12] =	ssyncadd.s32 $0xFFFFFE00  }
0x75: {  	[tilespmem:s13], [sflag:$0x1] =	stream.indirect.gather [hbm4b:s3+s8], $0x10, s9, s8, $0xb8;
	[tilespmem:$0x1CED0] =	vst v63  }
0x76: {  	_ = 	snop  }
0x77: {  	[spmem:s1] =	stream.indirect.scatter.add.bf16 [tilespmem:s0], [sflag:$0x2], $0x10, s7, s8, $0xb8;
	[tilespmem:$0x1CED0] =	vst v63  }
0x78: {  	_ =	swait.ge [sflag:s14], $0x2000  }
0x79: {  	[sflag:s14] =	ssyncset.done $0x0  }
0x7a: {  	s19 =	sadd.s32 $0x0, s17;
	[sflag:s14] =	ssyncadd.s32 $0xFFFFE000  }
0x7b: {  	[tilespmem:s5], [sflag:$0x3] =	stream.linear.gather [hbm4b:s19+s2], $0x200, $0x38;
	[tilespmem:$0x1CED0] =	vst v63  }
0x7c: {  	s20 =	sadd.s32 $0x0, s18  }
0x7d: {  	[tilespmem:s7], [sflag:$0x3] =	stream.linear.gather [hbm4b:s20+s2], $0x200, $0x38;
	[tilespmem:$0x1CED0] =	vst v63  }
0x7e: {  	_ =	swait.ge [sflag:s11], $0x2000  }
0x7f: {  	[sflag:s11] =	ssyncset.done $0x0  }
0x80: {  	[sflag:s11] =	ssyncadd.s32 $0xFFFFE000  }
0x81: {  	_ =	swait.ge [sflag:s12], $0x200  }
0x82: {  	[sflag:s12] =	ssyncset.done $0x0  }
0x83: {  	[sflag:s12] =	ssyncadd.s32 $0xFFFFFE00  }
0x84: {  	_ =	swait.ge [sflag:s12], $0x200  }
0x85: {  	[sflag:s12] =	ssyncset.done $0x0  }
0x86: {  	[sflag:s12] =	ssyncadd.s32 $0xFFFFFE00  }
0x87: {  	[tilespmem:s0], [sflag:$0x1] =	stream.indirect.gather [hbm4b:s3+s8], $0x10, s5, s8, $0xb8;
	[tilespmem:$0x1CED0] =	vst v63  }
0x88: {  	_ = 	snop  }
0x89: {  	[spmem:s1] =	stream.indirect.scatter.add.bf16 [tilespmem:s13], [sflag:$0x2], $0x10, s10, s8, $0xb8;
	[tilespmem:$0x1CED0] =	vst v63  }
0x8a: {  	_ =	swait.ge [sflag:s14], $0x2000  }
0x8b: {  	[sflag:s14] =	ssyncset.done $0x0  }
0x8c: {  	s19 =	sadd.s32 $0x0, s28;
	[sflag:s14] =	ssyncadd.s32 $0xFFFFE000  }
0x8d: {  	[tilespmem:s9], [sflag:$0x3] =	stream.linear.gather [hbm4b:s19+s2], $0x200, $0x38;
	[tilespmem:$0x1CED0] =	vst v63  }
0x8e: {  	s20 =	sadd.s32 $0x0, s29  }
0x8f: {  	[tilespmem:s10], [sflag:$0x3] =	stream.linear.gather [hbm4b:s20+s2], $0x200, $0x38;
	[tilespmem:$0x1CED0] =	vst v63  }
0x90: {  	_ =	swait.ge [sflag:s11], $0x2000  }
0x91: {  	[sflag:s11] =	ssyncset.done $0x0  }
0x92: {  	[sflag:s11] =	ssyncadd.s32 $0xFFFFE000  }
0x93: {  	_ =	swait.ge [sflag:s12], $0x200  }
0x94: {  	[sflag:s12] =	ssyncset.done $0x0  }
0x95: {  	[sflag:s12] =	ssyncadd.s32 $0xFFFFFE00  }
0x96: {  	_ =	swait.ge [sflag:s12], $0x200  }
0x97: {  	[sflag:s12] =	ssyncset.done $0x0  }
0x98: {  	s16 =	simm.s32 $0x80;
	[sflag:s12] =	ssyncadd.s32 $0xFFFFFE00  }
0x99: {  	[tilespmem:s13], [sflag:$0x1] =	stream.indirect.gather [hbm4b:s3+s8], $0x10, s9, s8, $0xb8;
	[tilespmem:$0x1CED0] =	vst v63  }
.LBB2_2:
0x9a: {  	[spmem:s1] =	stream.indirect.scatter.add.bf16 [tilespmem:s0], [sflag:$0x2], $0x10, s7, s8, $0xb8;
	[tilespmem:$0x1CED0] =	vst v63  }
0x9b: {  	s19 =	smov.u32 s16  }
0x9c: {  	p1 =	sne.s32 s16, $0x1800;
	s16 =	sadd.s32 $0x80, s16;
	_ =	swait.ge [sflag:s14], $0x2000  }
0x9d: {  	[sflag:s14] =	ssyncset.done $0x0  }
0x9e: {  	s20 =	sadd.s32 s19, s17;
	[sflag:s14] =	ssyncadd.s32 $0xFFFFE000  }
0x9f: {  	[tilespmem:s5], [sflag:$0x3] =	stream.linear.gather [hbm4b:s20+s2], $0x200, $0x38;
	[tilespmem:$0x1CED0] =	vst v63  }
0xa0: {  	s20 =	sadd.s32 s19, s18  }
0xa1: {  	[tilespmem:s7], [sflag:$0x3] =	stream.linear.gather [hbm4b:s20+s2], $0x200, $0x38;
	[tilespmem:$0x1CED0] =	vst v63  }
0xa2: {  	_ =	swait.ge [sflag:s11], $0x2000  }
0xa3: {  	[sflag:s11] =	ssyncset.done $0x0  }
0xa4: {  	[sflag:s11] =	ssyncadd.s32 $0xFFFFE000  }
0xa5: {  	_ =	swait.ge [sflag:s12], $0x200  }
0xa6: {  	[sflag:s12] =	ssyncset.done $0x0  }
0xa7: {  	[sflag:s12] =	ssyncadd.s32 $0xFFFFFE00  }
0xa8: {  	_ =	swait.ge [sflag:s12], $0x200  }
0xa9: {  	[sflag:s12] =	ssyncset.done $0x0  }
0xaa: {  	[sflag:s12] =	ssyncadd.s32 $0xFFFFFE00  }
0xab: {  	[tilespmem:s0], [sflag:$0x1] =	stream.indirect.gather [hbm4b:s3+s8], $0x10, s5, s8, $0xb8;
	[tilespmem:$0x1CED0] =	vst v63  }
0xac: {  	_ = 	snop  }
0xad: {  	[spmem:s1] =	stream.indirect.scatter.add.bf16 [tilespmem:s13], [sflag:$0x2], $0x10, s10, s8, $0xb8;
	[tilespmem:$0x1CED0] =	vst v63  }
0xae: {  	_ =	swait.ge [sflag:s14], $0x2000  }
0xaf: {  	[sflag:s14] =	ssyncset.done $0x0  }
0xb0: {  	s20 =	sadd.s32 s19, s28;
	[sflag:s14] =	ssyncadd.s32 $0xFFFFE000  }
0xb1: {  	[tilespmem:s9], [sflag:$0x3] =	stream.linear.gather [hbm4b:s20+s2], $0x200, $0x38;
	[tilespmem:$0x1CED0] =	vst v63  }
0xb2: {  	s19 =	sadd.s32 s19, s29  }
0xb3: {  	[tilespmem:s10], [sflag:$0x3] =	stream.linear.gather [hbm4b:s19+s2], $0x200, $0x38;
	[tilespmem:$0x1CED0] =	vst v63  }
0xb4: {  	_ =	swait.ge [sflag:s11], $0x2000  }
0xb5: {  	[sflag:s11] =	ssyncset.done $0x0  }
0xb6: {  	[sflag:s11] =	ssyncadd.s32 $0xFFFFE000  }
0xb7: {  	_ =	swait.ge [sflag:s12], $0x200  }
0xb8: {  	[sflag:s12] =	ssyncset.done $0x0  }
.Ltmp0:
0xb9: {  	[sflag:s12] =	ssyncadd.s32 $0xFFFFFE00;
	(pc) =	sbr.rel @p1 .LBB2_2-.Ltmp0, $4  }
0xba: {  	_ =	swait.ge [sflag:s12], $0x200  }
0xbb: {  	[sflag:s12] =	ssyncset.done $0x0  }
0xbc: {  	[sflag:s12] =	ssyncadd.s32 $0xFFFFFE00  }
0xbd: {  	[tilespmem:s13], [sflag:$0x1] =	stream.indirect.gather [hbm4b:s3+s8], $0x10, s9, s8, $0xb8;
	[tilespmem:$0x1CED0] =	vst v63  }
0xbe: {  	[spmem:s1] =	stream.indirect.scatter.add.bf16 [tilespmem:s0], [sflag:$0x2], $0x10, s7, s8, $0xb8;
	[tilespmem:$0x1CED0] =	vst v63  }
0xbf: {  	_ =	swait.ge [sflag:s14], $0x2000  }
0xc0: {  	[sflag:s14] =	ssyncset.done $0x0  }
0xc1: {  	[sflag:s14] =	ssyncadd.s32 $0xFFFFE000  }
0xc2: {  	_ =	swait.ge [sflag:s11], $0x2000  }
0xc3: {  	[sflag:s11] =	ssyncset.done $0x0  }
0xc4: {  	[sflag:s11] =	ssyncadd.s32 $0xFFFFE000  }
0xc5: {  	[spmem:s1] =	stream.indirect.scatter.add.bf16 [tilespmem:s13], [sflag:$0x2], $0x10, s10, s8, $0xb8;
	[tilespmem:$0x1CED0] =	vst v63  }
0xc6: {  	_ =	swait.ge [sflag:s14], $0x2000  }
0xc7: {  	[sflag:s14] =	ssyncset.done $0x0  }
0xc8: {  	s16 =	sadd.s32 @p0 $0x2DD20, s25;
	[sflag:s14] =	ssyncadd.s32 $0xFFFFE000  }
0xc9: {  	s19 =	sshrl.u32 @p0 s6, $0x3;
	s20 =	simm.s32 @p0 $0x1FC4;
	[bflag:$0x0] =	sbarrier.arrive $0xFFFF  }
0xca: {  	[hbm:s16], [sflag:s20] =	dma.local @p0 [spmem:s19], $0x3020  }
0xcb: {  	s16 =	simm.s32 @p0 $0x4  }
0xcc: {  	s15 =	sadd.s32 $0x1, s15;
	s19 =	stileid.u32;
	_ =	swait.ge @p0 [sflag:s16], $0x3020  }
0xcd: {  	p1 =	sne.s32 s15, s26;
	s19 =	sshll.u32 @!p0 s19, $0x6;
	[sflag:s16] =	ssyncset.done @p0 $0x0  }
0xce: {  	[sflag:s16] =	ssyncadd.s32 @p0 $0xFFFFCFE0;
	s16 =	sor.u32 @!p0 $0x1C04, s19;
	s19 =	sshrl.u32 @!p0 s6, $0x3  }
0xcf: {  	[hbm:s30], [sflag:s16] =	dma.local @!p0 [spmem:s19], $0x30E0  }
.Ltmp1:
0xd0: {  	_ = 	snop;
	(pc) =	sbr.rel @p1 .LBB2_1-.Ltmp1, $4  }
0xd1: {  	s16 =	simm.s32 @!p0 $0x4  }
0xd2: {  	_ =	swait.ge @!p0 [sflag:s16], $0x30E0  }
0xd3: {  	[sflag:s16] =	ssyncset.done @!p0 $0x0  }
0xd4: {  	[sflag:s16] =	ssyncadd.s32 @!p0 $0xFFFFCF20  }
0xd5: {  	_ =	sfence.sel $0x180000  }
0xd6: {  	[bflag:$0x0] =	sbarrier.arrive $0xFFFF  }
0xd7: {  	_ =	strace $0x90000047  }
0xd8: {  	s0 =	stileid.u32;
	[bflag:$0x2] =	sbarrier.arrive $0xFFFF  }
0xd9: {  	p0 =	sne.s32 s0, $0x0;
	s0 =	rddreg [dreg:$0x2]  }
0xda: {  	s0 =	sadd.s32 @!p0 $0x100000, s0  }
0xdb: {  	[sflag:s0] =	ssyncadd.tile.s32 @!p0 $0x1;
	_ =	shalt  }
.Lfunc_end2:
_tile_overlayer_lowered:
.L_overlay_start_2:
0xdc: {  	(tag) =	ssettag $0x2  }
0xdd: {  	s0 =	rddreg [dreg:$0x0];
	s2 =	stileid.u32  }
0xde: {  	s1 =	rddreg [dreg:$0x1];
	p0 =	sne.s32 s2, $0x0  }
0xdf: {  	s3 =	rddreg [dreg:$0x2];
	[bflag:$0x3] =	sbarrier.arrive $0xFFFF;
	s2 =	simm.s32 @!p0 $0x1C04  }
0xe0: {  	[timem:s3], [sflag:s2] =	dma.local @!p0 [hbm:s0], s1  }
0xe1: {  	s0 =	simm.s32 @!p0 $0x4  }
0xe2: {  	_ =	swait.ge @!p0 [sflag:s0], s1  }
0xe3: {  	s1 =	ssub.s32 @!p0 $0x0, s1;
	[sflag:s0] =	ssyncset.done @!p0 $0x0  }
0xe4: {  	[sflag:s0] =	ssyncadd.s32 @!p0 s1  }
0xe5: {  	[bflag:$0x3] =	sbarrier.arrive $0xFFFF  }
0xe6: {  	_ =	shalt  }

// kernel: kernel.16.cloned.1.call-start
scs
__scs_entry_jumppad:
0x0: {  	(pc) =	sbr.rel $0x88, $3  }
0x1: {  	(tag) =	ssettag $0x0;
	lr =	simm.s32 $0x1  }
0x2: {  	[smem:$0x3F7E] =	sst lr;
	_ =	strace $0xD0000000  }
0x3: {  	_ = 	snop  }
0x4: {  	_ = 	snop  }
0x5: {  	_ = 	snop  }
0x6: {  	_ = 	snop  }
0x7: {  	_ = 	snop  }
__scs_overlays_trampoline_lowered:
0x8: {  	[smem:$0x3F8D] =	sst s0  }
0x9: {  	[smem:$0x3F8E] =	sst s1  }
0xa: {  	[smem:$0x3F8F] =	sst s2  }
0xb: {  	[smem:$0x3F90] =	sst s3  }
0xc: {  	[smem:$0x3F91] =	sst s4  }
0xd: {  	[smem:$0x3F92] =	sst s5  }
0xe: {  	[smem:$0x3F93] =	sst s6  }
0xf: {  	[smem:$0x3F94] =	sst s7  }
0x10: {  	[smem:$0x3F95] =	sst s8  }
0x11: {  	[smem:$0x3F96] =	sst s9;
	s0 =	simm.s32 @!p0 $0x0  }
0x12: {  	s1 =	sld [smem:$0x3F7C];
	s0 =	simm.s32 @p0 $0x1  }
0x13: {  	[smem:$0x3F97] =	sst s0;
	s0 =	simm.s32 @!p1 $0x0  }
0x14: {  	s2 =	sld [smem:$0x3F7B];
	s0 =	simm.s32 @p1 $0x1  }
0x15: {  	[smem:$0x3F98] =	sst s0;
	s0 =	simm.s32 @!p2 $0x0  }
0x16: {  	s3 =	sld [smem:$0x3FDB];
	s0 =	simm.s32 @p2 $0x1  }
0x17: {  	s4 =	simm.s32 $0x1BF5;
	[smem:$0x3F9A] =	sst s0  }
0x18: {  	s0 =	sld [smem:$0x3F7D];
	_ =	swait.ge [sflag:s4], $0x0  }
0x19: {  	s7 =	sld [smem:$0x3F7E]  }
0x1a: {  	s8 =	sadd.s32 $0xFFFFE003, lr  }
0x1b: {  	s9 =	sadd.s32 $0xFFFFFEF7, lr;
	s5 =	simm.s32 $0xFFFFFFFF;
	p2 =	slt.u32 s8, $0xFFFFF086  }
0x1c: {  	p1 =	slt.u32 s9, $0xF7A;
	s5 =	simm.s32 @!p2 $0x0  }
0x1d: {  	s5 =	simm.s32 @p1 $0x1;
	p0 =	seq.s32 s7, s2  }
0x1e: {  	s7 =	smul.u32 @!p0 $0xF7A, s2;
	p2 =	seq.s32 @!p0 s5, $0x0  }
0x1f: {  	s9 =	smul.u32 $0xF7A, s1;
	s8 =	simm.s32 @!p0 $0x1BF5;
	p2 =	por !p2, p0  }
0x20: {  	[sflag:s8] =	ssyncset.s32 @!p0 $0xFFFFF086;
	s6 =	sadd.s32 @!p0 s3, s7;
	s7 =	simm.s32 @!p0 $0x108  }
0x21: {  	s3 =	sadd.s32 s3, s9;
	s6 =	sadd.s32 @!p0 $0x88, s6;
	s7 =	simm.s32 @p2 $0x1082  }
0x22: {  	[simem:s7], [sflag:s8] =	dma.local @!p0 [hbm:s6], $0xF7A  }
0x23: {  	s9 =	sor.u32 $0xD0000000, s2;
	s6 =	simm.s32 $0x108;
	_ =	swait.ge @!p0 [sflag:s8], $0x0  }
0x24: {  	s3 =	sadd.s32 $0x88, s3;
	s6 =	simm.s32 @!p1 $0x1082;
	[sflag:s4] =	ssyncset.s32 $0xFFFFF086  }
0x25: {  	[simem:s6], [sflag:s4] =	dma.local [hbm:s3], $0xF7A  }
0x26: {  	[smem:$0x3F7E] =	sst s1;
	(tag) =	ssettag s2;
	_ =	strace s9  }
0x27: {  	s1 =	sld [smem:$0x3F8E]  }
0x28: {  	s2 =	sld [smem:$0x3F8F]  }
0x29: {  	s4 =	sld [smem:$0x3F91]  }
0x2a: {  	p0 =	seq.s32 s5, $0x0;
	s5 =	sld [smem:$0x3F92]  }
0x2b: {  	s6 =	sld [smem:$0x3F93]  }
0x2c: {  	s7 =	sld [smem:$0x3F94]  }
0x2d: {  	s3 =	simm.s32 $0x108;
	s8 =	sld [smem:$0x3F95]  }
0x2e: {  	s3 =	simm.s32 @!p0 $0x1082;
	s9 =	sld [smem:$0x3F96]  }
0x2f: {  	lr =	sadd.s32 s0, s3;
	s0 =	sld [smem:$0x3F8D]  }
0x30: {  	s3 =	sld [smem:$0x3F90]  }
0x31: {  	[smem:$0x3F99] =	sst s10  }
0x32: {  	s10 =	sld [smem:$0x3F97];
	_ =	sdelay $0x3  }
0x33: {  	p0 =	seq.s32 s10, $0x1;
	s10 =	sld [smem:$0x3F99];
	_ =	sdelay $0x3  }
0x34: {  	[smem:$0x3F99] =	sst s10  }
0x35: {  	s10 =	sld [smem:$0x3F98];
	_ =	sdelay $0x3  }
0x36: {  	p1 =	seq.s32 s10, $0x1;
	s10 =	sld [smem:$0x3F99];
	_ =	sdelay $0x3  }
0x37: {  	[smem:$0x3F99] =	sst s10  }
0x38: {  	s10 =	sld [smem:$0x3F9A]  }
0x39: {  	_ = 	snop;
	(pc) =	sbr.ind lr, $3  }
0x3a: {  	_ = 	snop  }
0x3b: {  	_ = 	snop  }
0x3c: {  	p2 =	seq.s32 s10, $0x1;
	s10 =	sld [smem:$0x3F99]  }
0x3d: {  	_ =	shalt  }
0x3e: {  	_ =	shalt  }
0x3f: {  	_ =	shalt  }
0x40: {  	_ =	shalt  }
0x41: {  	_ =	shalt  }
0x42: {  	_ =	shalt  }
0x43: {  	_ =	shalt  }
0x44: {  	_ =	shalt  }
0x45: {  	_ =	shalt  }
0x46: {  	_ =	shalt  }
0x47: {  	_ =	shalt  }
0x48: {  	_ =	shalt  }
0x49: {  	_ =	shalt  }
0x4a: {  	_ =	shalt  }
0x4b: {  	_ =	shalt  }
0x4c: {  	_ =	shalt  }
0x4d: {  	_ =	shalt  }
0x4e: {  	_ =	shalt  }
0x4f: {  	_ =	shalt  }
0x50: {  	_ =	shalt  }
0x51: {  	_ =	shalt  }
0x52: {  	_ =	shalt  }
0x53: {  	_ =	shalt  }
0x54: {  	_ =	shalt  }
0x55: {  	_ =	shalt  }
0x56: {  	_ =	shalt  }
0x57: {  	_ =	shalt  }
0x58: {  	_ =	shalt  }
0x59: {  	_ =	shalt  }
0x5a: {  	_ =	shalt  }
0x5b: {  	_ =	shalt  }
0x5c: {  	_ =	shalt  }
0x5d: {  	_ =	shalt  }
0x5e: {  	_ =	shalt  }
0x5f: {  	_ =	shalt  }
0x60: {  	_ =	shalt  }
0x61: {  	_ =	shalt  }
0x62: {  	_ =	shalt  }
0x63: {  	_ =	shalt  }
0x64: {  	_ =	shalt  }
0x65: {  	_ =	shalt  }
0x66: {  	_ =	shalt  }
0x67: {  	_ =	shalt  }
0x68: {  	_ =	shalt  }
0x69: {  	_ =	shalt  }
0x6a: {  	_ =	shalt  }
0x6b: {  	_ =	shalt  }
0x6c: {  	_ =	shalt  }
0x6d: {  	_ =	shalt  }
0x6e: {  	_ =	shalt  }
0x6f: {  	_ =	shalt  }
0x70: {  	_ =	shalt  }
0x71: {  	_ =	shalt  }
0x72: {  	_ =	shalt  }
0x73: {  	_ =	shalt  }
0x74: {  	_ =	shalt  }
0x75: {  	_ =	shalt  }
0x76: {  	_ =	shalt  }
0x77: {  	_ =	shalt  }
0x78: {  	_ =	shalt  }
0x79: {  	_ =	shalt  }
0x7a: {  	_ =	shalt  }
0x7b: {  	_ =	shalt  }
0x7c: {  	_ =	shalt  }
0x7d: {  	_ =	shalt  }
0x7e: {  	_ =	shalt  }
0x7f: {  	_ =	shalt  }
0x80: {  	_ =	shalt  }
0x81: {  	_ =	shalt  }
0x82: {  	_ =	shalt  }
0x83: {  	_ =	shalt  }
0x84: {  	_ =	shalt  }
0x85: {  	_ =	shalt  }
0x86: {  	_ =	shalt  }
0x87: {  	_ =	shalt  }
.Lfunc_end0:
.L_simem_size_0:
called_computation.2_lowered:
.L_overlay_start_0:
0x88: {  	s2 =	sld [smem:$0x3FD9]  }
0x89: {  	s3 =	sld [smem:$0x3FFE];
	_ =	sdelay $0x1  }
0x8a: {  	s1 =	srdreg.scid  }
0x8b: {  	s0 =	sand.u32 $0x1, s1  }
0x8c: {  	s17 =	sshll.u32 s0, $0xA;
	s2 =	sadd.s32 s3, s2  }
0x8d: {  	s2 =	sadd.s32 s2, s17  }
0x8e: {  	[smem:$0x3FA5] =	sst s2  }
0x8f: {  	_ = 	snop  }
0x90: {  	(tm) =	ssettm $0x1  }
0x91: {  	s18 =	sld [smem:$0x3FFB];
	_ =	sdelay $0x3  }
0x92: {  	_ =	strace s18  }
0x93: {  	s2 =	sld [smem:$0x3FFC];
	_ =	sdelay $0x3  }
0x94: {  	_ =	strace s2  }
0x95: {  	s2 =	sld [smem:$0x3FFD];
	_ =	sdelay $0x3  }
0x96: {  	_ =	strace s2  }
0x97: {  	_ =	strace $0x8FFFFFFF  }
0x98: {  	s19 =	sld [smem:$0x3FDB];
	_ =	sdelay $0x1  }
0x99: {  	s20 =	simm.s32 $_scs_section_size  }
0x9a: {  	s4 =	simm.s32 $_size__tile_overlayer_lowered;
	s5 =	simm.s32 $_tile_overlayer_lowered  }
0x9b: {  	s6 =	simm.s32 $0x1BFF;
	s21 =	sshll.u32 s5, $0x1;
	s3 =	sadd.s32 s20, s19  }
0x9c: {  	s22 =	simm.s32 $0x0;
	s4 =	sshll.u32 s4, $0x1;
	s5 =	sadd.s32 s21, s3  }
0x9d: {  	[timem:s22], [sflag:s6] =	dma.local [hbm:s5], s4  }
0x9e: {  	_ =	swait.ge [sflag:s6], s4  }
0x9f: {  	s4 =	ssub.s32 $0x0, s4;
	[sflag:s6] =	ssyncset.done $0x0  }
0xa0: {  	[sflag:s6] =	ssyncadd.s32 s4;
	_ =	sdelay $0x1  }
0xa1: {  	s23 =	simm.s32 $0x1B8B  }
0xa2: {  	_ =	swait.ge [sflag:s23], $0x1  }
0xa3: {  	[sflag:s23] =	ssyncset.done $0x0  }
0xa4: {  	[sflag:s23] =	ssyncadd.s32 $0xFFFFFFFF  }
0xa5: {  	s4 =	sld [smem:$0x0]  }
0xa6: {  	s5 =	sand.u32 $0xFFFFFFFE, s1  }
0xa7: {  	p0 =	sne.s32 s1, s5  }
0xa8: {  	s5 =	sshll.u32 @p0 s5, $0xE  }
0xa9: {  	s5 =	sadd.s32 @p0 $0x11B8D, s5;
	s6 =	sshll.u32 @p0 s4, $0x11  }
0xaa: {  	s5 =	sor.u32 @p0 s6, s5  }
0xab: {  	[sflag:s5] =	ssyncadd.remote.s32 @p0 $0x1;
	_ =	sdelay $0x1  }
0xac: {  	s5 =	simm.s32 @p0 $0x1B8D  }
0xad: {  	_ =	swait.eq @p0 [sflag:s5], $0x1  }
0xae: {  	[sflag:s5] =	ssyncadd.s32 @p0 $0xFFFFFFFF  }
0xaf: {  	s6 =	sshll.u32 @!p0 s1, $0xE  }
0xb0: {  	s6 =	sor.u32 @!p0 $0x4000, s6;
	s5 =	simm.s32 @!p0 $0x1B8D  }
0xb1: {  	s4 =	sshll.u32 @!p0 s4, $0x11;
	s6 =	sadd.s32 @!p0 $0x11B8D, s6;
	_ =	swait.eq @!p0 [sflag:s5], $0x1  }
0xb2: {  	s4 =	sor.u32 @!p0 s4, s6;
	[sflag:s5] =	ssyncadd.s32 @!p0 $0xFFFFFFFF  }
0xb3: {  	s25 =	simm.s32 $0x1B8E;
	s24 =	sld [smem:$0x3FFE];
	[sflag:s4] =	ssyncadd.remote.s32 @!p0 $0x1  }
0xb4: {  	s26 =	simm.s32 $execute0_lowered;
	[smem:$0x3FD2] =	sst s25  }
0xb5: {  	s5 =	sshll.u32 s26, $0x1;
	_ =	strace $0x8000004C;
	[dreg:$0x1] =	wrdreg $0xFFFFFFFF  }
0xb6: {  	s28 =	simm.s32 $_size_execute0_lowered;
	s3 =	sadd.s32 s3, s5;
	[dreg:$0x0] =	wrdreg $0x0  }
0xb7: {  	s5 =	sshll.u32 s28, $0x1;
	[dreg:$0x2] =	wrdreg s3  }
0xb8: {  	[dreg:$0x3] =	wrdreg s5  }
0xb9: {  	[dreg:$0x4] =	wrdreg $0xC0  }
0xba: {  	_ =	task [dreg:s22], $0x5FFFF  }
0xbb: {  	[dreg:$0x1] =	wrdreg $0xFFFFFFFF  }
0xbc: {  	[dreg:$0x0] =	wrdreg $0x60  }
0xbd: {  	[dreg:$0x2] =	wrdreg s24  }
0xbe: {  	[dreg:$0x3] =	wrdreg $0x0  }
0xbf: {  	[dreg:$0x4] =	wrdreg $0xA  }
0xc0: {  	_ =	task.clear_ibuf [dreg:s22], $0x5FFFF;
	_ =	strace $0x9000004C  }
0xc1: {  	s29 =	simm.s32 $0xA;
	_ =	strace $0x8000004E  }
0xc2: {  	_ =	swait.ge [sflag:s29], $0x1  }
0xc3: {  	[sflag:s29] =	ssyncadd.s32 $0xFFFFFFFF  }
0xc4: {  	_ =	strace $0x9000004E  }
0xc5: {  	_ =	sfence  }
0xc6: {  	s30 =	sld [smem:$0x0];
	_ =	sdelay $0x2  }
0xc7: {  	s31 =	sshll.u32 s1, $0xD;
	s1 =	sshrl.u32 s1, $0x2  }
0xc8: {  	s4 =	sand.u32 $0x4000, s31;
	s1 =	sadd.s32 s1, s30  }
0xc9: {  	s0 =	sor.u32 s4, s0;
	s1 =	sshll.u32 s1, $0x11  }
0xca: {  	s0 =	sor.u32 s1, s0  }
0xcb: {  	s0 =	sadd.s32 $0x8F2B, s0  }
0xcc: {  	[sflag:s0] =	ssyncadd.remote.s32 $0x1  }
0xcd: {  	_ =	sfence.sel $0xFFFF  }
0xce: {  	[dreg:$0x0] =	wrdreg $0xFFFFFFFF;
	(pc) =	sbr.abs _section_cstart, $3  }
0xcf: {  	[dreg:$0x1] =	wrdreg $0xFFFFFFFF  }
0xd0: {  	_ =	task.clear_ibuf [dreg:s22], $0x2FFFF;
	_ =	strace $0x9FFFFFFF  }
0xd1: {  	(tm) =	ssettm $0x7FFFFFFF  }
tec
execute0_lowered:
.L_overlay_start_1:
0x0: {  	(tag) =	ssettag $0x1  }
0x1: {  	s0 =	rddreg [dreg:$0x0]  }
0x2: {  	s1 =	rddreg [dreg:$0x1];
	s2 =	simm.s32 $0x0;
	s4 =	srdreg.scid  }
0x3: {  	s13 =	stileid.u32;
	[smem:$0x7FF] =	sst s2;
	s3 =	sadd.s32 $0x37C00, s0  }
0x4: {  	s5 =	sadd.s32 $0x68A00, s0;
	s4 =	sand.u32 $0x1, s4;
	s9 =	smul.u32 $0x30E00, s13  }
0x5: {  	s7 =	sadd.s32 $0x5800, s0;
	s8 =	sadd.s32 $0x37800, s0;
	s11 =	smul.u32 $0x61C00, s13  }
0x6: {  	s24 =	smul.u32 $0x64, s13;
	p0 =	seq.s32 s13, $0xF;
	s31 =	sadd.s32 $0x186900, s1  }
0x7: {  	_ =	strace $0x8000004D;
	s6 =	smul.u32 $0x30D40, s4;
	[dreg:$0x3] =	wrdreg s8  }
0x8: {  	s20 =	ssub.s32 $0x2, s4;
	s12 =	sshll.u32 s4, $0x4;
	s4 =	smul.u32 $0x640, s4  }
0x9: {  	s10 =	sshrl.u32 s20, $0x1;
	s21 =	sor.u32 s13, s12;
	s11 =	sshrl.u32 s11, $0x2  }
0xa: {  	s22 =	sshrl.u32 s9, $0x1;
	s8 =	ssub.s32 s20, s10;
	s10 =	sadd.s32 s11, s1  }
0xb: {  	s13 =	simm.s32 $0x1AED0;
	s0 =	sadd.s32 s6, s0;
	s11 =	sadd.s32 $0x2000, s10  }
0xc: {  	s12 =	smul.u32 $0x1900, s21;
	s23 =	sadd.s32 $0x4000, s10;
	[dreg:$0x4] =	wrdreg s11  }
0xd: {  	s6 =	sadd.s32 s22, s1;
	s14 =	sadd.s32 $0x6000, s10;
	[dreg:$0x5] =	wrdreg s23  }
0xe: {  	s4 =	sadd.s32 s24, s4;
	s25 =	sadd.s32 $0x8000, s10;
	[dreg:$0x6] =	wrdreg s14  }
0xf: {  	s26 =	sadd.s32 $0xA000, s10;
	s15 =	sadd.s32 $0xC000, s10;
	[dreg:$0x7] =	wrdreg s25  }
0x10: {  	s4 =	sshll.u32 s4, $0x6;
	s21 =	sadd.s32 $0x12000, s10;
	[dreg:$0x8] =	wrdreg s26  }
0x11: {  	s22 =	sadd.s32 $0x14000, s10;
	s24 =	sadd.s32 $0x18000, s10;
	[dreg:$0x9] =	wrdreg s15  }
0x12: {  	s16 =	sadd.s32 s5, s12;
	s17 =	sadd.s32 s7, s12;
	s18 =	sor.u32 $0x40, s12  }
0x13: {  	s19 =	sor.u32 $0x80, s4;
	s20 =	sadd.s32 s4, s5;
	s4 =	sadd.s32 s4, s7  }
0x14: {  	s25 =	sadd.s32 $0xE000, s10;
	s26 =	sadd.s32 $0x10000, s10;
	s23 =	sadd.s32 $0x16000, s10  }
0x15: {  	s10 =	simm.s32 $0x1ACD0;
	s14 =	simm.s32 $0x2;
	[dreg:$0xa] =	wrdreg s16  }
0x16: {  	s15 =	simm.s32 $0x0;
	[dreg:$0xb] =	wrdreg s17;
	s12 =	sadd.s32 s5, s18  }
0x17: {  	s11 =	sadd.s32 s7, s18;
	s17 =	sadd.s32 s19, s5;
	[dreg:$0xe] =	wrdreg s25  }
0x18: {  	s18 =	sadd.s32 s19, s7;
	[dreg:$0xf] =	wrdreg s26;
	s25 =	sadd.s32 $0x9AA00, s0  }
0x19: {  	s0 =	sshrl.u32 s9, $0x4;
	s26 =	smax.u32 s8, $0x1;
	s28 =	sadd.s32 $0xC0, s20  }
0x1a: {  	s29 =	sadd.s32 $0xC0, s4;
	s4 =	simm.s32 $0x4;
	s5 =	simm.s32 $0x186D0  }
0x1b: {  	s7 =	simm.s32 $0x188D0;
	s8 =	simm.s32 $0x200;
	[dreg:$0xc] =	wrdreg s12  }
0x1c: {  	s9 =	simm.s32 $0x1AAD0;
	[dreg:$0xd] =	wrdreg s11;
	s30 =	sadd.s32 @!p0 s0, s25  }
0x1d: {  	s0 =	simm.s32 $0x18AD0;
	s11 =	simm.s32 $0x1;
	s12 =	simm.s32 $0x3  }
.LBB2_1:
0x1e: {  	s16 =	rddreg [dreg:$0x3]  }
0x1f: {  	[tilespmem:s0], [sflag:$0x4] =	stream.linear.gather [hbm4b:s16+s2], $0x2000, $0x38;
	[tilespmem:$0x1CED0] =	vst v63  }
0x20: {  	_ =	swait.ge [sflag:s4], $0x2000  }
0x21: {  	[sflag:s4] =	ssyncset.done $0x0  }
0x22: {  	[sflag:s4] =	ssyncadd.s32 $0xFFFFE000  }
0x23: {  	[spmem:s6] =	stream.linear.scatter [tilespmem:s0], [sflag:$0x4], $0x2000, $0x38;
	[tilespmem:$0x1CED0] =	vst v63  }
0x24: {  	_ =	swait.ge [sflag:s4], $0x2000  }
0x25: {  	[sflag:s4] =	ssyncset.done $0x0  }
0x26: {  	s19 =	rddreg [dreg:$0x4];
	[sflag:s4] =	ssyncadd.s32 $0xFFFFE000  }
0x27: {  	[spmem:s19] =	stream.linear.scatter [tilespmem:s0], [sflag:$0x4], $0x2000, $0x38;
	[tilespmem:$0x1CED0] =	vst v63  }
0x28: {  	_ =	swait.ge [sflag:s4], $0x2000  }
0x29: {  	[sflag:s4] =	ssyncset.done $0x0  }
0x2a: {  	s20 =	rddreg [dreg:$0x5];
	[sflag:s4] =	ssyncadd.s32 $0xFFFFE000  }
0x2b: {  	[spmem:s20] =	stream.linear.scatter [tilespmem:s0], [sflag:$0x4], $0x2000, $0x38;
	[tilespmem:$0x1CED0] =	vst v63  }
0x2c: {  	_ =	swait.ge [sflag:s4], $0x2000  }
0x2d: {  	[sflag:s4] =	ssyncset.done $0x0  }
0x2e: {  	s19 =	rddreg [dreg:$0x6];
	[sflag:s4] =	ssyncadd.s32 $0xFFFFE000  }
0x2f: {  	[spmem:s19] =	stream.linear.scatter [tilespmem:s0], [sflag:$0x4], $0x2000, $0x38;
	[tilespmem:$0x1CED0] =	vst v63  }
0x30: {  	_ =	swait.ge [sflag:s4], $0x2000  }
0x31: {  	[sflag:s4] =	ssyncset.done $0x0  }
0x32: {  	s20 =	rddreg [dreg:$0x7];
	[sflag:s4] =	ssyncadd.s32 $0xFFFFE000  }
0x33: {  	[spmem:s20] =	stream.linear.scatter [tilespmem:s0], [sflag:$0x4], $0x2000, $0x38;
	[tilespmem:$0x1CED0] =	vst v63  }
0x34: {  	_ =	swait.ge [sflag:s4], $0x2000  }
0x35: {  	[sflag:s4] =	ssyncset.done $0x0  }
0x36: {  	s19 =	rddreg [dreg:$0x8];
	[sflag:s4] =	ssyncadd.s32 $0xFFFFE000  }
0x37: {  	[spmem:s19] =	stream.linear.scatter [tilespmem:s0], [sflag:$0x4], $0x2000, $0x38;
	[tilespmem:$0x1CED0] =	vst v63  }
0x38: {  	_ =	swait.ge [sflag:s4], $0x2000  }
0x39: {  	[sflag:s4] =	ssyncset.done $0x0  }
0x3a: {  	s20 =	rddreg [dreg:$0x9];
	[sflag:s4] =	ssyncadd.s32 $0xFFFFE000  }
0x3b: {  	[spmem:s20] =	stream.linear.scatter [tilespmem:s0], [sflag:$0x4], $0x2000, $0x38;
	[tilespmem:$0x1CED0] =	vst v63  }
0x3c: {  	_ =	swait.ge [sflag:s4], $0x2000  }
0x3d: {  	[sflag:s4] =	ssyncset.done $0x0  }
0x3e: {  	s19 =	rddreg [dreg:$0xe];
	[sflag:s4] =	ssyncadd.s32 $0xFFFFE000  }
0x3f: {  	[spmem:s19] =	stream.linear.scatter [tilespmem:s0], [sflag:$0x4], $0x2000, $0x38;
	[tilespmem:$0x1CED0] =	vst v63  }
0x40: {  	_ =	swait.ge [sflag:s4], $0x2000  }
0x41: {  	[sflag:s4] =	ssyncset.done $0x0  }
0x42: {  	s20 =	rddreg [dreg:$0xf];
	[sflag:s4] =	ssyncadd.s32 $0xFFFFE000  }
0x43: {  	[spmem:s20] =	stream.linear.scatter [tilespmem:s0], [sflag:$0x4], $0x2000, $0x38;
	[tilespmem:$0x1CED0] =	vst v63  }
0x44: {  	_ =	swait.ge [sflag:s4], $0x2000  }
0x45: {  	[sflag:s4] =	ssyncset.done $0x0  }
0x46: {  	[sflag:s4] =	ssyncadd.s32 $0xFFFFE000  }
0x47: {  	[spmem:s21] =	stream.linear.scatter [tilespmem:s0], [sflag:$0x4], $0x2000, $0x38;
	[tilespmem:$0x1CED0] =	vst v63  }
0x48: {  	_ =	swait.ge [sflag:s4], $0x2000  }
0x49: {  	[sflag:s4] =	ssyncset.done $0x0  }
0x4a: {  	[sflag:s4] =	ssyncadd.s32 $0xFFFFE000  }
0x4b: {  	[spmem:s22] =	stream.linear.scatter [tilespmem:s0], [sflag:$0x4], $0x2000, $0x38;
	[tilespmem:$0x1CED0] =	vst v63  }
0x4c: {  	_ =	swait.ge [sflag:s4], $0x2000  }
0x4d: {  	[sflag:s4] =	ssyncset.done $0x0  }
0x4e: {  	[sflag:s4] =	ssyncadd.s32 $0xFFFFE000  }
0x4f: {  	[spmem:s23] =	stream.linear.scatter [tilespmem:s0], [sflag:$0x4], $0x2000, $0x38;
	[tilespmem:$0x1CED0] =	vst v63  }
0x50: {  	_ =	swait.ge [sflag:s4], $0x2000  }
0x51: {  	[sflag:s4] =	ssyncset.done $0x0  }
0x52: {  	s16 =	simm.s32 @p0 $0x18AD0;
	[sflag:s4] =	ssyncadd.s32 $0xFFFFE000  }
0x53: {  	[spmem:s31] =	stream.linear.scatter @p0 [tilespmem:s16], [sflag:$0x4], $0x400, $0x38;
	[tilespmem:$0x1CED0] =	vst v63  }
0x54: {  	s16 =	simm.s32 @p0 $0x4  }
0x55: {  	_ =	swait.ge @p0 [sflag:s16], $0x400  }
0x56: {  	[sflag:s16] =	ssyncset.done @p0 $0x0  }
0x57: {  	[sflag:s16] =	ssyncadd.s32 @p0 $0xFFFFFC00;
	s16 =	simm.s32 @!p0 $0x18AD0  }
0x58: {  	[spmem:s24] =	stream.linear.scatter @!p0 [tilespmem:s16], [sflag:$0x4], $0x700, $0x38;
	[tilespmem:$0x1CED0] =	vst v63  }
0x59: {  	s16 =	simm.s32 @!p0 $0x4  }
0x5a: {  	_ =	swait.ge @!p0 [sflag:s16], $0x700  }
0x5b: {  	[sflag:s16] =	ssyncset.done @!p0 $0x0  }
0x5c: {  	[sflag:s16] =	ssyncadd.s32 @!p0 $0xFFFFF900  }
0x5d: {  	[bflag:$0x0] =	sbarrier.arrive $0xFFFF  }
0x5e: {  	s19 =	rddreg [dreg:$0xa]  }
0x5f: {  	[tilespmem:s5], [sflag:$0x4] =	stream.linear.gather [hbm4b:s19+s2], $0x200, $0x38;
	[tilespmem:$0x1CED0] =	vst v63  }
0x60: {  	_ =	swait.ge [sflag:s4], $0x200  }
0x61: {  	[sflag:s4] =	ssyncset.done $0x0  }
0x62: {  	s20 =	rddreg [dreg:$0xb];
	[sflag:s4] =	ssyncadd.s32 $0xFFFFFE00  }
0x63: {  	[tilespmem:s7], [sflag:$0x4] =	stream.linear.gather [hbm4b:s20+s2], $0x200, $0x38;
	[tilespmem:$0x1CED0] =	vst v63  }
0x64: {  	_ =	swait.ge [sflag:s4], $0x200  }
0x65: {  	[sflag:s4] =	ssyncset.done $0x0  }
0x66: {  	[sflag:s4] =	ssyncadd.s32 $0xFFFFFE00  }
0x67: {  	[tilespmem:s0], [sflag:$0x1] =	stream.indirect.gather [hbm4b:s3+s8], $0x10, s5, s8, $0xb8;
	[tilespmem:$0x1CED0] =	vst v63  }
0x68: {  	s19 =	rddreg [dreg:$0xc]  }
0x69: {  	[tilespmem:s9], [sflag:$0x3] =	stream.linear.gather [hbm4b:s19+s2], $0x200, $0x38;
	[tilespmem:$0x1CED0] =	vst v63  }
0x6a: {  	s20 =	rddreg [dreg:$0xd]  }
0x6b: {  	[tilespmem:s10], [sflag:$0x3] =	stream.linear.gather [hbm4b:s20+s2], $0x200, $0x38;
	[tilespmem:$0x1CED0] =	vst v63  }
0x6c: {  	_ =	swait.ge [sflag:s11], $0x2000  }
0x6d: {  	[sflag:s11] =	ssyncset.done $0x0  }
0x6e: {  	[sflag:s11] =	ssyncadd.s32 $0xFFFFE000  }
0x6f: {  	_ =	swait.ge [sflag:s12], $0x200  }
0x70: {  	[sflag:s12] =	ssyncset.done $0x0  }
0x71: {  	[sflag:s12] =	ssyncadd.s32 $0xFFFFFE00  }
0x72: {  	_ =	swait.ge [sflag:s12], $0x200  }
0x73: {  	[sflag:s12] =	ssyncset.done $0x0  }
0x74: {  	[sflag:s12] =	ssyncadd.s32 $0xFFFFFE00  }
0x75: {  	[tilespmem:s13], [sflag:$0x1] =	stream.indirect.gather [hbm4b:s3+s8], $0x10, s9, s8, $0xb8;
	[tilespmem:$0x1CED0] =	vst v63  }
0x76: {  	_ = 	snop  }
0x77: {  	[spmem:s1] =	stream.indirect.scatter.add.bf16 [tilespmem:s0], [sflag:$0x2], $0x10, s7, s8, $0xb8;
	[tilespmem:$0x1CED0] =	vst v63  }
0x78: {  	_ =	swait.ge [sflag:s14], $0x2000  }
0x79: {  	[sflag:s14] =	ssyncset.done $0x0  }
0x7a: {  	s19 =	sadd.s32 $0x0, s17;
	[sflag:s14] =	ssyncadd.s32 $0xFFFFE000  }
0x7b: {  	[tilespmem:s5], [sflag:$0x3] =	stream.linear.gather [hbm4b:s19+s2], $0x200, $0x38;
	[tilespmem:$0x1CED0] =	vst v63  }
0x7c: {  	s20 =	sadd.s32 $0x0, s18  }
0x7d: {  	[tilespmem:s7], [sflag:$0x3] =	stream.linear.gather [hbm4b:s20+s2], $0x200, $0x38;
	[tilespmem:$0x1CED0] =	vst v63  }
0x7e: {  	_ =	swait.ge [sflag:s11], $0x2000  }
0x7f: {  	[sflag:s11] =	ssyncset.done $0x0  }
0x80: {  	[sflag:s11] =	ssyncadd.s32 $0xFFFFE000  }
0x81: {  	_ =	swait.ge [sflag:s12], $0x200  }
0x82: {  	[sflag:s12] =	ssyncset.done $0x0  }
0x83: {  	[sflag:s12] =	ssyncadd.s32 $0xFFFFFE00  }
0x84: {  	_ =	swait.ge [sflag:s12], $0x200  }
0x85: {  	[sflag:s12] =	ssyncset.done $0x0  }
0x86: {  	[sflag:s12] =	ssyncadd.s32 $0xFFFFFE00  }
0x87: {  	[tilespmem:s0], [sflag:$0x1] =	stream.indirect.gather [hbm4b:s3+s8], $0x10, s5, s8, $0xb8;
	[tilespmem:$0x1CED0] =	vst v63  }
0x88: {  	_ = 	snop  }
0x89: {  	[spmem:s1] =	stream.indirect.scatter.add.bf16 [tilespmem:s13], [sflag:$0x2], $0x10, s10, s8, $0xb8;
	[tilespmem:$0x1CED0] =	vst v63  }
0x8a: {  	_ =	swait.ge [sflag:s14], $0x2000  }
0x8b: {  	[sflag:s14] =	ssyncset.done $0x0  }
0x8c: {  	s19 =	sadd.s32 $0x0, s28;
	[sflag:s14] =	ssyncadd.s32 $0xFFFFE000  }
0x8d: {  	[tilespmem:s9], [sflag:$0x3] =	stream.linear.gather [hbm4b:s19+s2], $0x200, $0x38;
	[tilespmem:$0x1CED0] =	vst v63  }
0x8e: {  	s20 =	sadd.s32 $0x0, s29  }
0x8f: {  	[tilespmem:s10], [sflag:$0x3] =	stream.linear.gather [hbm4b:s20+s2], $0x200, $0x38;
	[tilespmem:$0x1CED0] =	vst v63  }
0x90: {  	_ =	swait.ge [sflag:s11], $0x2000  }
0x91: {  	[sflag:s11] =	ssyncset.done $0x0  }
0x92: {  	[sflag:s11] =	ssyncadd.s32 $0xFFFFE000  }
0x93: {  	_ =	swait.ge [sflag:s12], $0x200  }
0x94: {  	[sflag:s12] =	ssyncset.done $0x0  }
0x95: {  	[sflag:s12] =	ssyncadd.s32 $0xFFFFFE00  }
0x96: {  	_ =	swait.ge [sflag:s12], $0x200  }
0x97: {  	[sflag:s12] =	ssyncset.done $0x0  }
0x98: {  	s16 =	simm.s32 $0x80;
	[sflag:s12] =	ssyncadd.s32 $0xFFFFFE00  }
0x99: {  	[tilespmem:s13], [sflag:$0x1] =	stream.indirect.gather [hbm4b:s3+s8], $0x10, s9, s8, $0xb8;
	[tilespmem:$0x1CED0] =	vst v63  }
.LBB2_2:
0x9a: {  	[spmem:s1] =	stream.indirect.scatter.add.bf16 [tilespmem:s0], [sflag:$0x2], $0x10, s7, s8, $0xb8;
	[tilespmem:$0x1CED0] =	vst v63  }
0x9b: {  	s19 =	smov.u32 s16  }
0x9c: {  	p1 =	sne.s32 s16, $0x1800;
	s16 =	sadd.s32 $0x80, s16;
	_ =	swait.ge [sflag:s14], $0x2000  }
0x9d: {  	[sflag:s14] =	ssyncset.done $0x0  }
0x9e: {  	s20 =	sadd.s32 s19, s17;
	[sflag:s14] =	ssyncadd.s32 $0xFFFFE000  }
0x9f: {  	[tilespmem:s5], [sflag:$0x3] =	stream.linear.gather [hbm4b:s20+s2], $0x200, $0x38;
	[tilespmem:$0x1CED0] =	vst v63  }
0xa0: {  	s20 =	sadd.s32 s19, s18  }
0xa1: {  	[tilespmem:s7], [sflag:$0x3] =	stream.linear.gather [hbm4b:s20+s2], $0x200, $0x38;
	[tilespmem:$0x1CED0] =	vst v63  }
0xa2: {  	_ =	swait.ge [sflag:s11], $0x2000  }
0xa3: {  	[sflag:s11] =	ssyncset.done $0x0  }
0xa4: {  	[sflag:s11] =	ssyncadd.s32 $0xFFFFE000  }
0xa5: {  	_ =	swait.ge [sflag:s12], $0x200  }
0xa6: {  	[sflag:s12] =	ssyncset.done $0x0  }
0xa7: {  	[sflag:s12] =	ssyncadd.s32 $0xFFFFFE00  }
0xa8: {  	_ =	swait.ge [sflag:s12], $0x200  }
0xa9: {  	[sflag:s12] =	ssyncset.done $0x0  }
0xaa: {  	[sflag:s12] =	ssyncadd.s32 $0xFFFFFE00  }
0xab: {  	[tilespmem:s0], [sflag:$0x1] =	stream.indirect.gather [hbm4b:s3+s8], $0x10, s5, s8, $0xb8;
	[tilespmem:$0x1CED0] =	vst v63  }
0xac: {  	_ = 	snop  }
0xad: {  	[spmem:s1] =	stream.indirect.scatter.add.bf16 [tilespmem:s13], [sflag:$0x2], $0x10, s10, s8, $0xb8;
	[tilespmem:$0x1CED0] =	vst v63  }
0xae: {  	_ =	swait.ge [sflag:s14], $0x2000  }
0xaf: {  	[sflag:s14] =	ssyncset.done $0x0  }
0xb0: {  	s20 =	sadd.s32 s19, s28;
	[sflag:s14] =	ssyncadd.s32 $0xFFFFE000  }
0xb1: {  	[tilespmem:s9], [sflag:$0x3] =	stream.linear.gather [hbm4b:s20+s2], $0x200, $0x38;
	[tilespmem:$0x1CED0] =	vst v63  }
0xb2: {  	s19 =	sadd.s32 s19, s29  }
0xb3: {  	[tilespmem:s10], [sflag:$0x3] =	stream.linear.gather [hbm4b:s19+s2], $0x200, $0x38;
	[tilespmem:$0x1CED0] =	vst v63  }
0xb4: {  	_ =	swait.ge [sflag:s11], $0x2000  }
0xb5: {  	[sflag:s11] =	ssyncset.done $0x0  }
0xb6: {  	[sflag:s11] =	ssyncadd.s32 $0xFFFFE000  }
0xb7: {  	_ =	swait.ge [sflag:s12], $0x200  }
0xb8: {  	[sflag:s12] =	ssyncset.done $0x0  }
.Ltmp0:
0xb9: {  	[sflag:s12] =	ssyncadd.s32 $0xFFFFFE00;
	(pc) =	sbr.rel @p1 .LBB2_2-.Ltmp0, $4  }
0xba: {  	_ =	swait.ge [sflag:s12], $0x200  }
0xbb: {  	[sflag:s12] =	ssyncset.done $0x0  }
0xbc: {  	[sflag:s12] =	ssyncadd.s32 $0xFFFFFE00  }
0xbd: {  	[tilespmem:s13], [sflag:$0x1] =	stream.indirect.gather [hbm4b:s3+s8], $0x10, s9, s8, $0xb8;
	[tilespmem:$0x1CED0] =	vst v63  }
0xbe: {  	[spmem:s1] =	stream.indirect.scatter.add.bf16 [tilespmem:s0], [sflag:$0x2], $0x10, s7, s8, $0xb8;
	[tilespmem:$0x1CED0] =	vst v63  }
0xbf: {  	_ =	swait.ge [sflag:s14], $0x2000  }
0xc0: {  	[sflag:s14] =	ssyncset.done $0x0  }
0xc1: {  	[sflag:s14] =	ssyncadd.s32 $0xFFFFE000  }
0xc2: {  	_ =	swait.ge [sflag:s11], $0x2000  }
0xc3: {  	[sflag:s11] =	ssyncset.done $0x0  }
0xc4: {  	[sflag:s11] =	ssyncadd.s32 $0xFFFFE000  }
0xc5: {  	[spmem:s1] =	stream.indirect.scatter.add.bf16 [tilespmem:s13], [sflag:$0x2], $0x10, s10, s8, $0xb8;
	[tilespmem:$0x1CED0] =	vst v63  }
0xc6: {  	_ =	swait.ge [sflag:s14], $0x2000  }
0xc7: {  	[sflag:s14] =	ssyncset.done $0x0  }
0xc8: {  	s16 =	sadd.s32 @p0 $0x2DD20, s25;
	[sflag:s14] =	ssyncadd.s32 $0xFFFFE000  }
0xc9: {  	s19 =	sshrl.u32 @p0 s6, $0x3;
	s20 =	simm.s32 @p0 $0x1FC4;
	[bflag:$0x0] =	sbarrier.arrive $0xFFFF  }
0xca: {  	[hbm:s16], [sflag:s20] =	dma.local @p0 [spmem:s19], $0x3020  }
0xcb: {  	s16 =	simm.s32 @p0 $0x4  }
0xcc: {  	s15 =	sadd.s32 $0x1, s15;
	s19 =	stileid.u32;
	_ =	swait.ge @p0 [sflag:s16], $0x3020  }
0xcd: {  	p1 =	sne.s32 s15, s26;
	s19 =	sshll.u32 @!p0 s19, $0x6;
	[sflag:s16] =	ssyncset.done @p0 $0x0  }
0xce: {  	[sflag:s16] =	ssyncadd.s32 @p0 $0xFFFFCFE0;
	s16 =	sor.u32 @!p0 $0x1C04, s19;
	s19 =	sshrl.u32 @!p0 s6, $0x3  }
0xcf: {  	[hbm:s30], [sflag:s16] =	dma.local @!p0 [spmem:s19], $0x30E0  }
.Ltmp1:
0xd0: {  	_ = 	snop;
	(pc) =	sbr.rel @p1 .LBB2_1-.Ltmp1, $4  }
0xd1: {  	s16 =	simm.s32 @!p0 $0x4  }
0xd2: {  	_ =	swait.ge @!p0 [sflag:s16], $0x30E0  }
0xd3: {  	[sflag:s16] =	ssyncset.done @!p0 $0x0  }
0xd4: {  	[sflag:s16] =	ssyncadd.s32 @!p0 $0xFFFFCF20  }
0xd5: {  	_ =	sfence.sel $0x180000  }
0xd6: {  	[bflag:$0x0] =	sbarrier.arrive $0xFFFF  }
0xd7: {  	_ =	strace $0x9000004D  }
0xd8: {  	s0 =	stileid.u32;
	[bflag:$0x2] =	sbarrier.arrive $0xFFFF  }
0xd9: {  	p0 =	sne.s32 s0, $0x0;
	s0 =	rddreg [dreg:$0x2]  }
0xda: {  	s0 =	sadd.s32 @!p0 $0x100000, s0  }
0xdb: {  	[sflag:s0] =	ssyncadd.tile.s32 @!p0 $0x1;
	_ =	shalt  }
.Lfunc_end2:
_tile_overlayer_lowered:
.L_overlay_start_2:
0xdc: {  	(tag) =	ssettag $0x2  }
0xdd: {  	s0 =	rddreg [dreg:$0x0];
	s2 =	stileid.u32  }
0xde: {  	s1 =	rddreg [dreg:$0x1];
	p0 =	sne.s32 s2, $0x0  }
0xdf: {  	s3 =	rddreg [dreg:$0x2];
	[bflag:$0x3] =	sbarrier.arrive $0xFFFF;
	s2 =	simm.s32 @!p0 $0x1C04  }
0xe0: {  	[timem:s3], [sflag:s2] =	dma.local @!p0 [hbm:s0], s1  }
0xe1: {  	s0 =	simm.s32 @!p0 $0x4  }
0xe2: {  	_ =	swait.ge @!p0 [sflag:s0], s1  }
0xe3: {  	s1 =	ssub.s32 @!p0 $0x0, s1;
	[sflag:s0] =	ssyncset.done @!p0 $0x0  }
0xe4: {  	[sflag:s0] =	ssyncadd.s32 @!p0 s1  }
0xe5: {  	[bflag:$0x3] =	sbarrier.arrive $0xFFFF  }
0xe6: {  	_ =	shalt  }

// kernel: kernel.19.cloned.1.call-start
scs
__scs_entry_jumppad:
0x0: {  	(pc) =	sbr.rel $0x88, $3  }
0x1: {  	(tag) =	ssettag $0x0;
	lr =	simm.s32 $0x1  }
0x2: {  	[smem:$0x3F7E] =	sst lr;
	_ =	strace $0xD0000000  }
0x3: {  	_ = 	snop  }
0x4: {  	_ = 	snop  }
0x5: {  	_ = 	snop  }
0x6: {  	_ = 	snop  }
0x7: {  	_ = 	snop  }
__scs_overlays_trampoline_lowered:
0x8: {  	[smem:$0x3F8D] =	sst s0  }
0x9: {  	[smem:$0x3F8E] =	sst s1  }
0xa: {  	[smem:$0x3F8F] =	sst s2  }
0xb: {  	[smem:$0x3F90] =	sst s3  }
0xc: {  	[smem:$0x3F91] =	sst s4  }
0xd: {  	[smem:$0x3F92] =	sst s5  }
0xe: {  	[smem:$0x3F93] =	sst s6  }
0xf: {  	[smem:$0x3F94] =	sst s7  }
0x10: {  	[smem:$0x3F95] =	sst s8  }
0x11: {  	[smem:$0x3F96] =	sst s9;
	s0 =	simm.s32 @!p0 $0x0  }
0x12: {  	s1 =	sld [smem:$0x3F7C];
	s0 =	simm.s32 @p0 $0x1  }
0x13: {  	[smem:$0x3F97] =	sst s0;
	s0 =	simm.s32 @!p1 $0x0  }
0x14: {  	s2 =	sld [smem:$0x3F7B];
	s0 =	simm.s32 @p1 $0x1  }
0x15: {  	[smem:$0x3F98] =	sst s0;
	s0 =	simm.s32 @!p2 $0x0  }
0x16: {  	s3 =	sld [smem:$0x3FDB];
	s0 =	simm.s32 @p2 $0x1  }
0x17: {  	s4 =	simm.s32 $0x1BF5;
	[smem:$0x3F9A] =	sst s0  }
0x18: {  	s0 =	sld [smem:$0x3F7D];
	_ =	swait.ge [sflag:s4], $0x0  }
0x19: {  	s7 =	sld [smem:$0x3F7E]  }
0x1a: {  	s8 =	sadd.s32 $0xFFFFE003, lr  }
0x1b: {  	s9 =	sadd.s32 $0xFFFFFEF7, lr;
	s5 =	simm.s32 $0xFFFFFFFF;
	p2 =	slt.u32 s8, $0xFFFFF086  }
0x1c: {  	p1 =	slt.u32 s9, $0xF7A;
	s5 =	simm.s32 @!p2 $0x0  }
0x1d: {  	s5 =	simm.s32 @p1 $0x1;
	p0 =	seq.s32 s7, s2  }
0x1e: {  	s7 =	smul.u32 @!p0 $0xF7A, s2;
	p2 =	seq.s32 @!p0 s5, $0x0  }
0x1f: {  	s9 =	smul.u32 $0xF7A, s1;
	s8 =	simm.s32 @!p0 $0x1BF5;
	p2 =	por !p2, p0  }
0x20: {  	[sflag:s8] =	ssyncset.s32 @!p0 $0xFFFFF086;
	s6 =	sadd.s32 @!p0 s3, s7;
	s7 =	simm.s32 @!p0 $0x108  }
0x21: {  	s3 =	sadd.s32 s3, s9;
	s6 =	sadd.s32 @!p0 $0x88, s6;
	s7 =	simm.s32 @p2 $0x1082  }
0x22: {  	[simem:s7], [sflag:s8] =	dma.local @!p0 [hbm:s6], $0xF7A  }
0x23: {  	s9 =	sor.u32 $0xD0000000, s2;
	s6 =	simm.s32 $0x108;
	_ =	swait.ge @!p0 [sflag:s8], $0x0  }
0x24: {  	s3 =	sadd.s32 $0x88, s3;
	s6 =	simm.s32 @!p1 $0x1082;
	[sflag:s4] =	ssyncset.s32 $0xFFFFF086  }
0x25: {  	[simem:s6], [sflag:s4] =	dma.local [hbm:s3], $0xF7A  }
0x26: {  	[smem:$0x3F7E] =	sst s1;
	(tag) =	ssettag s2;
	_ =	strace s9  }
0x27: {  	s1 =	sld [smem:$0x3F8E]  }
0x28: {  	s2 =	sld [smem:$0x3F8F]  }
0x29: {  	s4 =	sld [smem:$0x3F91]  }
0x2a: {  	p0 =	seq.s32 s5, $0x0;
	s5 =	sld [smem:$0x3F92]  }
0x2b: {  	s6 =	sld [smem:$0x3F93]  }
0x2c: {  	s7 =	sld [smem:$0x3F94]  }
0x2d: {  	s3 =	simm.s32 $0x108;
	s8 =	sld [smem:$0x3F95]  }
0x2e: {  	s3 =	simm.s32 @!p0 $0x1082;
	s9 =	sld [smem:$0x3F96]  }
0x2f: {  	lr =	sadd.s32 s0, s3;
	s0 =	sld [smem:$0x3F8D]  }
0x30: {  	s3 =	sld [smem:$0x3F90]  }
0x31: {  	[smem:$0x3F99] =	sst s10  }
0x32: {  	s10 =	sld [smem:$0x3F97];
	_ =	sdelay $0x3  }
0x33: {  	p0 =	seq.s32 s10, $0x1;
	s10 =	sld [smem:$0x3F99];
	_ =	sdelay $0x3  }
0x34: {  	[smem:$0x3F99] =	sst s10  }
0x35: {  	s10 =	sld [smem:$0x3F98];
	_ =	sdelay $0x3  }
0x36: {  	p1 =	seq.s32 s10, $0x1;
	s10 =	sld [smem:$0x3F99];
	_ =	sdelay $0x3  }
0x37: {  	[smem:$0x3F99] =	sst s10  }
0x38: {  	s10 =	sld [smem:$0x3F9A]  }
0x39: {  	_ = 	snop;
	(pc) =	sbr.ind lr, $3  }
0x3a: {  	_ = 	snop  }
0x3b: {  	_ = 	snop  }
0x3c: {  	p2 =	seq.s32 s10, $0x1;
	s10 =	sld [smem:$0x3F99]  }
0x3d: {  	_ =	shalt  }
0x3e: {  	_ =	shalt  }
0x3f: {  	_ =	shalt  }
0x40: {  	_ =	shalt  }
0x41: {  	_ =	shalt  }
0x42: {  	_ =	shalt  }
0x43: {  	_ =	shalt  }
0x44: {  	_ =	shalt  }
0x45: {  	_ =	shalt  }
0x46: {  	_ =	shalt  }
0x47: {  	_ =	shalt  }
0x48: {  	_ =	shalt  }
0x49: {  	_ =	shalt  }
0x4a: {  	_ =	shalt  }
0x4b: {  	_ =	shalt  }
0x4c: {  	_ =	shalt  }
0x4d: {  	_ =	shalt  }
0x4e: {  	_ =	shalt  }
0x4f: {  	_ =	shalt  }
0x50: {  	_ =	shalt  }
0x51: {  	_ =	shalt  }
0x52: {  	_ =	shalt  }
0x53: {  	_ =	shalt  }
0x54: {  	_ =	shalt  }
0x55: {  	_ =	shalt  }
0x56: {  	_ =	shalt  }
0x57: {  	_ =	shalt  }
0x58: {  	_ =	shalt  }
0x59: {  	_ =	shalt  }
0x5a: {  	_ =	shalt  }
0x5b: {  	_ =	shalt  }
0x5c: {  	_ =	shalt  }
0x5d: {  	_ =	shalt  }
0x5e: {  	_ =	shalt  }
0x5f: {  	_ =	shalt  }
0x60: {  	_ =	shalt  }
0x61: {  	_ =	shalt  }
0x62: {  	_ =	shalt  }
0x63: {  	_ =	shalt  }
0x64: {  	_ =	shalt  }
0x65: {  	_ =	shalt  }
0x66: {  	_ =	shalt  }
0x67: {  	_ =	shalt  }
0x68: {  	_ =	shalt  }
0x69: {  	_ =	shalt  }
0x6a: {  	_ =	shalt  }
0x6b: {  	_ =	shalt  }
0x6c: {  	_ =	shalt  }
0x6d: {  	_ =	shalt  }
0x6e: {  	_ =	shalt  }
0x6f: {  	_ =	shalt  }
0x70: {  	_ =	shalt  }
0x71: {  	_ =	shalt  }
0x72: {  	_ =	shalt  }
0x73: {  	_ =	shalt  }
0x74: {  	_ =	shalt  }
0x75: {  	_ =	shalt  }
0x76: {  	_ =	shalt  }
0x77: {  	_ =	shalt  }
0x78: {  	_ =	shalt  }
0x79: {  	_ =	shalt  }
0x7a: {  	_ =	shalt  }
0x7b: {  	_ =	shalt  }
0x7c: {  	_ =	shalt  }
0x7d: {  	_ =	shalt  }
0x7e: {  	_ =	shalt  }
0x7f: {  	_ =	shalt  }
0x80: {  	_ =	shalt  }
0x81: {  	_ =	shalt  }
0x82: {  	_ =	shalt  }
0x83: {  	_ =	shalt  }
0x84: {  	_ =	shalt  }
0x85: {  	_ =	shalt  }
0x86: {  	_ =	shalt  }
0x87: {  	_ =	shalt  }
.Lfunc_end0:
.L_simem_size_0:
called_computation.3_lowered:
.L_overlay_start_0:
0x88: {  	s2 =	sld [smem:$0x3FD9]  }
0x89: {  	s3 =	sld [smem:$0x3FFE];
	_ =	sdelay $0x1  }
0x8a: {  	s1 =	srdreg.scid  }
0x8b: {  	s0 =	sand.u32 $0x1, s1  }
0x8c: {  	s17 =	sshll.u32 s0, $0xA;
	s2 =	sadd.s32 s3, s2  }
0x8d: {  	s2 =	sadd.s32 s2, s17  }
0x8e: {  	[smem:$0x3FA5] =	sst s2  }
0x8f: {  	_ = 	snop  }
0x90: {  	(tm) =	ssettm $0x1  }
0x91: {  	s18 =	sld [smem:$0x3FFB];
	_ =	sdelay $0x3  }
0x92: {  	_ =	strace s18  }
0x93: {  	s2 =	sld [smem:$0x3FFC];
	_ =	sdelay $0x3  }
0x94: {  	_ =	strace s2  }
0x95: {  	s2 =	sld [smem:$0x3FFD];
	_ =	sdelay $0x3  }
0x96: {  	_ =	strace s2  }
0x97: {  	_ =	strace $0x8FFFFFFF  }
0x98: {  	s19 =	sld [smem:$0x3FDB];
	_ =	sdelay $0x1  }
0x99: {  	s20 =	simm.s32 $_scs_section_size  }
0x9a: {  	s4 =	simm.s32 $_size__tile_overlayer_lowered;
	s5 =	simm.s32 $_tile_overlayer_lowered  }
0x9b: {  	s6 =	simm.s32 $0x1BFF;
	s21 =	sshll.u32 s5, $0x1;
	s3 =	sadd.s32 s20, s19  }
0x9c: {  	s22 =	simm.s32 $0x0;
	s4 =	sshll.u32 s4, $0x1;
	s5 =	sadd.s32 s21, s3  }
0x9d: {  	[timem:s22], [sflag:s6] =	dma.local [hbm:s5], s4  }
0x9e: {  	_ =	swait.ge [sflag:s6], s4  }
0x9f: {  	s4 =	ssub.s32 $0x0, s4;
	[sflag:s6] =	ssyncset.done $0x0  }
0xa0: {  	[sflag:s6] =	ssyncadd.s32 s4;
	_ =	sdelay $0x1  }
0xa1: {  	s23 =	simm.s32 $0x1B8B  }
0xa2: {  	_ =	swait.ge [sflag:s23], $0x1  }
0xa3: {  	[sflag:s23] =	ssyncset.done $0x0  }
0xa4: {  	[sflag:s23] =	ssyncadd.s32 $0xFFFFFFFF  }
0xa5: {  	s4 =	sld [smem:$0x0]  }
0xa6: {  	s5 =	sand.u32 $0xFFFFFFFE, s1  }
0xa7: {  	p0 =	sne.s32 s1, s5  }
0xa8: {  	s5 =	sshll.u32 @p0 s5, $0xE  }
0xa9: {  	s5 =	sadd.s32 @p0 $0x11B8D, s5;
	s6 =	sshll.u32 @p0 s4, $0x11  }
0xaa: {  	s5 =	sor.u32 @p0 s6, s5  }
0xab: {  	[sflag:s5] =	ssyncadd.remote.s32 @p0 $0x1;
	_ =	sdelay $0x1  }
0xac: {  	s5 =	simm.s32 @p0 $0x1B8D  }
0xad: {  	_ =	swait.eq @p0 [sflag:s5], $0x1  }
0xae: {  	[sflag:s5] =	ssyncadd.s32 @p0 $0xFFFFFFFF  }
0xaf: {  	s6 =	sshll.u32 @!p0 s1, $0xE  }
0xb0: {  	s6 =	sor.u32 @!p0 $0x4000, s6;
	s5 =	simm.s32 @!p0 $0x1B8D  }
0xb1: {  	s4 =	sshll.u32 @!p0 s4, $0x11;
	s6 =	sadd.s32 @!p0 $0x11B8D, s6;
	_ =	swait.eq @!p0 [sflag:s5], $0x1  }
0xb2: {  	s4 =	sor.u32 @!p0 s4, s6;
	[sflag:s5] =	ssyncadd.s32 @!p0 $0xFFFFFFFF  }
0xb3: {  	s25 =	simm.s32 $0x1B8E;
	s24 =	sld [smem:$0x3FFE];
	[sflag:s4] =	ssyncadd.remote.s32 @!p0 $0x1  }
0xb4: {  	s26 =	simm.s32 $execute0_lowered;
	[smem:$0x3FD2] =	sst s25  }
0xb5: {  	s5 =	sshll.u32 s26, $0x1;
	_ =	strace $0x8000004F;
	[dreg:$0x1] =	wrdreg $0xFFFFFFFF  }
0xb6: {  	s28 =	simm.s32 $_size_execute0_lowered;
	s3 =	sadd.s32 s3, s5;
	[dreg:$0x0] =	wrdreg $0x0  }
0xb7: {  	s5 =	sshll.u32 s28, $0x1;
	[dreg:$0x2] =	wrdreg s3  }
0xb8: {  	[dreg:$0x3] =	wrdreg s5  }
0xb9: {  	[dreg:$0x4] =	wrdreg $0xC0  }
0xba: {  	_ =	task [dreg:s22], $0x5FFFF  }
0xbb: {  	[dreg:$0x1] =	wrdreg $0xFFFFFFFF  }
0xbc: {  	[dreg:$0x0] =	wrdreg $0x60  }
0xbd: {  	[dreg:$0x2] =	wrdreg s24  }
0xbe: {  	[dreg:$0x3] =	wrdreg $0x0  }
0xbf: {  	[dreg:$0x4] =	wrdreg $0x9  }
0xc0: {  	_ =	task.clear_ibuf [dreg:s22], $0x5FFFF;
	_ =	strace $0x9000004F  }
0xc1: {  	s29 =	simm.s32 $0x9;
	_ =	strace $0x80000051  }
0xc2: {  	_ =	swait.ge [sflag:s29], $0x1  }
0xc3: {  	[sflag:s29] =	ssyncadd.s32 $0xFFFFFFFF  }
0xc4: {  	_ =	strace $0x90000051  }
0xc5: {  	_ =	sfence  }
0xc6: {  	s30 =	sld [smem:$0x0];
	_ =	sdelay $0x2  }
0xc7: {  	s31 =	sshll.u32 s1, $0xD;
	s1 =	sshrl.u32 s1, $0x2  }
0xc8: {  	s4 =	sand.u32 $0x4000, s31;
	s1 =	sadd.s32 s1, s30  }
0xc9: {  	s0 =	sor.u32 s4, s0;
	s1 =	sshll.u32 s1, $0x11  }
0xca: {  	s0 =	sor.u32 s1, s0  }
0xcb: {  	s0 =	sadd.s32 $0x8F2B, s0  }
0xcc: {  	[sflag:s0] =	ssyncadd.remote.s32 $0x1  }
0xcd: {  	_ =	sfence.sel $0xFFFF  }
0xce: {  	[dreg:$0x0] =	wrdreg $0xFFFFFFFF;
	(pc) =	sbr.abs _section_cstart, $3  }
0xcf: {  	[dreg:$0x1] =	wrdreg $0xFFFFFFFF  }
0xd0: {  	_ =	task.clear_ibuf [dreg:s22], $0x2FFFF;
	_ =	strace $0x9FFFFFFF  }
0xd1: {  	(tm) =	ssettm $0x7FFFFFFF  }
tec
execute0_lowered:
.L_overlay_start_1:
0x0: {  	(tag) =	ssettag $0x1  }
0x1: {  	s0 =	rddreg [dreg:$0x0]  }
0x2: {  	s1 =	rddreg [dreg:$0x1];
	s2 =	simm.s32 $0x0;
	s4 =	srdreg.scid  }
0x3: {  	s13 =	stileid.u32;
	[smem:$0x7FF] =	sst s2;
	s3 =	sadd.s32 $0xFC600, s0  }
0x4: {  	s5 =	sadd.s32 $0x68A00, s0;
	s4 =	sand.u32 $0x1, s4;
	s9 =	smul.u32 $0x30E00, s13  }
0x5: {  	s7 =	sadd.s32 $0x5800, s0;
	s8 =	sadd.s32 $0x37800, s0;
	s11 =	smul.u32 $0x61C00, s13  }
0x6: {  	s24 =	smul.u32 $0x64, s13;
	p0 =	seq.s32 s13, $0xF;
	s31 =	sadd.s32 $0x186900, s1  }
0x7: {  	_ =	strace $0x80000050;
	s6 =	smul.u32 $0x30D40, s4;
	[dreg:$0x3] =	wrdreg s8  }
0x8: {  	s20 =	ssub.s32 $0x2, s4;
	s12 =	sshll.u32 s4, $0x4;
	s4 =	smul.u32 $0x640, s4  }
0x9: {  	s10 =	sshrl.u32 s20, $0x1;
	s21 =	sor.u32 s13, s12;
	s11 =	sshrl.u32 s11, $0x2  }
0xa: {  	s22 =	sshrl.u32 s9, $0x1;
	s8 =	ssub.s32 s20, s10;
	s10 =	sadd.s32 s11, s1  }
0xb: {  	s13 =	simm.s32 $0x1AED0;
	s0 =	sadd.s32 s6, s0;
	s11 =	sadd.s32 $0x2000, s10  }
0xc: {  	s12 =	smul.u32 $0x1900, s21;
	s23 =	sadd.s32 $0x4000, s10;
	[dreg:$0x4] =	wrdreg s11  }
0xd: {  	s6 =	sadd.s32 s22, s1;
	s14 =	sadd.s32 $0x6000, s10;
	[dreg:$0x5] =	wrdreg s23  }
0xe: {  	s4 =	sadd.s32 s24, s4;
	s25 =	sadd.s32 $0x8000, s10;
	[dreg:$0x6] =	wrdreg s14  }
0xf: {  	s26 =	sadd.s32 $0xA000, s10;
	s15 =	sadd.s32 $0xC000, s10;
	[dreg:$0x7] =	wrdreg s25  }
0x10: {  	s4 =	sshll.u32 s4, $0x6;
	s21 =	sadd.s32 $0x12000, s10;
	[dreg:$0x8] =	wrdreg s26  }
0x11: {  	s22 =	sadd.s32 $0x14000, s10;
	s24 =	sadd.s32 $0x18000, s10;
	[dreg:$0x9] =	wrdreg s15  }
0x12: {  	s16 =	sadd.s32 s5, s12;
	s17 =	sadd.s32 s7, s12;
	s18 =	sor.u32 $0x40, s12  }
0x13: {  	s19 =	sor.u32 $0x80, s4;
	s20 =	sadd.s32 s4, s5;
	s4 =	sadd.s32 s4, s7  }
0x14: {  	s25 =	sadd.s32 $0xE000, s10;
	s26 =	sadd.s32 $0x10000, s10;
	s23 =	sadd.s32 $0x16000, s10  }
0x15: {  	s10 =	simm.s32 $0x1ACD0;
	s14 =	simm.s32 $0x2;
	[dreg:$0xa] =	wrdreg s16  }
0x16: {  	s15 =	simm.s32 $0x0;
	[dreg:$0xb] =	wrdreg s17;
	s12 =	sadd.s32 s5, s18  }
0x17: {  	s11 =	sadd.s32 s7, s18;
	s17 =	sadd.s32 s19, s5;
	[dreg:$0xe] =	wrdreg s25  }
0x18: {  	s18 =	sadd.s32 s19, s7;
	[dreg:$0xf] =	wrdreg s26;
	s25 =	sadd.s32 $0x12D400, s0  }
0x19: {  	s0 =	sshrl.u32 s9, $0x4;
	s26 =	smax.u32 s8, $0x1;
	s28 =	sadd.s32 $0xC0, s20  }
0x1a: {  	s29 =	sadd.s32 $0xC0, s4;
	s4 =	simm.s32 $0x4;
	s5 =	simm.s32 $0x186D0  }
0x1b: {  	s7 =	simm.s32 $0x188D0;
	s8 =	simm.s32 $0x200;
	[dreg:$0xc] =	wrdreg s12  }
0x1c: {  	s9 =	simm.s32 $0x1AAD0;
	[dreg:$0xd] =	wrdreg s11;
	s30 =	sadd.s32 @!p0 s0, s25  }
0x1d: {  	s0 =	simm.s32 $0x18AD0;
	s11 =	simm.s32 $0x1;
	s12 =	simm.s32 $0x3  }
.LBB2_1:
0x1e: {  	s16 =	rddreg [dreg:$0x3]  }
0x1f: {  	[tilespmem:s0], [sflag:$0x4] =	stream.linear.gather [hbm4b:s16+s2], $0x2000, $0x38;
	[tilespmem:$0x1CED0] =	vst v63  }
0x20: {  	_ =	swait.ge [sflag:s4], $0x2000  }
0x21: {  	[sflag:s4] =	ssyncset.done $0x0  }
0x22: {  	[sflag:s4] =	ssyncadd.s32 $0xFFFFE000  }
0x23: {  	[spmem:s6] =	stream.linear.scatter [tilespmem:s0], [sflag:$0x4], $0x2000, $0x38;
	[tilespmem:$0x1CED0] =	vst v63  }
0x24: {  	_ =	swait.ge [sflag:s4], $0x2000  }
0x25: {  	[sflag:s4] =	ssyncset.done $0x0  }
0x26: {  	s19 =	rddreg [dreg:$0x4];
	[sflag:s4] =	ssyncadd.s32 $0xFFFFE000  }
0x27: {  	[spmem:s19] =	stream.linear.scatter [tilespmem:s0], [sflag:$0x4], $0x2000, $0x38;
	[tilespmem:$0x1CED0] =	vst v63  }
0x28: {  	_ =	swait.ge [sflag:s4], $0x2000  }
0x29: {  	[sflag:s4] =	ssyncset.done $0x0  }
0x2a: {  	s20 =	rddreg [dreg:$0x5];
	[sflag:s4] =	ssyncadd.s32 $0xFFFFE000  }
0x2b: {  	[spmem:s20] =	stream.linear.scatter [tilespmem:s0], [sflag:$0x4], $0x2000, $0x38;
	[tilespmem:$0x1CED0] =	vst v63  }
0x2c: {  	_ =	swait.ge [sflag:s4], $0x2000  }
0x2d: {  	[sflag:s4] =	ssyncset.done $0x0  }
0x2e: {  	s19 =	rddreg [dreg:$0x6];
	[sflag:s4] =	ssyncadd.s32 $0xFFFFE000  }
0x2f: {  	[spmem:s19] =	stream.linear.scatter [tilespmem:s0], [sflag:$0x4], $0x2000, $0x38;
	[tilespmem:$0x1CED0] =	vst v63  }
0x30: {  	_ =	swait.ge [sflag:s4], $0x2000  }
0x31: {  	[sflag:s4] =	ssyncset.done $0x0  }
0x32: {  	s20 =	rddreg [dreg:$0x7];
	[sflag:s4] =	ssyncadd.s32 $0xFFFFE000  }
0x33: {  	[spmem:s20] =	stream.linear.scatter [tilespmem:s0], [sflag:$0x4], $0x2000, $0x38;
	[tilespmem:$0x1CED0] =	vst v63  }
0x34: {  	_ =	swait.ge [sflag:s4], $0x2000  }
0x35: {  	[sflag:s4] =	ssyncset.done $0x0  }
0x36: {  	s19 =	rddreg [dreg:$0x8];
	[sflag:s4] =	ssyncadd.s32 $0xFFFFE000  }
0x37: {  	[spmem:s19] =	stream.linear.scatter [tilespmem:s0], [sflag:$0x4], $0x2000, $0x38;
	[tilespmem:$0x1CED0] =	vst v63  }
0x38: {  	_ =	swait.ge [sflag:s4], $0x2000  }
0x39: {  	[sflag:s4] =	ssyncset.done $0x0  }
0x3a: {  	s20 =	rddreg [dreg:$0x9];
	[sflag:s4] =	ssyncadd.s32 $0xFFFFE000  }
0x3b: {  	[spmem:s20] =	stream.linear.scatter [tilespmem:s0], [sflag:$0x4], $0x2000, $0x38;
	[tilespmem:$0x1CED0] =	vst v63  }
0x3c: {  	_ =	swait.ge [sflag:s4], $0x2000  }
0x3d: {  	[sflag:s4] =	ssyncset.done $0x0  }
0x3e: {  	s19 =	rddreg [dreg:$0xe];
	[sflag:s4] =	ssyncadd.s32 $0xFFFFE000  }
0x3f: {  	[spmem:s19] =	stream.linear.scatter [tilespmem:s0], [sflag:$0x4], $0x2000, $0x38;
	[tilespmem:$0x1CED0] =	vst v63  }
0x40: {  	_ =	swait.ge [sflag:s4], $0x2000  }
0x41: {  	[sflag:s4] =	ssyncset.done $0x0  }
0x42: {  	s20 =	rddreg [dreg:$0xf];
	[sflag:s4] =	ssyncadd.s32 $0xFFFFE000  }
0x43: {  	[spmem:s20] =	stream.linear.scatter [tilespmem:s0], [sflag:$0x4], $0x2000, $0x38;
	[tilespmem:$0x1CED0] =	vst v63  }
0x44: {  	_ =	swait.ge [sflag:s4], $0x2000  }
0x45: {  	[sflag:s4] =	ssyncset.done $0x0  }
0x46: {  	[sflag:s4] =	ssyncadd.s32 $0xFFFFE000  }
0x47: {  	[spmem:s21] =	stream.linear.scatter [tilespmem:s0], [sflag:$0x4], $0x2000, $0x38;
	[tilespmem:$0x1CED0] =	vst v63  }
0x48: {  	_ =	swait.ge [sflag:s4], $0x2000  }
0x49: {  	[sflag:s4] =	ssyncset.done $0x0  }
0x4a: {  	[sflag:s4] =	ssyncadd.s32 $0xFFFFE000  }
0x4b: {  	[spmem:s22] =	stream.linear.scatter [tilespmem:s0], [sflag:$0x4], $0x2000, $0x38;
	[tilespmem:$0x1CED0] =	vst v63  }
0x4c: {  	_ =	swait.ge [sflag:s4], $0x2000  }
0x4d: {  	[sflag:s4] =	ssyncset.done $0x0  }
0x4e: {  	[sflag:s4] =	ssyncadd.s32 $0xFFFFE000  }
0x4f: {  	[spmem:s23] =	stream.linear.scatter [tilespmem:s0], [sflag:$0x4], $0x2000, $0x38;
	[tilespmem:$0x1CED0] =	vst v63  }
0x50: {  	_ =	swait.ge [sflag:s4], $0x2000  }
0x51: {  	[sflag:s4] =	ssyncset.done $0x0  }
0x52: {  	s16 =	simm.s32 @p0 $0x18AD0;
	[sflag:s4] =	ssyncadd.s32 $0xFFFFE000  }
0x53: {  	[spmem:s31] =	stream.linear.scatter @p0 [tilespmem:s16], [sflag:$0x4], $0x400, $0x38;
	[tilespmem:$0x1CED0] =	vst v63  }
0x54: {  	s16 =	simm.s32 @p0 $0x4  }
0x55: {  	_ =	swait.ge @p0 [sflag:s16], $0x400  }
0x56: {  	[sflag:s16] =	ssyncset.done @p0 $0x0  }
0x57: {  	[sflag:s16] =	ssyncadd.s32 @p0 $0xFFFFFC00;
	s16 =	simm.s32 @!p0 $0x18AD0  }
0x58: {  	[spmem:s24] =	stream.linear.scatter @!p0 [tilespmem:s16], [sflag:$0x4], $0x700, $0x38;
	[tilespmem:$0x1CED0] =	vst v63  }
0x59: {  	s16 =	simm.s32 @!p0 $0x4  }
0x5a: {  	_ =	swait.ge @!p0 [sflag:s16], $0x700  }
0x5b: {  	[sflag:s16] =	ssyncset.done @!p0 $0x0  }
0x5c: {  	[sflag:s16] =	ssyncadd.s32 @!p0 $0xFFFFF900  }
0x5d: {  	[bflag:$0x0] =	sbarrier.arrive $0xFFFF  }
0x5e: {  	s19 =	rddreg [dreg:$0xa]  }
0x5f: {  	[tilespmem:s5], [sflag:$0x4] =	stream.linear.gather [hbm4b:s19+s2], $0x200, $0x38;
	[tilespmem:$0x1CED0] =	vst v63  }
0x60: {  	_ =	swait.ge [sflag:s4], $0x200  }
0x61: {  	[sflag:s4] =	ssyncset.done $0x0  }
0x62: {  	s20 =	rddreg [dreg:$0xb];
	[sflag:s4] =	ssyncadd.s32 $0xFFFFFE00  }
0x63: {  	[tilespmem:s7], [sflag:$0x4] =	stream.linear.gather [hbm4b:s20+s2], $0x200, $0x38;
	[tilespmem:$0x1CED0] =	vst v63  }
0x64: {  	_ =	swait.ge [sflag:s4], $0x200  }
0x65: {  	[sflag:s4] =	ssyncset.done $0x0  }
0x66: {  	[sflag:s4] =	ssyncadd.s32 $0xFFFFFE00  }
0x67: {  	[tilespmem:s0], [sflag:$0x1] =	stream.indirect.gather [hbm4b:s3+s8], $0x10, s5, s8, $0xb8;
	[tilespmem:$0x1CED0] =	vst v63  }
0x68: {  	s19 =	rddreg [dreg:$0xc]  }
0x69: {  	[tilespmem:s9], [sflag:$0x3] =	stream.linear.gather [hbm4b:s19+s2], $0x200, $0x38;
	[tilespmem:$0x1CED0] =	vst v63  }
0x6a: {  	s20 =	rddreg [dreg:$0xd]  }
0x6b: {  	[tilespmem:s10], [sflag:$0x3] =	stream.linear.gather [hbm4b:s20+s2], $0x200, $0x38;
	[tilespmem:$0x1CED0] =	vst v63  }
0x6c: {  	_ =	swait.ge [sflag:s11], $0x2000  }
0x6d: {  	[sflag:s11] =	ssyncset.done $0x0  }
0x6e: {  	[sflag:s11] =	ssyncadd.s32 $0xFFFFE000  }
0x6f: {  	_ =	swait.ge [sflag:s12], $0x200  }
0x70: {  	[sflag:s12] =	ssyncset.done $0x0  }
0x71: {  	[sflag:s12] =	ssyncadd.s32 $0xFFFFFE00  }
0x72: {  	_ =	swait.ge [sflag:s12], $0x200  }
0x73: {  	[sflag:s12] =	ssyncset.done $0x0  }
0x74: {  	[sflag:s12] =	ssyncadd.s32 $0xFFFFFE00  }
0x75: {  	[tilespmem:s13], [sflag:$0x1] =	stream.indirect.gather [hbm4b:s3+s8], $0x10, s9, s8, $0xb8;
	[tilespmem:$0x1CED0] =	vst v63  }
0x76: {  	_ = 	snop  }
0x77: {  	[spmem:s1] =	stream.indirect.scatter.add.bf16 [tilespmem:s0], [sflag:$0x2], $0x10, s7, s8, $0xb8;
	[tilespmem:$0x1CED0] =	vst v63  }
0x78: {  	_ =	swait.ge [sflag:s14], $0x2000  }
0x79: {  	[sflag:s14] =	ssyncset.done $0x0  }
0x7a: {  	s19 =	sadd.s32 $0x0, s17;
	[sflag:s14] =	ssyncadd.s32 $0xFFFFE000  }
0x7b: {  	[tilespmem:s5], [sflag:$0x3] =	stream.linear.gather [hbm4b:s19+s2], $0x200, $0x38;
	[tilespmem:$0x1CED0] =	vst v63  }
0x7c: {  	s20 =	sadd.s32 $0x0, s18  }
0x7d: {  	[tilespmem:s7], [sflag:$0x3] =	stream.linear.gather [hbm4b:s20+s2], $0x200, $0x38;
	[tilespmem:$0x1CED0] =	vst v63  }
0x7e: {  	_ =	swait.ge [sflag:s11], $0x2000  }
0x7f: {  	[sflag:s11] =	ssyncset.done $0x0  }
0x80: {  	[sflag:s11] =	ssyncadd.s32 $0xFFFFE000  }
0x81: {  	_ =	swait.ge [sflag:s12], $0x200  }
0x82: {  	[sflag:s12] =	ssyncset.done $0x0  }
0x83: {  	[sflag:s12] =	ssyncadd.s32 $0xFFFFFE00  }
0x84: {  	_ =	swait.ge [sflag:s12], $0x200  }
0x85: {  	[sflag:s12] =	ssyncset.done $0x0  }
0x86: {  	[sflag:s12] =	ssyncadd.s32 $0xFFFFFE00  }
0x87: {  	[tilespmem:s0], [sflag:$0x1] =	stream.indirect.gather [hbm4b:s3+s8], $0x10, s5, s8, $0xb8;
	[tilespmem:$0x1CED0] =	vst v63  }
0x88: {  	_ = 	snop  }
0x89: {  	[spmem:s1] =	stream.indirect.scatter.add.bf16 [tilespmem:s13], [sflag:$0x2], $0x10, s10, s8, $0xb8;
	[tilespmem:$0x1CED0] =	vst v63  }
0x8a: {  	_ =	swait.ge [sflag:s14], $0x2000  }
0x8b: {  	[sflag:s14] =	ssyncset.done $0x0  }
0x8c: {  	s19 =	sadd.s32 $0x0, s28;
	[sflag:s14] =	ssyncadd.s32 $0xFFFFE000  }
0x8d: {  	[tilespmem:s9], [sflag:$0x3] =	stream.linear.gather [hbm4b:s19+s2], $0x200, $0x38;
	[tilespmem:$0x1CED0] =	vst v63  }
0x8e: {  	s20 =	sadd.s32 $0x0, s29  }
0x8f: {  	[tilespmem:s10], [sflag:$0x3] =	stream.linear.gather [hbm4b:s20+s2], $0x200, $0x38;
	[tilespmem:$0x1CED0] =	vst v63  }
0x90: {  	_ =	swait.ge [sflag:s11], $0x2000  }
0x91: {  	[sflag:s11] =	ssyncset.done $0x0  }
0x92: {  	[sflag:s11] =	ssyncadd.s32 $0xFFFFE000  }
0x93: {  	_ =	swait.ge [sflag:s12], $0x200  }
0x94: {  	[sflag:s12] =	ssyncset.done $0x0  }
0x95: {  	[sflag:s12] =	ssyncadd.s32 $0xFFFFFE00  }
0x96: {  	_ =	swait.ge [sflag:s12], $0x200  }
0x97: {  	[sflag:s12] =	ssyncset.done $0x0  }
0x98: {  	s16 =	simm.s32 $0x80;
	[sflag:s12] =	ssyncadd.s32 $0xFFFFFE00  }
0x99: {  	[tilespmem:s13], [sflag:$0x1] =	stream.indirect.gather [hbm4b:s3+s8], $0x10, s9, s8, $0xb8;
	[tilespmem:$0x1CED0] =	vst v63  }
.LBB2_2:
0x9a: {  	[spmem:s1] =	stream.indirect.scatter.add.bf16 [tilespmem:s0], [sflag:$0x2], $0x10, s7, s8, $0xb8;
	[tilespmem:$0x1CED0] =	vst v63  }
0x9b: {  	s19 =	smov.u32 s16  }
0x9c: {  	p1 =	sne.s32 s16, $0x1800;
	s16 =	sadd.s32 $0x80, s16;
	_ =	swait.ge [sflag:s14], $0x2000  }
0x9d: {  	[sflag:s14] =	ssyncset.done $0x0  }
0x9e: {  	s20 =	sadd.s32 s19, s17;
	[sflag:s14] =	ssyncadd.s32 $0xFFFFE000  }
0x9f: {  	[tilespmem:s5], [sflag:$0x3] =	stream.linear.gather [hbm4b:s20+s2], $0x200, $0x38;
	[tilespmem:$0x1CED0] =	vst v63  }
0xa0: {  	s20 =	sadd.s32 s19, s18  }
0xa1: {  	[tilespmem:s7], [sflag:$0x3] =	stream.linear.gather [hbm4b:s20+s2], $0x200, $0x38;
	[tilespmem:$0x1CED0] =	vst v63  }
0xa2: {  	_ =	swait.ge [sflag:s11], $0x2000  }
0xa3: {  	[sflag:s11] =	ssyncset.done $0x0  }
0xa4: {  	[sflag:s11] =	ssyncadd.s32 $0xFFFFE000  }
0xa5: {  	_ =	swait.ge [sflag:s12], $0x200  }
0xa6: {  	[sflag:s12] =	ssyncset.done $0x0  }
0xa7: {  	[sflag:s12] =	ssyncadd.s32 $0xFFFFFE00  }
0xa8: {  	_ =	swait.ge [sflag:s12], $0x200  }
0xa9: {  	[sflag:s12] =	ssyncset.done $0x0  }
0xaa: {  	[sflag:s12] =	ssyncadd.s32 $0xFFFFFE00  }
0xab: {  	[tilespmem:s0], [sflag:$0x1] =	stream.indirect.gather [hbm4b:s3+s8], $0x10, s5, s8, $0xb8;
	[tilespmem:$0x1CED0] =	vst v63  }
0xac: {  	_ = 	snop  }
0xad: {  	[spmem:s1] =	stream.indirect.scatter.add.bf16 [tilespmem:s13], [sflag:$0x2], $0x10, s10, s8, $0xb8;
	[tilespmem:$0x1CED0] =	vst v63  }
0xae: {  	_ =	swait.ge [sflag:s14], $0x2000  }
0xaf: {  	[sflag:s14] =	ssyncset.done $0x0  }
0xb0: {  	s20 =	sadd.s32 s19, s28;
	[sflag:s14] =	ssyncadd.s32 $0xFFFFE000  }
0xb1: {  	[tilespmem:s9], [sflag:$0x3] =	stream.linear.gather [hbm4b:s20+s2], $0x200, $0x38;
	[tilespmem:$0x1CED0] =	vst v63  }
0xb2: {  	s19 =	sadd.s32 s19, s29  }
0xb3: {  	[tilespmem:s10], [sflag:$0x3] =	stream.linear.gather [hbm4b:s19+s2], $0x200, $0x38;
	[tilespmem:$0x1CED0] =	vst v63  }
0xb4: {  	_ =	swait.ge [sflag:s11], $0x2000  }
0xb5: {  	[sflag:s11] =	ssyncset.done $0x0  }
0xb6: {  	[sflag:s11] =	ssyncadd.s32 $0xFFFFE000  }
0xb7: {  	_ =	swait.ge [sflag:s12], $0x200  }
0xb8: {  	[sflag:s12] =	ssyncset.done $0x0  }
.Ltmp0:
0xb9: {  	[sflag:s12] =	ssyncadd.s32 $0xFFFFFE00;
	(pc) =	sbr.rel @p1 .LBB2_2-.Ltmp0, $4  }
0xba: {  	_ =	swait.ge [sflag:s12], $0x200  }
0xbb: {  	[sflag:s12] =	ssyncset.done $0x0  }
0xbc: {  	[sflag:s12] =	ssyncadd.s32 $0xFFFFFE00  }
0xbd: {  	[tilespmem:s13], [sflag:$0x1] =	stream.indirect.gather [hbm4b:s3+s8], $0x10, s9, s8, $0xb8;
	[tilespmem:$0x1CED0] =	vst v63  }
0xbe: {  	[spmem:s1] =	stream.indirect.scatter.add.bf16 [tilespmem:s0], [sflag:$0x2], $0x10, s7, s8, $0xb8;
	[tilespmem:$0x1CED0] =	vst v63  }
0xbf: {  	_ =	swait.ge [sflag:s14], $0x2000  }
0xc0: {  	[sflag:s14] =	ssyncset.done $0x0  }
0xc1: {  	[sflag:s14] =	ssyncadd.s32 $0xFFFFE000  }
0xc2: {  	_ =	swait.ge [sflag:s11], $0x2000  }
0xc3: {  	[sflag:s11] =	ssyncset.done $0x0  }
0xc4: {  	[sflag:s11] =	ssyncadd.s32 $0xFFFFE000  }
0xc5: {  	[spmem:s1] =	stream.indirect.scatter.add.bf16 [tilespmem:s13], [sflag:$0x2], $0x10, s10, s8, $0xb8;
	[tilespmem:$0x1CED0] =	vst v63  }
0xc6: {  	_ =	swait.ge [sflag:s14], $0x2000  }
0xc7: {  	[sflag:s14] =	ssyncset.done $0x0  }
0xc8: {  	s16 =	sadd.s32 @p0 $0x2DD20, s25;
	[sflag:s14] =	ssyncadd.s32 $0xFFFFE000  }
0xc9: {  	s19 =	sshrl.u32 @p0 s6, $0x3;
	s20 =	simm.s32 @p0 $0x1FC4;
	[bflag:$0x0] =	sbarrier.arrive $0xFFFF  }
0xca: {  	[hbm:s16], [sflag:s20] =	dma.local @p0 [spmem:s19], $0x3020  }
0xcb: {  	s16 =	simm.s32 @p0 $0x4  }
0xcc: {  	s15 =	sadd.s32 $0x1, s15;
	s19 =	stileid.u32;
	_ =	swait.ge @p0 [sflag:s16], $0x3020  }
0xcd: {  	p1 =	sne.s32 s15, s26;
	s19 =	sshll.u32 @!p0 s19, $0x6;
	[sflag:s16] =	ssyncset.done @p0 $0x0  }
0xce: {  	[sflag:s16] =	ssyncadd.s32 @p0 $0xFFFFCFE0;
	s16 =	sor.u32 @!p0 $0x1C04, s19;
	s19 =	sshrl.u32 @!p0 s6, $0x3  }
0xcf: {  	[hbm:s30], [sflag:s16] =	dma.local @!p0 [spmem:s19], $0x30E0  }
.Ltmp1:
0xd0: {  	_ = 	snop;
	(pc) =	sbr.rel @p1 .LBB2_1-.Ltmp1, $4  }
0xd1: {  	s16 =	simm.s32 @!p0 $0x4  }
0xd2: {  	_ =	swait.ge @!p0 [sflag:s16], $0x30E0  }
0xd3: {  	[sflag:s16] =	ssyncset.done @!p0 $0x0  }
0xd4: {  	[sflag:s16] =	ssyncadd.s32 @!p0 $0xFFFFCF20  }
0xd5: {  	_ =	sfence.sel $0x180000  }
0xd6: {  	[bflag:$0x0] =	sbarrier.arrive $0xFFFF  }
0xd7: {  	_ =	strace $0x90000050  }
0xd8: {  	s0 =	stileid.u32;
	[bflag:$0x2] =	sbarrier.arrive $0xFFFF  }
0xd9: {  	p0 =	sne.s32 s0, $0x0;
	s0 =	rddreg [dreg:$0x2]  }
0xda: {  	s0 =	sadd.s32 @!p0 $0x100000, s0  }
0xdb: {  	[sflag:s0] =	ssyncadd.tile.s32 @!p0 $0x1;
	_ =	shalt  }
.Lfunc_end2:
_tile_overlayer_lowered:
.L_overlay_start_2:
0xdc: {  	(tag) =	ssettag $0x2  }
0xdd: {  	s0 =	rddreg [dreg:$0x0];
	s2 =	stileid.u32  }
0xde: {  	s1 =	rddreg [dreg:$0x1];
	p0 =	sne.s32 s2, $0x0  }
0xdf: {  	s3 =	rddreg [dreg:$0x2];
	[bflag:$0x3] =	sbarrier.arrive $0xFFFF;
	s2 =	simm.s32 @!p0 $0x1C04  }
0xe0: {  	[timem:s3], [sflag:s2] =	dma.local @!p0 [hbm:s0], s1  }
0xe1: {  	s0 =	simm.s32 @!p0 $0x4  }
0xe2: {  	_ =	swait.ge @!p0 [sflag:s0], s1  }
0xe3: {  	s1 =	ssub.s32 @!p0 $0x0, s1;
	[sflag:s0] =	ssyncset.done @!p0 $0x0  }
0xe4: {  	[sflag:s0] =	ssyncadd.s32 @!p0 s1  }
0xe5: {  	[bflag:$0x3] =	sbarrier.arrive $0xFFFF  }
0xe6: {  	_ =	shalt  }

</sc_bundles>
